<compile_context>
chip_gen: v7x
topology: tpu7x:2x2x1
jax: 0.10.2.dev20260603
libtpu: 0.0.44.dev20260713+nightly
codegen_flags: <defaults>
</compile_context>

<pallas_src>
import functools

import jax
import jax.numpy as jnp
from jax import lax
from jax.experimental import pallas as pl
from jax.experimental.pallas import tpu as pltpu
from jax.experimental.pallas import tpu_sc as plsc

_N_SC = 2
_N_SUB = 16
_NW = _N_SC * _N_SUB
_B = 40


def _silu(x):
    return x * jax.nn.sigmoid(x)



def _mlp1_body(s_ref, v_ref, Wi1_ref, bi1_ref, Wi2_ref, bi2_ref,
               x0_ref, xy0_ref, xy1_ref, xy2_ref):
    h = s_ref.shape[1]
    hh = jnp.dot(s_ref[...], Wi1_ref[...], preferred_element_type=jnp.float32)
    hh = _silu(hh + bi1_ref[...])
    x = jnp.dot(hh, Wi2_ref[...], preferred_element_type=jnp.float32) + bi2_ref[...]
    x0_ref[...] = x[:, :h]
    x1 = x[:, h:2 * h]
    x2 = x[:, 2 * h:]
    xy0_ref[...] = jnp.concatenate([x1, x2 * v_ref[:, 0, :]], axis=1)
    xy1_ref[...] = jnp.concatenate([x1, x2 * v_ref[:, 1, :]], axis=1)
    xy2_ref[...] = jnp.concatenate([x1, x2 * v_ref[:, 2, :]], axis=1)


def _node_mlp(s, v, Wi1, bi1, Wi2, bi2, block=1000):
    n, h = s.shape
    h3 = Wi2.shape[1]
    grid = (n // block,)
    out_sp = pl.BlockSpec((block, h), lambda i: (i, 0))
    return pl.pallas_call(
        _mlp1_body,
        grid=grid,
        in_specs=[
            pl.BlockSpec((block, h), lambda i: (i, 0)),
            pl.BlockSpec((block, 3, h), lambda i: (i, 0, 0)),
            pl.BlockSpec((h, h), lambda i: (0, 0)),
            pl.BlockSpec((h,), lambda i: (0,)),
            pl.BlockSpec((h, h3), lambda i: (0, 0)),
            pl.BlockSpec((h3,), lambda i: (0,)),
        ],
        out_specs=(out_sp,) + (pl.BlockSpec((block, 2 * h), lambda i: (i, 0)),) * 3,
        out_shape=(jax.ShapeDtypeStruct((n, h), jnp.float32),)
        + tuple(jax.ShapeDtypeStruct((n, 2 * h), jnp.float32) for _ in range(3)),
    )(s, v, Wi1, bi1, Wi2, bi2)



def _sc_edge_stage(x0, xy0, xy1, xy2, W0, Wd0, Wd1, Wd2, W2, idx2, zeros):
    n, h = x0.shape
    nblk = W0.shape[1]
    b = W0.shape[2]
    nsup = idx2.shape[1]
    g = idx2.shape[3]
    rows = (n // _N_SUB) // 8 * 8
    tail = n - _N_SUB * rows
    mesh = plsc.VectorSubcoreMesh(core_axis_name="c", subcore_axis_name="s")

    @functools.partial(
        pl.kernel,
        mesh=mesh,
        out_type=jax.ShapeDtypeStruct((4, _N_SC, n, h), jnp.float32),
        scratch_types=[
            pltpu.VMEM((2, 2, g, b), jnp.int32),
            pltpu.VMEM((2, b, h), jnp.float32),
            pltpu.VMEM((2, b, h), jnp.float32),
            pltpu.VMEM((2, b, 2 * h), jnp.float32),
            pltpu.VMEM_SHARED((n, h), jnp.float32),
            pltpu.SemaphoreType.DMA,
            pltpu.SemaphoreType.DMA,
            pltpu.SemaphoreType.DMA,
        ],
    )
    def k(x0h, xy0h, xy1h, xy2h, w0h, wd0h, wd1h, wd2h, w2h, idx2h, zh,
          outh, idxb, wa2, wb2, gxy2, acc, semd, sems, semi):
        cid = lax.axis_index("c")
        sid = lax.axis_index("s")
        wid = sid * _N_SC + cid
        row0 = sid * rows
        xytabs = (xy0h, xy1h, xy2h)
        nchunk = h // 16

        def wait_scatter():
            pltpu.make_async_copy(wa2.at[0], acc.at[idxb.at[0, 1, 0]], sems).wait()

        def wait_idx():
            pltpu.make_async_copy(idx2h.at[wid, 0], idxb.at[0], semi).wait()

        def run_pass(issue, waitd, compute):
            pltpu.sync_copy(idx2h.at[wid, 0], idxb.at[0])
            issue(0, 0, 0, 0)

            def body(i, carry):
                p = lax.rem(i, 2)
                sup = lax.div(i, g)
                j = i - sup * g
                q = lax.rem(sup, 2)
                waitd(i, p)

                @pl.when(i > 0)
                def _():
                    wait_scatter()

                @pl.when(jnp.logical_and(j == 0, sup + 1 < nsup))
                def _():
                    pltpu.async_copy(idx2h.at[wid, sup + 1],
                                     idxb.at[lax.rem(sup + 1, 2)], semi)

                i1 = i + 1

                @pl.when(i1 < nblk)
                def _():
                    @pl.when(lax.rem(i1, g) == 0)
                    def _():
                        wait_idx()
                    sup1 = lax.div(i1, g)
                    issue(i1, lax.rem(i1, 2), lax.rem(sup1, 2), i1 - sup1 * g)

                compute(p)
                pltpu.async_copy(wa2.at[p], acc.at[idxb.at[q, 1, j]], sems,
                                 add=True)
                return carry

            lax.fori_loop(0, nblk, body, 0)
            wait_scatter()

        for chunk in range(4):
            pltpu.sync_copy(zh.at[pl.ds(row0, rows)], acc.at[pl.ds(row0, rows)])
            if tail:
                @pl.when(sid == _N_SUB - 1)
                def _():
                    pltpu.sync_copy(zh.at[pl.ds(_N_SUB * rows, tail)],
                                    acc.at[pl.ds(_N_SUB * rows, tail)])
            plsc.subcore_barrier()
            if chunk == 0:
                def issue0(i, p, q, j):
                    pltpu.async_copy(w0h.at[wid, i], wa2.at[p], semd)
                    pltpu.async_copy(x0h.at[idxb.at[q, 0, j]], wb2.at[p], semd)

                def waitd0(i, p):
                    pltpu.make_async_copy(w0h.at[wid, 0], wa2.at[p], semd).wait()
                    pltpu.make_async_copy(x0h.at[idxb.at[0, 0, 0]], wb2.at[p],
                                          semd).wait()

                def compute0(p):
                    def row(bb, cc):
                        for kk in range(nchunk):
                            sl = pl.ds(kk * 16, 16)
                            wa2[p, bb, sl] = wa2[p, bb, sl] * wb2[p, bb, sl]
                        return cc

                    lax.fori_loop(0, b, row, 0)

                run_pass(issue0, waitd0, compute0)
            else:
                xyh = xytabs[chunk - 1]
                wdh = (wd0h, wd1h, wd2h)[chunk - 1]

                def issue1(i, p, q, j):
                    pltpu.async_copy(wdh.at[wid, i], wa2.at[p], semd)
                    pltpu.async_copy(w2h.at[wid, i], wb2.at[p], semd)
                    pltpu.async_copy(xyh.at[idxb.at[q, 0, j]], gxy2.at[p], semd)

                def waitd1(i, p):
                    pltpu.make_async_copy(wdh.at[wid, 0], wa2.at[p], semd).wait()
                    pltpu.make_async_copy(w2h.at[wid, 0], wb2.at[p], semd).wait()
                    pltpu.make_async_copy(xyh.at[idxb.at[0, 0, 0]], gxy2.at[p],
                                          semd).wait()

                def compute1(p):
                    def row(bb, cc):
                        for kk in range(nchunk):
                            sl = pl.ds(kk * 16, 16)
                            slr = pl.ds(h + kk * 16, 16)
                            wa2[p, bb, sl] = (wa2[p, bb, sl] * gxy2[p, bb, sl]
                                              + wb2[p, bb, sl] * gxy2[p, bb, slr])
                        return cc

                    lax.fori_loop(0, b, row, 0)

                run_pass(issue1, waitd1, compute1)
            plsc.subcore_barrier()
            pltpu.sync_copy(acc.at[pl.ds(row0, rows)],
                            outh.at[chunk, cid, pl.ds(row0, rows)])
            if tail:
                @pl.when(sid == _N_SUB - 1)
                def _():
                    pltpu.sync_copy(acc.at[pl.ds(_N_SUB * rows, tail)],
                                    outh.at[chunk, cid, pl.ds(_N_SUB * rows, tail)])
            plsc.subcore_barrier()

    return k(x0, xy0, xy1, xy2, W0, Wd0, Wd1, Wd2, W2, idx2, zeros)



def _update_body(s_ref, v_ref, ep_ref, Wv_ref, Wm1_ref, bm1_ref,
                 Wm2_ref, bm2_ref, s_out_ref, v_out_ref):
    h = s_ref.shape[1]
    s1 = s_ref[...] + jnp.clip(ep_ref[0, 0] + ep_ref[0, 1], -10000.0, 10000.0)
    v1 = [v_ref[:, k, :] + jnp.clip(ep_ref[1 + k, 0] + ep_ref[1 + k, 1],
                                    -10000.0, 10000.0) for k in range(3)]
    vl = []
    vr = []
    for k in range(3):
        vmk = jnp.dot(v1[k], Wv_ref[...], preferred_element_type=jnp.float32)
        vl.append(vmk[:, :h])
        vr.append(vmk[:, h:])
    v_norm = jnp.sqrt(vl[0] ** 2 + vl[1] ** 2 + vl[2] ** 2 + 1e-08)
    ts = jnp.concatenate([s1, v_norm], axis=-1)
    m = jnp.dot(ts, Wm1_ref[...], preferred_element_type=jnp.float32) + bm1_ref[...]
    m = jnp.dot(_silu(m), Wm2_ref[...], preferred_element_type=jnp.float32) + bm2_ref[...]
    ds2 = m[:, :h]
    dvm = m[:, h:2 * h]
    dsv = m[:, 2 * h:]
    dsv = dsv * (vl[0] * vr[0] + vl[1] * vr[1] + vl[2] * vr[2])
    s_out_ref[...] = s1 + jnp.clip(ds2 + dsv, -10000.0, 10000.0)
    dvm3 = jnp.stack([v1[k] + jnp.clip(dvm * vr[k], -10000.0, 10000.0)
                      for k in range(3)], axis=1)
    v_out_ref[...] = dvm3


def _update_block(s, v, ep, Wv, Wm1, bm1, Wm2, bm2, block=1000):
    n, h = s.shape
    grid = (n // block,)
    out_shapes = (
        jax.ShapeDtypeStruct((n, h), jnp.float32),
        jax.ShapeDtypeStruct((n, 3, h), jnp.float32),
    )
    return pl.pallas_call(
        _update_body,
        grid=grid,
        in_specs=[
            pl.BlockSpec((block, h), lambda i: (i, 0)),
            pl.BlockSpec((block, 3, h), lambda i: (i, 0, 0)),
            pl.BlockSpec((4, 2, block, h), lambda i: (0, 0, i, 0)),
            pl.BlockSpec(Wv.shape, lambda i: (0, 0)),
            pl.BlockSpec(Wm1.shape, lambda i: (0, 0)),
            pl.BlockSpec(bm1.shape, lambda i: (0,)),
            pl.BlockSpec(Wm2.shape, lambda i: (0, 0)),
            pl.BlockSpec(bm2.shape, lambda i: (0,)),
        ],
        out_specs=(
            pl.BlockSpec((block, h), lambda i: (i, 0)),
            pl.BlockSpec((block, 3, h), lambda i: (i, 0, 0)),
        ),
        out_shape=out_shapes,
    )(s, v, ep, Wv, Wm1, bm1, Wm2, bm2)


def kernel(s, v, dir_ij, Wij, senders, receivers, Wi1, bi1, Wi2, bi2, Wm1, bm1, Wm2, bm2, Wv):
    n, h = s.shape
    e = senders.shape[0]
    epw = e // _NW
    nblk = epw // _B
    x0, xy0, xy1, xy2 = _node_mlp(s, v, Wi1, bi1, Wi2, bi2)
    W0, W1, W2 = jnp.split(Wij, 3, axis=1)
    W0 = W0.reshape(_NW, nblk, _B, h)
    Wd0 = (W1 * dir_ij[:, 0:1]).reshape(_NW, nblk, _B, h)
    Wd1 = (W1 * dir_ij[:, 1:2]).reshape(_NW, nblk, _B, h)
    Wd2 = (W1 * dir_ij[:, 2:3]).reshape(_NW, nblk, _B, h)
    W2 = W2.reshape(_NW, nblk, _B, h)
    g = 10
    nsup = nblk // g
    recv4 = receivers.reshape(_NW, nsup, g, _B)
    send4 = senders.reshape(_NW, nsup, g, _B)
    idx2 = jnp.stack([recv4, send4], axis=2)
    zeros = jnp.zeros((n, h), jnp.float32)
    ep = _sc_edge_stage(x0, xy0, xy1, xy2, W0, Wd0, Wd1, Wd2, W2, idx2, zeros)
    return _update_block(s, v, ep, Wv, Wm1, bm1, Wm2, bm2)

# --- scband reference (transcript-rebuilt; emitter-appended) ---
"""Pipeline reference for scband-pai-nnlayer-35175782154415 (READ-ONLY COPY).

The authoritative reference and input builder live on the scoring server;
editing this copy changes nothing except your own understanding.
"""

import jax, jax.numpy as jnp
import numpy as np

N = 10000
E = 320000
H = 128


def _xav(key, shape):
    fan_in, fan_out = shape
    lim = np.sqrt(6.0 / (fan_in + fan_out))
    return jax.random.uniform(key, shape, dtype=jnp.float32, minval=-lim, maxval=lim)


def setup_inputs(seed: int = 0) -> dict:
    key = jax.random.key(seed)
    ks = jax.random.split(key, 12)
    s = jax.random.normal(ks[0], (N, H), dtype=jnp.float32)
    v = jax.random.normal(ks[1], (N, 3, H), dtype=jnp.float32)
    dir_ij = jax.random.normal(ks[2], (E, 3), dtype=jnp.float32)
    dir_ij = dir_ij / (jnp.linalg.norm(dir_ij, axis=-1, keepdims=True) + 1e-8)
    Wij = jax.random.normal(ks[3], (E, 3 * H), dtype=jnp.float32) * 0.1
    senders = jax.random.randint(ks[4], (E,), 0, N, dtype=jnp.int32)
    receivers = jax.random.randint(ks[5], (E,), 0, N, dtype=jnp.int32)
    Wi1 = _xav(ks[6], (H, H))
    bi1 = jnp.zeros((H,), dtype=jnp.float32)
    Wi2 = _xav(ks[7], (H, 3 * H))
    bi2 = jnp.zeros((3 * H,), dtype=jnp.float32)
    Wm1 = _xav(ks[8], (2 * H, H))
    bm1 = jnp.zeros((H,), dtype=jnp.float32)
    Wm2 = _xav(ks[9], (H, 3 * H))
    bm2 = jnp.zeros((3 * H,), dtype=jnp.float32)
    Wv = _xav(ks[10], (H, 2 * H))
    return {"s": s, "v": v, "dir_ij": dir_ij, "Wij": Wij, "senders": senders,
            "receivers": receivers, "Wi1": Wi1, "bi1": bi1, "Wi2": Wi2, "bi2": bi2,
            "Wm1": Wm1, "bm1": bm1, "Wm2": Wm2, "bm2": bm2, "Wv": Wv}


def reference(s, v, dir_ij, Wij, senders, receivers, Wi1, bi1, Wi2, bi2, Wm1, bm1, Wm2, bm2, Wv):
    act = jax.nn.silu
    n_nodes = s.shape[0]
    # --- message / interaction block ---
    x = act(s @ Wi1 + bi1) @ Wi2 + bi2  # [N, 3H]
    xj = x[receivers]
    vj = v[receivers]
    ds, dv1, dv2 = jnp.split(Wij * xj, 3, axis=-1)
    ds = jax.ops.segment_sum(ds, senders, num_segments=n_nodes)
    dv = dv1[:, jnp.newaxis] * dir_ij[..., jnp.newaxis] + dv2[:, jnp.newaxis] * vj
    dv = jax.ops.segment_sum(dv, senders, num_segments=n_nodes)
    s = s + jnp.clip(ds, -10000.0, 10000.0)
    v = v + jnp.clip(dv, -10000.0, 10000.0)
    # --- update / mixing block ---
    vm = v @ Wv  # [N, 3, 2H], no bias
    v_l, v_r = jnp.split(vm, 2, axis=-1)
    v_norm = jnp.sqrt(jnp.sum(v_l ** 2, axis=-2) + 1e-08)
    ts = jnp.concatenate([s, v_norm], axis=-1)
    m = act(ts @ Wm1 + bm1) @ Wm2 + bm2
    ds2, dvm, dsv = jnp.split(m, 3, axis=-1)
    dvm = dvm[:, jnp.newaxis] * v_r
    dsv = dsv * jnp.sum(v_l * v_r, axis=1)
    s = s + jnp.clip(ds2 + dsv, -10000.0, 10000.0)
    v = v + jnp.clip(dvm, -10000.0, 10000.0)
    return (s, v)

if __name__ == "__main__":
    import jax
    _d = setup_inputs()
    print(jax.jit(kernel)(*tuple(_d.values())))

</pallas_src>

<mosaic_0001>
#map = affine_map<(d0, d1) -> (0, 0)>
#map1 = affine_map<(d0, d1) -> (0, 0, 0, 0)>
#map2 = affine_map<(d0, d1) -> (0, 0, 0, 0, 0)>
module attributes {stable_mosaic.version = 14 : i64} {
  func.func @k(%arg0: i32, %arg1: i32, %arg2: memref<10000x128xf32, #tpu.memory_space<hbm>>, %arg3: memref<10000x256xf32, #tpu.memory_space<hbm>>, %arg4: memref<10000x256xf32, #tpu.memory_space<hbm>>, %arg5: memref<10000x256xf32, #tpu.memory_space<hbm>>, %arg6: memref<32x250x40x128xf32, #tpu.memory_space<hbm>>, %arg7: memref<32x250x40x128xf32, #tpu.memory_space<hbm>>, %arg8: memref<32x250x40x128xf32, #tpu.memory_space<hbm>>, %arg9: memref<32x250x40x128xf32, #tpu.memory_space<hbm>>, %arg10: memref<32x250x40x128xf32, #tpu.memory_space<hbm>>, %arg11: memref<32x25x2x10x40xi32, #tpu.memory_space<hbm>>, %arg12: memref<10000x128xf32, #tpu.memory_space<hbm>>, %arg13: memref<4x2x10000x128xf32, #tpu.memory_space<hbm>>, %arg14: memref<2x2x10x40xi32, #tpu.memory_space<vmem>>, %arg15: memref<2x40x128xf32, #tpu.memory_space<vmem>>, %arg16: memref<2x40x128xf32, #tpu.memory_space<vmem>>, %arg17: memref<2x40x256xf32, #tpu.memory_space<vmem>>, %arg18: memref<10000x128xf32, #tpu.memory_space<vmem_shared>>, %arg19: memref<!tpu.dma_semaphore, #tpu.memory_space<semaphore_mem>>, %arg20: memref<!tpu.dma_semaphore, #tpu.memory_space<semaphore_mem>>, %arg21: memref<!tpu.dma_semaphore, #tpu.memory_space<semaphore_mem>>) attributes {dimension_semantics = [#tpu.dimension_semantics<core_parallel>, #tpu.dimension_semantics<subcore_parallel>], iteration_bounds = array<i64: 2, 16>, scalar_prefetch = 0 : i64, scratch_operands = 8 : i64, tpu.core_type = #tpu.core_type<sc_vector_subcore>, window_params = [{transform_indices = #map}, {transform_indices = #map}, {transform_indices = #map}, {transform_indices = #map}, {transform_indices = #map1}, {transform_indices = #map1}, {transform_indices = #map1}, {transform_indices = #map1}, {transform_indices = #map1}, {transform_indices = #map2}, {transform_indices = #map}, {transform_indices = #map1}]} {
    %mul3A = arith.constant 2 : i32
    %mul3A_0 = arith.muli %arg1, %mul3A : i32
    %add3A = arith.addi %mul3A_0, %arg0 : i32
    %mul3A_1 = arith.constant 624 : i32
    %mul3A_2 = arith.muli %arg1, %mul3A_1 : i32
    "tpu.region"() ({
      %run_scoped3A_321 = tpu.sem_alloc : memref<!tpu.dma_semaphore, #tpu.memory_space<semaphore_mem>>
      %dma_start3A_322 = arith.constant 0 : i32
      %dma_start3A_323 = tpu.memref_slice %arg18[%mul3A_2, %dma_start3A_322] : memref<10000x128xf32, #tpu.memory_space<vmem_shared>> -> memref<624x128xf32, #tpu.memory_space<vmem_shared>>
      %dma_start3A_324 = arith.constant 0 : i32
      %dma_start3A_325 = tpu.memref_slice %arg12[%mul3A_2, %dma_start3A_324] : memref<10000x128xf32, #tpu.memory_space<hbm>> -> memref<624x128xf32, #tpu.memory_space<hbm>>
      tpu.enqueue_dma source(%dma_start3A_325 : memref<624x128xf32, #tpu.memory_space<hbm>>) target(%dma_start3A_323 : memref<624x128xf32, #tpu.memory_space<vmem_shared>>) target_semaphore(%run_scoped3A_321 : memref<!tpu.dma_semaphore, #tpu.memory_space<semaphore_mem>>)
      %dma_wait3A_326 = arith.constant 0 : i32
      %dma_wait3A_327 = tpu.memref_slice %arg18[%mul3A_2, %dma_wait3A_326] : memref<10000x128xf32, #tpu.memory_space<vmem_shared>> -> memref<624x128xf32, #tpu.memory_space<vmem_shared>>
      %dma_wait3A_328 = arith.constant 0 : i32
      %dma_wait3A_329 = tpu.memref_slice %arg12[%mul3A_2, %dma_wait3A_328] : memref<10000x128xf32, #tpu.memory_space<hbm>> -> memref<624x128xf32, #tpu.memory_space<hbm>>
      tpu.wait_dma2 semaphore(%run_scoped3A_321 : memref<!tpu.dma_semaphore, #tpu.memory_space<semaphore_mem>>) src(%dma_wait3A_329 : memref<624x128xf32, #tpu.memory_space<hbm>>) dst(%dma_wait3A_327 : memref<624x128xf32, #tpu.memory_space<vmem_shared>>)
      tpu.yield
    }) : () -> ()
    %eq3A = arith.constant 15 : i32
    %eq3A_3 = arith.cmpi eq, %arg1, %eq3A : i32
    %convert_element_type3A = arith.extui %eq3A_3 : i1 to i32
    %cond3A = arith.constant 0 : i32
    %cond3A_4 = arith.cmpi ne, %convert_element_type3A, %cond3A : i32
    scf.if %cond3A_4 {
      "tpu.region"() ({
        %run_scoped3A_321 = tpu.sem_alloc : memref<!tpu.dma_semaphore, #tpu.memory_space<semaphore_mem>>
        %dma_start3A_322 = arith.constant 9984 : i32
        %dma_start3A_323 = arith.constant 0 : i32
        %dma_start3A_324 = tpu.memref_slice %arg18[%dma_start3A_322, %dma_start3A_323] : memref<10000x128xf32, #tpu.memory_space<vmem_shared>> -> memref<16x128xf32, #tpu.memory_space<vmem_shared>>
        %dma_start3A_325 = arith.constant 9984 : i32
        %dma_start3A_326 = arith.constant 0 : i32
        %dma_start3A_327 = tpu.memref_slice %arg12[%dma_start3A_325, %dma_start3A_326] : memref<10000x128xf32, #tpu.memory_space<hbm>> -> memref<16x128xf32, #tpu.memory_space<hbm>>
        tpu.enqueue_dma source(%dma_start3A_327 : memref<16x128xf32, #tpu.memory_space<hbm>>) target(%dma_start3A_324 : memref<16x128xf32, #tpu.memory_space<vmem_shared>>) target_semaphore(%run_scoped3A_321 : memref<!tpu.dma_semaphore, #tpu.memory_space<semaphore_mem>>)
        %dma_wait3A_328 = arith.constant 9984 : i32
        %dma_wait3A_329 = arith.constant 0 : i32
        %dma_wait3A_330 = tpu.memref_slice %arg18[%dma_wait3A_328, %dma_wait3A_329] : memref<10000x128xf32, #tpu.memory_space<vmem_shared>> -> memref<16x128xf32, #tpu.memory_space<vmem_shared>>
        %dma_wait3A_331 = arith.constant 9984 : i32
        %dma_wait3A_332 = arith.constant 0 : i32
        %dma_wait3A_333 = tpu.memref_slice %arg12[%dma_wait3A_331, %dma_wait3A_332] : memref<10000x128xf32, #tpu.memory_space<hbm>> -> memref<16x128xf32, #tpu.memory_space<hbm>>
        tpu.wait_dma2 semaphore(%run_scoped3A_321 : memref<!tpu.dma_semaphore, #tpu.memory_space<semaphore_mem>>) src(%dma_wait3A_333 : memref<16x128xf32, #tpu.memory_space<hbm>>) dst(%dma_wait3A_330 : memref<16x128xf32, #tpu.memory_space<vmem_shared>>)
        tpu.yield
      }) : () -> ()
    } else {
    }
    %barrier3A = arith.constant 0 : index
    tpu.barrier barrier_id(%barrier3A)
    %run_scoped3A = arith.constant 0 : i32
    %run_scoped3A_5 = arith.constant 0 : i32
    "tpu.region"() ({
      %run_scoped3A_321 = tpu.sem_alloc : memref<!tpu.dma_semaphore, #tpu.memory_space<semaphore_mem>>
      %dma_start3A_322 = arith.constant 0 : i32
      %dma_start3A_323 = arith.constant 0 : i32
      %dma_start3A_324 = arith.constant 0 : i32
      %dma_start3A_325 = tpu.memref_slice %arg14[%run_scoped3A_5, %dma_start3A_322, %dma_start3A_323, %dma_start3A_324] : memref<2x2x10x40xi32, #tpu.memory_space<vmem>> -> memref<1x2x10x40xi32, #tpu.memory_space<vmem>>
      %dma_start3A_326 = tpu.memref_squeeze %dma_start3A_325 : memref<1x2x10x40xi32, #tpu.memory_space<vmem>> -> memref<2x10x40xi32, #tpu.memory_space<vmem>>
      %dma_start3A_327 = arith.constant 0 : i32
      %dma_start3A_328 = arith.constant 0 : i32
      %dma_start3A_329 = arith.constant 0 : i32
      %dma_start3A_330 = tpu.memref_slice %arg11[%add3A, %run_scoped3A, %dma_start3A_327, %dma_start3A_328, %dma_start3A_329] : memref<32x25x2x10x40xi32, #tpu.memory_space<hbm>> -> memref<1x1x2x10x40xi32, #tpu.memory_space<hbm>>
      %dma_start3A_331 = tpu.memref_squeeze %dma_start3A_330 : memref<1x1x2x10x40xi32, #tpu.memory_space<hbm>> -> memref<2x10x40xi32, #tpu.memory_space<hbm>>
      %dma_start3A_332 = arith.constant 0 : i32
      %dma_start3A_333 = arith.constant 0 : i32
      %dma_start3A_334 = arith.constant 0 : i32
      %dma_start3A_335 = tpu.memref_slice %arg14[%run_scoped3A_5, %dma_start3A_332, %dma_start3A_333, %dma_start3A_334] : memref<2x2x10x40xi32, #tpu.memory_space<vmem>> -> memref<1x2x10x40xi32, #tpu.memory_space<vmem>>
      %dma_start3A_336 = tpu.memref_squeeze %dma_start3A_335 : memref<1x2x10x40xi32, #tpu.memory_space<vmem>> -> memref<2x10x40xi32, #tpu.memory_space<vmem>>
      %dma_start3A_337 = arith.constant 0 : i32
      %dma_start3A_338 = arith.constant 0 : i32
      %dma_start3A_339 = arith.constant 0 : i32
      %dma_start3A_340 = tpu.memref_slice %arg11[%add3A, %run_scoped3A, %dma_start3A_337, %dma_start3A_338, %dma_start3A_339] : memref<32x25x2x10x40xi32, #tpu.memory_space<hbm>> -> memref<1x1x2x10x40xi32, #tpu.memory_space<hbm>>
      %dma_start3A_341 = tpu.memref_squeeze %dma_start3A_340 : memref<1x1x2x10x40xi32, #tpu.memory_space<hbm>> -> memref<2x10x40xi32, #tpu.memory_space<hbm>>
      tpu.enqueue_dma source(%dma_start3A_341 : memref<2x10x40xi32, #tpu.memory_space<hbm>>) target(%dma_start3A_336 : memref<2x10x40xi32, #tpu.memory_space<vmem>>) target_semaphore(%run_scoped3A_321 : memref<!tpu.dma_semaphore, #tpu.memory_space<semaphore_mem>>)
      %dma_wait3A_342 = arith.constant 0 : i32
      %dma_wait3A_343 = arith.constant 0 : i32
      %dma_wait3A_344 = arith.constant 0 : i32
      %dma_wait3A_345 = tpu.memref_slice %arg14[%run_scoped3A_5, %dma_wait3A_342, %dma_wait3A_343, %dma_wait3A_344] : memref<2x2x10x40xi32, #tpu.memory_space<vmem>> -> memref<1x2x10x40xi32, #tpu.memory_space<vmem>>
      %dma_wait3A_346 = tpu.memref_squeeze %dma_wait3A_345 : memref<1x2x10x40xi32, #tpu.memory_space<vmem>> -> memref<2x10x40xi32, #tpu.memory_space<vmem>>
      %dma_wait3A_347 = arith.constant 0 : i32
      %dma_wait3A_348 = arith.constant 0 : i32
      %dma_wait3A_349 = arith.constant 0 : i32
      %dma_wait3A_350 = tpu.memref_slice %arg11[%add3A, %run_scoped3A, %dma_wait3A_347, %dma_wait3A_348, %dma_wait3A_349] : memref<32x25x2x10x40xi32, #tpu.memory_space<hbm>> -> memref<1x1x2x10x40xi32, #tpu.memory_space<hbm>>
      %dma_wait3A_351 = tpu.memref_squeeze %dma_wait3A_350 : memref<1x1x2x10x40xi32, #tpu.memory_space<hbm>> -> memref<2x10x40xi32, #tpu.memory_space<hbm>>
      %dma_wait3A_352 = arith.constant 0 : i32
      %dma_wait3A_353 = arith.constant 0 : i32
      %dma_wait3A_354 = arith.constant 0 : i32
      %dma_wait3A_355 = tpu.memref_slice %arg14[%run_scoped3A_5, %dma_wait3A_352, %dma_wait3A_353, %dma_wait3A_354] : memref<2x2x10x40xi32, #tpu.memory_space<vmem>> -> memref<1x2x10x40xi32, #tpu.memory_space<vmem>>
      %dma_wait3A_356 = tpu.memref_squeeze %dma_wait3A_355 : memref<1x2x10x40xi32, #tpu.memory_space<vmem>> -> memref<2x10x40xi32, #tpu.memory_space<vmem>>
      %dma_wait3A_357 = arith.constant 0 : i32
      %dma_wait3A_358 = arith.constant 0 : i32
      %dma_wait3A_359 = arith.constant 0 : i32
      %dma_wait3A_360 = tpu.memref_slice %arg11[%add3A, %run_scoped3A, %dma_wait3A_357, %dma_wait3A_358, %dma_wait3A_359] : memref<32x25x2x10x40xi32, #tpu.memory_space<hbm>> -> memref<1x1x2x10x40xi32, #tpu.memory_space<hbm>>
      %dma_wait3A_361 = tpu.memref_squeeze %dma_wait3A_360 : memref<1x1x2x10x40xi32, #tpu.memory_space<hbm>> -> memref<2x10x40xi32, #tpu.memory_space<hbm>>
      tpu.wait_dma2 semaphore(%run_scoped3A_321 : memref<!tpu.dma_semaphore, #tpu.memory_space<semaphore_mem>>) src(%dma_wait3A_361 : memref<2x10x40xi32, #tpu.memory_space<hbm>>) dst(%dma_wait3A_356 : memref<2x10x40xi32, #tpu.memory_space<vmem>>)
      tpu.yield
    }) : () -> ()
    %dma_start3A = arith.constant 0 : i32
    %dma_start3A_6 = arith.constant 0 : i32
    %dma_start3A_7 = arith.constant 0 : i32
    %dma_start3A_8 = arith.constant 0 : i32
    %dma_start3A_9 = tpu.memref_slice %arg15[%dma_start3A_6, %dma_start3A_7, %dma_start3A_8] : memref<2x40x128xf32, #tpu.memory_space<vmem>> -> memref<1x40x128xf32, #tpu.memory_space<vmem>>
    %dma_start3A_10 = tpu.memref_squeeze %dma_start3A_9 : memref<1x40x128xf32, #tpu.memory_space<vmem>> -> memref<40x128xf32, #tpu.memory_space<vmem>>
    %dma_start3A_11 = arith.constant 0 : i32
    %dma_start3A_12 = arith.constant 0 : i32
    %dma_start3A_13 = tpu.memref_slice %arg6[%add3A, %dma_start3A, %dma_start3A_11, %dma_start3A_12] : memref<32x250x40x128xf32, #tpu.memory_space<hbm>> -> memref<1x1x40x128xf32, #tpu.memory_space<hbm>>
    %dma_start3A_14 = tpu.memref_squeeze %dma_start3A_13 : memref<1x1x40x128xf32, #tpu.memory_space<hbm>> -> memref<40x128xf32, #tpu.memory_space<hbm>>
    %dma_start3A_15 = arith.constant 0 : i32
    %dma_start3A_16 = arith.constant 0 : i32
    %dma_start3A_17 = tpu.memref_slice %arg15[%dma_start3A_6, %dma_start3A_15, %dma_start3A_16] : memref<2x40x128xf32, #tpu.memory_space<vmem>> -> memref<1x40x128xf32, #tpu.memory_space<vmem>>
    %dma_start3A_18 = tpu.memref_squeeze %dma_start3A_17 : memref<1x40x128xf32, #tpu.memory_space<vmem>> -> memref<40x128xf32, #tpu.memory_space<vmem>>
    %dma_start3A_19 = arith.constant 0 : i32
    %dma_start3A_20 = arith.constant 0 : i32
    %dma_start3A_21 = tpu.memref_slice %arg6[%add3A, %dma_start3A, %dma_start3A_19, %dma_start3A_20] : memref<32x250x40x128xf32, #tpu.memory_space<hbm>> -> memref<1x1x40x128xf32, #tpu.memory_space<hbm>>
    %dma_start3A_22 = tpu.memref_squeeze %dma_start3A_21 : memref<1x1x40x128xf32, #tpu.memory_space<hbm>> -> memref<40x128xf32, #tpu.memory_space<hbm>>
    tpu.enqueue_dma source(%dma_start3A_22 : memref<40x128xf32, #tpu.memory_space<hbm>>) target(%dma_start3A_18 : memref<40x128xf32, #tpu.memory_space<vmem>>) target_semaphore(%arg19 : memref<!tpu.dma_semaphore, #tpu.memory_space<semaphore_mem>>)
    %dma_start3A_23 = arith.constant 0 : i32
    %dma_start3A_24 = arith.constant 0 : i32
    %dma_start3A_25 = arith.constant 0 : i32
    %dma_start3A_26 = arith.constant 0 : i32
    %dma_start3A_27 = arith.constant 0 : i32
    %dma_start3A_28 = arith.constant 0 : i32
    %dma_start3A_29 = tpu.memref_slice %arg16[%dma_start3A_26, %dma_start3A_27, %dma_start3A_28] : memref<2x40x128xf32, #tpu.memory_space<vmem>> -> memref<1x40x128xf32, #tpu.memory_space<vmem>>
    %dma_start3A_30 = tpu.memref_squeeze %dma_start3A_29 : memref<1x40x128xf32, #tpu.memory_space<vmem>> -> memref<40x128xf32, #tpu.memory_space<vmem>>
    %dma_start3A_31 = arith.constant 0 : i32
    %dma_start3A_32 = tpu.memref_slice %arg14[%dma_start3A_23, %dma_start3A_24, %dma_start3A_25, %dma_start3A_31] : memref<2x2x10x40xi32, #tpu.memory_space<vmem>> -> memref<1x1x1x40xi32, #tpu.memory_space<vmem>>
    %dma_start3A_33 = tpu.memref_squeeze %dma_start3A_32 : memref<1x1x1x40xi32, #tpu.memory_space<vmem>> -> memref<40xi32, #tpu.memory_space<vmem>>
    %dma_start3A_34 = arith.constant 0 : i32
    %dma_start3A_35 = arith.constant 0 : i32
    %dma_start3A_36 = tpu.memref_slice %arg2[%dma_start3A_34, %dma_start3A_35] : memref<10000x128xf32, #tpu.memory_space<hbm>> -> memref<10000x128xf32, #tpu.memory_space<hbm>>
    tpu.enqueue_indirect_dma source(%dma_start3A_36 : memref<10000x128xf32, #tpu.memory_space<hbm>>) target(%dma_start3A_30 : memref<40x128xf32, #tpu.memory_space<vmem>>) offsets(%dma_start3A_33 : memref<40xi32, #tpu.memory_space<vmem>>) semaphore(%arg19 : memref<!tpu.dma_semaphore, #tpu.memory_space<semaphore_mem>>)
    %scan3A = arith.constant 0 : i32
    %scan3A_37 = arith.constant 0 : i32
    %scan3A_38 = arith.constant 250 : i32
    %scan3A_39 = arith.addi %scan3A_37, %scan3A_38 : i32
    %scan3A_40 = arith.constant 1 : i32
    scf.for %scan3A_321 = %scan3A_37 to %scan3A_39 step %scan3A_40  : i32 {
      %rem3A = arith.constant 2 : i32
      %rem3A_322 = arith.remsi %scan3A_321, %rem3A : i32
      %div3A = arith.constant 10 : i32
      %div3A_323 = arith.divsi %scan3A_321, %div3A : i32
      %mul3A_324 = arith.constant 10 : i32
      %mul3A_325 = arith.muli %div3A_323, %mul3A_324 : i32
      %sub3A = arith.subi %scan3A_321, %mul3A_325 : i32
      %rem3A_326 = arith.constant 2 : i32
      %rem3A_327 = arith.remsi %div3A_323, %rem3A_326 : i32
      %dma_wait3A_328 = arith.constant 0 : i32
      %dma_wait3A_329 = arith.constant 0 : i32
      %dma_wait3A_330 = arith.constant 0 : i32
      %dma_wait3A_331 = tpu.memref_slice %arg15[%rem3A_322, %dma_wait3A_329, %dma_wait3A_330] : memref<2x40x128xf32, #tpu.memory_space<vmem>> -> memref<1x40x128xf32, #tpu.memory_space<vmem>>
      %dma_wait3A_332 = tpu.memref_squeeze %dma_wait3A_331 : memref<1x40x128xf32, #tpu.memory_space<vmem>> -> memref<40x128xf32, #tpu.memory_space<vmem>>
      %dma_wait3A_333 = arith.constant 0 : i32
      %dma_wait3A_334 = arith.constant 0 : i32
      %dma_wait3A_335 = tpu.memref_slice %arg6[%add3A, %dma_wait3A_328, %dma_wait3A_333, %dma_wait3A_334] : memref<32x250x40x128xf32, #tpu.memory_space<hbm>> -> memref<1x1x40x128xf32, #tpu.memory_space<hbm>>
      %dma_wait3A_336 = tpu.memref_squeeze %dma_wait3A_335 : memref<1x1x40x128xf32, #tpu.memory_space<hbm>> -> memref<40x128xf32, #tpu.memory_space<hbm>>
      %dma_wait3A_337 = arith.constant 0 : i32
      %dma_wait3A_338 = arith.constant 0 : i32
      %dma_wait3A_339 = tpu.memref_slice %arg15[%rem3A_322, %dma_wait3A_337, %dma_wait3A_338] : memref<2x40x128xf32, #tpu.memory_space<vmem>> -> memref<1x40x128xf32, #tpu.memory_space<vmem>>
      %dma_wait3A_340 = tpu.memref_squeeze %dma_wait3A_339 : memref<1x40x128xf32, #tpu.memory_space<vmem>> -> memref<40x128xf32, #tpu.memory_space<vmem>>
      %dma_wait3A_341 = arith.constant 0 : i32
      %dma_wait3A_342 = arith.constant 0 : i32
      %dma_wait3A_343 = tpu.memref_slice %arg6[%add3A, %dma_wait3A_328, %dma_wait3A_341, %dma_wait3A_342] : memref<32x250x40x128xf32, #tpu.memory_space<hbm>> -> memref<1x1x40x128xf32, #tpu.memory_space<hbm>>
      %dma_wait3A_344 = tpu.memref_squeeze %dma_wait3A_343 : memref<1x1x40x128xf32, #tpu.memory_space<hbm>> -> memref<40x128xf32, #tpu.memory_space<hbm>>
      tpu.wait_dma2 semaphore(%arg19 : memref<!tpu.dma_semaphore, #tpu.memory_space<semaphore_mem>>) src(%dma_wait3A_344 : memref<40x128xf32, #tpu.memory_space<hbm>>) dst(%dma_wait3A_340 : memref<40x128xf32, #tpu.memory_space<vmem>>)
      %dma_wait3A_345 = arith.constant 0 : i32
      %dma_wait3A_346 = arith.constant 0 : i32
      %dma_wait3A_347 = arith.constant 0 : i32
      %dma_wait3A_348 = arith.constant 0 : i32
      %dma_wait3A_349 = arith.constant 0 : i32
      %dma_wait3A_350 = tpu.memref_slice %arg16[%rem3A_322, %dma_wait3A_348, %dma_wait3A_349] : memref<2x40x128xf32, #tpu.memory_space<vmem>> -> memref<1x40x128xf32, #tpu.memory_space<vmem>>
      %dma_wait3A_351 = tpu.memref_squeeze %dma_wait3A_350 : memref<1x40x128xf32, #tpu.memory_space<vmem>> -> memref<40x128xf32, #tpu.memory_space<vmem>>
      %dma_wait3A_352 = arith.constant 0 : i32
      %dma_wait3A_353 = tpu.memref_slice %arg14[%dma_wait3A_345, %dma_wait3A_346, %dma_wait3A_347, %dma_wait3A_352] : memref<2x2x10x40xi32, #tpu.memory_space<vmem>> -> memref<1x1x1x40xi32, #tpu.memory_space<vmem>>
      %dma_wait3A_354 = tpu.memref_squeeze %dma_wait3A_353 : memref<1x1x1x40xi32, #tpu.memory_space<vmem>> -> memref<40xi32, #tpu.memory_space<vmem>>
      %dma_wait3A_355 = arith.constant 0 : i32
      %dma_wait3A_356 = arith.constant 0 : i32
      %dma_wait3A_357 = tpu.memref_slice %arg2[%dma_wait3A_355, %dma_wait3A_356] : memref<10000x128xf32, #tpu.memory_space<hbm>> -> memref<10000x128xf32, #tpu.memory_space<hbm>>
      tpu.wait_indirect_dma semaphore(%arg19 : memref<!tpu.dma_semaphore, #tpu.memory_space<semaphore_mem>>) src(%dma_wait3A_357 : memref<10000x128xf32, #tpu.memory_space<hbm>>) dst(%dma_wait3A_351 : memref<40x128xf32, #tpu.memory_space<vmem>>)
      %gt3A = arith.constant 0 : i32
      %gt3A_358 = arith.cmpi sgt, %scan3A_321, %gt3A : i32
      %convert_element_type3A_359 = arith.extui %gt3A_358 : i1 to i32
      %cond3A_360 = arith.constant 0 : i32
      %cond3A_361 = arith.cmpi ne, %convert_element_type3A_359, %cond3A_360 : i32
      scf.if %cond3A_361 {
        %dma_wait3A_394 = arith.constant 0 : i32
        %dma_wait3A_395 = arith.constant 0 : i32
        %dma_wait3A_396 = arith.constant 1 : i32
        %dma_wait3A_397 = arith.constant 0 : i32
        %dma_wait3A_398 = arith.constant 0 : i32
        %dma_wait3A_399 = arith.constant 0 : i32
        %dma_wait3A_400 = tpu.memref_slice %arg15[%dma_wait3A_394, %dma_wait3A_398, %dma_wait3A_399] : memref<2x40x128xf32, #tpu.memory_space<vmem>> -> memref<1x40x128xf32, #tpu.memory_space<vmem>>
        %dma_wait3A_401 = tpu.memref_squeeze %dma_wait3A_400 : memref<1x40x128xf32, #tpu.memory_space<vmem>> -> memref<40x128xf32, #tpu.memory_space<vmem>>
        %dma_wait3A_402 = arith.constant 0 : i32
        %dma_wait3A_403 = tpu.memref_slice %arg14[%dma_wait3A_395, %dma_wait3A_396, %dma_wait3A_397, %dma_wait3A_402] : memref<2x2x10x40xi32, #tpu.memory_space<vmem>> -> memref<1x1x1x40xi32, #tpu.memory_space<vmem>>
        %dma_wait3A_404 = tpu.memref_squeeze %dma_wait3A_403 : memref<1x1x1x40xi32, #tpu.memory_space<vmem>> -> memref<40xi32, #tpu.memory_space<vmem>>
        %dma_wait3A_405 = arith.constant 0 : i32
        %dma_wait3A_406 = arith.constant 0 : i32
        %dma_wait3A_407 = tpu.memref_slice %arg18[%dma_wait3A_405, %dma_wait3A_406] : memref<10000x128xf32, #tpu.memory_space<vmem_shared>> -> memref<10000x128xf32, #tpu.memory_space<vmem_shared>>
        tpu.wait_indirect_dma semaphore(%arg20 : memref<!tpu.dma_semaphore, #tpu.memory_space<semaphore_mem>>) src(%dma_wait3A_401 : memref<40x128xf32, #tpu.memory_space<vmem>>) dst(%dma_wait3A_407 : memref<10000x128xf32, #tpu.memory_space<vmem_shared>>)
      } else {
      }
      %eq3A_362 = arith.constant 0 : i32
      %eq3A_363 = arith.cmpi eq, %sub3A, %eq3A_362 : i32
      %add3A_364 = arith.constant 1 : i32
      %add3A_365 = arith.addi %div3A_323, %add3A_364 : i32
      %lt3A = arith.constant 25 : i32
      %lt3A_366 = arith.cmpi slt, %add3A_365, %lt3A : i32
      %and3A = arith.andi %eq3A_363, %lt3A_366 : i1
      %convert_element_type3A_367 = arith.extui %and3A : i1 to i32
      %cond3A_368 = arith.constant 0 : i32
      %cond3A_369 = arith.cmpi ne, %convert_element_type3A_367, %cond3A_368 : i32
      scf.if %cond3A_369 {
        %add3A_394 = arith.constant 1 : i32
        %add3A_395 = arith.addi %div3A_323, %add3A_394 : i32
        %add3A_396 = arith.constant 1 : i32
        %add3A_397 = arith.addi %div3A_323, %add3A_396 : i32
        %rem3A_398 = arith.constant 2 : i32
        %rem3A_399 = arith.remsi %add3A_397, %rem3A_398 : i32
        %dma_start3A_400 = arith.constant 0 : i32
        %dma_start3A_401 = arith.constant 0 : i32
        %dma_start3A_402 = arith.constant 0 : i32
        %dma_start3A_403 = tpu.memref_slice %arg14[%rem3A_399, %dma_start3A_400, %dma_start3A_401, %dma_start3A_402] : memref<2x2x10x40xi32, #tpu.memory_space<vmem>> -> memref<1x2x10x40xi32, #tpu.memory_space<vmem>>
        %dma_start3A_404 = tpu.memref_squeeze %dma_start3A_403 : memref<1x2x10x40xi32, #tpu.memory_space<vmem>> -> memref<2x10x40xi32, #tpu.memory_space<vmem>>
        %dma_start3A_405 = arith.constant 0 : i32
        %dma_start3A_406 = arith.constant 0 : i32
        %dma_start3A_407 = arith.constant 0 : i32
        %dma_start3A_408 = tpu.memref_slice %arg11[%add3A, %add3A_395, %dma_start3A_405, %dma_start3A_406, %dma_start3A_407] : memref<32x25x2x10x40xi32, #tpu.memory_space<hbm>> -> memref<1x1x2x10x40xi32, #tpu.memory_space<hbm>>
        %dma_start3A_409 = tpu.memref_squeeze %dma_start3A_408 : memref<1x1x2x10x40xi32, #tpu.memory_space<hbm>> -> memref<2x10x40xi32, #tpu.memory_space<hbm>>
        %dma_start3A_410 = arith.constant 0 : i32
        %dma_start3A_411 = arith.constant 0 : i32
        %dma_start3A_412 = arith.constant 0 : i32
        %dma_start3A_413 = tpu.memref_slice %arg14[%rem3A_399, %dma_start3A_410, %dma_start3A_411, %dma_start3A_412] : memref<2x2x10x40xi32, #tpu.memory_space<vmem>> -> memref<1x2x10x40xi32, #tpu.memory_space<vmem>>
        %dma_start3A_414 = tpu.memref_squeeze %dma_start3A_413 : memref<1x2x10x40xi32, #tpu.memory_space<vmem>> -> memref<2x10x40xi32, #tpu.memory_space<vmem>>
        %dma_start3A_415 = arith.constant 0 : i32
        %dma_start3A_416 = arith.constant 0 : i32
        %dma_start3A_417 = arith.constant 0 : i32
        %dma_start3A_418 = tpu.memref_slice %arg11[%add3A, %add3A_395, %dma_start3A_415, %dma_start3A_416, %dma_start3A_417] : memref<32x25x2x10x40xi32, #tpu.memory_space<hbm>> -> memref<1x1x2x10x40xi32, #tpu.memory_space<hbm>>
        %dma_start3A_419 = tpu.memref_squeeze %dma_start3A_418 : memref<1x1x2x10x40xi32, #tpu.memory_space<hbm>> -> memref<2x10x40xi32, #tpu.memory_space<hbm>>
        tpu.enqueue_dma source(%dma_start3A_419 : memref<2x10x40xi32, #tpu.memory_space<hbm>>) target(%dma_start3A_414 : memref<2x10x40xi32, #tpu.memory_space<vmem>>) target_semaphore(%arg21 : memref<!tpu.dma_semaphore, #tpu.memory_space<semaphore_mem>>)
      } else {
      }
      %add3A_370 = arith.constant 1 : i32
      %add3A_371 = arith.addi %scan3A_321, %add3A_370 : i32
      %lt3A_372 = arith.constant 250 : i32
      %lt3A_373 = arith.cmpi slt, %add3A_371, %lt3A_372 : i32
      %convert_element_type3A_374 = arith.extui %lt3A_373 : i1 to i32
      %cond3A_375 = arith.constant 0 : i32
      %cond3A_376 = arith.cmpi ne, %convert_element_type3A_374, %cond3A_375 : i32
      scf.if %cond3A_376 {
        %rem3A_394 = arith.constant 10 : i32
        %rem3A_395 = arith.remsi %add3A_371, %rem3A_394 : i32
        %eq3A_396 = arith.constant 0 : i32
        %eq3A_397 = arith.cmpi eq, %rem3A_395, %eq3A_396 : i32
        %convert_element_type3A_398 = arith.extui %eq3A_397 : i1 to i32
        %cond3A_399 = arith.constant 0 : i32
        %cond3A_400 = arith.cmpi ne, %convert_element_type3A_398, %cond3A_399 : i32
        scf.if %cond3A_400 {
          %dma_wait3A_437 = arith.constant 0 : i32
          %dma_wait3A_438 = arith.constant 0 : i32
          %dma_wait3A_439 = arith.constant 0 : i32
          %dma_wait3A_440 = arith.constant 0 : i32
          %dma_wait3A_441 = arith.constant 0 : i32
          %dma_wait3A_442 = tpu.memref_slice %arg14[%dma_wait3A_438, %dma_wait3A_439, %dma_wait3A_440, %dma_wait3A_441] : memref<2x2x10x40xi32, #tpu.memory_space<vmem>> -> memref<1x2x10x40xi32, #tpu.memory_space<vmem>>
          %dma_wait3A_443 = tpu.memref_squeeze %dma_wait3A_442 : memref<1x2x10x40xi32, #tpu.memory_space<vmem>> -> memref<2x10x40xi32, #tpu.memory_space<vmem>>
          %dma_wait3A_444 = arith.constant 0 : i32
          %dma_wait3A_445 = arith.constant 0 : i32
          %dma_wait3A_446 = arith.constant 0 : i32
          %dma_wait3A_447 = tpu.memref_slice %arg11[%add3A, %dma_wait3A_437, %dma_wait3A_444, %dma_wait3A_445, %dma_wait3A_446] : memref<32x25x2x10x40xi32, #tpu.memory_space<hbm>> -> memref<1x1x2x10x40xi32, #tpu.memory_space<hbm>>
          %dma_wait3A_448 = tpu.memref_squeeze %dma_wait3A_447 : memref<1x1x2x10x40xi32, #tpu.memory_space<hbm>> -> memref<2x10x40xi32, #tpu.memory_space<hbm>>
          %dma_wait3A_449 = arith.constant 0 : i32
          %dma_wait3A_450 = arith.constant 0 : i32
          %dma_wait3A_451 = arith.constant 0 : i32
          %dma_wait3A_452 = tpu.memref_slice %arg14[%dma_wait3A_438, %dma_wait3A_449, %dma_wait3A_450, %dma_wait3A_451] : memref<2x2x10x40xi32, #tpu.memory_space<vmem>> -> memref<1x2x10x40xi32, #tpu.memory_space<vmem>>
          %dma_wait3A_453 = tpu.memref_squeeze %dma_wait3A_452 : memref<1x2x10x40xi32, #tpu.memory_space<vmem>> -> memref<2x10x40xi32, #tpu.memory_space<vmem>>
          %dma_wait3A_454 = arith.constant 0 : i32
          %dma_wait3A_455 = arith.constant 0 : i32
          %dma_wait3A_456 = arith.constant 0 : i32
          %dma_wait3A_457 = tpu.memref_slice %arg11[%add3A, %dma_wait3A_437, %dma_wait3A_454, %dma_wait3A_455, %dma_wait3A_456] : memref<32x25x2x10x40xi32, #tpu.memory_space<hbm>> -> memref<1x1x2x10x40xi32, #tpu.memory_space<hbm>>
          %dma_wait3A_458 = tpu.memref_squeeze %dma_wait3A_457 : memref<1x1x2x10x40xi32, #tpu.memory_space<hbm>> -> memref<2x10x40xi32, #tpu.memory_space<hbm>>
          tpu.wait_dma2 semaphore(%arg21 : memref<!tpu.dma_semaphore, #tpu.memory_space<semaphore_mem>>) src(%dma_wait3A_458 : memref<2x10x40xi32, #tpu.memory_space<hbm>>) dst(%dma_wait3A_453 : memref<2x10x40xi32, #tpu.memory_space<vmem>>)
        } else {
        }
        %div3A_401 = arith.constant 10 : i32
        %div3A_402 = arith.divsi %add3A_371, %div3A_401 : i32
        %rem3A_403 = arith.constant 2 : i32
        %rem3A_404 = arith.remsi %add3A_371, %rem3A_403 : i32
        %rem3A_405 = arith.constant 2 : i32
        %rem3A_406 = arith.remsi %div3A_402, %rem3A_405 : i32
        %mul3A_407 = arith.constant 10 : i32
        %mul3A_408 = arith.muli %div3A_402, %mul3A_407 : i32
        %sub3A_409 = arith.subi %add3A_371, %mul3A_408 : i32
        %dma_start3A_410 = arith.constant 0 : i32
        %dma_start3A_411 = arith.constant 0 : i32
        %dma_start3A_412 = tpu.memref_slice %arg15[%rem3A_404, %dma_start3A_410, %dma_start3A_411] : memref<2x40x128xf32, #tpu.memory_space<vmem>> -> memref<1x40x128xf32, #tpu.memory_space<vmem>>
        %dma_start3A_413 = tpu.memref_squeeze %dma_start3A_412 : memref<1x40x128xf32, #tpu.memory_space<vmem>> -> memref<40x128xf32, #tpu.memory_space<vmem>>
        %dma_start3A_414 = arith.constant 0 : i32
        %dma_start3A_415 = arith.constant 0 : i32
        %dma_start3A_416 = tpu.memref_slice %arg6[%add3A, %add3A_371, %dma_start3A_414, %dma_start3A_415] : memref<32x250x40x128xf32, #tpu.memory_space<hbm>> -> memref<1x1x40x128xf32, #tpu.memory_space<hbm>>
        %dma_start3A_417 = tpu.memref_squeeze %dma_start3A_416 : memref<1x1x40x128xf32, #tpu.memory_space<hbm>> -> memref<40x128xf32, #tpu.memory_space<hbm>>
        %dma_start3A_418 = arith.constant 0 : i32
        %dma_start3A_419 = arith.constant 0 : i32
        %dma_start3A_420 = tpu.memref_slice %arg15[%rem3A_404, %dma_start3A_418, %dma_start3A_419] : memref<2x40x128xf32, #tpu.memory_space<vmem>> -> memref<1x40x128xf32, #tpu.memory_space<vmem>>
        %dma_start3A_421 = tpu.memref_squeeze %dma_start3A_420 : memref<1x40x128xf32, #tpu.memory_space<vmem>> -> memref<40x128xf32, #tpu.memory_space<vmem>>
        %dma_start3A_422 = arith.constant 0 : i32
        %dma_start3A_423 = arith.constant 0 : i32
        %dma_start3A_424 = tpu.memref_slice %arg6[%add3A, %add3A_371, %dma_start3A_422, %dma_start3A_423] : memref<32x250x40x128xf32, #tpu.memory_space<hbm>> -> memref<1x1x40x128xf32, #tpu.memory_space<hbm>>
        %dma_start3A_425 = tpu.memref_squeeze %dma_start3A_424 : memref<1x1x40x128xf32, #tpu.memory_space<hbm>> -> memref<40x128xf32, #tpu.memory_space<hbm>>
        tpu.enqueue_dma source(%dma_start3A_425 : memref<40x128xf32, #tpu.memory_space<hbm>>) target(%dma_start3A_421 : memref<40x128xf32, #tpu.memory_space<vmem>>) target_semaphore(%arg19 : memref<!tpu.dma_semaphore, #tpu.memory_space<semaphore_mem>>)
        %dma_start3A_426 = arith.constant 0 : i32
        %dma_start3A_427 = arith.constant 0 : i32
        %dma_start3A_428 = arith.constant 0 : i32
        %dma_start3A_429 = tpu.memref_slice %arg16[%rem3A_404, %dma_start3A_427, %dma_start3A_428] : memref<2x40x128xf32, #tpu.memory_space<vmem>> -> memref<1x40x128xf32, #tpu.memory_space<vmem>>
        %dma_start3A_430 = tpu.memref_squeeze %dma_start3A_429 : memref<1x40x128xf32, #tpu.memory_space<vmem>> -> memref<40x128xf32, #tpu.memory_space<vmem>>
        %dma_start3A_431 = arith.constant 0 : i32
        %dma_start3A_432 = tpu.memref_slice %arg14[%rem3A_406, %dma_start3A_426, %sub3A_409, %dma_start3A_431] : memref<2x2x10x40xi32, #tpu.memory_space<vmem>> -> memref<1x1x1x40xi32, #tpu.memory_space<vmem>>
        %dma_start3A_433 = tpu.memref_squeeze %dma_start3A_432 : memref<1x1x1x40xi32, #tpu.memory_space<vmem>> -> memref<40xi32, #tpu.memory_space<vmem>>
        %dma_start3A_434 = arith.constant 0 : i32
        %dma_start3A_435 = arith.constant 0 : i32
        %dma_start3A_436 = tpu.memref_slice %arg2[%dma_start3A_434, %dma_start3A_435] : memref<10000x128xf32, #tpu.memory_space<hbm>> -> memref<10000x128xf32, #tpu.memory_space<hbm>>
        tpu.enqueue_indirect_dma source(%dma_start3A_436 : memref<10000x128xf32, #tpu.memory_space<hbm>>) target(%dma_start3A_430 : memref<40x128xf32, #tpu.memory_space<vmem>>) offsets(%dma_start3A_433 : memref<40xi32, #tpu.memory_space<vmem>>) semaphore(%arg19 : memref<!tpu.dma_semaphore, #tpu.memory_space<semaphore_mem>>)
      } else {
      }
      %scan3A_377 = arith.constant 0 : i32
      %scan3A_378 = arith.constant 0 : i32
      %scan3A_379 = arith.constant 40 : i32
      %scan3A_380 = arith.addi %scan3A_378, %scan3A_379 : i32
      %scan3A_381 = arith.constant 1 : i32
      scf.for %scan3A_394 = %scan3A_378 to %scan3A_380 step %scan3A_381  : i32 {
        %get3A = arith.index_cast %rem3A_322 : i32 to index
        %get3A_395 = arith.index_cast %scan3A_394 : i32 to index
        %get3A_396 = arith.constant 0 : index
        %get3A_397 = tpu.vector_load %arg15[%get3A, %get3A_395, %get3A_396] {strides = array<i32>} : memref<2x40x128xf32, #tpu.memory_space<vmem>>, vector<1x1x16xf32>,
        %get3A_398 = vector.shape_cast %get3A_397 : vector<1x1x16xf32> to vector<16xf32>
        %get3A_399 = arith.index_cast %rem3A_322 : i32 to index
        %get3A_400 = arith.index_cast %scan3A_394 : i32 to index
        %get3A_401 = arith.constant 0 : index
        %get3A_402 = tpu.vector_load %arg16[%get3A_399, %get3A_400, %get3A_401] {strides = array<i32>} : memref<2x40x128xf32, #tpu.memory_space<vmem>>, vector<1x1x16xf32>,
        %get3A_403 = vector.shape_cast %get3A_402 : vector<1x1x16xf32> to vector<16xf32>
        %mul3A_404 = arith.mulf %get3A_398, %get3A_403 : vector<16xf32>
        %swap3A = arith.index_cast %rem3A_322 : i32 to index
        %swap3A_405 = arith.index_cast %scan3A_394 : i32 to index
        %swap3A_406 = arith.constant 0 : index
        %swap3A_407 = tpu.vector_load %arg15[%swap3A, %swap3A_405, %swap3A_406] {strides = array<i32>} : memref<2x40x128xf32, #tpu.memory_space<vmem>>, vector<1x1x16xf32>,
        %swap3A_408 = vector.shape_cast %swap3A_407 : vector<1x1x16xf32> to vector<16xf32>
        %swap3A_409 = vector.shape_cast %mul3A_404 : vector<16xf32> to vector<1x1x16xf32>
        tpu.vector_store %arg15[%swap3A, %swap3A_405, %swap3A_406], %swap3A_409 {strides = array<i32>} : memref<2x40x128xf32, #tpu.memory_space<vmem>>, vector<1x1x16xf32>,
        %get3A_410 = arith.index_cast %rem3A_322 : i32 to index
        %get3A_411 = arith.index_cast %scan3A_394 : i32 to index
        %get3A_412 = arith.constant 16 : index
        %get3A_413 = tpu.vector_load %arg15[%get3A_410, %get3A_411, %get3A_412] {strides = array<i32>} : memref<2x40x128xf32, #tpu.memory_space<vmem>>, vector<1x1x16xf32>,
        %get3A_414 = vector.shape_cast %get3A_413 : vector<1x1x16xf32> to vector<16xf32>
        %get3A_415 = arith.index_cast %rem3A_322 : i32 to index
        %get3A_416 = arith.index_cast %scan3A_394 : i32 to index
        %get3A_417 = arith.constant 16 : index
        %get3A_418 = tpu.vector_load %arg16[%get3A_415, %get3A_416, %get3A_417] {strides = array<i32>} : memref<2x40x128xf32, #tpu.memory_space<vmem>>, vector<1x1x16xf32>,
        %get3A_419 = vector.shape_cast %get3A_418 : vector<1x1x16xf32> to vector<16xf32>
        %mul3A_420 = arith.mulf %get3A_414, %get3A_419 : vector<16xf32>
        %swap3A_421 = arith.index_cast %rem3A_322 : i32 to index
        %swap3A_422 = arith.index_cast %scan3A_394 : i32 to index
        %swap3A_423 = arith.constant 16 : index
        %swap3A_424 = tpu.vector_load %arg15[%swap3A_421, %swap3A_422, %swap3A_423] {strides = array<i32>} : memref<2x40x128xf32, #tpu.memory_space<vmem>>, vector<1x1x16xf32>,
        %swap3A_425 = vector.shape_cast %swap3A_424 : vector<1x1x16xf32> to vector<16xf32>
        %swap3A_426 = vector.shape_cast %mul3A_420 : vector<16xf32> to vector<1x1x16xf32>
        tpu.vector_store %arg15[%swap3A_421, %swap3A_422, %swap3A_423], %swap3A_426 {strides = array<i32>} : memref<2x40x128xf32, #tpu.memory_space<vmem>>, vector<1x1x16xf32>,
        %get3A_427 = arith.index_cast %rem3A_322 : i32 to index
        %get3A_428 = arith.index_cast %scan3A_394 : i32 to index
        %get3A_429 = arith.constant 32 : index
        %get3A_430 = tpu.vector_load %arg15[%get3A_427, %get3A_428, %get3A_429] {strides = array<i32>} : memref<2x40x128xf32, #tpu.memory_space<vmem>>, vector<1x1x16xf32>,
        %get3A_431 = vector.shape_cast %get3A_430 : vector<1x1x16xf32> to vector<16xf32>
        %get3A_432 = arith.index_cast %rem3A_322 : i32 to index
        %get3A_433 = arith.index_cast %scan3A_394 : i32 to index
        %get3A_434 = arith.constant 32 : index
        %get3A_435 = tpu.vector_load %arg16[%get3A_432, %get3A_433, %get3A_434] {strides = array<i32>} : memref<2x40x128xf32, #tpu.memory_space<vmem>>, vector<1x1x16xf32>,
        %get3A_436 = vector.shape_cast %get3A_435 : vector<1x1x16xf32> to vector<16xf32>
        %mul3A_437 = arith.mulf %get3A_431, %get3A_436 : vector<16xf32>
        %swap3A_438 = arith.index_cast %rem3A_322 : i32 to index
        %swap3A_439 = arith.index_cast %scan3A_394 : i32 to index
        %swap3A_440 = arith.constant 32 : index
        %swap3A_441 = tpu.vector_load %arg15[%swap3A_438, %swap3A_439, %swap3A_440] {strides = array<i32>} : memref<2x40x128xf32, #tpu.memory_space<vmem>>, vector<1x1x16xf32>,
        %swap3A_442 = vector.shape_cast %swap3A_441 : vector<1x1x16xf32> to vector<16xf32>
        %swap3A_443 = vector.shape_cast %mul3A_437 : vector<16xf32> to vector<1x1x16xf32>
        tpu.vector_store %arg15[%swap3A_438, %swap3A_439, %swap3A_440], %swap3A_443 {strides = array<i32>} : memref<2x40x128xf32, #tpu.memory_space<vmem>>, vector<1x1x16xf32>,
        %get3A_444 = arith.index_cast %rem3A_322 : i32 to index
        %get3A_445 = arith.index_cast %scan3A_394 : i32 to index
        %get3A_446 = arith.constant 48 : index
        %get3A_447 = tpu.vector_load %arg15[%get3A_444, %get3A_445, %get3A_446] {strides = array<i32>} : memref<2x40x128xf32, #tpu.memory_space<vmem>>, vector<1x1x16xf32>,
        %get3A_448 = vector.shape_cast %get3A_447 : vector<1x1x16xf32> to vector<16xf32>
        %get3A_449 = arith.index_cast %rem3A_322 : i32 to index
        %get3A_450 = arith.index_cast %scan3A_394 : i32 to index
        %get3A_451 = arith.constant 48 : index
        %get3A_452 = tpu.vector_load %arg16[%get3A_449, %get3A_450, %get3A_451] {strides = array<i32>} : memref<2x40x128xf32, #tpu.memory_space<vmem>>, vector<1x1x16xf32>,
        %get3A_453 = vector.shape_cast %get3A_452 : vector<1x1x16xf32> to vector<16xf32>
        %mul3A_454 = arith.mulf %get3A_448, %get3A_453 : vector<16xf32>
        %swap3A_455 = arith.index_cast %rem3A_322 : i32 to index
        %swap3A_456 = arith.index_cast %scan3A_394 : i32 to index
        %swap3A_457 = arith.constant 48 : index
        %swap3A_458 = tpu.vector_load %arg15[%swap3A_455, %swap3A_456, %swap3A_457] {strides = array<i32>} : memref<2x40x128xf32, #tpu.memory_space<vmem>>, vector<1x1x16xf32>,
        %swap3A_459 = vector.shape_cast %swap3A_458 : vector<1x1x16xf32> to vector<16xf32>
        %swap3A_460 = vector.shape_cast %mul3A_454 : vector<16xf32> to vector<1x1x16xf32>
        tpu.vector_store %arg15[%swap3A_455, %swap3A_456, %swap3A_457], %swap3A_460 {strides = array<i32>} : memref<2x40x128xf32, #tpu.memory_space<vmem>>, vector<1x1x16xf32>,
        %get3A_461 = arith.index_cast %rem3A_322 : i32 to index
        %get3A_462 = arith.index_cast %scan3A_394 : i32 to index
        %get3A_463 = arith.constant 64 : index
        %get3A_464 = tpu.vector_load %arg15[%get3A_461, %get3A_462, %get3A_463] {strides = array<i32>} : memref<2x40x128xf32, #tpu.memory_space<vmem>>, vector<1x1x16xf32>,
        %get3A_465 = vector.shape_cast %get3A_464 : vector<1x1x16xf32> to vector<16xf32>
        %get3A_466 = arith.index_cast %rem3A_322 : i32 to index
        %get3A_467 = arith.index_cast %scan3A_394 : i32 to index
        %get3A_468 = arith.constant 64 : index
        %get3A_469 = tpu.vector_load %arg16[%get3A_466, %get3A_467, %get3A_468] {strides = array<i32>} : memref<2x40x128xf32, #tpu.memory_space<vmem>>, vector<1x1x16xf32>,
        %get3A_470 = vector.shape_cast %get3A_469 : vector<1x1x16xf32> to vector<16xf32>
        %mul3A_471 = arith.mulf %get3A_465, %get3A_470 : vector<16xf32>
        %swap3A_472 = arith.index_cast %rem3A_322 : i32 to index
        %swap3A_473 = arith.index_cast %scan3A_394 : i32 to index
        %swap3A_474 = arith.constant 64 : index
        %swap3A_475 = tpu.vector_load %arg15[%swap3A_472, %swap3A_473, %swap3A_474] {strides = array<i32>} : memref<2x40x128xf32, #tpu.memory_space<vmem>>, vector<1x1x16xf32>,
        %swap3A_476 = vector.shape_cast %swap3A_475 : vector<1x1x16xf32> to vector<16xf32>
        %swap3A_477 = vector.shape_cast %mul3A_471 : vector<16xf32> to vector<1x1x16xf32>
        tpu.vector_store %arg15[%swap3A_472, %swap3A_473, %swap3A_474], %swap3A_477 {strides = array<i32>} : memref<2x40x128xf32, #tpu.memory_space<vmem>>, vector<1x1x16xf32>,
        %get3A_478 = arith.index_cast %rem3A_322 : i32 to index
        %get3A_479 = arith.index_cast %scan3A_394 : i32 to index
        %get3A_480 = arith.constant 80 : index
        %get3A_481 = tpu.vector_load %arg15[%get3A_478, %get3A_479, %get3A_480] {strides = array<i32>} : memref<2x40x128xf32, #tpu.memory_space<vmem>>, vector<1x1x16xf32>,
        %get3A_482 = vector.shape_cast %get3A_481 : vector<1x1x16xf32> to vector<16xf32>
        %get3A_483 = arith.index_cast %rem3A_322 : i32 to index
        %get3A_484 = arith.index_cast %scan3A_394 : i32 to index
        %get3A_485 = arith.constant 80 : index
        %get3A_486 = tpu.vector_load %arg16[%get3A_483, %get3A_484, %get3A_485] {strides = array<i32>} : memref<2x40x128xf32, #tpu.memory_space<vmem>>, vector<1x1x16xf32>,
        %get3A_487 = vector.shape_cast %get3A_486 : vector<1x1x16xf32> to vector<16xf32>
        %mul3A_488 = arith.mulf %get3A_482, %get3A_487 : vector<16xf32>
        %swap3A_489 = arith.index_cast %rem3A_322 : i32 to index
        %swap3A_490 = arith.index_cast %scan3A_394 : i32 to index
        %swap3A_491 = arith.constant 80 : index
        %swap3A_492 = tpu.vector_load %arg15[%swap3A_489, %swap3A_490, %swap3A_491] {strides = array<i32>} : memref<2x40x128xf32, #tpu.memory_space<vmem>>, vector<1x1x16xf32>,
        %swap3A_493 = vector.shape_cast %swap3A_492 : vector<1x1x16xf32> to vector<16xf32>
        %swap3A_494 = vector.shape_cast %mul3A_488 : vector<16xf32> to vector<1x1x16xf32>
        tpu.vector_store %arg15[%swap3A_489, %swap3A_490, %swap3A_491], %swap3A_494 {strides = array<i32>} : memref<2x40x128xf32, #tpu.memory_space<vmem>>, vector<1x1x16xf32>,
        %get3A_495 = arith.index_cast %rem3A_322 : i32 to index
        %get3A_496 = arith.index_cast %scan3A_394 : i32 to index
        %get3A_497 = arith.constant 96 : index
        %get3A_498 = tpu.vector_load %arg15[%get3A_495, %get3A_496, %get3A_497] {strides = array<i32>} : memref<2x40x128xf32, #tpu.memory_space<vmem>>, vector<1x1x16xf32>,
        %get3A_499 = vector.shape_cast %get3A_498 : vector<1x1x16xf32> to vector<16xf32>
        %get3A_500 = arith.index_cast %rem3A_322 : i32 to index
        %get3A_501 = arith.index_cast %scan3A_394 : i32 to index
        %get3A_502 = arith.constant 96 : index
        %get3A_503 = tpu.vector_load %arg16[%get3A_500, %get3A_501, %get3A_502] {strides = array<i32>} : memref<2x40x128xf32, #tpu.memory_space<vmem>>, vector<1x1x16xf32>,
        %get3A_504 = vector.shape_cast %get3A_503 : vector<1x1x16xf32> to vector<16xf32>
        %mul3A_505 = arith.mulf %get3A_499, %get3A_504 : vector<16xf32>
        %swap3A_506 = arith.index_cast %rem3A_322 : i32 to index
        %swap3A_507 = arith.index_cast %scan3A_394 : i32 to index
        %swap3A_508 = arith.constant 96 : index
        %swap3A_509 = tpu.vector_load %arg15[%swap3A_506, %swap3A_507, %swap3A_508] {strides = array<i32>} : memref<2x40x128xf32, #tpu.memory_space<vmem>>, vector<1x1x16xf32>,
        %swap3A_510 = vector.shape_cast %swap3A_509 : vector<1x1x16xf32> to vector<16xf32>
        %swap3A_511 = vector.shape_cast %mul3A_505 : vector<16xf32> to vector<1x1x16xf32>
        tpu.vector_store %arg15[%swap3A_506, %swap3A_507, %swap3A_508], %swap3A_511 {strides = array<i32>} : memref<2x40x128xf32, #tpu.memory_space<vmem>>, vector<1x1x16xf32>,
        %get3A_512 = arith.index_cast %rem3A_322 : i32 to index
        %get3A_513 = arith.index_cast %scan3A_394 : i32 to index
        %get3A_514 = arith.constant 112 : index
        %get3A_515 = tpu.vector_load %arg15[%get3A_512, %get3A_513, %get3A_514] {strides = array<i32>} : memref<2x40x128xf32, #tpu.memory_space<vmem>>, vector<1x1x16xf32>,
        %get3A_516 = vector.shape_cast %get3A_515 : vector<1x1x16xf32> to vector<16xf32>
        %get3A_517 = arith.index_cast %rem3A_322 : i32 to index
        %get3A_518 = arith.index_cast %scan3A_394 : i32 to index
        %get3A_519 = arith.constant 112 : index
        %get3A_520 = tpu.vector_load %arg16[%get3A_517, %get3A_518, %get3A_519] {strides = array<i32>} : memref<2x40x128xf32, #tpu.memory_space<vmem>>, vector<1x1x16xf32>,
        %get3A_521 = vector.shape_cast %get3A_520 : vector<1x1x16xf32> to vector<16xf32>
        %mul3A_522 = arith.mulf %get3A_516, %get3A_521 : vector<16xf32>
        %swap3A_523 = arith.index_cast %rem3A_322 : i32 to index
        %swap3A_524 = arith.index_cast %scan3A_394 : i32 to index
        %swap3A_525 = arith.constant 112 : index
        %swap3A_526 = tpu.vector_load %arg15[%swap3A_523, %swap3A_524, %swap3A_525] {strides = array<i32>} : memref<2x40x128xf32, #tpu.memory_space<vmem>>, vector<1x1x16xf32>,
        %swap3A_527 = vector.shape_cast %swap3A_526 : vector<1x1x16xf32> to vector<16xf32>
        %swap3A_528 = vector.shape_cast %mul3A_522 : vector<16xf32> to vector<1x1x16xf32>
        tpu.vector_store %arg15[%swap3A_523, %swap3A_524, %swap3A_525], %swap3A_528 {strides = array<i32>} : memref<2x40x128xf32, #tpu.memory_space<vmem>>, vector<1x1x16xf32>,
      }
      %scan3A_382 = arith.constant 40 : i32
      %dma_start3A_383 = arith.constant 1 : i32
      %dma_start3A_384 = arith.constant 0 : i32
      %dma_start3A_385 = arith.constant 0 : i32
      %dma_start3A_386 = tpu.memref_slice %arg15[%rem3A_322, %dma_start3A_384, %dma_start3A_385] : memref<2x40x128xf32, #tpu.memory_space<vmem>> -> memref<1x40x128xf32, #tpu.memory_space<vmem>>
      %dma_start3A_387 = tpu.memref_squeeze %dma_start3A_386 : memref<1x40x128xf32, #tpu.memory_space<vmem>> -> memref<40x128xf32, #tpu.memory_space<vmem>>
      %dma_start3A_388 = arith.constant 0 : i32
      %dma_start3A_389 = tpu.memref_slice %arg14[%rem3A_327, %dma_start3A_383, %sub3A, %dma_start3A_388] : memref<2x2x10x40xi32, #tpu.memory_space<vmem>> -> memref<1x1x1x40xi32, #tpu.memory_space<vmem>>
      %dma_start3A_390 = tpu.memref_squeeze %dma_start3A_389 : memref<1x1x1x40xi32, #tpu.memory_space<vmem>> -> memref<40xi32, #tpu.memory_space<vmem>>
      %dma_start3A_391 = arith.constant 0 : i32
      %dma_start3A_392 = arith.constant 0 : i32
      %dma_start3A_393 = tpu.memref_slice %arg18[%dma_start3A_391, %dma_start3A_392] : memref<10000x128xf32, #tpu.memory_space<vmem_shared>> -> memref<10000x128xf32, #tpu.memory_space<vmem_shared>>
      tpu.enqueue_indirect_dma source(%dma_start3A_387 : memref<40x128xf32, #tpu.memory_space<vmem>>) target(%dma_start3A_393 : memref<10000x128xf32, #tpu.memory_space<vmem_shared>>) offsets(%dma_start3A_390 : memref<40xi32, #tpu.memory_space<vmem>>) semaphore(%arg20 : memref<!tpu.dma_semaphore, #tpu.memory_space<semaphore_mem>>) {add = true}
    }
    %scan3A_41 = arith.constant 250 : i32
    %dma_wait3A = arith.constant 0 : i32
    %dma_wait3A_42 = arith.constant 0 : i32
    %dma_wait3A_43 = arith.constant 1 : i32
    %dma_wait3A_44 = arith.constant 0 : i32
    %dma_wait3A_45 = arith.constant 0 : i32
    %dma_wait3A_46 = arith.constant 0 : i32
    %dma_wait3A_47 = tpu.memref_slice %arg15[%dma_wait3A, %dma_wait3A_45, %dma_wait3A_46] : memref<2x40x128xf32, #tpu.memory_space<vmem>> -> memref<1x40x128xf32, #tpu.memory_space<vmem>>
    %dma_wait3A_48 = tpu.memref_squeeze %dma_wait3A_47 : memref<1x40x128xf32, #tpu.memory_space<vmem>> -> memref<40x128xf32, #tpu.memory_space<vmem>>
    %dma_wait3A_49 = arith.constant 0 : i32
    %dma_wait3A_50 = tpu.memref_slice %arg14[%dma_wait3A_42, %dma_wait3A_43, %dma_wait3A_44, %dma_wait3A_49] : memref<2x2x10x40xi32, #tpu.memory_space<vmem>> -> memref<1x1x1x40xi32, #tpu.memory_space<vmem>>
    %dma_wait3A_51 = tpu.memref_squeeze %dma_wait3A_50 : memref<1x1x1x40xi32, #tpu.memory_space<vmem>> -> memref<40xi32, #tpu.memory_space<vmem>>
    %dma_wait3A_52 = arith.constant 0 : i32
    %dma_wait3A_53 = arith.constant 0 : i32
    %dma_wait3A_54 = tpu.memref_slice %arg18[%dma_wait3A_52, %dma_wait3A_53] : memref<10000x128xf32, #tpu.memory_space<vmem_shared>> -> memref<10000x128xf32, #tpu.memory_space<vmem_shared>>
    tpu.wait_indirect_dma semaphore(%arg20 : memref<!tpu.dma_semaphore, #tpu.memory_space<semaphore_mem>>) src(%dma_wait3A_48 : memref<40x128xf32, #tpu.memory_space<vmem>>) dst(%dma_wait3A_54 : memref<10000x128xf32, #tpu.memory_space<vmem_shared>>)
    %barrier3A_55 = arith.constant 0 : index
    tpu.barrier barrier_id(%barrier3A_55)
    %run_scoped3A_56 = arith.constant 0 : i32
    "tpu.region"() ({
      %run_scoped3A_321 = tpu.sem_alloc : memref<!tpu.dma_semaphore, #tpu.memory_space<semaphore_mem>>
      %dma_start3A_322 = arith.constant 0 : i32
      %dma_start3A_323 = tpu.memref_slice %arg13[%run_scoped3A_56, %arg0, %mul3A_2, %dma_start3A_322] : memref<4x2x10000x128xf32, #tpu.memory_space<hbm>> -> memref<1x1x624x128xf32, #tpu.memory_space<hbm>>
      %dma_start3A_324 = tpu.memref_squeeze %dma_start3A_323 : memref<1x1x624x128xf32, #tpu.memory_space<hbm>> -> memref<624x128xf32, #tpu.memory_space<hbm>>
      %dma_start3A_325 = arith.constant 0 : i32
      %dma_start3A_326 = tpu.memref_slice %arg18[%mul3A_2, %dma_start3A_325] : memref<10000x128xf32, #tpu.memory_space<vmem_shared>> -> memref<624x128xf32, #tpu.memory_space<vmem_shared>>
      tpu.enqueue_dma source(%dma_start3A_326 : memref<624x128xf32, #tpu.memory_space<vmem_shared>>) target(%dma_start3A_324 : memref<624x128xf32, #tpu.memory_space<hbm>>) target_semaphore(%run_scoped3A_321 : memref<!tpu.dma_semaphore, #tpu.memory_space<semaphore_mem>>)
      %dma_wait3A_327 = arith.constant 0 : i32
      %dma_wait3A_328 = tpu.memref_slice %arg13[%run_scoped3A_56, %arg0, %mul3A_2, %dma_wait3A_327] : memref<4x2x10000x128xf32, #tpu.memory_space<hbm>> -> memref<1x1x624x128xf32, #tpu.memory_space<hbm>>
      %dma_wait3A_329 = tpu.memref_squeeze %dma_wait3A_328 : memref<1x1x624x128xf32, #tpu.memory_space<hbm>> -> memref<624x128xf32, #tpu.memory_space<hbm>>
      %dma_wait3A_330 = arith.constant 0 : i32
      %dma_wait3A_331 = tpu.memref_slice %arg18[%mul3A_2, %dma_wait3A_330] : memref<10000x128xf32, #tpu.memory_space<vmem_shared>> -> memref<624x128xf32, #tpu.memory_space<vmem_shared>>
      tpu.wait_dma2 semaphore(%run_scoped3A_321 : memref<!tpu.dma_semaphore, #tpu.memory_space<semaphore_mem>>) src(%dma_wait3A_331 : memref<624x128xf32, #tpu.memory_space<vmem_shared>>) dst(%dma_wait3A_329 : memref<624x128xf32, #tpu.memory_space<hbm>>)
      tpu.yield
    }) : () -> ()
    %eq3A_57 = arith.constant 15 : i32
    %eq3A_58 = arith.cmpi eq, %arg1, %eq3A_57 : i32
    %convert_element_type3A_59 = arith.extui %eq3A_58 : i1 to i32
    %cond3A_60 = arith.constant 0 : i32
    %cond3A_61 = arith.cmpi ne, %convert_element_type3A_59, %cond3A_60 : i32
    scf.if %cond3A_61 {
      %run_scoped3A_321 = arith.constant 0 : i32
      "tpu.region"() ({
        %run_scoped3A_322 = tpu.sem_alloc : memref<!tpu.dma_semaphore, #tpu.memory_space<semaphore_mem>>
        %dma_start3A_323 = arith.constant 9984 : i32
        %dma_start3A_324 = arith.constant 0 : i32
        %dma_start3A_325 = tpu.memref_slice %arg13[%run_scoped3A_321, %arg0, %dma_start3A_323, %dma_start3A_324] : memref<4x2x10000x128xf32, #tpu.memory_space<hbm>> -> memref<1x1x16x128xf32, #tpu.memory_space<hbm>>
        %dma_start3A_326 = tpu.memref_squeeze %dma_start3A_325 : memref<1x1x16x128xf32, #tpu.memory_space<hbm>> -> memref<16x128xf32, #tpu.memory_space<hbm>>
        %dma_start3A_327 = arith.constant 9984 : i32
        %dma_start3A_328 = arith.constant 0 : i32
        %dma_start3A_329 = tpu.memref_slice %arg18[%dma_start3A_327, %dma_start3A_328] : memref<10000x128xf32, #tpu.memory_space<vmem_shared>> -> memref<16x128xf32, #tpu.memory_space<vmem_shared>>
        tpu.enqueue_dma source(%dma_start3A_329 : memref<16x128xf32, #tpu.memory_space<vmem_shared>>) target(%dma_start3A_326 : memref<16x128xf32, #tpu.memory_space<hbm>>) target_semaphore(%run_scoped3A_322 : memref<!tpu.dma_semaphore, #tpu.memory_space<semaphore_mem>>)
        %dma_wait3A_330 = arith.constant 9984 : i32
        %dma_wait3A_331 = arith.constant 0 : i32
        %dma_wait3A_332 = tpu.memref_slice %arg13[%run_scoped3A_321, %arg0, %dma_wait3A_330, %dma_wait3A_331] : memref<4x2x10000x128xf32, #tpu.memory_space<hbm>> -> memref<1x1x16x128xf32, #tpu.memory_space<hbm>>
        %dma_wait3A_333 = tpu.memref_squeeze %dma_wait3A_332 : memref<1x1x16x128xf32, #tpu.memory_space<hbm>> -> memref<16x128xf32, #tpu.memory_space<hbm>>
        %dma_wait3A_334 = arith.constant 9984 : i32
        %dma_wait3A_335 = arith.constant 0 : i32
        %dma_wait3A_336 = tpu.memref_slice %arg18[%dma_wait3A_334, %dma_wait3A_335] : memref<10000x128xf32, #tpu.memory_space<vmem_shared>> -> memref<16x128xf32, #tpu.memory_space<vmem_shared>>
        tpu.wait_dma2 semaphore(%run_scoped3A_322 : memref<!tpu.dma_semaphore, #tpu.memory_space<semaphore_mem>>) src(%dma_wait3A_336 : memref<16x128xf32, #tpu.memory_space<vmem_shared>>) dst(%dma_wait3A_333 : memref<16x128xf32, #tpu.memory_space<hbm>>)
        tpu.yield
      }) : () -> ()
    } else {
    }
    %barrier3A_62 = arith.constant 0 : index
    tpu.barrier barrier_id(%barrier3A_62)
    "tpu.region"() ({
      %run_scoped3A_321 = tpu.sem_alloc : memref<!tpu.dma_semaphore, #tpu.memory_space<semaphore_mem>>
      %dma_start3A_322 = arith.constant 0 : i32
      %dma_start3A_323 = tpu.memref_slice %arg18[%mul3A_2, %dma_start3A_322] : memref<10000x128xf32, #tpu.memory_space<vmem_shared>> -> memref<624x128xf32, #tpu.memory_space<vmem_shared>>
      %dma_start3A_324 = arith.constant 0 : i32
      %dma_start3A_325 = tpu.memref_slice %arg12[%mul3A_2, %dma_start3A_324] : memref<10000x128xf32, #tpu.memory_space<hbm>> -> memref<624x128xf32, #tpu.memory_space<hbm>>
      tpu.enqueue_dma source(%dma_start3A_325 : memref<624x128xf32, #tpu.memory_space<hbm>>) target(%dma_start3A_323 : memref<624x128xf32, #tpu.memory_space<vmem_shared>>) target_semaphore(%run_scoped3A_321 : memref<!tpu.dma_semaphore, #tpu.memory_space<semaphore_mem>>)
      %dma_wait3A_326 = arith.constant 0 : i32
      %dma_wait3A_327 = tpu.memref_slice %arg18[%mul3A_2, %dma_wait3A_326] : memref<10000x128xf32, #tpu.memory_space<vmem_shared>> -> memref<624x128xf32, #tpu.memory_space<vmem_shared>>
      %dma_wait3A_328 = arith.constant 0 : i32
      %dma_wait3A_329 = tpu.memref_slice %arg12[%mul3A_2, %dma_wait3A_328] : memref<10000x128xf32, #tpu.memory_space<hbm>> -> memref<624x128xf32, #tpu.memory_space<hbm>>
      tpu.wait_dma2 semaphore(%run_scoped3A_321 : memref<!tpu.dma_semaphore, #tpu.memory_space<semaphore_mem>>) src(%dma_wait3A_329 : memref<624x128xf32, #tpu.memory_space<hbm>>) dst(%dma_wait3A_327 : memref<624x128xf32, #tpu.memory_space<vmem_shared>>)
      tpu.yield
    }) : () -> ()
    %eq3A_63 = arith.constant 15 : i32
    %eq3A_64 = arith.cmpi eq, %arg1, %eq3A_63 : i32
    %convert_element_type3A_65 = arith.extui %eq3A_64 : i1 to i32
    %cond3A_66 = arith.constant 0 : i32
    %cond3A_67 = arith.cmpi ne, %convert_element_type3A_65, %cond3A_66 : i32
    scf.if %cond3A_67 {
      "tpu.region"() ({
        %run_scoped3A_321 = tpu.sem_alloc : memref<!tpu.dma_semaphore, #tpu.memory_space<semaphore_mem>>
        %dma_start3A_322 = arith.constant 9984 : i32
        %dma_start3A_323 = arith.constant 0 : i32
        %dma_start3A_324 = tpu.memref_slice %arg18[%dma_start3A_322, %dma_start3A_323] : memref<10000x128xf32, #tpu.memory_space<vmem_shared>> -> memref<16x128xf32, #tpu.memory_space<vmem_shared>>
        %dma_start3A_325 = arith.constant 9984 : i32
        %dma_start3A_326 = arith.constant 0 : i32
        %dma_start3A_327 = tpu.memref_slice %arg12[%dma_start3A_325, %dma_start3A_326] : memref<10000x128xf32, #tpu.memory_space<hbm>> -> memref<16x128xf32, #tpu.memory_space<hbm>>
        tpu.enqueue_dma source(%dma_start3A_327 : memref<16x128xf32, #tpu.memory_space<hbm>>) target(%dma_start3A_324 : memref<16x128xf32, #tpu.memory_space<vmem_shared>>) target_semaphore(%run_scoped3A_321 : memref<!tpu.dma_semaphore, #tpu.memory_space<semaphore_mem>>)
        %dma_wait3A_328 = arith.constant 9984 : i32
        %dma_wait3A_329 = arith.constant 0 : i32
        %dma_wait3A_330 = tpu.memref_slice %arg18[%dma_wait3A_328, %dma_wait3A_329] : memref<10000x128xf32, #tpu.memory_space<vmem_shared>> -> memref<16x128xf32, #tpu.memory_space<vmem_shared>>
        %dma_wait3A_331 = arith.constant 9984 : i32
        %dma_wait3A_332 = arith.constant 0 : i32
        %dma_wait3A_333 = tpu.memref_slice %arg12[%dma_wait3A_331, %dma_wait3A_332] : memref<10000x128xf32, #tpu.memory_space<hbm>> -> memref<16x128xf32, #tpu.memory_space<hbm>>
        tpu.wait_dma2 semaphore(%run_scoped3A_321 : memref<!tpu.dma_semaphore, #tpu.memory_space<semaphore_mem>>) src(%dma_wait3A_333 : memref<16x128xf32, #tpu.memory_space<hbm>>) dst(%dma_wait3A_330 : memref<16x128xf32, #tpu.memory_space<vmem_shared>>)
        tpu.yield
      }) : () -> ()
    } else {
    }
    %barrier3A_68 = arith.constant 0 : index
    tpu.barrier barrier_id(%barrier3A_68)
    %run_scoped3A_69 = arith.constant 0 : i32
    %run_scoped3A_70 = arith.constant 0 : i32
    "tpu.region"() ({
      %run_scoped3A_321 = tpu.sem_alloc : memref<!tpu.dma_semaphore, #tpu.memory_space<semaphore_mem>>
      %dma_start3A_322 = arith.constant 0 : i32
      %dma_start3A_323 = arith.constant 0 : i32
      %dma_start3A_324 = arith.constant 0 : i32
      %dma_start3A_325 = tpu.memref_slice %arg14[%run_scoped3A_70, %dma_start3A_322, %dma_start3A_323, %dma_start3A_324] : memref<2x2x10x40xi32, #tpu.memory_space<vmem>> -> memref<1x2x10x40xi32, #tpu.memory_space<vmem>>
      %dma_start3A_326 = tpu.memref_squeeze %dma_start3A_325 : memref<1x2x10x40xi32, #tpu.memory_space<vmem>> -> memref<2x10x40xi32, #tpu.memory_space<vmem>>
      %dma_start3A_327 = arith.constant 0 : i32
      %dma_start3A_328 = arith.constant 0 : i32
      %dma_start3A_329 = arith.constant 0 : i32
      %dma_start3A_330 = tpu.memref_slice %arg11[%add3A, %run_scoped3A_69, %dma_start3A_327, %dma_start3A_328, %dma_start3A_329] : memref<32x25x2x10x40xi32, #tpu.memory_space<hbm>> -> memref<1x1x2x10x40xi32, #tpu.memory_space<hbm>>
      %dma_start3A_331 = tpu.memref_squeeze %dma_start3A_330 : memref<1x1x2x10x40xi32, #tpu.memory_space<hbm>> -> memref<2x10x40xi32, #tpu.memory_space<hbm>>
      %dma_start3A_332 = arith.constant 0 : i32
      %dma_start3A_333 = arith.constant 0 : i32
      %dma_start3A_334 = arith.constant 0 : i32
      %dma_start3A_335 = tpu.memref_slice %arg14[%run_scoped3A_70, %dma_start3A_332, %dma_start3A_333, %dma_start3A_334] : memref<2x2x10x40xi32, #tpu.memory_space<vmem>> -> memref<1x2x10x40xi32, #tpu.memory_space<vmem>>
      %dma_start3A_336 = tpu.memref_squeeze %dma_start3A_335 : memref<1x2x10x40xi32, #tpu.memory_space<vmem>> -> memref<2x10x40xi32, #tpu.memory_space<vmem>>
      %dma_start3A_337 = arith.constant 0 : i32
      %dma_start3A_338 = arith.constant 0 : i32
      %dma_start3A_339 = arith.constant 0 : i32
      %dma_start3A_340 = tpu.memref_slice %arg11[%add3A, %run_scoped3A_69, %dma_start3A_337, %dma_start3A_338, %dma_start3A_339] : memref<32x25x2x10x40xi32, #tpu.memory_space<hbm>> -> memref<1x1x2x10x40xi32, #tpu.memory_space<hbm>>
      %dma_start3A_341 = tpu.memref_squeeze %dma_start3A_340 : memref<1x1x2x10x40xi32, #tpu.memory_space<hbm>> -> memref<2x10x40xi32, #tpu.memory_space<hbm>>
      tpu.enqueue_dma source(%dma_start3A_341 : memref<2x10x40xi32, #tpu.memory_space<hbm>>) target(%dma_start3A_336 : memref<2x10x40xi32, #tpu.memory_space<vmem>>) target_semaphore(%run_scoped3A_321 : memref<!tpu.dma_semaphore, #tpu.memory_space<semaphore_mem>>)
      %dma_wait3A_342 = arith.constant 0 : i32
      %dma_wait3A_343 = arith.constant 0 : i32
      %dma_wait3A_344 = arith.constant 0 : i32
      %dma_wait3A_345 = tpu.memref_slice %arg14[%run_scoped3A_70, %dma_wait3A_342, %dma_wait3A_343, %dma_wait3A_344] : memref<2x2x10x40xi32, #tpu.memory_space<vmem>> -> memref<1x2x10x40xi32, #tpu.memory_space<vmem>>
      %dma_wait3A_346 = tpu.memref_squeeze %dma_wait3A_345 : memref<1x2x10x40xi32, #tpu.memory_space<vmem>> -> memref<2x10x40xi32, #tpu.memory_space<vmem>>
      %dma_wait3A_347 = arith.constant 0 : i32
      %dma_wait3A_348 = arith.constant 0 : i32
      %dma_wait3A_349 = arith.constant 0 : i32
      %dma_wait3A_350 = tpu.memref_slice %arg11[%add3A, %run_scoped3A_69, %dma_wait3A_347, %dma_wait3A_348, %dma_wait3A_349] : memref<32x25x2x10x40xi32, #tpu.memory_space<hbm>> -> memref<1x1x2x10x40xi32, #tpu.memory_space<hbm>>
      %dma_wait3A_351 = tpu.memref_squeeze %dma_wait3A_350 : memref<1x1x2x10x40xi32, #tpu.memory_space<hbm>> -> memref<2x10x40xi32, #tpu.memory_space<hbm>>
      %dma_wait3A_352 = arith.constant 0 : i32
      %dma_wait3A_353 = arith.constant 0 : i32
      %dma_wait3A_354 = arith.constant 0 : i32
      %dma_wait3A_355 = tpu.memref_slice %arg14[%run_scoped3A_70, %dma_wait3A_352, %dma_wait3A_353, %dma_wait3A_354] : memref<2x2x10x40xi32, #tpu.memory_space<vmem>> -> memref<1x2x10x40xi32, #tpu.memory_space<vmem>>
      %dma_wait3A_356 = tpu.memref_squeeze %dma_wait3A_355 : memref<1x2x10x40xi32, #tpu.memory_space<vmem>> -> memref<2x10x40xi32, #tpu.memory_space<vmem>>
      %dma_wait3A_357 = arith.constant 0 : i32
      %dma_wait3A_358 = arith.constant 0 : i32
      %dma_wait3A_359 = arith.constant 0 : i32
      %dma_wait3A_360 = tpu.memref_slice %arg11[%add3A, %run_scoped3A_69, %dma_wait3A_357, %dma_wait3A_358, %dma_wait3A_359] : memref<32x25x2x10x40xi32, #tpu.memory_space<hbm>> -> memref<1x1x2x10x40xi32, #tpu.memory_space<hbm>>
      %dma_wait3A_361 = tpu.memref_squeeze %dma_wait3A_360 : memref<1x1x2x10x40xi32, #tpu.memory_space<hbm>> -> memref<2x10x40xi32, #tpu.memory_space<hbm>>
      tpu.wait_dma2 semaphore(%run_scoped3A_321 : memref<!tpu.dma_semaphore, #tpu.memory_space<semaphore_mem>>) src(%dma_wait3A_361 : memref<2x10x40xi32, #tpu.memory_space<hbm>>) dst(%dma_wait3A_356 : memref<2x10x40xi32, #tpu.memory_space<vmem>>)
      tpu.yield
    }) : () -> ()
    %dma_start3A_71 = arith.constant 0 : i32
    %dma_start3A_72 = arith.constant 0 : i32
    %dma_start3A_73 = arith.constant 0 : i32
    %dma_start3A_74 = arith.constant 0 : i32
    %dma_start3A_75 = tpu.memref_slice %arg15[%dma_start3A_72, %dma_start3A_73, %dma_start3A_74] : memref<2x40x128xf32, #tpu.memory_space<vmem>> -> memref<1x40x128xf32, #tpu.memory_space<vmem>>
    %dma_start3A_76 = tpu.memref_squeeze %dma_start3A_75 : memref<1x40x128xf32, #tpu.memory_space<vmem>> -> memref<40x128xf32, #tpu.memory_space<vmem>>
    %dma_start3A_77 = arith.constant 0 : i32
    %dma_start3A_78 = arith.constant 0 : i32
    %dma_start3A_79 = tpu.memref_slice %arg7[%add3A, %dma_start3A_71, %dma_start3A_77, %dma_start3A_78] : memref<32x250x40x128xf32, #tpu.memory_space<hbm>> -> memref<1x1x40x128xf32, #tpu.memory_space<hbm>>
    %dma_start3A_80 = tpu.memref_squeeze %dma_start3A_79 : memref<1x1x40x128xf32, #tpu.memory_space<hbm>> -> memref<40x128xf32, #tpu.memory_space<hbm>>
    %dma_start3A_81 = arith.constant 0 : i32
    %dma_start3A_82 = arith.constant 0 : i32
    %dma_start3A_83 = tpu.memref_slice %arg15[%dma_start3A_72, %dma_start3A_81, %dma_start3A_82] : memref<2x40x128xf32, #tpu.memory_space<vmem>> -> memref<1x40x128xf32, #tpu.memory_space<vmem>>
    %dma_start3A_84 = tpu.memref_squeeze %dma_start3A_83 : memref<1x40x128xf32, #tpu.memory_space<vmem>> -> memref<40x128xf32, #tpu.memory_space<vmem>>
    %dma_start3A_85 = arith.constant 0 : i32
    %dma_start3A_86 = arith.constant 0 : i32
    %dma_start3A_87 = tpu.memref_slice %arg7[%add3A, %dma_start3A_71, %dma_start3A_85, %dma_start3A_86] : memref<32x250x40x128xf32, #tpu.memory_space<hbm>> -> memref<1x1x40x128xf32, #tpu.memory_space<hbm>>
    %dma_start3A_88 = tpu.memref_squeeze %dma_start3A_87 : memref<1x1x40x128xf32, #tpu.memory_space<hbm>> -> memref<40x128xf32, #tpu.memory_space<hbm>>
    tpu.enqueue_dma source(%dma_start3A_88 : memref<40x128xf32, #tpu.memory_space<hbm>>) target(%dma_start3A_84 : memref<40x128xf32, #tpu.memory_space<vmem>>) target_semaphore(%arg19 : memref<!tpu.dma_semaphore, #tpu.memory_space<semaphore_mem>>)
    %dma_start3A_89 = arith.constant 0 : i32
    %dma_start3A_90 = arith.constant 0 : i32
    %dma_start3A_91 = arith.constant 0 : i32
    %dma_start3A_92 = arith.constant 0 : i32
    %dma_start3A_93 = tpu.memref_slice %arg16[%dma_start3A_90, %dma_start3A_91, %dma_start3A_92] : memref<2x40x128xf32, #tpu.memory_space<vmem>> -> memref<1x40x128xf32, #tpu.memory_space<vmem>>
    %dma_start3A_94 = tpu.memref_squeeze %dma_start3A_93 : memref<1x40x128xf32, #tpu.memory_space<vmem>> -> memref<40x128xf32, #tpu.memory_space<vmem>>
    %dma_start3A_95 = arith.constant 0 : i32
    %dma_start3A_96 = arith.constant 0 : i32
    %dma_start3A_97 = tpu.memref_slice %arg10[%add3A, %dma_start3A_89, %dma_start3A_95, %dma_start3A_96] : memref<32x250x40x128xf32, #tpu.memory_space<hbm>> -> memref<1x1x40x128xf32, #tpu.memory_space<hbm>>
    %dma_start3A_98 = tpu.memref_squeeze %dma_start3A_97 : memref<1x1x40x128xf32, #tpu.memory_space<hbm>> -> memref<40x128xf32, #tpu.memory_space<hbm>>
    %dma_start3A_99 = arith.constant 0 : i32
    %dma_start3A_100 = arith.constant 0 : i32
    %dma_start3A_101 = tpu.memref_slice %arg16[%dma_start3A_90, %dma_start3A_99, %dma_start3A_100] : memref<2x40x128xf32, #tpu.memory_space<vmem>> -> memref<1x40x128xf32, #tpu.memory_space<vmem>>
    %dma_start3A_102 = tpu.memref_squeeze %dma_start3A_101 : memref<1x40x128xf32, #tpu.memory_space<vmem>> -> memref<40x128xf32, #tpu.memory_space<vmem>>
    %dma_start3A_103 = arith.constant 0 : i32
    %dma_start3A_104 = arith.constant 0 : i32
    %dma_start3A_105 = tpu.memref_slice %arg10[%add3A, %dma_start3A_89, %dma_start3A_103, %dma_start3A_104] : memref<32x250x40x128xf32, #tpu.memory_space<hbm>> -> memref<1x1x40x128xf32, #tpu.memory_space<hbm>>
    %dma_start3A_106 = tpu.memref_squeeze %dma_start3A_105 : memref<1x1x40x128xf32, #tpu.memory_space<hbm>> -> memref<40x128xf32, #tpu.memory_space<hbm>>
    tpu.enqueue_dma source(%dma_start3A_106 : memref<40x128xf32, #tpu.memory_space<hbm>>) target(%dma_start3A_102 : memref<40x128xf32, #tpu.memory_space<vmem>>) target_semaphore(%arg19 : memref<!tpu.dma_semaphore, #tpu.memory_space<semaphore_mem>>)
    %dma_start3A_107 = arith.constant 0 : i32
    %dma_start3A_108 = arith.constant 0 : i32
    %dma_start3A_109 = arith.constant 0 : i32
    %dma_start3A_110 = arith.constant 0 : i32
    %dma_start3A_111 = arith.constant 0 : i32
    %dma_start3A_112 = arith.constant 0 : i32
    %dma_start3A_113 = tpu.memref_slice %arg17[%dma_start3A_110, %dma_start3A_111, %dma_start3A_112] : memref<2x40x256xf32, #tpu.memory_space<vmem>> -> memref<1x40x256xf32, #tpu.memory_space<vmem>>
    %dma_start3A_114 = tpu.memref_squeeze %dma_start3A_113 : memref<1x40x256xf32, #tpu.memory_space<vmem>> -> memref<40x256xf32, #tpu.memory_space<vmem>>
    %dma_start3A_115 = arith.constant 0 : i32
    %dma_start3A_116 = tpu.memref_slice %arg14[%dma_start3A_107, %dma_start3A_108, %dma_start3A_109, %dma_start3A_115] : memref<2x2x10x40xi32, #tpu.memory_space<vmem>> -> memref<1x1x1x40xi32, #tpu.memory_space<vmem>>
    %dma_start3A_117 = tpu.memref_squeeze %dma_start3A_116 : memref<1x1x1x40xi32, #tpu.memory_space<vmem>> -> memref<40xi32, #tpu.memory_space<vmem>>
    %dma_start3A_118 = arith.constant 0 : i32
    %dma_start3A_119 = arith.constant 0 : i32
    %dma_start3A_120 = tpu.memref_slice %arg3[%dma_start3A_118, %dma_start3A_119] : memref<10000x256xf32, #tpu.memory_space<hbm>> -> memref<10000x256xf32, #tpu.memory_space<hbm>>
    tpu.enqueue_indirect_dma source(%dma_start3A_120 : memref<10000x256xf32, #tpu.memory_space<hbm>>) target(%dma_start3A_114 : memref<40x256xf32, #tpu.memory_space<vmem>>) offsets(%dma_start3A_117 : memref<40xi32, #tpu.memory_space<vmem>>) semaphore(%arg19 : memref<!tpu.dma_semaphore, #tpu.memory_space<semaphore_mem>>)
    %scan3A_121 = arith.constant 0 : i32
    %scan3A_122 = arith.constant 0 : i32
    %scan3A_123 = arith.constant 250 : i32
    %scan3A_124 = arith.addi %scan3A_122, %scan3A_123 : i32
    %scan3A_125 = arith.constant 1 : i32
    scf.for %scan3A_321 = %scan3A_122 to %scan3A_124 step %scan3A_125  : i32 {
      %rem3A = arith.constant 2 : i32
      %rem3A_322 = arith.remsi %scan3A_321, %rem3A : i32
      %div3A = arith.constant 10 : i32
      %div3A_323 = arith.divsi %scan3A_321, %div3A : i32
      %mul3A_324 = arith.constant 10 : i32
      %mul3A_325 = arith.muli %div3A_323, %mul3A_324 : i32
      %sub3A = arith.subi %scan3A_321, %mul3A_325 : i32
      %rem3A_326 = arith.constant 2 : i32
      %rem3A_327 = arith.remsi %div3A_323, %rem3A_326 : i32
      %dma_wait3A_328 = arith.constant 0 : i32
      %dma_wait3A_329 = arith.constant 0 : i32
      %dma_wait3A_330 = arith.constant 0 : i32
      %dma_wait3A_331 = tpu.memref_slice %arg15[%rem3A_322, %dma_wait3A_329, %dma_wait3A_330] : memref<2x40x128xf32, #tpu.memory_space<vmem>> -> memref<1x40x128xf32, #tpu.memory_space<vmem>>
      %dma_wait3A_332 = tpu.memref_squeeze %dma_wait3A_331 : memref<1x40x128xf32, #tpu.memory_space<vmem>> -> memref<40x128xf32, #tpu.memory_space<vmem>>
      %dma_wait3A_333 = arith.constant 0 : i32
      %dma_wait3A_334 = arith.constant 0 : i32
      %dma_wait3A_335 = tpu.memref_slice %arg7[%add3A, %dma_wait3A_328, %dma_wait3A_333, %dma_wait3A_334] : memref<32x250x40x128xf32, #tpu.memory_space<hbm>> -> memref<1x1x40x128xf32, #tpu.memory_space<hbm>>
      %dma_wait3A_336 = tpu.memref_squeeze %dma_wait3A_335 : memref<1x1x40x128xf32, #tpu.memory_space<hbm>> -> memref<40x128xf32, #tpu.memory_space<hbm>>
      %dma_wait3A_337 = arith.constant 0 : i32
      %dma_wait3A_338 = arith.constant 0 : i32
      %dma_wait3A_339 = tpu.memref_slice %arg15[%rem3A_322, %dma_wait3A_337, %dma_wait3A_338] : memref<2x40x128xf32, #tpu.memory_space<vmem>> -> memref<1x40x128xf32, #tpu.memory_space<vmem>>
      %dma_wait3A_340 = tpu.memref_squeeze %dma_wait3A_339 : memref<1x40x128xf32, #tpu.memory_space<vmem>> -> memref<40x128xf32, #tpu.memory_space<vmem>>
      %dma_wait3A_341 = arith.constant 0 : i32
      %dma_wait3A_342 = arith.constant 0 : i32
      %dma_wait3A_343 = tpu.memref_slice %arg7[%add3A, %dma_wait3A_328, %dma_wait3A_341, %dma_wait3A_342] : memref<32x250x40x128xf32, #tpu.memory_space<hbm>> -> memref<1x1x40x128xf32, #tpu.memory_space<hbm>>
      %dma_wait3A_344 = tpu.memref_squeeze %dma_wait3A_343 : memref<1x1x40x128xf32, #tpu.memory_space<hbm>> -> memref<40x128xf32, #tpu.memory_space<hbm>>
      tpu.wait_dma2 semaphore(%arg19 : memref<!tpu.dma_semaphore, #tpu.memory_space<semaphore_mem>>) src(%dma_wait3A_344 : memref<40x128xf32, #tpu.memory_space<hbm>>) dst(%dma_wait3A_340 : memref<40x128xf32, #tpu.memory_space<vmem>>)
      %dma_wait3A_345 = arith.constant 0 : i32
      %dma_wait3A_346 = arith.constant 0 : i32
      %dma_wait3A_347 = arith.constant 0 : i32
      %dma_wait3A_348 = tpu.memref_slice %arg16[%rem3A_322, %dma_wait3A_346, %dma_wait3A_347] : memref<2x40x128xf32, #tpu.memory_space<vmem>> -> memref<1x40x128xf32, #tpu.memory_space<vmem>>
      %dma_wait3A_349 = tpu.memref_squeeze %dma_wait3A_348 : memref<1x40x128xf32, #tpu.memory_space<vmem>> -> memref<40x128xf32, #tpu.memory_space<vmem>>
      %dma_wait3A_350 = arith.constant 0 : i32
      %dma_wait3A_351 = arith.constant 0 : i32
      %dma_wait3A_352 = tpu.memref_slice %arg10[%add3A, %dma_wait3A_345, %dma_wait3A_350, %dma_wait3A_351] : memref<32x250x40x128xf32, #tpu.memory_space<hbm>> -> memref<1x1x40x128xf32, #tpu.memory_space<hbm>>
      %dma_wait3A_353 = tpu.memref_squeeze %dma_wait3A_352 : memref<1x1x40x128xf32, #tpu.memory_space<hbm>> -> memref<40x128xf32, #tpu.memory_space<hbm>>
      %dma_wait3A_354 = arith.constant 0 : i32
      %dma_wait3A_355 = arith.constant 0 : i32
      %dma_wait3A_356 = tpu.memref_slice %arg16[%rem3A_322, %dma_wait3A_354, %dma_wait3A_355] : memref<2x40x128xf32, #tpu.memory_space<vmem>> -> memref<1x40x128xf32, #tpu.memory_space<vmem>>
      %dma_wait3A_357 = tpu.memref_squeeze %dma_wait3A_356 : memref<1x40x128xf32, #tpu.memory_space<vmem>> -> memref<40x128xf32, #tpu.memory_space<vmem>>
      %dma_wait3A_358 = arith.constant 0 : i32
      %dma_wait3A_359 = arith.constant 0 : i32
      %dma_wait3A_360 = tpu.memref_slice %arg10[%add3A, %dma_wait3A_345, %dma_wait3A_358, %dma_wait3A_359] : memref<32x250x40x128xf32, #tpu.memory_space<hbm>> -> memref<1x1x40x128xf32, #tpu.memory_space<hbm>>
      %dma_wait3A_361 = tpu.memref_squeeze %dma_wait3A_360 : memref<1x1x40x128xf32, #tpu.memory_space<hbm>> -> memref<40x128xf32, #tpu.memory_space<hbm>>
      tpu.wait_dma2 semaphore(%arg19 : memref<!tpu.dma_semaphore, #tpu.memory_space<semaphore_mem>>) src(%dma_wait3A_361 : memref<40x128xf32, #tpu.memory_space<hbm>>) dst(%dma_wait3A_357 : memref<40x128xf32, #tpu.memory_space<vmem>>)
      %dma_wait3A_362 = arith.constant 0 : i32
      %dma_wait3A_363 = arith.constant 0 : i32
      %dma_wait3A_364 = arith.constant 0 : i32
      %dma_wait3A_365 = arith.constant 0 : i32
      %dma_wait3A_366 = arith.constant 0 : i32
      %dma_wait3A_367 = tpu.memref_slice %arg17[%rem3A_322, %dma_wait3A_365, %dma_wait3A_366] : memref<2x40x256xf32, #tpu.memory_space<vmem>> -> memref<1x40x256xf32, #tpu.memory_space<vmem>>
      %dma_wait3A_368 = tpu.memref_squeeze %dma_wait3A_367 : memref<1x40x256xf32, #tpu.memory_space<vmem>> -> memref<40x256xf32, #tpu.memory_space<vmem>>
      %dma_wait3A_369 = arith.constant 0 : i32
      %dma_wait3A_370 = tpu.memref_slice %arg14[%dma_wait3A_362, %dma_wait3A_363, %dma_wait3A_364, %dma_wait3A_369] : memref<2x2x10x40xi32, #tpu.memory_space<vmem>> -> memref<1x1x1x40xi32, #tpu.memory_space<vmem>>
      %dma_wait3A_371 = tpu.memref_squeeze %dma_wait3A_370 : memref<1x1x1x40xi32, #tpu.memory_space<vmem>> -> memref<40xi32, #tpu.memory_space<vmem>>
      %dma_wait3A_372 = arith.constant 0 : i32
      %dma_wait3A_373 = arith.constant 0 : i32
      %dma_wait3A_374 = tpu.memref_slice %arg3[%dma_wait3A_372, %dma_wait3A_373] : memref<10000x256xf32, #tpu.memory_space<hbm>> -> memref<10000x256xf32, #tpu.memory_space<hbm>>
      tpu.wait_indirect_dma semaphore(%arg19 : memref<!tpu.dma_semaphore, #tpu.memory_space<semaphore_mem>>) src(%dma_wait3A_374 : memref<10000x256xf32, #tpu.memory_space<hbm>>) dst(%dma_wait3A_368 : memref<40x256xf32, #tpu.memory_space<vmem>>)
      %gt3A = arith.constant 0 : i32
      %gt3A_375 = arith.cmpi sgt, %scan3A_321, %gt3A : i32
      %convert_element_type3A_376 = arith.extui %gt3A_375 : i1 to i32
      %cond3A_377 = arith.constant 0 : i32
      %cond3A_378 = arith.cmpi ne, %convert_element_type3A_376, %cond3A_377 : i32
      scf.if %cond3A_378 {
        %dma_wait3A_411 = arith.constant 0 : i32
        %dma_wait3A_412 = arith.constant 0 : i32
        %dma_wait3A_413 = arith.constant 1 : i32
        %dma_wait3A_414 = arith.constant 0 : i32
        %dma_wait3A_415 = arith.constant 0 : i32
        %dma_wait3A_416 = arith.constant 0 : i32
        %dma_wait3A_417 = tpu.memref_slice %arg15[%dma_wait3A_411, %dma_wait3A_415, %dma_wait3A_416] : memref<2x40x128xf32, #tpu.memory_space<vmem>> -> memref<1x40x128xf32, #tpu.memory_space<vmem>>
        %dma_wait3A_418 = tpu.memref_squeeze %dma_wait3A_417 : memref<1x40x128xf32, #tpu.memory_space<vmem>> -> memref<40x128xf32, #tpu.memory_space<vmem>>
        %dma_wait3A_419 = arith.constant 0 : i32
        %dma_wait3A_420 = tpu.memref_slice %arg14[%dma_wait3A_412, %dma_wait3A_413, %dma_wait3A_414, %dma_wait3A_419] : memref<2x2x10x40xi32, #tpu.memory_space<vmem>> -> memref<1x1x1x40xi32, #tpu.memory_space<vmem>>
        %dma_wait3A_421 = tpu.memref_squeeze %dma_wait3A_420 : memref<1x1x1x40xi32, #tpu.memory_space<vmem>> -> memref<40xi32, #tpu.memory_space<vmem>>
        %dma_wait3A_422 = arith.constant 0 : i32
        %dma_wait3A_423 = arith.constant 0 : i32
        %dma_wait3A_424 = tpu.memref_slice %arg18[%dma_wait3A_422, %dma_wait3A_423] : memref<10000x128xf32, #tpu.memory_space<vmem_shared>> -> memref<10000x128xf32, #tpu.memory_space<vmem_shared>>
        tpu.wait_indirect_dma semaphore(%arg20 : memref<!tpu.dma_semaphore, #tpu.memory_space<semaphore_mem>>) src(%dma_wait3A_418 : memref<40x128xf32, #tpu.memory_space<vmem>>) dst(%dma_wait3A_424 : memref<10000x128xf32, #tpu.memory_space<vmem_shared>>)
      } else {
      }
      %eq3A_379 = arith.constant 0 : i32
      %eq3A_380 = arith.cmpi eq, %sub3A, %eq3A_379 : i32
      %add3A_381 = arith.constant 1 : i32
      %add3A_382 = arith.addi %div3A_323, %add3A_381 : i32
      %lt3A = arith.constant 25 : i32
      %lt3A_383 = arith.cmpi slt, %add3A_382, %lt3A : i32
      %and3A = arith.andi %eq3A_380, %lt3A_383 : i1
      %convert_element_type3A_384 = arith.extui %and3A : i1 to i32
      %cond3A_385 = arith.constant 0 : i32
      %cond3A_386 = arith.cmpi ne, %convert_element_type3A_384, %cond3A_385 : i32
      scf.if %cond3A_386 {
        %add3A_411 = arith.constant 1 : i32
        %add3A_412 = arith.addi %div3A_323, %add3A_411 : i32
        %add3A_413 = arith.constant 1 : i32
        %add3A_414 = arith.addi %div3A_323, %add3A_413 : i32
        %rem3A_415 = arith.constant 2 : i32
        %rem3A_416 = arith.remsi %add3A_414, %rem3A_415 : i32
        %dma_start3A_417 = arith.constant 0 : i32
        %dma_start3A_418 = arith.constant 0 : i32
        %dma_start3A_419 = arith.constant 0 : i32
        %dma_start3A_420 = tpu.memref_slice %arg14[%rem3A_416, %dma_start3A_417, %dma_start3A_418, %dma_start3A_419] : memref<2x2x10x40xi32, #tpu.memory_space<vmem>> -> memref<1x2x10x40xi32, #tpu.memory_space<vmem>>
        %dma_start3A_421 = tpu.memref_squeeze %dma_start3A_420 : memref<1x2x10x40xi32, #tpu.memory_space<vmem>> -> memref<2x10x40xi32, #tpu.memory_space<vmem>>
        %dma_start3A_422 = arith.constant 0 : i32
        %dma_start3A_423 = arith.constant 0 : i32
        %dma_start3A_424 = arith.constant 0 : i32
        %dma_start3A_425 = tpu.memref_slice %arg11[%add3A, %add3A_412, %dma_start3A_422, %dma_start3A_423, %dma_start3A_424] : memref<32x25x2x10x40xi32, #tpu.memory_space<hbm>> -> memref<1x1x2x10x40xi32, #tpu.memory_space<hbm>>
        %dma_start3A_426 = tpu.memref_squeeze %dma_start3A_425 : memref<1x1x2x10x40xi32, #tpu.memory_space<hbm>> -> memref<2x10x40xi32, #tpu.memory_space<hbm>>
        %dma_start3A_427 = arith.constant 0 : i32
        %dma_start3A_428 = arith.constant 0 : i32
        %dma_start3A_429 = arith.constant 0 : i32
        %dma_start3A_430 = tpu.memref_slice %arg14[%rem3A_416, %dma_start3A_427, %dma_start3A_428, %dma_start3A_429] : memref<2x2x10x40xi32, #tpu.memory_space<vmem>> -> memref<1x2x10x40xi32, #tpu.memory_space<vmem>>
        %dma_start3A_431 = tpu.memref_squeeze %dma_start3A_430 : memref<1x2x10x40xi32, #tpu.memory_space<vmem>> -> memref<2x10x40xi32, #tpu.memory_space<vmem>>
        %dma_start3A_432 = arith.constant 0 : i32
        %dma_start3A_433 = arith.constant 0 : i32
        %dma_start3A_434 = arith.constant 0 : i32
        %dma_start3A_435 = tpu.memref_slice %arg11[%add3A, %add3A_412, %dma_start3A_432, %dma_start3A_433, %dma_start3A_434] : memref<32x25x2x10x40xi32, #tpu.memory_space<hbm>> -> memref<1x1x2x10x40xi32, #tpu.memory_space<hbm>>
        %dma_start3A_436 = tpu.memref_squeeze %dma_start3A_435 : memref<1x1x2x10x40xi32, #tpu.memory_space<hbm>> -> memref<2x10x40xi32, #tpu.memory_space<hbm>>
        tpu.enqueue_dma source(%dma_start3A_436 : memref<2x10x40xi32, #tpu.memory_space<hbm>>) target(%dma_start3A_431 : memref<2x10x40xi32, #tpu.memory_space<vmem>>) target_semaphore(%arg21 : memref<!tpu.dma_semaphore, #tpu.memory_space<semaphore_mem>>)
      } else {
      }
      %add3A_387 = arith.constant 1 : i32
      %add3A_388 = arith.addi %scan3A_321, %add3A_387 : i32
      %lt3A_389 = arith.constant 250 : i32
      %lt3A_390 = arith.cmpi slt, %add3A_388, %lt3A_389 : i32
      %convert_element_type3A_391 = arith.extui %lt3A_390 : i1 to i32
      %cond3A_392 = arith.constant 0 : i32
      %cond3A_393 = arith.cmpi ne, %convert_element_type3A_391, %cond3A_392 : i32
      scf.if %cond3A_393 {
        %rem3A_411 = arith.constant 10 : i32
        %rem3A_412 = arith.remsi %add3A_388, %rem3A_411 : i32
        %eq3A_413 = arith.constant 0 : i32
        %eq3A_414 = arith.cmpi eq, %rem3A_412, %eq3A_413 : i32
        %convert_element_type3A_415 = arith.extui %eq3A_414 : i1 to i32
        %cond3A_416 = arith.constant 0 : i32
        %cond3A_417 = arith.cmpi ne, %convert_element_type3A_415, %cond3A_416 : i32
        scf.if %cond3A_417 {
          %dma_wait3A_470 = arith.constant 0 : i32
          %dma_wait3A_471 = arith.constant 0 : i32
          %dma_wait3A_472 = arith.constant 0 : i32
          %dma_wait3A_473 = arith.constant 0 : i32
          %dma_wait3A_474 = arith.constant 0 : i32
          %dma_wait3A_475 = tpu.memref_slice %arg14[%dma_wait3A_471, %dma_wait3A_472, %dma_wait3A_473, %dma_wait3A_474] : memref<2x2x10x40xi32, #tpu.memory_space<vmem>> -> memref<1x2x10x40xi32, #tpu.memory_space<vmem>>
          %dma_wait3A_476 = tpu.memref_squeeze %dma_wait3A_475 : memref<1x2x10x40xi32, #tpu.memory_space<vmem>> -> memref<2x10x40xi32, #tpu.memory_space<vmem>>
          %dma_wait3A_477 = arith.constant 0 : i32
          %dma_wait3A_478 = arith.constant 0 : i32
          %dma_wait3A_479 = arith.constant 0 : i32
          %dma_wait3A_480 = tpu.memref_slice %arg11[%add3A, %dma_wait3A_470, %dma_wait3A_477, %dma_wait3A_478, %dma_wait3A_479] : memref<32x25x2x10x40xi32, #tpu.memory_space<hbm>> -> memref<1x1x2x10x40xi32, #tpu.memory_space<hbm>>
          %dma_wait3A_481 = tpu.memref_squeeze %dma_wait3A_480 : memref<1x1x2x10x40xi32, #tpu.memory_space<hbm>> -> memref<2x10x40xi32, #tpu.memory_space<hbm>>
          %dma_wait3A_482 = arith.constant 0 : i32
          %dma_wait3A_483 = arith.constant 0 : i32
          %dma_wait3A_484 = arith.constant 0 : i32
          %dma_wait3A_485 = tpu.memref_slice %arg14[%dma_wait3A_471, %dma_wait3A_482, %dma_wait3A_483, %dma_wait3A_484] : memref<2x2x10x40xi32, #tpu.memory_space<vmem>> -> memref<1x2x10x40xi32, #tpu.memory_space<vmem>>
          %dma_wait3A_486 = tpu.memref_squeeze %dma_wait3A_485 : memref<1x2x10x40xi32, #tpu.memory_space<vmem>> -> memref<2x10x40xi32, #tpu.memory_space<vmem>>
          %dma_wait3A_487 = arith.constant 0 : i32
          %dma_wait3A_488 = arith.constant 0 : i32
          %dma_wait3A_489 = arith.constant 0 : i32
          %dma_wait3A_490 = tpu.memref_slice %arg11[%add3A, %dma_wait3A_470, %dma_wait3A_487, %dma_wait3A_488, %dma_wait3A_489] : memref<32x25x2x10x40xi32, #tpu.memory_space<hbm>> -> memref<1x1x2x10x40xi32, #tpu.memory_space<hbm>>
          %dma_wait3A_491 = tpu.memref_squeeze %dma_wait3A_490 : memref<1x1x2x10x40xi32, #tpu.memory_space<hbm>> -> memref<2x10x40xi32, #tpu.memory_space<hbm>>
          tpu.wait_dma2 semaphore(%arg21 : memref<!tpu.dma_semaphore, #tpu.memory_space<semaphore_mem>>) src(%dma_wait3A_491 : memref<2x10x40xi32, #tpu.memory_space<hbm>>) dst(%dma_wait3A_486 : memref<2x10x40xi32, #tpu.memory_space<vmem>>)
        } else {
        }
        %div3A_418 = arith.constant 10 : i32
        %div3A_419 = arith.divsi %add3A_388, %div3A_418 : i32
        %rem3A_420 = arith.constant 2 : i32
        %rem3A_421 = arith.remsi %add3A_388, %rem3A_420 : i32
        %rem3A_422 = arith.constant 2 : i32
        %rem3A_423 = arith.remsi %div3A_419, %rem3A_422 : i32
        %mul3A_424 = arith.constant 10 : i32
        %mul3A_425 = arith.muli %div3A_419, %mul3A_424 : i32
        %sub3A_426 = arith.subi %add3A_388, %mul3A_425 : i32
        %dma_start3A_427 = arith.constant 0 : i32
        %dma_start3A_428 = arith.constant 0 : i32
        %dma_start3A_429 = tpu.memref_slice %arg15[%rem3A_421, %dma_start3A_427, %dma_start3A_428] : memref<2x40x128xf32, #tpu.memory_space<vmem>> -> memref<1x40x128xf32, #tpu.memory_space<vmem>>
        %dma_start3A_430 = tpu.memref_squeeze %dma_start3A_429 : memref<1x40x128xf32, #tpu.memory_space<vmem>> -> memref<40x128xf32, #tpu.memory_space<vmem>>
        %dma_start3A_431 = arith.constant 0 : i32
        %dma_start3A_432 = arith.constant 0 : i32
        %dma_start3A_433 = tpu.memref_slice %arg7[%add3A, %add3A_388, %dma_start3A_431, %dma_start3A_432] : memref<32x250x40x128xf32, #tpu.memory_space<hbm>> -> memref<1x1x40x128xf32, #tpu.memory_space<hbm>>
        %dma_start3A_434 = tpu.memref_squeeze %dma_start3A_433 : memref<1x1x40x128xf32, #tpu.memory_space<hbm>> -> memref<40x128xf32, #tpu.memory_space<hbm>>
        %dma_start3A_435 = arith.constant 0 : i32
        %dma_start3A_436 = arith.constant 0 : i32
        %dma_start3A_437 = tpu.memref_slice %arg15[%rem3A_421, %dma_start3A_435, %dma_start3A_436] : memref<2x40x128xf32, #tpu.memory_space<vmem>> -> memref<1x40x128xf32, #tpu.memory_space<vmem>>
        %dma_start3A_438 = tpu.memref_squeeze %dma_start3A_437 : memref<1x40x128xf32, #tpu.memory_space<vmem>> -> memref<40x128xf32, #tpu.memory_space<vmem>>
        %dma_start3A_439 = arith.constant 0 : i32
        %dma_start3A_440 = arith.constant 0 : i32
        %dma_start3A_441 = tpu.memref_slice %arg7[%add3A, %add3A_388, %dma_start3A_439, %dma_start3A_440] : memref<32x250x40x128xf32, #tpu.memory_space<hbm>> -> memref<1x1x40x128xf32, #tpu.memory_space<hbm>>
        %dma_start3A_442 = tpu.memref_squeeze %dma_start3A_441 : memref<1x1x40x128xf32, #tpu.memory_space<hbm>> -> memref<40x128xf32, #tpu.memory_space<hbm>>
        tpu.enqueue_dma source(%dma_start3A_442 : memref<40x128xf32, #tpu.memory_space<hbm>>) target(%dma_start3A_438 : memref<40x128xf32, #tpu.memory_space<vmem>>) target_semaphore(%arg19 : memref<!tpu.dma_semaphore, #tpu.memory_space<semaphore_mem>>)
        %dma_start3A_443 = arith.constant 0 : i32
        %dma_start3A_444 = arith.constant 0 : i32
        %dma_start3A_445 = tpu.memref_slice %arg16[%rem3A_421, %dma_start3A_443, %dma_start3A_444] : memref<2x40x128xf32, #tpu.memory_space<vmem>> -> memref<1x40x128xf32, #tpu.memory_space<vmem>>
        %dma_start3A_446 = tpu.memref_squeeze %dma_start3A_445 : memref<1x40x128xf32, #tpu.memory_space<vmem>> -> memref<40x128xf32, #tpu.memory_space<vmem>>
        %dma_start3A_447 = arith.constant 0 : i32
        %dma_start3A_448 = arith.constant 0 : i32
        %dma_start3A_449 = tpu.memref_slice %arg10[%add3A, %add3A_388, %dma_start3A_447, %dma_start3A_448] : memref<32x250x40x128xf32, #tpu.memory_space<hbm>> -> memref<1x1x40x128xf32, #tpu.memory_space<hbm>>
        %dma_start3A_450 = tpu.memref_squeeze %dma_start3A_449 : memref<1x1x40x128xf32, #tpu.memory_space<hbm>> -> memref<40x128xf32, #tpu.memory_space<hbm>>
        %dma_start3A_451 = arith.constant 0 : i32
        %dma_start3A_452 = arith.constant 0 : i32
        %dma_start3A_453 = tpu.memref_slice %arg16[%rem3A_421, %dma_start3A_451, %dma_start3A_452] : memref<2x40x128xf32, #tpu.memory_space<vmem>> -> memref<1x40x128xf32, #tpu.memory_space<vmem>>
        %dma_start3A_454 = tpu.memref_squeeze %dma_start3A_453 : memref<1x40x128xf32, #tpu.memory_space<vmem>> -> memref<40x128xf32, #tpu.memory_space<vmem>>
        %dma_start3A_455 = arith.constant 0 : i32
        %dma_start3A_456 = arith.constant 0 : i32
        %dma_start3A_457 = tpu.memref_slice %arg10[%add3A, %add3A_388, %dma_start3A_455, %dma_start3A_456] : memref<32x250x40x128xf32, #tpu.memory_space<hbm>> -> memref<1x1x40x128xf32, #tpu.memory_space<hbm>>
        %dma_start3A_458 = tpu.memref_squeeze %dma_start3A_457 : memref<1x1x40x128xf32, #tpu.memory_space<hbm>> -> memref<40x128xf32, #tpu.memory_space<hbm>>
        tpu.enqueue_dma source(%dma_start3A_458 : memref<40x128xf32, #tpu.memory_space<hbm>>) target(%dma_start3A_454 : memref<40x128xf32, #tpu.memory_space<vmem>>) target_semaphore(%arg19 : memref<!tpu.dma_semaphore, #tpu.memory_space<semaphore_mem>>)
        %dma_start3A_459 = arith.constant 0 : i32
        %dma_start3A_460 = arith.constant 0 : i32
        %dma_start3A_461 = arith.constant 0 : i32
        %dma_start3A_462 = tpu.memref_slice %arg17[%rem3A_421, %dma_start3A_460, %dma_start3A_461] : memref<2x40x256xf32, #tpu.memory_space<vmem>> -> memref<1x40x256xf32, #tpu.memory_space<vmem>>
        %dma_start3A_463 = tpu.memref_squeeze %dma_start3A_462 : memref<1x40x256xf32, #tpu.memory_space<vmem>> -> memref<40x256xf32, #tpu.memory_space<vmem>>
        %dma_start3A_464 = arith.constant 0 : i32
        %dma_start3A_465 = tpu.memref_slice %arg14[%rem3A_423, %dma_start3A_459, %sub3A_426, %dma_start3A_464] : memref<2x2x10x40xi32, #tpu.memory_space<vmem>> -> memref<1x1x1x40xi32, #tpu.memory_space<vmem>>
        %dma_start3A_466 = tpu.memref_squeeze %dma_start3A_465 : memref<1x1x1x40xi32, #tpu.memory_space<vmem>> -> memref<40xi32, #tpu.memory_space<vmem>>
        %dma_start3A_467 = arith.constant 0 : i32
        %dma_start3A_468 = arith.constant 0 : i32
        %dma_start3A_469 = tpu.memref_slice %arg3[%dma_start3A_467, %dma_start3A_468] : memref<10000x256xf32, #tpu.memory_space<hbm>> -> memref<10000x256xf32, #tpu.memory_space<hbm>>
        tpu.enqueue_indirect_dma source(%dma_start3A_469 : memref<10000x256xf32, #tpu.memory_space<hbm>>) target(%dma_start3A_463 : memref<40x256xf32, #tpu.memory_space<vmem>>) offsets(%dma_start3A_466 : memref<40xi32, #tpu.memory_space<vmem>>) semaphore(%arg19 : memref<!tpu.dma_semaphore, #tpu.memory_space<semaphore_mem>>)
      } else {
      }
      %scan3A_394 = arith.constant 0 : i32
      %scan3A_395 = arith.constant 0 : i32
      %scan3A_396 = arith.constant 40 : i32
      %scan3A_397 = arith.addi %scan3A_395, %scan3A_396 : i32
      %scan3A_398 = arith.constant 1 : i32
      scf.for %scan3A_411 = %scan3A_395 to %scan3A_397 step %scan3A_398  : i32 {
        %get3A = arith.index_cast %rem3A_322 : i32 to index
        %get3A_412 = arith.index_cast %scan3A_411 : i32 to index
        %get3A_413 = arith.constant 0 : index
        %get3A_414 = tpu.vector_load %arg15[%get3A, %get3A_412, %get3A_413] {strides = array<i32>} : memref<2x40x128xf32, #tpu.memory_space<vmem>>, vector<1x1x16xf32>,
        %get3A_415 = vector.shape_cast %get3A_414 : vector<1x1x16xf32> to vector<16xf32>
        %get3A_416 = arith.index_cast %rem3A_322 : i32 to index
        %get3A_417 = arith.index_cast %scan3A_411 : i32 to index
        %get3A_418 = arith.constant 0 : index
        %get3A_419 = tpu.vector_load %arg17[%get3A_416, %get3A_417, %get3A_418] {strides = array<i32>} : memref<2x40x256xf32, #tpu.memory_space<vmem>>, vector<1x1x16xf32>,
        %get3A_420 = vector.shape_cast %get3A_419 : vector<1x1x16xf32> to vector<16xf32>
        %mul3A_421 = arith.mulf %get3A_415, %get3A_420 : vector<16xf32>
        %get3A_422 = arith.index_cast %rem3A_322 : i32 to index
        %get3A_423 = arith.index_cast %scan3A_411 : i32 to index
        %get3A_424 = arith.constant 0 : index
        %get3A_425 = tpu.vector_load %arg16[%get3A_422, %get3A_423, %get3A_424] {strides = array<i32>} : memref<2x40x128xf32, #tpu.memory_space<vmem>>, vector<1x1x16xf32>,
        %get3A_426 = vector.shape_cast %get3A_425 : vector<1x1x16xf32> to vector<16xf32>
        %get3A_427 = arith.index_cast %rem3A_322 : i32 to index
        %get3A_428 = arith.index_cast %scan3A_411 : i32 to index
        %get3A_429 = arith.constant 128 : index
        %get3A_430 = tpu.vector_load %arg17[%get3A_427, %get3A_428, %get3A_429] {strides = array<i32>} : memref<2x40x256xf32, #tpu.memory_space<vmem>>, vector<1x1x16xf32>,
        %get3A_431 = vector.shape_cast %get3A_430 : vector<1x1x16xf32> to vector<16xf32>
        %mul3A_432 = arith.mulf %get3A_426, %get3A_431 : vector<16xf32>
        %add3A_433 = arith.addf %mul3A_421, %mul3A_432 : vector<16xf32>
        %swap3A = arith.index_cast %rem3A_322 : i32 to index
        %swap3A_434 = arith.index_cast %scan3A_411 : i32 to index
        %swap3A_435 = arith.constant 0 : index
        %swap3A_436 = tpu.vector_load %arg15[%swap3A, %swap3A_434, %swap3A_435] {strides = array<i32>} : memref<2x40x128xf32, #tpu.memory_space<vmem>>, vector<1x1x16xf32>,
        %swap3A_437 = vector.shape_cast %swap3A_436 : vector<1x1x16xf32> to vector<16xf32>
        %swap3A_438 = vector.shape_cast %add3A_433 : vector<16xf32> to vector<1x1x16xf32>
        tpu.vector_store %arg15[%swap3A, %swap3A_434, %swap3A_435], %swap3A_438 {strides = array<i32>} : memref<2x40x128xf32, #tpu.memory_space<vmem>>, vector<1x1x16xf32>,
        %get3A_439 = arith.index_cast %rem3A_322 : i32 to index
        %get3A_440 = arith.index_cast %scan3A_411 : i32 to index
        %get3A_441 = arith.constant 16 : index
        %get3A_442 = tpu.vector_load %arg15[%get3A_439, %get3A_440, %get3A_441] {strides = array<i32>} : memref<2x40x128xf32, #tpu.memory_space<vmem>>, vector<1x1x16xf32>,
        %get3A_443 = vector.shape_cast %get3A_442 : vector<1x1x16xf32> to vector<16xf32>
        %get3A_444 = arith.index_cast %rem3A_322 : i32 to index
        %get3A_445 = arith.index_cast %scan3A_411 : i32 to index
        %get3A_446 = arith.constant 16 : index
        %get3A_447 = tpu.vector_load %arg17[%get3A_444, %get3A_445, %get3A_446] {strides = array<i32>} : memref<2x40x256xf32, #tpu.memory_space<vmem>>, vector<1x1x16xf32>,
        %get3A_448 = vector.shape_cast %get3A_447 : vector<1x1x16xf32> to vector<16xf32>
        %mul3A_449 = arith.mulf %get3A_443, %get3A_448 : vector<16xf32>
        %get3A_450 = arith.index_cast %rem3A_322 : i32 to index
        %get3A_451 = arith.index_cast %scan3A_411 : i32 to index
        %get3A_452 = arith.constant 16 : index
        %get3A_453 = tpu.vector_load %arg16[%get3A_450, %get3A_451, %get3A_452] {strides = array<i32>} : memref<2x40x128xf32, #tpu.memory_space<vmem>>, vector<1x1x16xf32>,
        %get3A_454 = vector.shape_cast %get3A_453 : vector<1x1x16xf32> to vector<16xf32>
        %get3A_455 = arith.index_cast %rem3A_322 : i32 to index
        %get3A_456 = arith.index_cast %scan3A_411 : i32 to index
        %get3A_457 = arith.constant 144 : index
        %get3A_458 = tpu.vector_load %arg17[%get3A_455, %get3A_456, %get3A_457] {strides = array<i32>} : memref<2x40x256xf32, #tpu.memory_space<vmem>>, vector<1x1x16xf32>,
        %get3A_459 = vector.shape_cast %get3A_458 : vector<1x1x16xf32> to vector<16xf32>
        %mul3A_460 = arith.mulf %get3A_454, %get3A_459 : vector<16xf32>
        %add3A_461 = arith.addf %mul3A_449, %mul3A_460 : vector<16xf32>
        %swap3A_462 = arith.index_cast %rem3A_322 : i32 to index
        %swap3A_463 = arith.index_cast %scan3A_411 : i32 to index
        %swap3A_464 = arith.constant 16 : index
        %swap3A_465 = tpu.vector_load %arg15[%swap3A_462, %swap3A_463, %swap3A_464] {strides = array<i32>} : memref<2x40x128xf32, #tpu.memory_space<vmem>>, vector<1x1x16xf32>,
        %swap3A_466 = vector.shape_cast %swap3A_465 : vector<1x1x16xf32> to vector<16xf32>
        %swap3A_467 = vector.shape_cast %add3A_461 : vector<16xf32> to vector<1x1x16xf32>
        tpu.vector_store %arg15[%swap3A_462, %swap3A_463, %swap3A_464], %swap3A_467 {strides = array<i32>} : memref<2x40x128xf32, #tpu.memory_space<vmem>>, vector<1x1x16xf32>,
        %get3A_468 = arith.index_cast %rem3A_322 : i32 to index
        %get3A_469 = arith.index_cast %scan3A_411 : i32 to index
        %get3A_470 = arith.constant 32 : index
        %get3A_471 = tpu.vector_load %arg15[%get3A_468, %get3A_469, %get3A_470] {strides = array<i32>} : memref<2x40x128xf32, #tpu.memory_space<vmem>>, vector<1x1x16xf32>,
        %get3A_472 = vector.shape_cast %get3A_471 : vector<1x1x16xf32> to vector<16xf32>
        %get3A_473 = arith.index_cast %rem3A_322 : i32 to index
        %get3A_474 = arith.index_cast %scan3A_411 : i32 to index
        %get3A_475 = arith.constant 32 : index
        %get3A_476 = tpu.vector_load %arg17[%get3A_473, %get3A_474, %get3A_475] {strides = array<i32>} : memref<2x40x256xf32, #tpu.memory_space<vmem>>, vector<1x1x16xf32>,
        %get3A_477 = vector.shape_cast %get3A_476 : vector<1x1x16xf32> to vector<16xf32>
        %mul3A_478 = arith.mulf %get3A_472, %get3A_477 : vector<16xf32>
        %get3A_479 = arith.index_cast %rem3A_322 : i32 to index
        %get3A_480 = arith.index_cast %scan3A_411 : i32 to index
        %get3A_481 = arith.constant 32 : index
        %get3A_482 = tpu.vector_load %arg16[%get3A_479, %get3A_480, %get3A_481] {strides = array<i32>} : memref<2x40x128xf32, #tpu.memory_space<vmem>>, vector<1x1x16xf32>,
        %get3A_483 = vector.shape_cast %get3A_482 : vector<1x1x16xf32> to vector<16xf32>
        %get3A_484 = arith.index_cast %rem3A_322 : i32 to index
        %get3A_485 = arith.index_cast %scan3A_411 : i32 to index
        %get3A_486 = arith.constant 160 : index
        %get3A_487 = tpu.vector_load %arg17[%get3A_484, %get3A_485, %get3A_486] {strides = array<i32>} : memref<2x40x256xf32, #tpu.memory_space<vmem>>, vector<1x1x16xf32>,
        %get3A_488 = vector.shape_cast %get3A_487 : vector<1x1x16xf32> to vector<16xf32>
        %mul3A_489 = arith.mulf %get3A_483, %get3A_488 : vector<16xf32>
        %add3A_490 = arith.addf %mul3A_478, %mul3A_489 : vector<16xf32>
        %swap3A_491 = arith.index_cast %rem3A_322 : i32 to index
        %swap3A_492 = arith.index_cast %scan3A_411 : i32 to index
        %swap3A_493 = arith.constant 32 : index
        %swap3A_494 = tpu.vector_load %arg15[%swap3A_491, %swap3A_492, %swap3A_493] {strides = array<i32>} : memref<2x40x128xf32, #tpu.memory_space<vmem>>, vector<1x1x16xf32>,
        %swap3A_495 = vector.shape_cast %swap3A_494 : vector<1x1x16xf32> to vector<16xf32>
        %swap3A_496 = vector.shape_cast %add3A_490 : vector<16xf32> to vector<1x1x16xf32>
        tpu.vector_store %arg15[%swap3A_491, %swap3A_492, %swap3A_493], %swap3A_496 {strides = array<i32>} : memref<2x40x128xf32, #tpu.memory_space<vmem>>, vector<1x1x16xf32>,
        %get3A_497 = arith.index_cast %rem3A_322 : i32 to index
        %get3A_498 = arith.index_cast %scan3A_411 : i32 to index
        %get3A_499 = arith.constant 48 : index
        %get3A_500 = tpu.vector_load %arg15[%get3A_497, %get3A_498, %get3A_499] {strides = array<i32>} : memref<2x40x128xf32, #tpu.memory_space<vmem>>, vector<1x1x16xf32>,
        %get3A_501 = vector.shape_cast %get3A_500 : vector<1x1x16xf32> to vector<16xf32>
        %get3A_502 = arith.index_cast %rem3A_322 : i32 to index
        %get3A_503 = arith.index_cast %scan3A_411 : i32 to index
        %get3A_504 = arith.constant 48 : index
        %get3A_505 = tpu.vector_load %arg17[%get3A_502, %get3A_503, %get3A_504] {strides = array<i32>} : memref<2x40x256xf32, #tpu.memory_space<vmem>>, vector<1x1x16xf32>,
        %get3A_506 = vector.shape_cast %get3A_505 : vector<1x1x16xf32> to vector<16xf32>
        %mul3A_507 = arith.mulf %get3A_501, %get3A_506 : vector<16xf32>
        %get3A_508 = arith.index_cast %rem3A_322 : i32 to index
        %get3A_509 = arith.index_cast %scan3A_411 : i32 to index
        %get3A_510 = arith.constant 48 : index
        %get3A_511 = tpu.vector_load %arg16[%get3A_508, %get3A_509, %get3A_510] {strides = array<i32>} : memref<2x40x128xf32, #tpu.memory_space<vmem>>, vector<1x1x16xf32>,
        %get3A_512 = vector.shape_cast %get3A_511 : vector<1x1x16xf32> to vector<16xf32>
        %get3A_513 = arith.index_cast %rem3A_322 : i32 to index
        %get3A_514 = arith.index_cast %scan3A_411 : i32 to index
        %get3A_515 = arith.constant 176 : index
        %get3A_516 = tpu.vector_load %arg17[%get3A_513, %get3A_514, %get3A_515] {strides = array<i32>} : memref<2x40x256xf32, #tpu.memory_space<vmem>>, vector<1x1x16xf32>,
        %get3A_517 = vector.shape_cast %get3A_516 : vector<1x1x16xf32> to vector<16xf32>
        %mul3A_518 = arith.mulf %get3A_512, %get3A_517 : vector<16xf32>
        %add3A_519 = arith.addf %mul3A_507, %mul3A_518 : vector<16xf32>
        %swap3A_520 = arith.index_cast %rem3A_322 : i32 to index
        %swap3A_521 = arith.index_cast %scan3A_411 : i32 to index
        %swap3A_522 = arith.constant 48 : index
        %swap3A_523 = tpu.vector_load %arg15[%swap3A_520, %swap3A_521, %swap3A_522] {strides = array<i32>} : memref<2x40x128xf32, #tpu.memory_space<vmem>>, vector<1x1x16xf32>,
        %swap3A_524 = vector.shape_cast %swap3A_523 : vector<1x1x16xf32> to vector<16xf32>
        %swap3A_525 = vector.shape_cast %add3A_519 : vector<16xf32> to vector<1x1x16xf32>
        tpu.vector_store %arg15[%swap3A_520, %swap3A_521, %swap3A_522], %swap3A_525 {strides = array<i32>} : memref<2x40x128xf32, #tpu.memory_space<vmem>>, vector<1x1x16xf32>,
        %get3A_526 = arith.index_cast %rem3A_322 : i32 to index
        %get3A_527 = arith.index_cast %scan3A_411 : i32 to index
        %get3A_528 = arith.constant 64 : index
        %get3A_529 = tpu.vector_load %arg15[%get3A_526, %get3A_527, %get3A_528] {strides = array<i32>} : memref<2x40x128xf32, #tpu.memory_space<vmem>>, vector<1x1x16xf32>,
        %get3A_530 = vector.shape_cast %get3A_529 : vector<1x1x16xf32> to vector<16xf32>
        %get3A_531 = arith.index_cast %rem3A_322 : i32 to index
        %get3A_532 = arith.index_cast %scan3A_411 : i32 to index
        %get3A_533 = arith.constant 64 : index
        %get3A_534 = tpu.vector_load %arg17[%get3A_531, %get3A_532, %get3A_533] {strides = array<i32>} : memref<2x40x256xf32, #tpu.memory_space<vmem>>, vector<1x1x16xf32>,
        %get3A_535 = vector.shape_cast %get3A_534 : vector<1x1x16xf32> to vector<16xf32>
        %mul3A_536 = arith.mulf %get3A_530, %get3A_535 : vector<16xf32>
        %get3A_537 = arith.index_cast %rem3A_322 : i32 to index
        %get3A_538 = arith.index_cast %scan3A_411 : i32 to index
        %get3A_539 = arith.constant 64 : index
        %get3A_540 = tpu.vector_load %arg16[%get3A_537, %get3A_538, %get3A_539] {strides = array<i32>} : memref<2x40x128xf32, #tpu.memory_space<vmem>>, vector<1x1x16xf32>,
        %get3A_541 = vector.shape_cast %get3A_540 : vector<1x1x16xf32> to vector<16xf32>
        %get3A_542 = arith.index_cast %rem3A_322 : i32 to index
        %get3A_543 = arith.index_cast %scan3A_411 : i32 to index
        %get3A_544 = arith.constant 192 : index
        %get3A_545 = tpu.vector_load %arg17[%get3A_542, %get3A_543, %get3A_544] {strides = array<i32>} : memref<2x40x256xf32, #tpu.memory_space<vmem>>, vector<1x1x16xf32>,
        %get3A_546 = vector.shape_cast %get3A_545 : vector<1x1x16xf32> to vector<16xf32>
        %mul3A_547 = arith.mulf %get3A_541, %get3A_546 : vector<16xf32>
        %add3A_548 = arith.addf %mul3A_536, %mul3A_547 : vector<16xf32>
        %swap3A_549 = arith.index_cast %rem3A_322 : i32 to index
        %swap3A_550 = arith.index_cast %scan3A_411 : i32 to index
        %swap3A_551 = arith.constant 64 : index
        %swap3A_552 = tpu.vector_load %arg15[%swap3A_549, %swap3A_550, %swap3A_551] {strides = array<i32>} : memref<2x40x128xf32, #tpu.memory_space<vmem>>, vector<1x1x16xf32>,
        %swap3A_553 = vector.shape_cast %swap3A_552 : vector<1x1x16xf32> to vector<16xf32>
        %swap3A_554 = vector.shape_cast %add3A_548 : vector<16xf32> to vector<1x1x16xf32>
        tpu.vector_store %arg15[%swap3A_549, %swap3A_550, %swap3A_551], %swap3A_554 {strides = array<i32>} : memref<2x40x128xf32, #tpu.memory_space<vmem>>, vector<1x1x16xf32>,
        %get3A_555 = arith.index_cast %rem3A_322 : i32 to index
        %get3A_556 = arith.index_cast %scan3A_411 : i32 to index
        %get3A_557 = arith.constant 80 : index
        %get3A_558 = tpu.vector_load %arg15[%get3A_555, %get3A_556, %get3A_557] {strides = array<i32>} : memref<2x40x128xf32, #tpu.memory_space<vmem>>, vector<1x1x16xf32>,
        %get3A_559 = vector.shape_cast %get3A_558 : vector<1x1x16xf32> to vector<16xf32>
        %get3A_560 = arith.index_cast %rem3A_322 : i32 to index
        %get3A_561 = arith.index_cast %scan3A_411 : i32 to index
        %get3A_562 = arith.constant 80 : index
        %get3A_563 = tpu.vector_load %arg17[%get3A_560, %get3A_561, %get3A_562] {strides = array<i32>} : memref<2x40x256xf32, #tpu.memory_space<vmem>>, vector<1x1x16xf32>,
        %get3A_564 = vector.shape_cast %get3A_563 : vector<1x1x16xf32> to vector<16xf32>
        %mul3A_565 = arith.mulf %get3A_559, %get3A_564 : vector<16xf32>
        %get3A_566 = arith.index_cast %rem3A_322 : i32 to index
        %get3A_567 = arith.index_cast %scan3A_411 : i32 to index
        %get3A_568 = arith.constant 80 : index
        %get3A_569 = tpu.vector_load %arg16[%get3A_566, %get3A_567, %get3A_568] {strides = array<i32>} : memref<2x40x128xf32, #tpu.memory_space<vmem>>, vector<1x1x16xf32>,
        %get3A_570 = vector.shape_cast %get3A_569 : vector<1x1x16xf32> to vector<16xf32>
        %get3A_571 = arith.index_cast %rem3A_322 : i32 to index
        %get3A_572 = arith.index_cast %scan3A_411 : i32 to index
        %get3A_573 = arith.constant 208 : index
        %get3A_574 = tpu.vector_load %arg17[%get3A_571, %get3A_572, %get3A_573] {strides = array<i32>} : memref<2x40x256xf32, #tpu.memory_space<vmem>>, vector<1x1x16xf32>,
        %get3A_575 = vector.shape_cast %get3A_574 : vector<1x1x16xf32> to vector<16xf32>
        %mul3A_576 = arith.mulf %get3A_570, %get3A_575 : vector<16xf32>
        %add3A_577 = arith.addf %mul3A_565, %mul3A_576 : vector<16xf32>
        %swap3A_578 = arith.index_cast %rem3A_322 : i32 to index
        %swap3A_579 = arith.index_cast %scan3A_411 : i32 to index
        %swap3A_580 = arith.constant 80 : index
        %swap3A_581 = tpu.vector_load %arg15[%swap3A_578, %swap3A_579, %swap3A_580] {strides = array<i32>} : memref<2x40x128xf32, #tpu.memory_space<vmem>>, vector<1x1x16xf32>,
        %swap3A_582 = vector.shape_cast %swap3A_581 : vector<1x1x16xf32> to vector<16xf32>
        %swap3A_583 = vector.shape_cast %add3A_577 : vector<16xf32> to vector<1x1x16xf32>
        tpu.vector_store %arg15[%swap3A_578, %swap3A_579, %swap3A_580], %swap3A_583 {strides = array<i32>} : memref<2x40x128xf32, #tpu.memory_space<vmem>>, vector<1x1x16xf32>,
        %get3A_584 = arith.index_cast %rem3A_322 : i32 to index
        %get3A_585 = arith.index_cast %scan3A_411 : i32 to index
        %get3A_586 = arith.constant 96 : index
        %get3A_587 = tpu.vector_load %arg15[%get3A_584, %get3A_585, %get3A_586] {strides = array<i32>} : memref<2x40x128xf32, #tpu.memory_space<vmem>>, vector<1x1x16xf32>,
        %get3A_588 = vector.shape_cast %get3A_587 : vector<1x1x16xf32> to vector<16xf32>
        %get3A_589 = arith.index_cast %rem3A_322 : i32 to index
        %get3A_590 = arith.index_cast %scan3A_411 : i32 to index
        %get3A_591 = arith.constant 96 : index
        %get3A_592 = tpu.vector_load %arg17[%get3A_589, %get3A_590, %get3A_591] {strides = array<i32>} : memref<2x40x256xf32, #tpu.memory_space<vmem>>, vector<1x1x16xf32>,
        %get3A_593 = vector.shape_cast %get3A_592 : vector<1x1x16xf32> to vector<16xf32>
        %mul3A_594 = arith.mulf %get3A_588, %get3A_593 : vector<16xf32>
        %get3A_595 = arith.index_cast %rem3A_322 : i32 to index
        %get3A_596 = arith.index_cast %scan3A_411 : i32 to index
        %get3A_597 = arith.constant 96 : index
        %get3A_598 = tpu.vector_load %arg16[%get3A_595, %get3A_596, %get3A_597] {strides = array<i32>} : memref<2x40x128xf32, #tpu.memory_space<vmem>>, vector<1x1x16xf32>,
        %get3A_599 = vector.shape_cast %get3A_598 : vector<1x1x16xf32> to vector<16xf32>
        %get3A_600 = arith.index_cast %rem3A_322 : i32 to index
        %get3A_601 = arith.index_cast %scan3A_411 : i32 to index
        %get3A_602 = arith.constant 224 : index
        %get3A_603 = tpu.vector_load %arg17[%get3A_600, %get3A_601, %get3A_602] {strides = array<i32>} : memref<2x40x256xf32, #tpu.memory_space<vmem>>, vector<1x1x16xf32>,
        %get3A_604 = vector.shape_cast %get3A_603 : vector<1x1x16xf32> to vector<16xf32>
        %mul3A_605 = arith.mulf %get3A_599, %get3A_604 : vector<16xf32>
        %add3A_606 = arith.addf %mul3A_594, %mul3A_605 : vector<16xf32>
        %swap3A_607 = arith.index_cast %rem3A_322 : i32 to index
        %swap3A_608 = arith.index_cast %scan3A_411 : i32 to index
        %swap3A_609 = arith.constant 96 : index
        %swap3A_610 = tpu.vector_load %arg15[%swap3A_607, %swap3A_608, %swap3A_609] {strides = array<i32>} : memref<2x40x128xf32, #tpu.memory_space<vmem>>, vector<1x1x16xf32>,
        %swap3A_611 = vector.shape_cast %swap3A_610 : vector<1x1x16xf32> to vector<16xf32>
        %swap3A_612 = vector.shape_cast %add3A_606 : vector<16xf32> to vector<1x1x16xf32>
        tpu.vector_store %arg15[%swap3A_607, %swap3A_608, %swap3A_609], %swap3A_612 {strides = array<i32>} : memref<2x40x128xf32, #tpu.memory_space<vmem>>, vector<1x1x16xf32>,
        %get3A_613 = arith.index_cast %rem3A_322 : i32 to index
        %get3A_614 = arith.index_cast %scan3A_411 : i32 to index
        %get3A_615 = arith.constant 112 : index
        %get3A_616 = tpu.vector_load %arg15[%get3A_613, %get3A_614, %get3A_615] {strides = array<i32>} : memref<2x40x128xf32, #tpu.memory_space<vmem>>, vector<1x1x16xf32>,
        %get3A_617 = vector.shape_cast %get3A_616 : vector<1x1x16xf32> to vector<16xf32>
        %get3A_618 = arith.index_cast %rem3A_322 : i32 to index
        %get3A_619 = arith.index_cast %scan3A_411 : i32 to index
        %get3A_620 = arith.constant 112 : index
        %get3A_621 = tpu.vector_load %arg17[%get3A_618, %get3A_619, %get3A_620] {strides = array<i32>} : memref<2x40x256xf32, #tpu.memory_space<vmem>>, vector<1x1x16xf32>,
        %get3A_622 = vector.shape_cast %get3A_621 : vector<1x1x16xf32> to vector<16xf32>
        %mul3A_623 = arith.mulf %get3A_617, %get3A_622 : vector<16xf32>
        %get3A_624 = arith.index_cast %rem3A_322 : i32 to index
        %get3A_625 = arith.index_cast %scan3A_411 : i32 to index
        %get3A_626 = arith.constant 112 : index
        %get3A_627 = tpu.vector_load %arg16[%get3A_624, %get3A_625, %get3A_626] {strides = array<i32>} : memref<2x40x128xf32, #tpu.memory_space<vmem>>, vector<1x1x16xf32>,
        %get3A_628 = vector.shape_cast %get3A_627 : vector<1x1x16xf32> to vector<16xf32>
        %get3A_629 = arith.index_cast %rem3A_322 : i32 to index
        %get3A_630 = arith.index_cast %scan3A_411 : i32 to index
        %get3A_631 = arith.constant 240 : index
        %get3A_632 = tpu.vector_load %arg17[%get3A_629, %get3A_630, %get3A_631] {strides = array<i32>} : memref<2x40x256xf32, #tpu.memory_space<vmem>>, vector<1x1x16xf32>,
        %get3A_633 = vector.shape_cast %get3A_632 : vector<1x1x16xf32> to vector<16xf32>
        %mul3A_634 = arith.mulf %get3A_628, %get3A_633 : vector<16xf32>
        %add3A_635 = arith.addf %mul3A_623, %mul3A_634 : vector<16xf32>
        %swap3A_636 = arith.index_cast %rem3A_322 : i32 to index
        %swap3A_637 = arith.index_cast %scan3A_411 : i32 to index
        %swap3A_638 = arith.constant 112 : index
        %swap3A_639 = tpu.vector_load %arg15[%swap3A_636, %swap3A_637, %swap3A_638] {strides = array<i32>} : memref<2x40x128xf32, #tpu.memory_space<vmem>>, vector<1x1x16xf32>,
        %swap3A_640 = vector.shape_cast %swap3A_639 : vector<1x1x16xf32> to vector<16xf32>
        %swap3A_641 = vector.shape_cast %add3A_635 : vector<16xf32> to vector<1x1x16xf32>
        tpu.vector_store %arg15[%swap3A_636, %swap3A_637, %swap3A_638], %swap3A_641 {strides = array<i32>} : memref<2x40x128xf32, #tpu.memory_space<vmem>>, vector<1x1x16xf32>,
      }
      %scan3A_399 = arith.constant 40 : i32
      %dma_start3A_400 = arith.constant 1 : i32
      %dma_start3A_401 = arith.constant 0 : i32
      %dma_start3A_402 = arith.constant 0 : i32
      %dma_start3A_403 = tpu.memref_slice %arg15[%rem3A_322, %dma_start3A_401, %dma_start3A_402] : memref<2x40x128xf32, #tpu.memory_space<vmem>> -> memref<1x40x128xf32, #tpu.memory_space<vmem>>
      %dma_start3A_404 = tpu.memref_squeeze %dma_start3A_403 : memref<1x40x128xf32, #tpu.memory_space<vmem>> -> memref<40x128xf32, #tpu.memory_space<vmem>>
      %dma_start3A_405 = arith.constant 0 : i32
      %dma_start3A_406 = tpu.memref_slice %arg14[%rem3A_327, %dma_start3A_400, %sub3A, %dma_start3A_405] : memref<2x2x10x40xi32, #tpu.memory_space<vmem>> -> memref<1x1x1x40xi32, #tpu.memory_space<vmem>>
      %dma_start3A_407 = tpu.memref_squeeze %dma_start3A_406 : memref<1x1x1x40xi32, #tpu.memory_space<vmem>> -> memref<40xi32, #tpu.memory_space<vmem>>
      %dma_start3A_408 = arith.constant 0 : i32
      %dma_start3A_409 = arith.constant 0 : i32
      %dma_start3A_410 = tpu.memref_slice %arg18[%dma_start3A_408, %dma_start3A_409] : memref<10000x128xf32, #tpu.memory_space<vmem_shared>> -> memref<10000x128xf32, #tpu.memory_space<vmem_shared>>
      tpu.enqueue_indirect_dma source(%dma_start3A_404 : memref<40x128xf32, #tpu.memory_space<vmem>>) target(%dma_start3A_410 : memref<10000x128xf32, #tpu.memory_space<vmem_shared>>) offsets(%dma_start3A_407 : memref<40xi32, #tpu.memory_space<vmem>>) semaphore(%arg20 : memref<!tpu.dma_semaphore, #tpu.memory_space<semaphore_mem>>) {add = true}
    }
    %scan3A_126 = arith.constant 250 : i32
    %dma_wait3A_127 = arith.constant 0 : i32
    %dma_wait3A_128 = arith.constant 0 : i32
    %dma_wait3A_129 = arith.constant 1 : i32
    %dma_wait3A_130 = arith.constant 0 : i32
    %dma_wait3A_131 = arith.constant 0 : i32
    %dma_wait3A_132 = arith.constant 0 : i32
    %dma_wait3A_133 = tpu.memref_slice %arg15[%dma_wait3A_127, %dma_wait3A_131, %dma_wait3A_132] : memref<2x40x128xf32, #tpu.memory_space<vmem>> -> memref<1x40x128xf32, #tpu.memory_space<vmem>>
    %dma_wait3A_134 = tpu.memref_squeeze %dma_wait3A_133 : memref<1x40x128xf32, #tpu.memory_space<vmem>> -> memref<40x128xf32, #tpu.memory_space<vmem>>
    %dma_wait3A_135 = arith.constant 0 : i32
    %dma_wait3A_136 = tpu.memref_slice %arg14[%dma_wait3A_128, %dma_wait3A_129, %dma_wait3A_130, %dma_wait3A_135] : memref<2x2x10x40xi32, #tpu.memory_space<vmem>> -> memref<1x1x1x40xi32, #tpu.memory_space<vmem>>
    %dma_wait3A_137 = tpu.memref_squeeze %dma_wait3A_136 : memref<1x1x1x40xi32, #tpu.memory_space<vmem>> -> memref<40xi32, #tpu.memory_space<vmem>>
    %dma_wait3A_138 = arith.constant 0 : i32
    %dma_wait3A_139 = arith.constant 0 : i32
    %dma_wait3A_140 = tpu.memref_slice %arg18[%dma_wait3A_138, %dma_wait3A_139] : memref<10000x128xf32, #tpu.memory_space<vmem_shared>> -> memref<10000x128xf32, #tpu.memory_space<vmem_shared>>
    tpu.wait_indirect_dma semaphore(%arg20 : memref<!tpu.dma_semaphore, #tpu.memory_space<semaphore_mem>>) src(%dma_wait3A_134 : memref<40x128xf32, #tpu.memory_space<vmem>>) dst(%dma_wait3A_140 : memref<10000x128xf32, #tpu.memory_space<vmem_shared>>)
    %barrier3A_141 = arith.constant 0 : index
    tpu.barrier barrier_id(%barrier3A_141)
    %run_scoped3A_142 = arith.constant 1 : i32
    "tpu.region"() ({
      %run_scoped3A_321 = tpu.sem_alloc : memref<!tpu.dma_semaphore, #tpu.memory_space<semaphore_mem>>
      %dma_start3A_322 = arith.constant 0 : i32
      %dma_start3A_323 = tpu.memref_slice %arg13[%run_scoped3A_142, %arg0, %mul3A_2, %dma_start3A_322] : memref<4x2x10000x128xf32, #tpu.memory_space<hbm>> -> memref<1x1x624x128xf32, #tpu.memory_space<hbm>>
      %dma_start3A_324 = tpu.memref_squeeze %dma_start3A_323 : memref<1x1x624x128xf32, #tpu.memory_space<hbm>> -> memref<624x128xf32, #tpu.memory_space<hbm>>
      %dma_start3A_325 = arith.constant 0 : i32
      %dma_start3A_326 = tpu.memref_slice %arg18[%mul3A_2, %dma_start3A_325] : memref<10000x128xf32, #tpu.memory_space<vmem_shared>> -> memref<624x128xf32, #tpu.memory_space<vmem_shared>>
      tpu.enqueue_dma source(%dma_start3A_326 : memref<624x128xf32, #tpu.memory_space<vmem_shared>>) target(%dma_start3A_324 : memref<624x128xf32, #tpu.memory_space<hbm>>) target_semaphore(%run_scoped3A_321 : memref<!tpu.dma_semaphore, #tpu.memory_space<semaphore_mem>>)
      %dma_wait3A_327 = arith.constant 0 : i32
      %dma_wait3A_328 = tpu.memref_slice %arg13[%run_scoped3A_142, %arg0, %mul3A_2, %dma_wait3A_327] : memref<4x2x10000x128xf32, #tpu.memory_space<hbm>> -> memref<1x1x624x128xf32, #tpu.memory_space<hbm>>
      %dma_wait3A_329 = tpu.memref_squeeze %dma_wait3A_328 : memref<1x1x624x128xf32, #tpu.memory_space<hbm>> -> memref<624x128xf32, #tpu.memory_space<hbm>>
      %dma_wait3A_330 = arith.constant 0 : i32
      %dma_wait3A_331 = tpu.memref_slice %arg18[%mul3A_2, %dma_wait3A_330] : memref<10000x128xf32, #tpu.memory_space<vmem_shared>> -> memref<624x128xf32, #tpu.memory_space<vmem_shared>>
      tpu.wait_dma2 semaphore(%run_scoped3A_321 : memref<!tpu.dma_semaphore, #tpu.memory_space<semaphore_mem>>) src(%dma_wait3A_331 : memref<624x128xf32, #tpu.memory_space<vmem_shared>>) dst(%dma_wait3A_329 : memref<624x128xf32, #tpu.memory_space<hbm>>)
      tpu.yield
    }) : () -> ()
    %eq3A_143 = arith.constant 15 : i32
    %eq3A_144 = arith.cmpi eq, %arg1, %eq3A_143 : i32
    %convert_element_type3A_145 = arith.extui %eq3A_144 : i1 to i32
    %cond3A_146 = arith.constant 0 : i32
    %cond3A_147 = arith.cmpi ne, %convert_element_type3A_145, %cond3A_146 : i32
    scf.if %cond3A_147 {
      %run_scoped3A_321 = arith.constant 1 : i32
      "tpu.region"() ({
        %run_scoped3A_322 = tpu.sem_alloc : memref<!tpu.dma_semaphore, #tpu.memory_space<semaphore_mem>>
        %dma_start3A_323 = arith.constant 9984 : i32
        %dma_start3A_324 = arith.constant 0 : i32
        %dma_start3A_325 = tpu.memref_slice %arg13[%run_scoped3A_321, %arg0, %dma_start3A_323, %dma_start3A_324] : memref<4x2x10000x128xf32, #tpu.memory_space<hbm>> -> memref<1x1x16x128xf32, #tpu.memory_space<hbm>>
        %dma_start3A_326 = tpu.memref_squeeze %dma_start3A_325 : memref<1x1x16x128xf32, #tpu.memory_space<hbm>> -> memref<16x128xf32, #tpu.memory_space<hbm>>
        %dma_start3A_327 = arith.constant 9984 : i32
        %dma_start3A_328 = arith.constant 0 : i32
        %dma_start3A_329 = tpu.memref_slice %arg18[%dma_start3A_327, %dma_start3A_328] : memref<10000x128xf32, #tpu.memory_space<vmem_shared>> -> memref<16x128xf32, #tpu.memory_space<vmem_shared>>
        tpu.enqueue_dma source(%dma_start3A_329 : memref<16x128xf32, #tpu.memory_space<vmem_shared>>) target(%dma_start3A_326 : memref<16x128xf32, #tpu.memory_space<hbm>>) target_semaphore(%run_scoped3A_322 : memref<!tpu.dma_semaphore, #tpu.memory_space<semaphore_mem>>)
        %dma_wait3A_330 = arith.constant 9984 : i32
        %dma_wait3A_331 = arith.constant 0 : i32
        %dma_wait3A_332 = tpu.memref_slice %arg13[%run_scoped3A_321, %arg0, %dma_wait3A_330, %dma_wait3A_331] : memref<4x2x10000x128xf32, #tpu.memory_space<hbm>> -> memref<1x1x16x128xf32, #tpu.memory_space<hbm>>
        %dma_wait3A_333 = tpu.memref_squeeze %dma_wait3A_332 : memref<1x1x16x128xf32, #tpu.memory_space<hbm>> -> memref<16x128xf32, #tpu.memory_space<hbm>>
        %dma_wait3A_334 = arith.constant 9984 : i32
        %dma_wait3A_335 = arith.constant 0 : i32
        %dma_wait3A_336 = tpu.memref_slice %arg18[%dma_wait3A_334, %dma_wait3A_335] : memref<10000x128xf32, #tpu.memory_space<vmem_shared>> -> memref<16x128xf32, #tpu.memory_space<vmem_shared>>
        tpu.wait_dma2 semaphore(%run_scoped3A_322 : memref<!tpu.dma_semaphore, #tpu.memory_space<semaphore_mem>>) src(%dma_wait3A_336 : memref<16x128xf32, #tpu.memory_space<vmem_shared>>) dst(%dma_wait3A_333 : memref<16x128xf32, #tpu.memory_space<hbm>>)
        tpu.yield
      }) : () -> ()
    } else {
    }
    %barrier3A_148 = arith.constant 0 : index
    tpu.barrier barrier_id(%barrier3A_148)
    "tpu.region"() ({
      %run_scoped3A_321 = tpu.sem_alloc : memref<!tpu.dma_semaphore, #tpu.memory_space<semaphore_mem>>
      %dma_start3A_322 = arith.constant 0 : i32
      %dma_start3A_323 = tpu.memref_slice %arg18[%mul3A_2, %dma_start3A_322] : memref<10000x128xf32, #tpu.memory_space<vmem_shared>> -> memref<624x128xf32, #tpu.memory_space<vmem_shared>>
      %dma_start3A_324 = arith.constant 0 : i32
      %dma_start3A_325 = tpu.memref_slice %arg12[%mul3A_2, %dma_start3A_324] : memref<10000x128xf32, #tpu.memory_space<hbm>> -> memref<624x128xf32, #tpu.memory_space<hbm>>
      tpu.enqueue_dma source(%dma_start3A_325 : memref<624x128xf32, #tpu.memory_space<hbm>>) target(%dma_start3A_323 : memref<624x128xf32, #tpu.memory_space<vmem_shared>>) target_semaphore(%run_scoped3A_321 : memref<!tpu.dma_semaphore, #tpu.memory_space<semaphore_mem>>)
      %dma_wait3A_326 = arith.constant 0 : i32
      %dma_wait3A_327 = tpu.memref_slice %arg18[%mul3A_2, %dma_wait3A_326] : memref<10000x128xf32, #tpu.memory_space<vmem_shared>> -> memref<624x128xf32, #tpu.memory_space<vmem_shared>>
      %dma_wait3A_328 = arith.constant 0 : i32
      %dma_wait3A_329 = tpu.memref_slice %arg12[%mul3A_2, %dma_wait3A_328] : memref<10000x128xf32, #tpu.memory_space<hbm>> -> memref<624x128xf32, #tpu.memory_space<hbm>>
      tpu.wait_dma2 semaphore(%run_scoped3A_321 : memref<!tpu.dma_semaphore, #tpu.memory_space<semaphore_mem>>) src(%dma_wait3A_329 : memref<624x128xf32, #tpu.memory_space<hbm>>) dst(%dma_wait3A_327 : memref<624x128xf32, #tpu.memory_space<vmem_shared>>)
      tpu.yield
    }) : () -> ()
    %eq3A_149 = arith.constant 15 : i32
    %eq3A_150 = arith.cmpi eq, %arg1, %eq3A_149 : i32
    %convert_element_type3A_151 = arith.extui %eq3A_150 : i1 to i32
    %cond3A_152 = arith.constant 0 : i32
    %cond3A_153 = arith.cmpi ne, %convert_element_type3A_151, %cond3A_152 : i32
    scf.if %cond3A_153 {
      "tpu.region"() ({
        %run_scoped3A_321 = tpu.sem_alloc : memref<!tpu.dma_semaphore, #tpu.memory_space<semaphore_mem>>
        %dma_start3A_322 = arith.constant 9984 : i32
        %dma_start3A_323 = arith.constant 0 : i32
        %dma_start3A_324 = tpu.memref_slice %arg18[%dma_start3A_322, %dma_start3A_323] : memref<10000x128xf32, #tpu.memory_space<vmem_shared>> -> memref<16x128xf32, #tpu.memory_space<vmem_shared>>
        %dma_start3A_325 = arith.constant 9984 : i32
        %dma_start3A_326 = arith.constant 0 : i32
        %dma_start3A_327 = tpu.memref_slice %arg12[%dma_start3A_325, %dma_start3A_326] : memref<10000x128xf32, #tpu.memory_space<hbm>> -> memref<16x128xf32, #tpu.memory_space<hbm>>
        tpu.enqueue_dma source(%dma_start3A_327 : memref<16x128xf32, #tpu.memory_space<hbm>>) target(%dma_start3A_324 : memref<16x128xf32, #tpu.memory_space<vmem_shared>>) target_semaphore(%run_scoped3A_321 : memref<!tpu.dma_semaphore, #tpu.memory_space<semaphore_mem>>)
        %dma_wait3A_328 = arith.constant 9984 : i32
        %dma_wait3A_329 = arith.constant 0 : i32
        %dma_wait3A_330 = tpu.memref_slice %arg18[%dma_wait3A_328, %dma_wait3A_329] : memref<10000x128xf32, #tpu.memory_space<vmem_shared>> -> memref<16x128xf32, #tpu.memory_space<vmem_shared>>
        %dma_wait3A_331 = arith.constant 9984 : i32
        %dma_wait3A_332 = arith.constant 0 : i32
        %dma_wait3A_333 = tpu.memref_slice %arg12[%dma_wait3A_331, %dma_wait3A_332] : memref<10000x128xf32, #tpu.memory_space<hbm>> -> memref<16x128xf32, #tpu.memory_space<hbm>>
        tpu.wait_dma2 semaphore(%run_scoped3A_321 : memref<!tpu.dma_semaphore, #tpu.memory_space<semaphore_mem>>) src(%dma_wait3A_333 : memref<16x128xf32, #tpu.memory_space<hbm>>) dst(%dma_wait3A_330 : memref<16x128xf32, #tpu.memory_space<vmem_shared>>)
        tpu.yield
      }) : () -> ()
    } else {
    }
    %barrier3A_154 = arith.constant 0 : index
    tpu.barrier barrier_id(%barrier3A_154)
    %run_scoped3A_155 = arith.constant 0 : i32
    %run_scoped3A_156 = arith.constant 0 : i32
    "tpu.region"() ({
      %run_scoped3A_321 = tpu.sem_alloc : memref<!tpu.dma_semaphore, #tpu.memory_space<semaphore_mem>>
      %dma_start3A_322 = arith.constant 0 : i32
      %dma_start3A_323 = arith.constant 0 : i32
      %dma_start3A_324 = arith.constant 0 : i32
      %dma_start3A_325 = tpu.memref_slice %arg14[%run_scoped3A_156, %dma_start3A_322, %dma_start3A_323, %dma_start3A_324] : memref<2x2x10x40xi32, #tpu.memory_space<vmem>> -> memref<1x2x10x40xi32, #tpu.memory_space<vmem>>
      %dma_start3A_326 = tpu.memref_squeeze %dma_start3A_325 : memref<1x2x10x40xi32, #tpu.memory_space<vmem>> -> memref<2x10x40xi32, #tpu.memory_space<vmem>>
      %dma_start3A_327 = arith.constant 0 : i32
      %dma_start3A_328 = arith.constant 0 : i32
      %dma_start3A_329 = arith.constant 0 : i32
      %dma_start3A_330 = tpu.memref_slice %arg11[%add3A, %run_scoped3A_155, %dma_start3A_327, %dma_start3A_328, %dma_start3A_329] : memref<32x25x2x10x40xi32, #tpu.memory_space<hbm>> -> memref<1x1x2x10x40xi32, #tpu.memory_space<hbm>>
      %dma_start3A_331 = tpu.memref_squeeze %dma_start3A_330 : memref<1x1x2x10x40xi32, #tpu.memory_space<hbm>> -> memref<2x10x40xi32, #tpu.memory_space<hbm>>
      %dma_start3A_332 = arith.constant 0 : i32
      %dma_start3A_333 = arith.constant 0 : i32
      %dma_start3A_334 = arith.constant 0 : i32
      %dma_start3A_335 = tpu.memref_slice %arg14[%run_scoped3A_156, %dma_start3A_332, %dma_start3A_333, %dma_start3A_334] : memref<2x2x10x40xi32, #tpu.memory_space<vmem>> -> memref<1x2x10x40xi32, #tpu.memory_space<vmem>>
      %dma_start3A_336 = tpu.memref_squeeze %dma_start3A_335 : memref<1x2x10x40xi32, #tpu.memory_space<vmem>> -> memref<2x10x40xi32, #tpu.memory_space<vmem>>
      %dma_start3A_337 = arith.constant 0 : i32
      %dma_start3A_338 = arith.constant 0 : i32
      %dma_start3A_339 = arith.constant 0 : i32
      %dma_start3A_340 = tpu.memref_slice %arg11[%add3A, %run_scoped3A_155, %dma_start3A_337, %dma_start3A_338, %dma_start3A_339] : memref<32x25x2x10x40xi32, #tpu.memory_space<hbm>> -> memref<1x1x2x10x40xi32, #tpu.memory_space<hbm>>
      %dma_start3A_341 = tpu.memref_squeeze %dma_start3A_340 : memref<1x1x2x10x40xi32, #tpu.memory_space<hbm>> -> memref<2x10x40xi32, #tpu.memory_space<hbm>>
      tpu.enqueue_dma source(%dma_start3A_341 : memref<2x10x40xi32, #tpu.memory_space<hbm>>) target(%dma_start3A_336 : memref<2x10x40xi32, #tpu.memory_space<vmem>>) target_semaphore(%run_scoped3A_321 : memref<!tpu.dma_semaphore, #tpu.memory_space<semaphore_mem>>)
      %dma_wait3A_342 = arith.constant 0 : i32
      %dma_wait3A_343 = arith.constant 0 : i32
      %dma_wait3A_344 = arith.constant 0 : i32
      %dma_wait3A_345 = tpu.memref_slice %arg14[%run_scoped3A_156, %dma_wait3A_342, %dma_wait3A_343, %dma_wait3A_344] : memref<2x2x10x40xi32, #tpu.memory_space<vmem>> -> memref<1x2x10x40xi32, #tpu.memory_space<vmem>>
      %dma_wait3A_346 = tpu.memref_squeeze %dma_wait3A_345 : memref<1x2x10x40xi32, #tpu.memory_space<vmem>> -> memref<2x10x40xi32, #tpu.memory_space<vmem>>
      %dma_wait3A_347 = arith.constant 0 : i32
      %dma_wait3A_348 = arith.constant 0 : i32
      %dma_wait3A_349 = arith.constant 0 : i32
      %dma_wait3A_350 = tpu.memref_slice %arg11[%add3A, %run_scoped3A_155, %dma_wait3A_347, %dma_wait3A_348, %dma_wait3A_349] : memref<32x25x2x10x40xi32, #tpu.memory_space<hbm>> -> memref<1x1x2x10x40xi32, #tpu.memory_space<hbm>>
      %dma_wait3A_351 = tpu.memref_squeeze %dma_wait3A_350 : memref<1x1x2x10x40xi32, #tpu.memory_space<hbm>> -> memref<2x10x40xi32, #tpu.memory_space<hbm>>
      %dma_wait3A_352 = arith.constant 0 : i32
      %dma_wait3A_353 = arith.constant 0 : i32
      %dma_wait3A_354 = arith.constant 0 : i32
      %dma_wait3A_355 = tpu.memref_slice %arg14[%run_scoped3A_156, %dma_wait3A_352, %dma_wait3A_353, %dma_wait3A_354] : memref<2x2x10x40xi32, #tpu.memory_space<vmem>> -> memref<1x2x10x40xi32, #tpu.memory_space<vmem>>
      %dma_wait3A_356 = tpu.memref_squeeze %dma_wait3A_355 : memref<1x2x10x40xi32, #tpu.memory_space<vmem>> -> memref<2x10x40xi32, #tpu.memory_space<vmem>>
      %dma_wait3A_357 = arith.constant 0 : i32
      %dma_wait3A_358 = arith.constant 0 : i32
      %dma_wait3A_359 = arith.constant 0 : i32
      %dma_wait3A_360 = tpu.memref_slice %arg11[%add3A, %run_scoped3A_155, %dma_wait3A_357, %dma_wait3A_358, %dma_wait3A_359] : memref<32x25x2x10x40xi32, #tpu.memory_space<hbm>> -> memref<1x1x2x10x40xi32, #tpu.memory_space<hbm>>
      %dma_wait3A_361 = tpu.memref_squeeze %dma_wait3A_360 : memref<1x1x2x10x40xi32, #tpu.memory_space<hbm>> -> memref<2x10x40xi32, #tpu.memory_space<hbm>>
      tpu.wait_dma2 semaphore(%run_scoped3A_321 : memref<!tpu.dma_semaphore, #tpu.memory_space<semaphore_mem>>) src(%dma_wait3A_361 : memref<2x10x40xi32, #tpu.memory_space<hbm>>) dst(%dma_wait3A_356 : memref<2x10x40xi32, #tpu.memory_space<vmem>>)
      tpu.yield
    }) : () -> ()
    %dma_start3A_157 = arith.constant 0 : i32
    %dma_start3A_158 = arith.constant 0 : i32
    %dma_start3A_159 = arith.constant 0 : i32
    %dma_start3A_160 = arith.constant 0 : i32
    %dma_start3A_161 = tpu.memref_slice %arg15[%dma_start3A_158, %dma_start3A_159, %dma_start3A_160] : memref<2x40x128xf32, #tpu.memory_space<vmem>> -> memref<1x40x128xf32, #tpu.memory_space<vmem>>
    %dma_start3A_162 = tpu.memref_squeeze %dma_start3A_161 : memref<1x40x128xf32, #tpu.memory_space<vmem>> -> memref<40x128xf32, #tpu.memory_space<vmem>>
    %dma_start3A_163 = arith.constant 0 : i32
    %dma_start3A_164 = arith.constant 0 : i32
    %dma_start3A_165 = tpu.memref_slice %arg8[%add3A, %dma_start3A_157, %dma_start3A_163, %dma_start3A_164] : memref<32x250x40x128xf32, #tpu.memory_space<hbm>> -> memref<1x1x40x128xf32, #tpu.memory_space<hbm>>
    %dma_start3A_166 = tpu.memref_squeeze %dma_start3A_165 : memref<1x1x40x128xf32, #tpu.memory_space<hbm>> -> memref<40x128xf32, #tpu.memory_space<hbm>>
    %dma_start3A_167 = arith.constant 0 : i32
    %dma_start3A_168 = arith.constant 0 : i32
    %dma_start3A_169 = tpu.memref_slice %arg15[%dma_start3A_158, %dma_start3A_167, %dma_start3A_168] : memref<2x40x128xf32, #tpu.memory_space<vmem>> -> memref<1x40x128xf32, #tpu.memory_space<vmem>>
    %dma_start3A_170 = tpu.memref_squeeze %dma_start3A_169 : memref<1x40x128xf32, #tpu.memory_space<vmem>> -> memref<40x128xf32, #tpu.memory_space<vmem>>
    %dma_start3A_171 = arith.constant 0 : i32
    %dma_start3A_172 = arith.constant 0 : i32
    %dma_start3A_173 = tpu.memref_slice %arg8[%add3A, %dma_start3A_157, %dma_start3A_171, %dma_start3A_172] : memref<32x250x40x128xf32, #tpu.memory_space<hbm>> -> memref<1x1x40x128xf32, #tpu.memory_space<hbm>>
    %dma_start3A_174 = tpu.memref_squeeze %dma_start3A_173 : memref<1x1x40x128xf32, #tpu.memory_space<hbm>> -> memref<40x128xf32, #tpu.memory_space<hbm>>
    tpu.enqueue_dma source(%dma_start3A_174 : memref<40x128xf32, #tpu.memory_space<hbm>>) target(%dma_start3A_170 : memref<40x128xf32, #tpu.memory_space<vmem>>) target_semaphore(%arg19 : memref<!tpu.dma_semaphore, #tpu.memory_space<semaphore_mem>>)
    %dma_start3A_175 = arith.constant 0 : i32
    %dma_start3A_176 = arith.constant 0 : i32
    %dma_start3A_177 = arith.constant 0 : i32
    %dma_start3A_178 = arith.constant 0 : i32
    %dma_start3A_179 = tpu.memref_slice %arg16[%dma_start3A_176, %dma_start3A_177, %dma_start3A_178] : memref<2x40x128xf32, #tpu.memory_space<vmem>> -> memref<1x40x128xf32, #tpu.memory_space<vmem>>
    %dma_start3A_180 = tpu.memref_squeeze %dma_start3A_179 : memref<1x40x128xf32, #tpu.memory_space<vmem>> -> memref<40x128xf32, #tpu.memory_space<vmem>>
    %dma_start3A_181 = arith.constant 0 : i32
    %dma_start3A_182 = arith.constant 0 : i32
    %dma_start3A_183 = tpu.memref_slice %arg10[%add3A, %dma_start3A_175, %dma_start3A_181, %dma_start3A_182] : memref<32x250x40x128xf32, #tpu.memory_space<hbm>> -> memref<1x1x40x128xf32, #tpu.memory_space<hbm>>
    %dma_start3A_184 = tpu.memref_squeeze %dma_start3A_183 : memref<1x1x40x128xf32, #tpu.memory_space<hbm>> -> memref<40x128xf32, #tpu.memory_space<hbm>>
    %dma_start3A_185 = arith.constant 0 : i32
    %dma_start3A_186 = arith.constant 0 : i32
    %dma_start3A_187 = tpu.memref_slice %arg16[%dma_start3A_176, %dma_start3A_185, %dma_start3A_186] : memref<2x40x128xf32, #tpu.memory_space<vmem>> -> memref<1x40x128xf32, #tpu.memory_space<vmem>>
    %dma_start3A_188 = tpu.memref_squeeze %dma_start3A_187 : memref<1x40x128xf32, #tpu.memory_space<vmem>> -> memref<40x128xf32, #tpu.memory_space<vmem>>
    %dma_start3A_189 = arith.constant 0 : i32
    %dma_start3A_190 = arith.constant 0 : i32
    %dma_start3A_191 = tpu.memref_slice %arg10[%add3A, %dma_start3A_175, %dma_start3A_189, %dma_start3A_190] : memref<32x250x40x128xf32, #tpu.memory_space<hbm>> -> memref<1x1x40x128xf32, #tpu.memory_space<hbm>>
    %dma_start3A_192 = tpu.memref_squeeze %dma_start3A_191 : memref<1x1x40x128xf32, #tpu.memory_space<hbm>> -> memref<40x128xf32, #tpu.memory_space<hbm>>
    tpu.enqueue_dma source(%dma_start3A_192 : memref<40x128xf32, #tpu.memory_space<hbm>>) target(%dma_start3A_188 : memref<40x128xf32, #tpu.memory_space<vmem>>) target_semaphore(%arg19 : memref<!tpu.dma_semaphore, #tpu.memory_space<semaphore_mem>>)
    %dma_start3A_193 = arith.constant 0 : i32
    %dma_start3A_194 = arith.constant 0 : i32
    %dma_start3A_195 = arith.constant 0 : i32
    %dma_start3A_196 = arith.constant 0 : i32
    %dma_start3A_197 = arith.constant 0 : i32
    %dma_start3A_198 = arith.constant 0 : i32
    %dma_start3A_199 = tpu.memref_slice %arg17[%dma_start3A_196, %dma_start3A_197, %dma_start3A_198] : memref<2x40x256xf32, #tpu.memory_space<vmem>> -> memref<1x40x256xf32, #tpu.memory_space<vmem>>
    %dma_start3A_200 = tpu.memref_squeeze %dma_start3A_199 : memref<1x40x256xf32, #tpu.memory_space<vmem>> -> memref<40x256xf32, #tpu.memory_space<vmem>>
    %dma_start3A_201 = arith.constant 0 : i32
    %dma_start3A_202 = tpu.memref_slice %arg14[%dma_start3A_193, %dma_start3A_194, %dma_start3A_195, %dma_start3A_201] : memref<2x2x10x40xi32, #tpu.memory_space<vmem>> -> memref<1x1x1x40xi32, #tpu.memory_space<vmem>>
    %dma_start3A_203 = tpu.memref_squeeze %dma_start3A_202 : memref<1x1x1x40xi32, #tpu.memory_space<vmem>> -> memref<40xi32, #tpu.memory_space<vmem>>
    %dma_start3A_204 = arith.constant 0 : i32
    %dma_start3A_205 = arith.constant 0 : i32
    %dma_start3A_206 = tpu.memref_slice %arg4[%dma_start3A_204, %dma_start3A_205] : memref<10000x256xf32, #tpu.memory_space<hbm>> -> memref<10000x256xf32, #tpu.memory_space<hbm>>
    tpu.enqueue_indirect_dma source(%dma_start3A_206 : memref<10000x256xf32, #tpu.memory_space<hbm>>) target(%dma_start3A_200 : memref<40x256xf32, #tpu.memory_space<vmem>>) offsets(%dma_start3A_203 : memref<40xi32, #tpu.memory_space<vmem>>) semaphore(%arg19 : memref<!tpu.dma_semaphore, #tpu.memory_space<semaphore_mem>>)
    %scan3A_207 = arith.constant 0 : i32
    %scan3A_208 = arith.constant 0 : i32
    %scan3A_209 = arith.constant 250 : i32
    %scan3A_210 = arith.addi %scan3A_208, %scan3A_209 : i32
    %scan3A_211 = arith.constant 1 : i32
    scf.for %scan3A_321 = %scan3A_208 to %scan3A_210 step %scan3A_211  : i32 {
      %rem3A = arith.constant 2 : i32
      %rem3A_322 = arith.remsi %scan3A_321, %rem3A : i32
      %div3A = arith.constant 10 : i32
      %div3A_323 = arith.divsi %scan3A_321, %div3A : i32
      %mul3A_324 = arith.constant 10 : i32
      %mul3A_325 = arith.muli %div3A_323, %mul3A_324 : i32
      %sub3A = arith.subi %scan3A_321, %mul3A_325 : i32
      %rem3A_326 = arith.constant 2 : i32
      %rem3A_327 = arith.remsi %div3A_323, %rem3A_326 : i32
      %dma_wait3A_328 = arith.constant 0 : i32
      %dma_wait3A_329 = arith.constant 0 : i32
      %dma_wait3A_330 = arith.constant 0 : i32
      %dma_wait3A_331 = tpu.memref_slice %arg15[%rem3A_322, %dma_wait3A_329, %dma_wait3A_330] : memref<2x40x128xf32, #tpu.memory_space<vmem>> -> memref<1x40x128xf32, #tpu.memory_space<vmem>>
      %dma_wait3A_332 = tpu.memref_squeeze %dma_wait3A_331 : memref<1x40x128xf32, #tpu.memory_space<vmem>> -> memref<40x128xf32, #tpu.memory_space<vmem>>
      %dma_wait3A_333 = arith.constant 0 : i32
      %dma_wait3A_334 = arith.constant 0 : i32
      %dma_wait3A_335 = tpu.memref_slice %arg8[%add3A, %dma_wait3A_328, %dma_wait3A_333, %dma_wait3A_334] : memref<32x250x40x128xf32, #tpu.memory_space<hbm>> -> memref<1x1x40x128xf32, #tpu.memory_space<hbm>>
      %dma_wait3A_336 = tpu.memref_squeeze %dma_wait3A_335 : memref<1x1x40x128xf32, #tpu.memory_space<hbm>> -> memref<40x128xf32, #tpu.memory_space<hbm>>
      %dma_wait3A_337 = arith.constant 0 : i32
      %dma_wait3A_338 = arith.constant 0 : i32
      %dma_wait3A_339 = tpu.memref_slice %arg15[%rem3A_322, %dma_wait3A_337, %dma_wait3A_338] : memref<2x40x128xf32, #tpu.memory_space<vmem>> -> memref<1x40x128xf32, #tpu.memory_space<vmem>>
      %dma_wait3A_340 = tpu.memref_squeeze %dma_wait3A_339 : memref<1x40x128xf32, #tpu.memory_space<vmem>> -> memref<40x128xf32, #tpu.memory_space<vmem>>
      %dma_wait3A_341 = arith.constant 0 : i32
      %dma_wait3A_342 = arith.constant 0 : i32
      %dma_wait3A_343 = tpu.memref_slice %arg8[%add3A, %dma_wait3A_328, %dma_wait3A_341, %dma_wait3A_342] : memref<32x250x40x128xf32, #tpu.memory_space<hbm>> -> memref<1x1x40x128xf32, #tpu.memory_space<hbm>>
      %dma_wait3A_344 = tpu.memref_squeeze %dma_wait3A_343 : memref<1x1x40x128xf32, #tpu.memory_space<hbm>> -> memref<40x128xf32, #tpu.memory_space<hbm>>
      tpu.wait_dma2 semaphore(%arg19 : memref<!tpu.dma_semaphore, #tpu.memory_space<semaphore_mem>>) src(%dma_wait3A_344 : memref<40x128xf32, #tpu.memory_space<hbm>>) dst(%dma_wait3A_340 : memref<40x128xf32, #tpu.memory_space<vmem>>)
      %dma_wait3A_345 = arith.constant 0 : i32
      %dma_wait3A_346 = arith.constant 0 : i32
      %dma_wait3A_347 = arith.constant 0 : i32
      %dma_wait3A_348 = tpu.memref_slice %arg16[%rem3A_322, %dma_wait3A_346, %dma_wait3A_347] : memref<2x40x128xf32, #tpu.memory_space<vmem>> -> memref<1x40x128xf32, #tpu.memory_space<vmem>>
      %dma_wait3A_349 = tpu.memref_squeeze %dma_wait3A_348 : memref<1x40x128xf32, #tpu.memory_space<vmem>> -> memref<40x128xf32, #tpu.memory_space<vmem>>
      %dma_wait3A_350 = arith.constant 0 : i32
      %dma_wait3A_351 = arith.constant 0 : i32
      %dma_wait3A_352 = tpu.memref_slice %arg10[%add3A, %dma_wait3A_345, %dma_wait3A_350, %dma_wait3A_351] : memref<32x250x40x128xf32, #tpu.memory_space<hbm>> -> memref<1x1x40x128xf32, #tpu.memory_space<hbm>>
      %dma_wait3A_353 = tpu.memref_squeeze %dma_wait3A_352 : memref<1x1x40x128xf32, #tpu.memory_space<hbm>> -> memref<40x128xf32, #tpu.memory_space<hbm>>
      %dma_wait3A_354 = arith.constant 0 : i32
      %dma_wait3A_355 = arith.constant 0 : i32
      %dma_wait3A_356 = tpu.memref_slice %arg16[%rem3A_322, %dma_wait3A_354, %dma_wait3A_355] : memref<2x40x128xf32, #tpu.memory_space<vmem>> -> memref<1x40x128xf32, #tpu.memory_space<vmem>>
      %dma_wait3A_357 = tpu.memref_squeeze %dma_wait3A_356 : memref<1x40x128xf32, #tpu.memory_space<vmem>> -> memref<40x128xf32, #tpu.memory_space<vmem>>
      %dma_wait3A_358 = arith.constant 0 : i32
      %dma_wait3A_359 = arith.constant 0 : i32
      %dma_wait3A_360 = tpu.memref_slice %arg10[%add3A, %dma_wait3A_345, %dma_wait3A_358, %dma_wait3A_359] : memref<32x250x40x128xf32, #tpu.memory_space<hbm>> -> memref<1x1x40x128xf32, #tpu.memory_space<hbm>>
      %dma_wait3A_361 = tpu.memref_squeeze %dma_wait3A_360 : memref<1x1x40x128xf32, #tpu.memory_space<hbm>> -> memref<40x128xf32, #tpu.memory_space<hbm>>
      tpu.wait_dma2 semaphore(%arg19 : memref<!tpu.dma_semaphore, #tpu.memory_space<semaphore_mem>>) src(%dma_wait3A_361 : memref<40x128xf32, #tpu.memory_space<hbm>>) dst(%dma_wait3A_357 : memref<40x128xf32, #tpu.memory_space<vmem>>)
      %dma_wait3A_362 = arith.constant 0 : i32
      %dma_wait3A_363 = arith.constant 0 : i32
      %dma_wait3A_364 = arith.constant 0 : i32
      %dma_wait3A_365 = arith.constant 0 : i32
      %dma_wait3A_366 = arith.constant 0 : i32
      %dma_wait3A_367 = tpu.memref_slice %arg17[%rem3A_322, %dma_wait3A_365, %dma_wait3A_366] : memref<2x40x256xf32, #tpu.memory_space<vmem>> -> memref<1x40x256xf32, #tpu.memory_space<vmem>>
      %dma_wait3A_368 = tpu.memref_squeeze %dma_wait3A_367 : memref<1x40x256xf32, #tpu.memory_space<vmem>> -> memref<40x256xf32, #tpu.memory_space<vmem>>
      %dma_wait3A_369 = arith.constant 0 : i32
      %dma_wait3A_370 = tpu.memref_slice %arg14[%dma_wait3A_362, %dma_wait3A_363, %dma_wait3A_364, %dma_wait3A_369] : memref<2x2x10x40xi32, #tpu.memory_space<vmem>> -> memref<1x1x1x40xi32, #tpu.memory_space<vmem>>
      %dma_wait3A_371 = tpu.memref_squeeze %dma_wait3A_370 : memref<1x1x1x40xi32, #tpu.memory_space<vmem>> -> memref<40xi32, #tpu.memory_space<vmem>>
      %dma_wait3A_372 = arith.constant 0 : i32
      %dma_wait3A_373 = arith.constant 0 : i32
      %dma_wait3A_374 = tpu.memref_slice %arg4[%dma_wait3A_372, %dma_wait3A_373] : memref<10000x256xf32, #tpu.memory_space<hbm>> -> memref<10000x256xf32, #tpu.memory_space<hbm>>
      tpu.wait_indirect_dma semaphore(%arg19 : memref<!tpu.dma_semaphore, #tpu.memory_space<semaphore_mem>>) src(%dma_wait3A_374 : memref<10000x256xf32, #tpu.memory_space<hbm>>) dst(%dma_wait3A_368 : memref<40x256xf32, #tpu.memory_space<vmem>>)
      %gt3A = arith.constant 0 : i32
      %gt3A_375 = arith.cmpi sgt, %scan3A_321, %gt3A : i32
      %convert_element_type3A_376 = arith.extui %gt3A_375 : i1 to i32
      %cond3A_377 = arith.constant 0 : i32
      %cond3A_378 = arith.cmpi ne, %convert_element_type3A_376, %cond3A_377 : i32
      scf.if %cond3A_378 {
        %dma_wait3A_411 = arith.constant 0 : i32
        %dma_wait3A_412 = arith.constant 0 : i32
        %dma_wait3A_413 = arith.constant 1 : i32
        %dma_wait3A_414 = arith.constant 0 : i32
        %dma_wait3A_415 = arith.constant 0 : i32
        %dma_wait3A_416 = arith.constant 0 : i32
        %dma_wait3A_417 = tpu.memref_slice %arg15[%dma_wait3A_411, %dma_wait3A_415, %dma_wait3A_416] : memref<2x40x128xf32, #tpu.memory_space<vmem>> -> memref<1x40x128xf32, #tpu.memory_space<vmem>>
        %dma_wait3A_418 = tpu.memref_squeeze %dma_wait3A_417 : memref<1x40x128xf32, #tpu.memory_space<vmem>> -> memref<40x128xf32, #tpu.memory_space<vmem>>
        %dma_wait3A_419 = arith.constant 0 : i32
        %dma_wait3A_420 = tpu.memref_slice %arg14[%dma_wait3A_412, %dma_wait3A_413, %dma_wait3A_414, %dma_wait3A_419] : memref<2x2x10x40xi32, #tpu.memory_space<vmem>> -> memref<1x1x1x40xi32, #tpu.memory_space<vmem>>
        %dma_wait3A_421 = tpu.memref_squeeze %dma_wait3A_420 : memref<1x1x1x40xi32, #tpu.memory_space<vmem>> -> memref<40xi32, #tpu.memory_space<vmem>>
        %dma_wait3A_422 = arith.constant 0 : i32
        %dma_wait3A_423 = arith.constant 0 : i32
        %dma_wait3A_424 = tpu.memref_slice %arg18[%dma_wait3A_422, %dma_wait3A_423] : memref<10000x128xf32, #tpu.memory_space<vmem_shared>> -> memref<10000x128xf32, #tpu.memory_space<vmem_shared>>
        tpu.wait_indirect_dma semaphore(%arg20 : memref<!tpu.dma_semaphore, #tpu.memory_space<semaphore_mem>>) src(%dma_wait3A_418 : memref<40x128xf32, #tpu.memory_space<vmem>>) dst(%dma_wait3A_424 : memref<10000x128xf32, #tpu.memory_space<vmem_shared>>)
      } else {
      }
      %eq3A_379 = arith.constant 0 : i32
      %eq3A_380 = arith.cmpi eq, %sub3A, %eq3A_379 : i32
      %add3A_381 = arith.constant 1 : i32
      %add3A_382 = arith.addi %div3A_323, %add3A_381 : i32
      %lt3A = arith.constant 25 : i32
      %lt3A_383 = arith.cmpi slt, %add3A_382, %lt3A : i32
      %and3A = arith.andi %eq3A_380, %lt3A_383 : i1
      %convert_element_type3A_384 = arith.extui %and3A : i1 to i32
      %cond3A_385 = arith.constant 0 : i32
      %cond3A_386 = arith.cmpi ne, %convert_element_type3A_384, %cond3A_385 : i32
      scf.if %cond3A_386 {
        %add3A_411 = arith.constant 1 : i32
        %add3A_412 = arith.addi %div3A_323, %add3A_411 : i32
        %add3A_413 = arith.constant 1 : i32
        %add3A_414 = arith.addi %div3A_323, %add3A_413 : i32
        %rem3A_415 = arith.constant 2 : i32
        %rem3A_416 = arith.remsi %add3A_414, %rem3A_415 : i32
        %dma_start3A_417 = arith.constant 0 : i32
        %dma_start3A_418 = arith.constant 0 : i32
        %dma_start3A_419 = arith.constant 0 : i32
        %dma_start3A_420 = tpu.memref_slice %arg14[%rem3A_416, %dma_start3A_417, %dma_start3A_418, %dma_start3A_419] : memref<2x2x10x40xi32, #tpu.memory_space<vmem>> -> memref<1x2x10x40xi32, #tpu.memory_space<vmem>>
        %dma_start3A_421 = tpu.memref_squeeze %dma_start3A_420 : memref<1x2x10x40xi32, #tpu.memory_space<vmem>> -> memref<2x10x40xi32, #tpu.memory_space<vmem>>
        %dma_start3A_422 = arith.constant 0 : i32
        %dma_start3A_423 = arith.constant 0 : i32
        %dma_start3A_424 = arith.constant 0 : i32
        %dma_start3A_425 = tpu.memref_slice %arg11[%add3A, %add3A_412, %dma_start3A_422, %dma_start3A_423, %dma_start3A_424] : memref<32x25x2x10x40xi32, #tpu.memory_space<hbm>> -> memref<1x1x2x10x40xi32, #tpu.memory_space<hbm>>
        %dma_start3A_426 = tpu.memref_squeeze %dma_start3A_425 : memref<1x1x2x10x40xi32, #tpu.memory_space<hbm>> -> memref<2x10x40xi32, #tpu.memory_space<hbm>>
        %dma_start3A_427 = arith.constant 0 : i32
        %dma_start3A_428 = arith.constant 0 : i32
        %dma_start3A_429 = arith.constant 0 : i32
        %dma_start3A_430 = tpu.memref_slice %arg14[%rem3A_416, %dma_start3A_427, %dma_start3A_428, %dma_start3A_429] : memref<2x2x10x40xi32, #tpu.memory_space<vmem>> -> memref<1x2x10x40xi32, #tpu.memory_space<vmem>>
        %dma_start3A_431 = tpu.memref_squeeze %dma_start3A_430 : memref<1x2x10x40xi32, #tpu.memory_space<vmem>> -> memref<2x10x40xi32, #tpu.memory_space<vmem>>
        %dma_start3A_432 = arith.constant 0 : i32
        %dma_start3A_433 = arith.constant 0 : i32
        %dma_start3A_434 = arith.constant 0 : i32
        %dma_start3A_435 = tpu.memref_slice %arg11[%add3A, %add3A_412, %dma_start3A_432, %dma_start3A_433, %dma_start3A_434] : memref<32x25x2x10x40xi32, #tpu.memory_space<hbm>> -> memref<1x1x2x10x40xi32, #tpu.memory_space<hbm>>
        %dma_start3A_436 = tpu.memref_squeeze %dma_start3A_435 : memref<1x1x2x10x40xi32, #tpu.memory_space<hbm>> -> memref<2x10x40xi32, #tpu.memory_space<hbm>>
        tpu.enqueue_dma source(%dma_start3A_436 : memref<2x10x40xi32, #tpu.memory_space<hbm>>) target(%dma_start3A_431 : memref<2x10x40xi32, #tpu.memory_space<vmem>>) target_semaphore(%arg21 : memref<!tpu.dma_semaphore, #tpu.memory_space<semaphore_mem>>)
      } else {
      }
      %add3A_387 = arith.constant 1 : i32
      %add3A_388 = arith.addi %scan3A_321, %add3A_387 : i32
      %lt3A_389 = arith.constant 250 : i32
      %lt3A_390 = arith.cmpi slt, %add3A_388, %lt3A_389 : i32
      %convert_element_type3A_391 = arith.extui %lt3A_390 : i1 to i32
      %cond3A_392 = arith.constant 0 : i32
      %cond3A_393 = arith.cmpi ne, %convert_element_type3A_391, %cond3A_392 : i32
      scf.if %cond3A_393 {
        %rem3A_411 = arith.constant 10 : i32
        %rem3A_412 = arith.remsi %add3A_388, %rem3A_411 : i32
        %eq3A_413 = arith.constant 0 : i32
        %eq3A_414 = arith.cmpi eq, %rem3A_412, %eq3A_413 : i32
        %convert_element_type3A_415 = arith.extui %eq3A_414 : i1 to i32
        %cond3A_416 = arith.constant 0 : i32
        %cond3A_417 = arith.cmpi ne, %convert_element_type3A_415, %cond3A_416 : i32
        scf.if %cond3A_417 {
          %dma_wait3A_470 = arith.constant 0 : i32
          %dma_wait3A_471 = arith.constant 0 : i32
          %dma_wait3A_472 = arith.constant 0 : i32
          %dma_wait3A_473 = arith.constant 0 : i32
          %dma_wait3A_474 = arith.constant 0 : i32
          %dma_wait3A_475 = tpu.memref_slice %arg14[%dma_wait3A_471, %dma_wait3A_472, %dma_wait3A_473, %dma_wait3A_474] : memref<2x2x10x40xi32, #tpu.memory_space<vmem>> -> memref<1x2x10x40xi32, #tpu.memory_space<vmem>>
          %dma_wait3A_476 = tpu.memref_squeeze %dma_wait3A_475 : memref<1x2x10x40xi32, #tpu.memory_space<vmem>> -> memref<2x10x40xi32, #tpu.memory_space<vmem>>
          %dma_wait3A_477 = arith.constant 0 : i32
          %dma_wait3A_478 = arith.constant 0 : i32
          %dma_wait3A_479 = arith.constant 0 : i32
          %dma_wait3A_480 = tpu.memref_slice %arg11[%add3A, %dma_wait3A_470, %dma_wait3A_477, %dma_wait3A_478, %dma_wait3A_479] : memref<32x25x2x10x40xi32, #tpu.memory_space<hbm>> -> memref<1x1x2x10x40xi32, #tpu.memory_space<hbm>>
          %dma_wait3A_481 = tpu.memref_squeeze %dma_wait3A_480 : memref<1x1x2x10x40xi32, #tpu.memory_space<hbm>> -> memref<2x10x40xi32, #tpu.memory_space<hbm>>
          %dma_wait3A_482 = arith.constant 0 : i32
          %dma_wait3A_483 = arith.constant 0 : i32
          %dma_wait3A_484 = arith.constant 0 : i32
          %dma_wait3A_485 = tpu.memref_slice %arg14[%dma_wait3A_471, %dma_wait3A_482, %dma_wait3A_483, %dma_wait3A_484] : memref<2x2x10x40xi32, #tpu.memory_space<vmem>> -> memref<1x2x10x40xi32, #tpu.memory_space<vmem>>
          %dma_wait3A_486 = tpu.memref_squeeze %dma_wait3A_485 : memref<1x2x10x40xi32, #tpu.memory_space<vmem>> -> memref<2x10x40xi32, #tpu.memory_space<vmem>>
          %dma_wait3A_487 = arith.constant 0 : i32
          %dma_wait3A_488 = arith.constant 0 : i32
          %dma_wait3A_489 = arith.constant 0 : i32
          %dma_wait3A_490 = tpu.memref_slice %arg11[%add3A, %dma_wait3A_470, %dma_wait3A_487, %dma_wait3A_488, %dma_wait3A_489] : memref<32x25x2x10x40xi32, #tpu.memory_space<hbm>> -> memref<1x1x2x10x40xi32, #tpu.memory_space<hbm>>
          %dma_wait3A_491 = tpu.memref_squeeze %dma_wait3A_490 : memref<1x1x2x10x40xi32, #tpu.memory_space<hbm>> -> memref<2x10x40xi32, #tpu.memory_space<hbm>>
          tpu.wait_dma2 semaphore(%arg21 : memref<!tpu.dma_semaphore, #tpu.memory_space<semaphore_mem>>) src(%dma_wait3A_491 : memref<2x10x40xi32, #tpu.memory_space<hbm>>) dst(%dma_wait3A_486 : memref<2x10x40xi32, #tpu.memory_space<vmem>>)
        } else {
        }
        %div3A_418 = arith.constant 10 : i32
        %div3A_419 = arith.divsi %add3A_388, %div3A_418 : i32
        %rem3A_420 = arith.constant 2 : i32
        %rem3A_421 = arith.remsi %add3A_388, %rem3A_420 : i32
        %rem3A_422 = arith.constant 2 : i32
        %rem3A_423 = arith.remsi %div3A_419, %rem3A_422 : i32
        %mul3A_424 = arith.constant 10 : i32
        %mul3A_425 = arith.muli %div3A_419, %mul3A_424 : i32
        %sub3A_426 = arith.subi %add3A_388, %mul3A_425 : i32
        %dma_start3A_427 = arith.constant 0 : i32
        %dma_start3A_428 = arith.constant 0 : i32
        %dma_start3A_429 = tpu.memref_slice %arg15[%rem3A_421, %dma_start3A_427, %dma_start3A_428] : memref<2x40x128xf32, #tpu.memory_space<vmem>> -> memref<1x40x128xf32, #tpu.memory_space<vmem>>
        %dma_start3A_430 = tpu.memref_squeeze %dma_start3A_429 : memref<1x40x128xf32, #tpu.memory_space<vmem>> -> memref<40x128xf32, #tpu.memory_space<vmem>>
        %dma_start3A_431 = arith.constant 0 : i32
        %dma_start3A_432 = arith.constant 0 : i32
        %dma_start3A_433 = tpu.memref_slice %arg8[%add3A, %add3A_388, %dma_start3A_431, %dma_start3A_432] : memref<32x250x40x128xf32, #tpu.memory_space<hbm>> -> memref<1x1x40x128xf32, #tpu.memory_space<hbm>>
        %dma_start3A_434 = tpu.memref_squeeze %dma_start3A_433 : memref<1x1x40x128xf32, #tpu.memory_space<hbm>> -> memref<40x128xf32, #tpu.memory_space<hbm>>
        %dma_start3A_435 = arith.constant 0 : i32
        %dma_start3A_436 = arith.constant 0 : i32
        %dma_start3A_437 = tpu.memref_slice %arg15[%rem3A_421, %dma_start3A_435, %dma_start3A_436] : memref<2x40x128xf32, #tpu.memory_space<vmem>> -> memref<1x40x128xf32, #tpu.memory_space<vmem>>
        %dma_start3A_438 = tpu.memref_squeeze %dma_start3A_437 : memref<1x40x128xf32, #tpu.memory_space<vmem>> -> memref<40x128xf32, #tpu.memory_space<vmem>>
        %dma_start3A_439 = arith.constant 0 : i32
        %dma_start3A_440 = arith.constant 0 : i32
        %dma_start3A_441 = tpu.memref_slice %arg8[%add3A, %add3A_388, %dma_start3A_439, %dma_start3A_440] : memref<32x250x40x128xf32, #tpu.memory_space<hbm>> -> memref<1x1x40x128xf32, #tpu.memory_space<hbm>>
        %dma_start3A_442 = tpu.memref_squeeze %dma_start3A_441 : memref<1x1x40x128xf32, #tpu.memory_space<hbm>> -> memref<40x128xf32, #tpu.memory_space<hbm>>
        tpu.enqueue_dma source(%dma_start3A_442 : memref<40x128xf32, #tpu.memory_space<hbm>>) target(%dma_start3A_438 : memref<40x128xf32, #tpu.memory_space<vmem>>) target_semaphore(%arg19 : memref<!tpu.dma_semaphore, #tpu.memory_space<semaphore_mem>>)
        %dma_start3A_443 = arith.constant 0 : i32
        %dma_start3A_444 = arith.constant 0 : i32
        %dma_start3A_445 = tpu.memref_slice %arg16[%rem3A_421, %dma_start3A_443, %dma_start3A_444] : memref<2x40x128xf32, #tpu.memory_space<vmem>> -> memref<1x40x128xf32, #tpu.memory_space<vmem>>
        %dma_start3A_446 = tpu.memref_squeeze %dma_start3A_445 : memref<1x40x128xf32, #tpu.memory_space<vmem>> -> memref<40x128xf32, #tpu.memory_space<vmem>>
        %dma_start3A_447 = arith.constant 0 : i32
        %dma_start3A_448 = arith.constant 0 : i32
        %dma_start3A_449 = tpu.memref_slice %arg10[%add3A, %add3A_388, %dma_start3A_447, %dma_start3A_448] : memref<32x250x40x128xf32, #tpu.memory_space<hbm>> -> memref<1x1x40x128xf32, #tpu.memory_space<hbm>>
        %dma_start3A_450 = tpu.memref_squeeze %dma_start3A_449 : memref<1x1x40x128xf32, #tpu.memory_space<hbm>> -> memref<40x128xf32, #tpu.memory_space<hbm>>
        %dma_start3A_451 = arith.constant 0 : i32
        %dma_start3A_452 = arith.constant 0 : i32
        %dma_start3A_453 = tpu.memref_slice %arg16[%rem3A_421, %dma_start3A_451, %dma_start3A_452] : memref<2x40x128xf32, #tpu.memory_space<vmem>> -> memref<1x40x128xf32, #tpu.memory_space<vmem>>
        %dma_start3A_454 = tpu.memref_squeeze %dma_start3A_453 : memref<1x40x128xf32, #tpu.memory_space<vmem>> -> memref<40x128xf32, #tpu.memory_space<vmem>>
        %dma_start3A_455 = arith.constant 0 : i32
        %dma_start3A_456 = arith.constant 0 : i32
        %dma_start3A_457 = tpu.memref_slice %arg10[%add3A, %add3A_388, %dma_start3A_455, %dma_start3A_456] : memref<32x250x40x128xf32, #tpu.memory_space<hbm>> -> memref<1x1x40x128xf32, #tpu.memory_space<hbm>>
        %dma_start3A_458 = tpu.memref_squeeze %dma_start3A_457 : memref<1x1x40x128xf32, #tpu.memory_space<hbm>> -> memref<40x128xf32, #tpu.memory_space<hbm>>
        tpu.enqueue_dma source(%dma_start3A_458 : memref<40x128xf32, #tpu.memory_space<hbm>>) target(%dma_start3A_454 : memref<40x128xf32, #tpu.memory_space<vmem>>) target_semaphore(%arg19 : memref<!tpu.dma_semaphore, #tpu.memory_space<semaphore_mem>>)
        %dma_start3A_459 = arith.constant 0 : i32
        %dma_start3A_460 = arith.constant 0 : i32
        %dma_start3A_461 = arith.constant 0 : i32
        %dma_start3A_462 = tpu.memref_slice %arg17[%rem3A_421, %dma_start3A_460, %dma_start3A_461] : memref<2x40x256xf32, #tpu.memory_space<vmem>> -> memref<1x40x256xf32, #tpu.memory_space<vmem>>
        %dma_start3A_463 = tpu.memref_squeeze %dma_start3A_462 : memref<1x40x256xf32, #tpu.memory_space<vmem>> -> memref<40x256xf32, #tpu.memory_space<vmem>>
        %dma_start3A_464 = arith.constant 0 : i32
        %dma_start3A_465 = tpu.memref_slice %arg14[%rem3A_423, %dma_start3A_459, %sub3A_426, %dma_start3A_464] : memref<2x2x10x40xi32, #tpu.memory_space<vmem>> -> memref<1x1x1x40xi32, #tpu.memory_space<vmem>>
        %dma_start3A_466 = tpu.memref_squeeze %dma_start3A_465 : memref<1x1x1x40xi32, #tpu.memory_space<vmem>> -> memref<40xi32, #tpu.memory_space<vmem>>
        %dma_start3A_467 = arith.constant 0 : i32
        %dma_start3A_468 = arith.constant 0 : i32
        %dma_start3A_469 = tpu.memref_slice %arg4[%dma_start3A_467, %dma_start3A_468] : memref<10000x256xf32, #tpu.memory_space<hbm>> -> memref<10000x256xf32, #tpu.memory_space<hbm>>
        tpu.enqueue_indirect_dma source(%dma_start3A_469 : memref<10000x256xf32, #tpu.memory_space<hbm>>) target(%dma_start3A_463 : memref<40x256xf32, #tpu.memory_space<vmem>>) offsets(%dma_start3A_466 : memref<40xi32, #tpu.memory_space<vmem>>) semaphore(%arg19 : memref<!tpu.dma_semaphore, #tpu.memory_space<semaphore_mem>>)
      } else {
      }
      %scan3A_394 = arith.constant 0 : i32
      %scan3A_395 = arith.constant 0 : i32
      %scan3A_396 = arith.constant 40 : i32
      %scan3A_397 = arith.addi %scan3A_395, %scan3A_396 : i32
      %scan3A_398 = arith.constant 1 : i32
      scf.for %scan3A_411 = %scan3A_395 to %scan3A_397 step %scan3A_398  : i32 {
        %get3A = arith.index_cast %rem3A_322 : i32 to index
        %get3A_412 = arith.index_cast %scan3A_411 : i32 to index
        %get3A_413 = arith.constant 0 : index
        %get3A_414 = tpu.vector_load %arg15[%get3A, %get3A_412, %get3A_413] {strides = array<i32>} : memref<2x40x128xf32, #tpu.memory_space<vmem>>, vector<1x1x16xf32>,
        %get3A_415 = vector.shape_cast %get3A_414 : vector<1x1x16xf32> to vector<16xf32>
        %get3A_416 = arith.index_cast %rem3A_322 : i32 to index
        %get3A_417 = arith.index_cast %scan3A_411 : i32 to index
        %get3A_418 = arith.constant 0 : index
        %get3A_419 = tpu.vector_load %arg17[%get3A_416, %get3A_417, %get3A_418] {strides = array<i32>} : memref<2x40x256xf32, #tpu.memory_space<vmem>>, vector<1x1x16xf32>,
        %get3A_420 = vector.shape_cast %get3A_419 : vector<1x1x16xf32> to vector<16xf32>
        %mul3A_421 = arith.mulf %get3A_415, %get3A_420 : vector<16xf32>
        %get3A_422 = arith.index_cast %rem3A_322 : i32 to index
        %get3A_423 = arith.index_cast %scan3A_411 : i32 to index
        %get3A_424 = arith.constant 0 : index
        %get3A_425 = tpu.vector_load %arg16[%get3A_422, %get3A_423, %get3A_424] {strides = array<i32>} : memref<2x40x128xf32, #tpu.memory_space<vmem>>, vector<1x1x16xf32>,
        %get3A_426 = vector.shape_cast %get3A_425 : vector<1x1x16xf32> to vector<16xf32>
        %get3A_427 = arith.index_cast %rem3A_322 : i32 to index
        %get3A_428 = arith.index_cast %scan3A_411 : i32 to index
        %get3A_429 = arith.constant 128 : index
        %get3A_430 = tpu.vector_load %arg17[%get3A_427, %get3A_428, %get3A_429] {strides = array<i32>} : memref<2x40x256xf32, #tpu.memory_space<vmem>>, vector<1x1x16xf32>,
        %get3A_431 = vector.shape_cast %get3A_430 : vector<1x1x16xf32> to vector<16xf32>
        %mul3A_432 = arith.mulf %get3A_426, %get3A_431 : vector<16xf32>
        %add3A_433 = arith.addf %mul3A_421, %mul3A_432 : vector<16xf32>
        %swap3A = arith.index_cast %rem3A_322 : i32 to index
        %swap3A_434 = arith.index_cast %scan3A_411 : i32 to index
        %swap3A_435 = arith.constant 0 : index
        %swap3A_436 = tpu.vector_load %arg15[%swap3A, %swap3A_434, %swap3A_435] {strides = array<i32>} : memref<2x40x128xf32, #tpu.memory_space<vmem>>, vector<1x1x16xf32>,
        %swap3A_437 = vector.shape_cast %swap3A_436 : vector<1x1x16xf32> to vector<16xf32>
        %swap3A_438 = vector.shape_cast %add3A_433 : vector<16xf32> to vector<1x1x16xf32>
        tpu.vector_store %arg15[%swap3A, %swap3A_434, %swap3A_435], %swap3A_438 {strides = array<i32>} : memref<2x40x128xf32, #tpu.memory_space<vmem>>, vector<1x1x16xf32>,
        %get3A_439 = arith.index_cast %rem3A_322 : i32 to index
        %get3A_440 = arith.index_cast %scan3A_411 : i32 to index
        %get3A_441 = arith.constant 16 : index
        %get3A_442 = tpu.vector_load %arg15[%get3A_439, %get3A_440, %get3A_441] {strides = array<i32>} : memref<2x40x128xf32, #tpu.memory_space<vmem>>, vector<1x1x16xf32>,
        %get3A_443 = vector.shape_cast %get3A_442 : vector<1x1x16xf32> to vector<16xf32>
        %get3A_444 = arith.index_cast %rem3A_322 : i32 to index
        %get3A_445 = arith.index_cast %scan3A_411 : i32 to index
        %get3A_446 = arith.constant 16 : index
        %get3A_447 = tpu.vector_load %arg17[%get3A_444, %get3A_445, %get3A_446] {strides = array<i32>} : memref<2x40x256xf32, #tpu.memory_space<vmem>>, vector<1x1x16xf32>,
        %get3A_448 = vector.shape_cast %get3A_447 : vector<1x1x16xf32> to vector<16xf32>
        %mul3A_449 = arith.mulf %get3A_443, %get3A_448 : vector<16xf32>
        %get3A_450 = arith.index_cast %rem3A_322 : i32 to index
        %get3A_451 = arith.index_cast %scan3A_411 : i32 to index
        %get3A_452 = arith.constant 16 : index
        %get3A_453 = tpu.vector_load %arg16[%get3A_450, %get3A_451, %get3A_452] {strides = array<i32>} : memref<2x40x128xf32, #tpu.memory_space<vmem>>, vector<1x1x16xf32>,
        %get3A_454 = vector.shape_cast %get3A_453 : vector<1x1x16xf32> to vector<16xf32>
        %get3A_455 = arith.index_cast %rem3A_322 : i32 to index
        %get3A_456 = arith.index_cast %scan3A_411 : i32 to index
        %get3A_457 = arith.constant 144 : index
        %get3A_458 = tpu.vector_load %arg17[%get3A_455, %get3A_456, %get3A_457] {strides = array<i32>} : memref<2x40x256xf32, #tpu.memory_space<vmem>>, vector<1x1x16xf32>,
        %get3A_459 = vector.shape_cast %get3A_458 : vector<1x1x16xf32> to vector<16xf32>
        %mul3A_460 = arith.mulf %get3A_454, %get3A_459 : vector<16xf32>
        %add3A_461 = arith.addf %mul3A_449, %mul3A_460 : vector<16xf32>
        %swap3A_462 = arith.index_cast %rem3A_322 : i32 to index
        %swap3A_463 = arith.index_cast %scan3A_411 : i32 to index
        %swap3A_464 = arith.constant 16 : index
        %swap3A_465 = tpu.vector_load %arg15[%swap3A_462, %swap3A_463, %swap3A_464] {strides = array<i32>} : memref<2x40x128xf32, #tpu.memory_space<vmem>>, vector<1x1x16xf32>,
        %swap3A_466 = vector.shape_cast %swap3A_465 : vector<1x1x16xf32> to vector<16xf32>
        %swap3A_467 = vector.shape_cast %add3A_461 : vector<16xf32> to vector<1x1x16xf32>
        tpu.vector_store %arg15[%swap3A_462, %swap3A_463, %swap3A_464], %swap3A_467 {strides = array<i32>} : memref<2x40x128xf32, #tpu.memory_space<vmem>>, vector<1x1x16xf32>,
        %get3A_468 = arith.index_cast %rem3A_322 : i32 to index
        %get3A_469 = arith.index_cast %scan3A_411 : i32 to index
        %get3A_470 = arith.constant 32 : index
        %get3A_471 = tpu.vector_load %arg15[%get3A_468, %get3A_469, %get3A_470] {strides = array<i32>} : memref<2x40x128xf32, #tpu.memory_space<vmem>>, vector<1x1x16xf32>,
        %get3A_472 = vector.shape_cast %get3A_471 : vector<1x1x16xf32> to vector<16xf32>
        %get3A_473 = arith.index_cast %rem3A_322 : i32 to index
        %get3A_474 = arith.index_cast %scan3A_411 : i32 to index
        %get3A_475 = arith.constant 32 : index
        %get3A_476 = tpu.vector_load %arg17[%get3A_473, %get3A_474, %get3A_475] {strides = array<i32>} : memref<2x40x256xf32, #tpu.memory_space<vmem>>, vector<1x1x16xf32>,
        %get3A_477 = vector.shape_cast %get3A_476 : vector<1x1x16xf32> to vector<16xf32>
        %mul3A_478 = arith.mulf %get3A_472, %get3A_477 : vector<16xf32>
        %get3A_479 = arith.index_cast %rem3A_322 : i32 to index
        %get3A_480 = arith.index_cast %scan3A_411 : i32 to index
        %get3A_481 = arith.constant 32 : index
        %get3A_482 = tpu.vector_load %arg16[%get3A_479, %get3A_480, %get3A_481] {strides = array<i32>} : memref<2x40x128xf32, #tpu.memory_space<vmem>>, vector<1x1x16xf32>,
        %get3A_483 = vector.shape_cast %get3A_482 : vector<1x1x16xf32> to vector<16xf32>
        %get3A_484 = arith.index_cast %rem3A_322 : i32 to index
        %get3A_485 = arith.index_cast %scan3A_411 : i32 to index
        %get3A_486 = arith.constant 160 : index
        %get3A_487 = tpu.vector_load %arg17[%get3A_484, %get3A_485, %get3A_486] {strides = array<i32>} : memref<2x40x256xf32, #tpu.memory_space<vmem>>, vector<1x1x16xf32>,
        %get3A_488 = vector.shape_cast %get3A_487 : vector<1x1x16xf32> to vector<16xf32>
        %mul3A_489 = arith.mulf %get3A_483, %get3A_488 : vector<16xf32>
        %add3A_490 = arith.addf %mul3A_478, %mul3A_489 : vector<16xf32>
        %swap3A_491 = arith.index_cast %rem3A_322 : i32 to index
        %swap3A_492 = arith.index_cast %scan3A_411 : i32 to index
        %swap3A_493 = arith.constant 32 : index
        %swap3A_494 = tpu.vector_load %arg15[%swap3A_491, %swap3A_492, %swap3A_493] {strides = array<i32>} : memref<2x40x128xf32, #tpu.memory_space<vmem>>, vector<1x1x16xf32>,
        %swap3A_495 = vector.shape_cast %swap3A_494 : vector<1x1x16xf32> to vector<16xf32>
        %swap3A_496 = vector.shape_cast %add3A_490 : vector<16xf32> to vector<1x1x16xf32>
        tpu.vector_store %arg15[%swap3A_491, %swap3A_492, %swap3A_493], %swap3A_496 {strides = array<i32>} : memref<2x40x128xf32, #tpu.memory_space<vmem>>, vector<1x1x16xf32>,
        %get3A_497 = arith.index_cast %rem3A_322 : i32 to index
        %get3A_498 = arith.index_cast %scan3A_411 : i32 to index
        %get3A_499 = arith.constant 48 : index
        %get3A_500 = tpu.vector_load %arg15[%get3A_497, %get3A_498, %get3A_499] {strides = array<i32>} : memref<2x40x128xf32, #tpu.memory_space<vmem>>, vector<1x1x16xf32>,
        %get3A_501 = vector.shape_cast %get3A_500 : vector<1x1x16xf32> to vector<16xf32>
        %get3A_502 = arith.index_cast %rem3A_322 : i32 to index
        %get3A_503 = arith.index_cast %scan3A_411 : i32 to index
        %get3A_504 = arith.constant 48 : index
        %get3A_505 = tpu.vector_load %arg17[%get3A_502, %get3A_503, %get3A_504] {strides = array<i32>} : memref<2x40x256xf32, #tpu.memory_space<vmem>>, vector<1x1x16xf32>,
        %get3A_506 = vector.shape_cast %get3A_505 : vector<1x1x16xf32> to vector<16xf32>
        %mul3A_507 = arith.mulf %get3A_501, %get3A_506 : vector<16xf32>
        %get3A_508 = arith.index_cast %rem3A_322 : i32 to index
        %get3A_509 = arith.index_cast %scan3A_411 : i32 to index
        %get3A_510 = arith.constant 48 : index
        %get3A_511 = tpu.vector_load %arg16[%get3A_508, %get3A_509, %get3A_510] {strides = array<i32>} : memref<2x40x128xf32, #tpu.memory_space<vmem>>, vector<1x1x16xf32>,
        %get3A_512 = vector.shape_cast %get3A_511 : vector<1x1x16xf32> to vector<16xf32>
        %get3A_513 = arith.index_cast %rem3A_322 : i32 to index
        %get3A_514 = arith.index_cast %scan3A_411 : i32 to index
        %get3A_515 = arith.constant 176 : index
        %get3A_516 = tpu.vector_load %arg17[%get3A_513, %get3A_514, %get3A_515] {strides = array<i32>} : memref<2x40x256xf32, #tpu.memory_space<vmem>>, vector<1x1x16xf32>,
        %get3A_517 = vector.shape_cast %get3A_516 : vector<1x1x16xf32> to vector<16xf32>
        %mul3A_518 = arith.mulf %get3A_512, %get3A_517 : vector<16xf32>
        %add3A_519 = arith.addf %mul3A_507, %mul3A_518 : vector<16xf32>
        %swap3A_520 = arith.index_cast %rem3A_322 : i32 to index
        %swap3A_521 = arith.index_cast %scan3A_411 : i32 to index
        %swap3A_522 = arith.constant 48 : index
        %swap3A_523 = tpu.vector_load %arg15[%swap3A_520, %swap3A_521, %swap3A_522] {strides = array<i32>} : memref<2x40x128xf32, #tpu.memory_space<vmem>>, vector<1x1x16xf32>,
        %swap3A_524 = vector.shape_cast %swap3A_523 : vector<1x1x16xf32> to vector<16xf32>
        %swap3A_525 = vector.shape_cast %add3A_519 : vector<16xf32> to vector<1x1x16xf32>
        tpu.vector_store %arg15[%swap3A_520, %swap3A_521, %swap3A_522], %swap3A_525 {strides = array<i32>} : memref<2x40x128xf32, #tpu.memory_space<vmem>>, vector<1x1x16xf32>,
        %get3A_526 = arith.index_cast %rem3A_322 : i32 to index
        %get3A_527 = arith.index_cast %scan3A_411 : i32 to index
        %get3A_528 = arith.constant 64 : index
        %get3A_529 = tpu.vector_load %arg15[%get3A_526, %get3A_527, %get3A_528] {strides = array<i32>} : memref<2x40x128xf32, #tpu.memory_space<vmem>>, vector<1x1x16xf32>,
        %get3A_530 = vector.shape_cast %get3A_529 : vector<1x1x16xf32> to vector<16xf32>
        %get3A_531 = arith.index_cast %rem3A_322 : i32 to index
        %get3A_532 = arith.index_cast %scan3A_411 : i32 to index
        %get3A_533 = arith.constant 64 : index
        %get3A_534 = tpu.vector_load %arg17[%get3A_531, %get3A_532, %get3A_533] {strides = array<i32>} : memref<2x40x256xf32, #tpu.memory_space<vmem>>, vector<1x1x16xf32>,
        %get3A_535 = vector.shape_cast %get3A_534 : vector<1x1x16xf32> to vector<16xf32>
        %mul3A_536 = arith.mulf %get3A_530, %get3A_535 : vector<16xf32>
        %get3A_537 = arith.index_cast %rem3A_322 : i32 to index
        %get3A_538 = arith.index_cast %scan3A_411 : i32 to index
        %get3A_539 = arith.constant 64 : index
        %get3A_540 = tpu.vector_load %arg16[%get3A_537, %get3A_538, %get3A_539] {strides = array<i32>} : memref<2x40x128xf32, #tpu.memory_space<vmem>>, vector<1x1x16xf32>,
        %get3A_541 = vector.shape_cast %get3A_540 : vector<1x1x16xf32> to vector<16xf32>
        %get3A_542 = arith.index_cast %rem3A_322 : i32 to index
        %get3A_543 = arith.index_cast %scan3A_411 : i32 to index
        %get3A_544 = arith.constant 192 : index
        %get3A_545 = tpu.vector_load %arg17[%get3A_542, %get3A_543, %get3A_544] {strides = array<i32>} : memref<2x40x256xf32, #tpu.memory_space<vmem>>, vector<1x1x16xf32>,
        %get3A_546 = vector.shape_cast %get3A_545 : vector<1x1x16xf32> to vector<16xf32>
        %mul3A_547 = arith.mulf %get3A_541, %get3A_546 : vector<16xf32>
        %add3A_548 = arith.addf %mul3A_536, %mul3A_547 : vector<16xf32>
        %swap3A_549 = arith.index_cast %rem3A_322 : i32 to index
        %swap3A_550 = arith.index_cast %scan3A_411 : i32 to index
        %swap3A_551 = arith.constant 64 : index
        %swap3A_552 = tpu.vector_load %arg15[%swap3A_549, %swap3A_550, %swap3A_551] {strides = array<i32>} : memref<2x40x128xf32, #tpu.memory_space<vmem>>, vector<1x1x16xf32>,
        %swap3A_553 = vector.shape_cast %swap3A_552 : vector<1x1x16xf32> to vector<16xf32>
        %swap3A_554 = vector.shape_cast %add3A_548 : vector<16xf32> to vector<1x1x16xf32>
        tpu.vector_store %arg15[%swap3A_549, %swap3A_550, %swap3A_551], %swap3A_554 {strides = array<i32>} : memref<2x40x128xf32, #tpu.memory_space<vmem>>, vector<1x1x16xf32>,
        %get3A_555 = arith.index_cast %rem3A_322 : i32 to index
        %get3A_556 = arith.index_cast %scan3A_411 : i32 to index
        %get3A_557 = arith.constant 80 : index
        %get3A_558 = tpu.vector_load %arg15[%get3A_555, %get3A_556, %get3A_557] {strides = array<i32>} : memref<2x40x128xf32, #tpu.memory_space<vmem>>, vector<1x1x16xf32>,
        %get3A_559 = vector.shape_cast %get3A_558 : vector<1x1x16xf32> to vector<16xf32>
        %get3A_560 = arith.index_cast %rem3A_322 : i32 to index
        %get3A_561 = arith.index_cast %scan3A_411 : i32 to index
        %get3A_562 = arith.constant 80 : index
        %get3A_563 = tpu.vector_load %arg17[%get3A_560, %get3A_561, %get3A_562] {strides = array<i32>} : memref<2x40x256xf32, #tpu.memory_space<vmem>>, vector<1x1x16xf32>,
        %get3A_564 = vector.shape_cast %get3A_563 : vector<1x1x16xf32> to vector<16xf32>
        %mul3A_565 = arith.mulf %get3A_559, %get3A_564 : vector<16xf32>
        %get3A_566 = arith.index_cast %rem3A_322 : i32 to index
        %get3A_567 = arith.index_cast %scan3A_411 : i32 to index
        %get3A_568 = arith.constant 80 : index
        %get3A_569 = tpu.vector_load %arg16[%get3A_566, %get3A_567, %get3A_568] {strides = array<i32>} : memref<2x40x128xf32, #tpu.memory_space<vmem>>, vector<1x1x16xf32>,
        %get3A_570 = vector.shape_cast %get3A_569 : vector<1x1x16xf32> to vector<16xf32>
        %get3A_571 = arith.index_cast %rem3A_322 : i32 to index
        %get3A_572 = arith.index_cast %scan3A_411 : i32 to index
        %get3A_573 = arith.constant 208 : index
        %get3A_574 = tpu.vector_load %arg17[%get3A_571, %get3A_572, %get3A_573] {strides = array<i32>} : memref<2x40x256xf32, #tpu.memory_space<vmem>>, vector<1x1x16xf32>,
        %get3A_575 = vector.shape_cast %get3A_574 : vector<1x1x16xf32> to vector<16xf32>
        %mul3A_576 = arith.mulf %get3A_570, %get3A_575 : vector<16xf32>
        %add3A_577 = arith.addf %mul3A_565, %mul3A_576 : vector<16xf32>
        %swap3A_578 = arith.index_cast %rem3A_322 : i32 to index
        %swap3A_579 = arith.index_cast %scan3A_411 : i32 to index
        %swap3A_580 = arith.constant 80 : index
        %swap3A_581 = tpu.vector_load %arg15[%swap3A_578, %swap3A_579, %swap3A_580] {strides = array<i32>} : memref<2x40x128xf32, #tpu.memory_space<vmem>>, vector<1x1x16xf32>,
        %swap3A_582 = vector.shape_cast %swap3A_581 : vector<1x1x16xf32> to vector<16xf32>
        %swap3A_583 = vector.shape_cast %add3A_577 : vector<16xf32> to vector<1x1x16xf32>
        tpu.vector_store %arg15[%swap3A_578, %swap3A_579, %swap3A_580], %swap3A_583 {strides = array<i32>} : memref<2x40x128xf32, #tpu.memory_space<vmem>>, vector<1x1x16xf32>,
        %get3A_584 = arith.index_cast %rem3A_322 : i32 to index
        %get3A_585 = arith.index_cast %scan3A_411 : i32 to index
        %get3A_586 = arith.constant 96 : index
        %get3A_587 = tpu.vector_load %arg15[%get3A_584, %get3A_585, %get3A_586] {strides = array<i32>} : memref<2x40x128xf32, #tpu.memory_space<vmem>>, vector<1x1x16xf32>,
        %get3A_588 = vector.shape_cast %get3A_587 : vector<1x1x16xf32> to vector<16xf32>
        %get3A_589 = arith.index_cast %rem3A_322 : i32 to index
        %get3A_590 = arith.index_cast %scan3A_411 : i32 to index
        %get3A_591 = arith.constant 96 : index
        %get3A_592 = tpu.vector_load %arg17[%get3A_589, %get3A_590, %get3A_591] {strides = array<i32>} : memref<2x40x256xf32, #tpu.memory_space<vmem>>, vector<1x1x16xf32>,
        %get3A_593 = vector.shape_cast %get3A_592 : vector<1x1x16xf32> to vector<16xf32>
        %mul3A_594 = arith.mulf %get3A_588, %get3A_593 : vector<16xf32>
        %get3A_595 = arith.index_cast %rem3A_322 : i32 to index
        %get3A_596 = arith.index_cast %scan3A_411 : i32 to index
        %get3A_597 = arith.constant 96 : index
        %get3A_598 = tpu.vector_load %arg16[%get3A_595, %get3A_596, %get3A_597] {strides = array<i32>} : memref<2x40x128xf32, #tpu.memory_space<vmem>>, vector<1x1x16xf32>,
        %get3A_599 = vector.shape_cast %get3A_598 : vector<1x1x16xf32> to vector<16xf32>
        %get3A_600 = arith.index_cast %rem3A_322 : i32 to index
        %get3A_601 = arith.index_cast %scan3A_411 : i32 to index
        %get3A_602 = arith.constant 224 : index
        %get3A_603 = tpu.vector_load %arg17[%get3A_600, %get3A_601, %get3A_602] {strides = array<i32>} : memref<2x40x256xf32, #tpu.memory_space<vmem>>, vector<1x1x16xf32>,
        %get3A_604 = vector.shape_cast %get3A_603 : vector<1x1x16xf32> to vector<16xf32>
        %mul3A_605 = arith.mulf %get3A_599, %get3A_604 : vector<16xf32>
        %add3A_606 = arith.addf %mul3A_594, %mul3A_605 : vector<16xf32>
        %swap3A_607 = arith.index_cast %rem3A_322 : i32 to index
        %swap3A_608 = arith.index_cast %scan3A_411 : i32 to index
        %swap3A_609 = arith.constant 96 : index
        %swap3A_610 = tpu.vector_load %arg15[%swap3A_607, %swap3A_608, %swap3A_609] {strides = array<i32>} : memref<2x40x128xf32, #tpu.memory_space<vmem>>, vector<1x1x16xf32>,
        %swap3A_611 = vector.shape_cast %swap3A_610 : vector<1x1x16xf32> to vector<16xf32>
        %swap3A_612 = vector.shape_cast %add3A_606 : vector<16xf32> to vector<1x1x16xf32>
        tpu.vector_store %arg15[%swap3A_607, %swap3A_608, %swap3A_609], %swap3A_612 {strides = array<i32>} : memref<2x40x128xf32, #tpu.memory_space<vmem>>, vector<1x1x16xf32>,
        %get3A_613 = arith.index_cast %rem3A_322 : i32 to index
        %get3A_614 = arith.index_cast %scan3A_411 : i32 to index
        %get3A_615 = arith.constant 112 : index
        %get3A_616 = tpu.vector_load %arg15[%get3A_613, %get3A_614, %get3A_615] {strides = array<i32>} : memref<2x40x128xf32, #tpu.memory_space<vmem>>, vector<1x1x16xf32>,
        %get3A_617 = vector.shape_cast %get3A_616 : vector<1x1x16xf32> to vector<16xf32>
        %get3A_618 = arith.index_cast %rem3A_322 : i32 to index
        %get3A_619 = arith.index_cast %scan3A_411 : i32 to index
        %get3A_620 = arith.constant 112 : index
        %get3A_621 = tpu.vector_load %arg17[%get3A_618, %get3A_619, %get3A_620] {strides = array<i32>} : memref<2x40x256xf32, #tpu.memory_space<vmem>>, vector<1x1x16xf32>,
        %get3A_622 = vector.shape_cast %get3A_621 : vector<1x1x16xf32> to vector<16xf32>
        %mul3A_623 = arith.mulf %get3A_617, %get3A_622 : vector<16xf32>
        %get3A_624 = arith.index_cast %rem3A_322 : i32 to index
        %get3A_625 = arith.index_cast %scan3A_411 : i32 to index
        %get3A_626 = arith.constant 112 : index
        %get3A_627 = tpu.vector_load %arg16[%get3A_624, %get3A_625, %get3A_626] {strides = array<i32>} : memref<2x40x128xf32, #tpu.memory_space<vmem>>, vector<1x1x16xf32>,
        %get3A_628 = vector.shape_cast %get3A_627 : vector<1x1x16xf32> to vector<16xf32>
        %get3A_629 = arith.index_cast %rem3A_322 : i32 to index
        %get3A_630 = arith.index_cast %scan3A_411 : i32 to index
        %get3A_631 = arith.constant 240 : index
        %get3A_632 = tpu.vector_load %arg17[%get3A_629, %get3A_630, %get3A_631] {strides = array<i32>} : memref<2x40x256xf32, #tpu.memory_space<vmem>>, vector<1x1x16xf32>,
        %get3A_633 = vector.shape_cast %get3A_632 : vector<1x1x16xf32> to vector<16xf32>
        %mul3A_634 = arith.mulf %get3A_628, %get3A_633 : vector<16xf32>
        %add3A_635 = arith.addf %mul3A_623, %mul3A_634 : vector<16xf32>
        %swap3A_636 = arith.index_cast %rem3A_322 : i32 to index
        %swap3A_637 = arith.index_cast %scan3A_411 : i32 to index
        %swap3A_638 = arith.constant 112 : index
        %swap3A_639 = tpu.vector_load %arg15[%swap3A_636, %swap3A_637, %swap3A_638] {strides = array<i32>} : memref<2x40x128xf32, #tpu.memory_space<vmem>>, vector<1x1x16xf32>,
        %swap3A_640 = vector.shape_cast %swap3A_639 : vector<1x1x16xf32> to vector<16xf32>
        %swap3A_641 = vector.shape_cast %add3A_635 : vector<16xf32> to vector<1x1x16xf32>
        tpu.vector_store %arg15[%swap3A_636, %swap3A_637, %swap3A_638], %swap3A_641 {strides = array<i32>} : memref<2x40x128xf32, #tpu.memory_space<vmem>>, vector<1x1x16xf32>,
      }
      %scan3A_399 = arith.constant 40 : i32
      %dma_start3A_400 = arith.constant 1 : i32
      %dma_start3A_401 = arith.constant 0 : i32
      %dma_start3A_402 = arith.constant 0 : i32
      %dma_start3A_403 = tpu.memref_slice %arg15[%rem3A_322, %dma_start3A_401, %dma_start3A_402] : memref<2x40x128xf32, #tpu.memory_space<vmem>> -> memref<1x40x128xf32, #tpu.memory_space<vmem>>
      %dma_start3A_404 = tpu.memref_squeeze %dma_start3A_403 : memref<1x40x128xf32, #tpu.memory_space<vmem>> -> memref<40x128xf32, #tpu.memory_space<vmem>>
      %dma_start3A_405 = arith.constant 0 : i32
      %dma_start3A_406 = tpu.memref_slice %arg14[%rem3A_327, %dma_start3A_400, %sub3A, %dma_start3A_405] : memref<2x2x10x40xi32, #tpu.memory_space<vmem>> -> memref<1x1x1x40xi32, #tpu.memory_space<vmem>>
      %dma_start3A_407 = tpu.memref_squeeze %dma_start3A_406 : memref<1x1x1x40xi32, #tpu.memory_space<vmem>> -> memref<40xi32, #tpu.memory_space<vmem>>
      %dma_start3A_408 = arith.constant 0 : i32
      %dma_start3A_409 = arith.constant 0 : i32
      %dma_start3A_410 = tpu.memref_slice %arg18[%dma_start3A_408, %dma_start3A_409] : memref<10000x128xf32, #tpu.memory_space<vmem_shared>> -> memref<10000x128xf32, #tpu.memory_space<vmem_shared>>
      tpu.enqueue_indirect_dma source(%dma_start3A_404 : memref<40x128xf32, #tpu.memory_space<vmem>>) target(%dma_start3A_410 : memref<10000x128xf32, #tpu.memory_space<vmem_shared>>) offsets(%dma_start3A_407 : memref<40xi32, #tpu.memory_space<vmem>>) semaphore(%arg20 : memref<!tpu.dma_semaphore, #tpu.memory_space<semaphore_mem>>) {add = true}
    }
    %scan3A_212 = arith.constant 250 : i32
    %dma_wait3A_213 = arith.constant 0 : i32
    %dma_wait3A_214 = arith.constant 0 : i32
    %dma_wait3A_215 = arith.constant 1 : i32
    %dma_wait3A_216 = arith.constant 0 : i32
    %dma_wait3A_217 = arith.constant 0 : i32
    %dma_wait3A_218 = arith.constant 0 : i32
    %dma_wait3A_219 = tpu.memref_slice %arg15[%dma_wait3A_213, %dma_wait3A_217, %dma_wait3A_218] : memref<2x40x128xf32, #tpu.memory_space<vmem>> -> memref<1x40x128xf32, #tpu.memory_space<vmem>>
    %dma_wait3A_220 = tpu.memref_squeeze %dma_wait3A_219 : memref<1x40x128xf32, #tpu.memory_space<vmem>> -> memref<40x128xf32, #tpu.memory_space<vmem>>
    %dma_wait3A_221 = arith.constant 0 : i32
    %dma_wait3A_222 = tpu.memref_slice %arg14[%dma_wait3A_214, %dma_wait3A_215, %dma_wait3A_216, %dma_wait3A_221] : memref<2x2x10x40xi32, #tpu.memory_space<vmem>> -> memref<1x1x1x40xi32, #tpu.memory_space<vmem>>
    %dma_wait3A_223 = tpu.memref_squeeze %dma_wait3A_222 : memref<1x1x1x40xi32, #tpu.memory_space<vmem>> -> memref<40xi32, #tpu.memory_space<vmem>>
    %dma_wait3A_224 = arith.constant 0 : i32
    %dma_wait3A_225 = arith.constant 0 : i32
    %dma_wait3A_226 = tpu.memref_slice %arg18[%dma_wait3A_224, %dma_wait3A_225] : memref<10000x128xf32, #tpu.memory_space<vmem_shared>> -> memref<10000x128xf32, #tpu.memory_space<vmem_shared>>
    tpu.wait_indirect_dma semaphore(%arg20 : memref<!tpu.dma_semaphore, #tpu.memory_space<semaphore_mem>>) src(%dma_wait3A_220 : memref<40x128xf32, #tpu.memory_space<vmem>>) dst(%dma_wait3A_226 : memref<10000x128xf32, #tpu.memory_space<vmem_shared>>)
    %barrier3A_227 = arith.constant 0 : index
    tpu.barrier barrier_id(%barrier3A_227)
    %run_scoped3A_228 = arith.constant 2 : i32
    "tpu.region"() ({
      %run_scoped3A_321 = tpu.sem_alloc : memref<!tpu.dma_semaphore, #tpu.memory_space<semaphore_mem>>
      %dma_start3A_322 = arith.constant 0 : i32
      %dma_start3A_323 = tpu.memref_slice %arg13[%run_scoped3A_228, %arg0, %mul3A_2, %dma_start3A_322] : memref<4x2x10000x128xf32, #tpu.memory_space<hbm>> -> memref<1x1x624x128xf32, #tpu.memory_space<hbm>>
      %dma_start3A_324 = tpu.memref_squeeze %dma_start3A_323 : memref<1x1x624x128xf32, #tpu.memory_space<hbm>> -> memref<624x128xf32, #tpu.memory_space<hbm>>
      %dma_start3A_325 = arith.constant 0 : i32
      %dma_start3A_326 = tpu.memref_slice %arg18[%mul3A_2, %dma_start3A_325] : memref<10000x128xf32, #tpu.memory_space<vmem_shared>> -> memref<624x128xf32, #tpu.memory_space<vmem_shared>>
      tpu.enqueue_dma source(%dma_start3A_326 : memref<624x128xf32, #tpu.memory_space<vmem_shared>>) target(%dma_start3A_324 : memref<624x128xf32, #tpu.memory_space<hbm>>) target_semaphore(%run_scoped3A_321 : memref<!tpu.dma_semaphore, #tpu.memory_space<semaphore_mem>>)
      %dma_wait3A_327 = arith.constant 0 : i32
      %dma_wait3A_328 = tpu.memref_slice %arg13[%run_scoped3A_228, %arg0, %mul3A_2, %dma_wait3A_327] : memref<4x2x10000x128xf32, #tpu.memory_space<hbm>> -> memref<1x1x624x128xf32, #tpu.memory_space<hbm>>
      %dma_wait3A_329 = tpu.memref_squeeze %dma_wait3A_328 : memref<1x1x624x128xf32, #tpu.memory_space<hbm>> -> memref<624x128xf32, #tpu.memory_space<hbm>>
      %dma_wait3A_330 = arith.constant 0 : i32
      %dma_wait3A_331 = tpu.memref_slice %arg18[%mul3A_2, %dma_wait3A_330] : memref<10000x128xf32, #tpu.memory_space<vmem_shared>> -> memref<624x128xf32, #tpu.memory_space<vmem_shared>>
      tpu.wait_dma2 semaphore(%run_scoped3A_321 : memref<!tpu.dma_semaphore, #tpu.memory_space<semaphore_mem>>) src(%dma_wait3A_331 : memref<624x128xf32, #tpu.memory_space<vmem_shared>>) dst(%dma_wait3A_329 : memref<624x128xf32, #tpu.memory_space<hbm>>)
      tpu.yield
    }) : () -> ()
    %eq3A_229 = arith.constant 15 : i32
    %eq3A_230 = arith.cmpi eq, %arg1, %eq3A_229 : i32
    %convert_element_type3A_231 = arith.extui %eq3A_230 : i1 to i32
    %cond3A_232 = arith.constant 0 : i32
    %cond3A_233 = arith.cmpi ne, %convert_element_type3A_231, %cond3A_232 : i32
    scf.if %cond3A_233 {
      %run_scoped3A_321 = arith.constant 2 : i32
      "tpu.region"() ({
        %run_scoped3A_322 = tpu.sem_alloc : memref<!tpu.dma_semaphore, #tpu.memory_space<semaphore_mem>>
        %dma_start3A_323 = arith.constant 9984 : i32
        %dma_start3A_324 = arith.constant 0 : i32
        %dma_start3A_325 = tpu.memref_slice %arg13[%run_scoped3A_321, %arg0, %dma_start3A_323, %dma_start3A_324] : memref<4x2x10000x128xf32, #tpu.memory_space<hbm>> -> memref<1x1x16x128xf32, #tpu.memory_space<hbm>>
        %dma_start3A_326 = tpu.memref_squeeze %dma_start3A_325 : memref<1x1x16x128xf32, #tpu.memory_space<hbm>> -> memref<16x128xf32, #tpu.memory_space<hbm>>
        %dma_start3A_327 = arith.constant 9984 : i32
        %dma_start3A_328 = arith.constant 0 : i32
        %dma_start3A_329 = tpu.memref_slice %arg18[%dma_start3A_327, %dma_start3A_328] : memref<10000x128xf32, #tpu.memory_space<vmem_shared>> -> memref<16x128xf32, #tpu.memory_space<vmem_shared>>
        tpu.enqueue_dma source(%dma_start3A_329 : memref<16x128xf32, #tpu.memory_space<vmem_shared>>) target(%dma_start3A_326 : memref<16x128xf32, #tpu.memory_space<hbm>>) target_semaphore(%run_scoped3A_322 : memref<!tpu.dma_semaphore, #tpu.memory_space<semaphore_mem>>)
        %dma_wait3A_330 = arith.constant 9984 : i32
        %dma_wait3A_331 = arith.constant 0 : i32
        %dma_wait3A_332 = tpu.memref_slice %arg13[%run_scoped3A_321, %arg0, %dma_wait3A_330, %dma_wait3A_331] : memref<4x2x10000x128xf32, #tpu.memory_space<hbm>> -> memref<1x1x16x128xf32, #tpu.memory_space<hbm>>
        %dma_wait3A_333 = tpu.memref_squeeze %dma_wait3A_332 : memref<1x1x16x128xf32, #tpu.memory_space<hbm>> -> memref<16x128xf32, #tpu.memory_space<hbm>>
        %dma_wait3A_334 = arith.constant 9984 : i32
        %dma_wait3A_335 = arith.constant 0 : i32
        %dma_wait3A_336 = tpu.memref_slice %arg18[%dma_wait3A_334, %dma_wait3A_335] : memref<10000x128xf32, #tpu.memory_space<vmem_shared>> -> memref<16x128xf32, #tpu.memory_space<vmem_shared>>
        tpu.wait_dma2 semaphore(%run_scoped3A_322 : memref<!tpu.dma_semaphore, #tpu.memory_space<semaphore_mem>>) src(%dma_wait3A_336 : memref<16x128xf32, #tpu.memory_space<vmem_shared>>) dst(%dma_wait3A_333 : memref<16x128xf32, #tpu.memory_space<hbm>>)
        tpu.yield
      }) : () -> ()
    } else {
    }
    %barrier3A_234 = arith.constant 0 : index
    tpu.barrier barrier_id(%barrier3A_234)
    "tpu.region"() ({
      %run_scoped3A_321 = tpu.sem_alloc : memref<!tpu.dma_semaphore, #tpu.memory_space<semaphore_mem>>
      %dma_start3A_322 = arith.constant 0 : i32
      %dma_start3A_323 = tpu.memref_slice %arg18[%mul3A_2, %dma_start3A_322] : memref<10000x128xf32, #tpu.memory_space<vmem_shared>> -> memref<624x128xf32, #tpu.memory_space<vmem_shared>>
      %dma_start3A_324 = arith.constant 0 : i32
      %dma_start3A_325 = tpu.memref_slice %arg12[%mul3A_2, %dma_start3A_324] : memref<10000x128xf32, #tpu.memory_space<hbm>> -> memref<624x128xf32, #tpu.memory_space<hbm>>
      tpu.enqueue_dma source(%dma_start3A_325 : memref<624x128xf32, #tpu.memory_space<hbm>>) target(%dma_start3A_323 : memref<624x128xf32, #tpu.memory_space<vmem_shared>>) target_semaphore(%run_scoped3A_321 : memref<!tpu.dma_semaphore, #tpu.memory_space<semaphore_mem>>)
      %dma_wait3A_326 = arith.constant 0 : i32
      %dma_wait3A_327 = tpu.memref_slice %arg18[%mul3A_2, %dma_wait3A_326] : memref<10000x128xf32, #tpu.memory_space<vmem_shared>> -> memref<624x128xf32, #tpu.memory_space<vmem_shared>>
      %dma_wait3A_328 = arith.constant 0 : i32
      %dma_wait3A_329 = tpu.memref_slice %arg12[%mul3A_2, %dma_wait3A_328] : memref<10000x128xf32, #tpu.memory_space<hbm>> -> memref<624x128xf32, #tpu.memory_space<hbm>>
      tpu.wait_dma2 semaphore(%run_scoped3A_321 : memref<!tpu.dma_semaphore, #tpu.memory_space<semaphore_mem>>) src(%dma_wait3A_329 : memref<624x128xf32, #tpu.memory_space<hbm>>) dst(%dma_wait3A_327 : memref<624x128xf32, #tpu.memory_space<vmem_shared>>)
      tpu.yield
    }) : () -> ()
    %eq3A_235 = arith.constant 15 : i32
    %eq3A_236 = arith.cmpi eq, %arg1, %eq3A_235 : i32
    %convert_element_type3A_237 = arith.extui %eq3A_236 : i1 to i32
    %cond3A_238 = arith.constant 0 : i32
    %cond3A_239 = arith.cmpi ne, %convert_element_type3A_237, %cond3A_238 : i32
    scf.if %cond3A_239 {
      "tpu.region"() ({
        %run_scoped3A_321 = tpu.sem_alloc : memref<!tpu.dma_semaphore, #tpu.memory_space<semaphore_mem>>
        %dma_start3A_322 = arith.constant 9984 : i32
        %dma_start3A_323 = arith.constant 0 : i32
        %dma_start3A_324 = tpu.memref_slice %arg18[%dma_start3A_322, %dma_start3A_323] : memref<10000x128xf32, #tpu.memory_space<vmem_shared>> -> memref<16x128xf32, #tpu.memory_space<vmem_shared>>
        %dma_start3A_325 = arith.constant 9984 : i32
        %dma_start3A_326 = arith.constant 0 : i32
        %dma_start3A_327 = tpu.memref_slice %arg12[%dma_start3A_325, %dma_start3A_326] : memref<10000x128xf32, #tpu.memory_space<hbm>> -> memref<16x128xf32, #tpu.memory_space<hbm>>
        tpu.enqueue_dma source(%dma_start3A_327 : memref<16x128xf32, #tpu.memory_space<hbm>>) target(%dma_start3A_324 : memref<16x128xf32, #tpu.memory_space<vmem_shared>>) target_semaphore(%run_scoped3A_321 : memref<!tpu.dma_semaphore, #tpu.memory_space<semaphore_mem>>)
        %dma_wait3A_328 = arith.constant 9984 : i32
        %dma_wait3A_329 = arith.constant 0 : i32
        %dma_wait3A_330 = tpu.memref_slice %arg18[%dma_wait3A_328, %dma_wait3A_329] : memref<10000x128xf32, #tpu.memory_space<vmem_shared>> -> memref<16x128xf32, #tpu.memory_space<vmem_shared>>
        %dma_wait3A_331 = arith.constant 9984 : i32
        %dma_wait3A_332 = arith.constant 0 : i32
        %dma_wait3A_333 = tpu.memref_slice %arg12[%dma_wait3A_331, %dma_wait3A_332] : memref<10000x128xf32, #tpu.memory_space<hbm>> -> memref<16x128xf32, #tpu.memory_space<hbm>>
        tpu.wait_dma2 semaphore(%run_scoped3A_321 : memref<!tpu.dma_semaphore, #tpu.memory_space<semaphore_mem>>) src(%dma_wait3A_333 : memref<16x128xf32, #tpu.memory_space<hbm>>) dst(%dma_wait3A_330 : memref<16x128xf32, #tpu.memory_space<vmem_shared>>)
        tpu.yield
      }) : () -> ()
    } else {
    }
    %barrier3A_240 = arith.constant 0 : index
    tpu.barrier barrier_id(%barrier3A_240)
    %run_scoped3A_241 = arith.constant 0 : i32
    %run_scoped3A_242 = arith.constant 0 : i32
    "tpu.region"() ({
      %run_scoped3A_321 = tpu.sem_alloc : memref<!tpu.dma_semaphore, #tpu.memory_space<semaphore_mem>>
      %dma_start3A_322 = arith.constant 0 : i32
      %dma_start3A_323 = arith.constant 0 : i32
      %dma_start3A_324 = arith.constant 0 : i32
      %dma_start3A_325 = tpu.memref_slice %arg14[%run_scoped3A_242, %dma_start3A_322, %dma_start3A_323, %dma_start3A_324] : memref<2x2x10x40xi32, #tpu.memory_space<vmem>> -> memref<1x2x10x40xi32, #tpu.memory_space<vmem>>
      %dma_start3A_326 = tpu.memref_squeeze %dma_start3A_325 : memref<1x2x10x40xi32, #tpu.memory_space<vmem>> -> memref<2x10x40xi32, #tpu.memory_space<vmem>>
      %dma_start3A_327 = arith.constant 0 : i32
      %dma_start3A_328 = arith.constant 0 : i32
      %dma_start3A_329 = arith.constant 0 : i32
      %dma_start3A_330 = tpu.memref_slice %arg11[%add3A, %run_scoped3A_241, %dma_start3A_327, %dma_start3A_328, %dma_start3A_329] : memref<32x25x2x10x40xi32, #tpu.memory_space<hbm>> -> memref<1x1x2x10x40xi32, #tpu.memory_space<hbm>>
      %dma_start3A_331 = tpu.memref_squeeze %dma_start3A_330 : memref<1x1x2x10x40xi32, #tpu.memory_space<hbm>> -> memref<2x10x40xi32, #tpu.memory_space<hbm>>
      %dma_start3A_332 = arith.constant 0 : i32
      %dma_start3A_333 = arith.constant 0 : i32
      %dma_start3A_334 = arith.constant 0 : i32
      %dma_start3A_335 = tpu.memref_slice %arg14[%run_scoped3A_242, %dma_start3A_332, %dma_start3A_333, %dma_start3A_334] : memref<2x2x10x40xi32, #tpu.memory_space<vmem>> -> memref<1x2x10x40xi32, #tpu.memory_space<vmem>>
      %dma_start3A_336 = tpu.memref_squeeze %dma_start3A_335 : memref<1x2x10x40xi32, #tpu.memory_space<vmem>> -> memref<2x10x40xi32, #tpu.memory_space<vmem>>
      %dma_start3A_337 = arith.constant 0 : i32
      %dma_start3A_338 = arith.constant 0 : i32
      %dma_start3A_339 = arith.constant 0 : i32
      %dma_start3A_340 = tpu.memref_slice %arg11[%add3A, %run_scoped3A_241, %dma_start3A_337, %dma_start3A_338, %dma_start3A_339] : memref<32x25x2x10x40xi32, #tpu.memory_space<hbm>> -> memref<1x1x2x10x40xi32, #tpu.memory_space<hbm>>
      %dma_start3A_341 = tpu.memref_squeeze %dma_start3A_340 : memref<1x1x2x10x40xi32, #tpu.memory_space<hbm>> -> memref<2x10x40xi32, #tpu.memory_space<hbm>>
      tpu.enqueue_dma source(%dma_start3A_341 : memref<2x10x40xi32, #tpu.memory_space<hbm>>) target(%dma_start3A_336 : memref<2x10x40xi32, #tpu.memory_space<vmem>>) target_semaphore(%run_scoped3A_321 : memref<!tpu.dma_semaphore, #tpu.memory_space<semaphore_mem>>)
      %dma_wait3A_342 = arith.constant 0 : i32
      %dma_wait3A_343 = arith.constant 0 : i32
      %dma_wait3A_344 = arith.constant 0 : i32
      %dma_wait3A_345 = tpu.memref_slice %arg14[%run_scoped3A_242, %dma_wait3A_342, %dma_wait3A_343, %dma_wait3A_344] : memref<2x2x10x40xi32, #tpu.memory_space<vmem>> -> memref<1x2x10x40xi32, #tpu.memory_space<vmem>>
      %dma_wait3A_346 = tpu.memref_squeeze %dma_wait3A_345 : memref<1x2x10x40xi32, #tpu.memory_space<vmem>> -> memref<2x10x40xi32, #tpu.memory_space<vmem>>
      %dma_wait3A_347 = arith.constant 0 : i32
      %dma_wait3A_348 = arith.constant 0 : i32
      %dma_wait3A_349 = arith.constant 0 : i32
      %dma_wait3A_350 = tpu.memref_slice %arg11[%add3A, %run_scoped3A_241, %dma_wait3A_347, %dma_wait3A_348, %dma_wait3A_349] : memref<32x25x2x10x40xi32, #tpu.memory_space<hbm>> -> memref<1x1x2x10x40xi32, #tpu.memory_space<hbm>>
      %dma_wait3A_351 = tpu.memref_squeeze %dma_wait3A_350 : memref<1x1x2x10x40xi32, #tpu.memory_space<hbm>> -> memref<2x10x40xi32, #tpu.memory_space<hbm>>
      %dma_wait3A_352 = arith.constant 0 : i32
      %dma_wait3A_353 = arith.constant 0 : i32
      %dma_wait3A_354 = arith.constant 0 : i32
      %dma_wait3A_355 = tpu.memref_slice %arg14[%run_scoped3A_242, %dma_wait3A_352, %dma_wait3A_353, %dma_wait3A_354] : memref<2x2x10x40xi32, #tpu.memory_space<vmem>> -> memref<1x2x10x40xi32, #tpu.memory_space<vmem>>
      %dma_wait3A_356 = tpu.memref_squeeze %dma_wait3A_355 : memref<1x2x10x40xi32, #tpu.memory_space<vmem>> -> memref<2x10x40xi32, #tpu.memory_space<vmem>>
      %dma_wait3A_357 = arith.constant 0 : i32
      %dma_wait3A_358 = arith.constant 0 : i32
      %dma_wait3A_359 = arith.constant 0 : i32
      %dma_wait3A_360 = tpu.memref_slice %arg11[%add3A, %run_scoped3A_241, %dma_wait3A_357, %dma_wait3A_358, %dma_wait3A_359] : memref<32x25x2x10x40xi32, #tpu.memory_space<hbm>> -> memref<1x1x2x10x40xi32, #tpu.memory_space<hbm>>
      %dma_wait3A_361 = tpu.memref_squeeze %dma_wait3A_360 : memref<1x1x2x10x40xi32, #tpu.memory_space<hbm>> -> memref<2x10x40xi32, #tpu.memory_space<hbm>>
      tpu.wait_dma2 semaphore(%run_scoped3A_321 : memref<!tpu.dma_semaphore, #tpu.memory_space<semaphore_mem>>) src(%dma_wait3A_361 : memref<2x10x40xi32, #tpu.memory_space<hbm>>) dst(%dma_wait3A_356 : memref<2x10x40xi32, #tpu.memory_space<vmem>>)
      tpu.yield
    }) : () -> ()
    %dma_start3A_243 = arith.constant 0 : i32
    %dma_start3A_244 = arith.constant 0 : i32
    %dma_start3A_245 = arith.constant 0 : i32
    %dma_start3A_246 = arith.constant 0 : i32
    %dma_start3A_247 = tpu.memref_slice %arg15[%dma_start3A_244, %dma_start3A_245, %dma_start3A_246] : memref<2x40x128xf32, #tpu.memory_space<vmem>> -> memref<1x40x128xf32, #tpu.memory_space<vmem>>
    %dma_start3A_248 = tpu.memref_squeeze %dma_start3A_247 : memref<1x40x128xf32, #tpu.memory_space<vmem>> -> memref<40x128xf32, #tpu.memory_space<vmem>>
    %dma_start3A_249 = arith.constant 0 : i32
    %dma_start3A_250 = arith.constant 0 : i32
    %dma_start3A_251 = tpu.memref_slice %arg9[%add3A, %dma_start3A_243, %dma_start3A_249, %dma_start3A_250] : memref<32x250x40x128xf32, #tpu.memory_space<hbm>> -> memref<1x1x40x128xf32, #tpu.memory_space<hbm>>
    %dma_start3A_252 = tpu.memref_squeeze %dma_start3A_251 : memref<1x1x40x128xf32, #tpu.memory_space<hbm>> -> memref<40x128xf32, #tpu.memory_space<hbm>>
    %dma_start3A_253 = arith.constant 0 : i32
    %dma_start3A_254 = arith.constant 0 : i32
    %dma_start3A_255 = tpu.memref_slice %arg15[%dma_start3A_244, %dma_start3A_253, %dma_start3A_254] : memref<2x40x128xf32, #tpu.memory_space<vmem>> -> memref<1x40x128xf32, #tpu.memory_space<vmem>>
    %dma_start3A_256 = tpu.memref_squeeze %dma_start3A_255 : memref<1x40x128xf32, #tpu.memory_space<vmem>> -> memref<40x128xf32, #tpu.memory_space<vmem>>
    %dma_start3A_257 = arith.constant 0 : i32
    %dma_start3A_258 = arith.constant 0 : i32
    %dma_start3A_259 = tpu.memref_slice %arg9[%add3A, %dma_start3A_243, %dma_start3A_257, %dma_start3A_258] : memref<32x250x40x128xf32, #tpu.memory_space<hbm>> -> memref<1x1x40x128xf32, #tpu.memory_space<hbm>>
    %dma_start3A_260 = tpu.memref_squeeze %dma_start3A_259 : memref<1x1x40x128xf32, #tpu.memory_space<hbm>> -> memref<40x128xf32, #tpu.memory_space<hbm>>
    tpu.enqueue_dma source(%dma_start3A_260 : memref<40x128xf32, #tpu.memory_space<hbm>>) target(%dma_start3A_256 : memref<40x128xf32, #tpu.memory_space<vmem>>) target_semaphore(%arg19 : memref<!tpu.dma_semaphore, #tpu.memory_space<semaphore_mem>>)
    %dma_start3A_261 = arith.constant 0 : i32
    %dma_start3A_262 = arith.constant 0 : i32
    %dma_start3A_263 = arith.constant 0 : i32
    %dma_start3A_264 = arith.constant 0 : i32
    %dma_start3A_265 = tpu.memref_slice %arg16[%dma_start3A_262, %dma_start3A_263, %dma_start3A_264] : memref<2x40x128xf32, #tpu.memory_space<vmem>> -> memref<1x40x128xf32, #tpu.memory_space<vmem>>
    %dma_start3A_266 = tpu.memref_squeeze %dma_start3A_265 : memref<1x40x128xf32, #tpu.memory_space<vmem>> -> memref<40x128xf32, #tpu.memory_space<vmem>>
    %dma_start3A_267 = arith.constant 0 : i32
    %dma_start3A_268 = arith.constant 0 : i32
    %dma_start3A_269 = tpu.memref_slice %arg10[%add3A, %dma_start3A_261, %dma_start3A_267, %dma_start3A_268] : memref<32x250x40x128xf32, #tpu.memory_space<hbm>> -> memref<1x1x40x128xf32, #tpu.memory_space<hbm>>
    %dma_start3A_270 = tpu.memref_squeeze %dma_start3A_269 : memref<1x1x40x128xf32, #tpu.memory_space<hbm>> -> memref<40x128xf32, #tpu.memory_space<hbm>>
    %dma_start3A_271 = arith.constant 0 : i32
    %dma_start3A_272 = arith.constant 0 : i32
    %dma_start3A_273 = tpu.memref_slice %arg16[%dma_start3A_262, %dma_start3A_271, %dma_start3A_272] : memref<2x40x128xf32, #tpu.memory_space<vmem>> -> memref<1x40x128xf32, #tpu.memory_space<vmem>>
    %dma_start3A_274 = tpu.memref_squeeze %dma_start3A_273 : memref<1x40x128xf32, #tpu.memory_space<vmem>> -> memref<40x128xf32, #tpu.memory_space<vmem>>
    %dma_start3A_275 = arith.constant 0 : i32
    %dma_start3A_276 = arith.constant 0 : i32
    %dma_start3A_277 = tpu.memref_slice %arg10[%add3A, %dma_start3A_261, %dma_start3A_275, %dma_start3A_276] : memref<32x250x40x128xf32, #tpu.memory_space<hbm>> -> memref<1x1x40x128xf32, #tpu.memory_space<hbm>>
    %dma_start3A_278 = tpu.memref_squeeze %dma_start3A_277 : memref<1x1x40x128xf32, #tpu.memory_space<hbm>> -> memref<40x128xf32, #tpu.memory_space<hbm>>
    tpu.enqueue_dma source(%dma_start3A_278 : memref<40x128xf32, #tpu.memory_space<hbm>>) target(%dma_start3A_274 : memref<40x128xf32, #tpu.memory_space<vmem>>) target_semaphore(%arg19 : memref<!tpu.dma_semaphore, #tpu.memory_space<semaphore_mem>>)
    %dma_start3A_279 = arith.constant 0 : i32
    %dma_start3A_280 = arith.constant 0 : i32
    %dma_start3A_281 = arith.constant 0 : i32
    %dma_start3A_282 = arith.constant 0 : i32
    %dma_start3A_283 = arith.constant 0 : i32
    %dma_start3A_284 = arith.constant 0 : i32
    %dma_start3A_285 = tpu.memref_slice %arg17[%dma_start3A_282, %dma_start3A_283, %dma_start3A_284] : memref<2x40x256xf32, #tpu.memory_space<vmem>> -> memref<1x40x256xf32, #tpu.memory_space<vmem>>
    %dma_start3A_286 = tpu.memref_squeeze %dma_start3A_285 : memref<1x40x256xf32, #tpu.memory_space<vmem>> -> memref<40x256xf32, #tpu.memory_space<vmem>>
    %dma_start3A_287 = arith.constant 0 : i32
    %dma_start3A_288 = tpu.memref_slice %arg14[%dma_start3A_279, %dma_start3A_280, %dma_start3A_281, %dma_start3A_287] : memref<2x2x10x40xi32, #tpu.memory_space<vmem>> -> memref<1x1x1x40xi32, #tpu.memory_space<vmem>>
    %dma_start3A_289 = tpu.memref_squeeze %dma_start3A_288 : memref<1x1x1x40xi32, #tpu.memory_space<vmem>> -> memref<40xi32, #tpu.memory_space<vmem>>
    %dma_start3A_290 = arith.constant 0 : i32
    %dma_start3A_291 = arith.constant 0 : i32
    %dma_start3A_292 = tpu.memref_slice %arg5[%dma_start3A_290, %dma_start3A_291] : memref<10000x256xf32, #tpu.memory_space<hbm>> -> memref<10000x256xf32, #tpu.memory_space<hbm>>
    tpu.enqueue_indirect_dma source(%dma_start3A_292 : memref<10000x256xf32, #tpu.memory_space<hbm>>) target(%dma_start3A_286 : memref<40x256xf32, #tpu.memory_space<vmem>>) offsets(%dma_start3A_289 : memref<40xi32, #tpu.memory_space<vmem>>) semaphore(%arg19 : memref<!tpu.dma_semaphore, #tpu.memory_space<semaphore_mem>>)
    %scan3A_293 = arith.constant 0 : i32
    %scan3A_294 = arith.constant 0 : i32
    %scan3A_295 = arith.constant 250 : i32
    %scan3A_296 = arith.addi %scan3A_294, %scan3A_295 : i32
    %scan3A_297 = arith.constant 1 : i32
    scf.for %scan3A_321 = %scan3A_294 to %scan3A_296 step %scan3A_297  : i32 {
      %rem3A = arith.constant 2 : i32
      %rem3A_322 = arith.remsi %scan3A_321, %rem3A : i32
      %div3A = arith.constant 10 : i32
      %div3A_323 = arith.divsi %scan3A_321, %div3A : i32
      %mul3A_324 = arith.constant 10 : i32
      %mul3A_325 = arith.muli %div3A_323, %mul3A_324 : i32
      %sub3A = arith.subi %scan3A_321, %mul3A_325 : i32
      %rem3A_326 = arith.constant 2 : i32
      %rem3A_327 = arith.remsi %div3A_323, %rem3A_326 : i32
      %dma_wait3A_328 = arith.constant 0 : i32
      %dma_wait3A_329 = arith.constant 0 : i32
      %dma_wait3A_330 = arith.constant 0 : i32
      %dma_wait3A_331 = tpu.memref_slice %arg15[%rem3A_322, %dma_wait3A_329, %dma_wait3A_330] : memref<2x40x128xf32, #tpu.memory_space<vmem>> -> memref<1x40x128xf32, #tpu.memory_space<vmem>>
      %dma_wait3A_332 = tpu.memref_squeeze %dma_wait3A_331 : memref<1x40x128xf32, #tpu.memory_space<vmem>> -> memref<40x128xf32, #tpu.memory_space<vmem>>
      %dma_wait3A_333 = arith.constant 0 : i32
      %dma_wait3A_334 = arith.constant 0 : i32
      %dma_wait3A_335 = tpu.memref_slice %arg9[%add3A, %dma_wait3A_328, %dma_wait3A_333, %dma_wait3A_334] : memref<32x250x40x128xf32, #tpu.memory_space<hbm>> -> memref<1x1x40x128xf32, #tpu.memory_space<hbm>>
      %dma_wait3A_336 = tpu.memref_squeeze %dma_wait3A_335 : memref<1x1x40x128xf32, #tpu.memory_space<hbm>> -> memref<40x128xf32, #tpu.memory_space<hbm>>
      %dma_wait3A_337 = arith.constant 0 : i32
      %dma_wait3A_338 = arith.constant 0 : i32
      %dma_wait3A_339 = tpu.memref_slice %arg15[%rem3A_322, %dma_wait3A_337, %dma_wait3A_338] : memref<2x40x128xf32, #tpu.memory_space<vmem>> -> memref<1x40x128xf32, #tpu.memory_space<vmem>>
      %dma_wait3A_340 = tpu.memref_squeeze %dma_wait3A_339 : memref<1x40x128xf32, #tpu.memory_space<vmem>> -> memref<40x128xf32, #tpu.memory_space<vmem>>
      %dma_wait3A_341 = arith.constant 0 : i32
      %dma_wait3A_342 = arith.constant 0 : i32
      %dma_wait3A_343 = tpu.memref_slice %arg9[%add3A, %dma_wait3A_328, %dma_wait3A_341, %dma_wait3A_342] : memref<32x250x40x128xf32, #tpu.memory_space<hbm>> -> memref<1x1x40x128xf32, #tpu.memory_space<hbm>>
      %dma_wait3A_344 = tpu.memref_squeeze %dma_wait3A_343 : memref<1x1x40x128xf32, #tpu.memory_space<hbm>> -> memref<40x128xf32, #tpu.memory_space<hbm>>
      tpu.wait_dma2 semaphore(%arg19 : memref<!tpu.dma_semaphore, #tpu.memory_space<semaphore_mem>>) src(%dma_wait3A_344 : memref<40x128xf32, #tpu.memory_space<hbm>>) dst(%dma_wait3A_340 : memref<40x128xf32, #tpu.memory_space<vmem>>)
      %dma_wait3A_345 = arith.constant 0 : i32
      %dma_wait3A_346 = arith.constant 0 : i32
      %dma_wait3A_347 = arith.constant 0 : i32
      %dma_wait3A_348 = tpu.memref_slice %arg16[%rem3A_322, %dma_wait3A_346, %dma_wait3A_347] : memref<2x40x128xf32, #tpu.memory_space<vmem>> -> memref<1x40x128xf32, #tpu.memory_space<vmem>>
      %dma_wait3A_349 = tpu.memref_squeeze %dma_wait3A_348 : memref<1x40x128xf32, #tpu.memory_space<vmem>> -> memref<40x128xf32, #tpu.memory_space<vmem>>
      %dma_wait3A_350 = arith.constant 0 : i32
      %dma_wait3A_351 = arith.constant 0 : i32
      %dma_wait3A_352 = tpu.memref_slice %arg10[%add3A, %dma_wait3A_345, %dma_wait3A_350, %dma_wait3A_351] : memref<32x250x40x128xf32, #tpu.memory_space<hbm>> -> memref<1x1x40x128xf32, #tpu.memory_space<hbm>>
      %dma_wait3A_353 = tpu.memref_squeeze %dma_wait3A_352 : memref<1x1x40x128xf32, #tpu.memory_space<hbm>> -> memref<40x128xf32, #tpu.memory_space<hbm>>
      %dma_wait3A_354 = arith.constant 0 : i32
      %dma_wait3A_355 = arith.constant 0 : i32
      %dma_wait3A_356 = tpu.memref_slice %arg16[%rem3A_322, %dma_wait3A_354, %dma_wait3A_355] : memref<2x40x128xf32, #tpu.memory_space<vmem>> -> memref<1x40x128xf32, #tpu.memory_space<vmem>>
      %dma_wait3A_357 = tpu.memref_squeeze %dma_wait3A_356 : memref<1x40x128xf32, #tpu.memory_space<vmem>> -> memref<40x128xf32, #tpu.memory_space<vmem>>
      %dma_wait3A_358 = arith.constant 0 : i32
      %dma_wait3A_359 = arith.constant 0 : i32
      %dma_wait3A_360 = tpu.memref_slice %arg10[%add3A, %dma_wait3A_345, %dma_wait3A_358, %dma_wait3A_359] : memref<32x250x40x128xf32, #tpu.memory_space<hbm>> -> memref<1x1x40x128xf32, #tpu.memory_space<hbm>>
      %dma_wait3A_361 = tpu.memref_squeeze %dma_wait3A_360 : memref<1x1x40x128xf32, #tpu.memory_space<hbm>> -> memref<40x128xf32, #tpu.memory_space<hbm>>
      tpu.wait_dma2 semaphore(%arg19 : memref<!tpu.dma_semaphore, #tpu.memory_space<semaphore_mem>>) src(%dma_wait3A_361 : memref<40x128xf32, #tpu.memory_space<hbm>>) dst(%dma_wait3A_357 : memref<40x128xf32, #tpu.memory_space<vmem>>)
      %dma_wait3A_362 = arith.constant 0 : i32
      %dma_wait3A_363 = arith.constant 0 : i32
      %dma_wait3A_364 = arith.constant 0 : i32
      %dma_wait3A_365 = arith.constant 0 : i32
      %dma_wait3A_366 = arith.constant 0 : i32
      %dma_wait3A_367 = tpu.memref_slice %arg17[%rem3A_322, %dma_wait3A_365, %dma_wait3A_366] : memref<2x40x256xf32, #tpu.memory_space<vmem>> -> memref<1x40x256xf32, #tpu.memory_space<vmem>>
      %dma_wait3A_368 = tpu.memref_squeeze %dma_wait3A_367 : memref<1x40x256xf32, #tpu.memory_space<vmem>> -> memref<40x256xf32, #tpu.memory_space<vmem>>
      %dma_wait3A_369 = arith.constant 0 : i32
      %dma_wait3A_370 = tpu.memref_slice %arg14[%dma_wait3A_362, %dma_wait3A_363, %dma_wait3A_364, %dma_wait3A_369] : memref<2x2x10x40xi32, #tpu.memory_space<vmem>> -> memref<1x1x1x40xi32, #tpu.memory_space<vmem>>
      %dma_wait3A_371 = tpu.memref_squeeze %dma_wait3A_370 : memref<1x1x1x40xi32, #tpu.memory_space<vmem>> -> memref<40xi32, #tpu.memory_space<vmem>>
      %dma_wait3A_372 = arith.constant 0 : i32
      %dma_wait3A_373 = arith.constant 0 : i32
      %dma_wait3A_374 = tpu.memref_slice %arg5[%dma_wait3A_372, %dma_wait3A_373] : memref<10000x256xf32, #tpu.memory_space<hbm>> -> memref<10000x256xf32, #tpu.memory_space<hbm>>
      tpu.wait_indirect_dma semaphore(%arg19 : memref<!tpu.dma_semaphore, #tpu.memory_space<semaphore_mem>>) src(%dma_wait3A_374 : memref<10000x256xf32, #tpu.memory_space<hbm>>) dst(%dma_wait3A_368 : memref<40x256xf32, #tpu.memory_space<vmem>>)
      %gt3A = arith.constant 0 : i32
      %gt3A_375 = arith.cmpi sgt, %scan3A_321, %gt3A : i32
      %convert_element_type3A_376 = arith.extui %gt3A_375 : i1 to i32
      %cond3A_377 = arith.constant 0 : i32
      %cond3A_378 = arith.cmpi ne, %convert_element_type3A_376, %cond3A_377 : i32
      scf.if %cond3A_378 {
        %dma_wait3A_411 = arith.constant 0 : i32
        %dma_wait3A_412 = arith.constant 0 : i32
        %dma_wait3A_413 = arith.constant 1 : i32
        %dma_wait3A_414 = arith.constant 0 : i32
        %dma_wait3A_415 = arith.constant 0 : i32
        %dma_wait3A_416 = arith.constant 0 : i32
        %dma_wait3A_417 = tpu.memref_slice %arg15[%dma_wait3A_411, %dma_wait3A_415, %dma_wait3A_416] : memref<2x40x128xf32, #tpu.memory_space<vmem>> -> memref<1x40x128xf32, #tpu.memory_space<vmem>>
        %dma_wait3A_418 = tpu.memref_squeeze %dma_wait3A_417 : memref<1x40x128xf32, #tpu.memory_space<vmem>> -> memref<40x128xf32, #tpu.memory_space<vmem>>
        %dma_wait3A_419 = arith.constant 0 : i32
        %dma_wait3A_420 = tpu.memref_slice %arg14[%dma_wait3A_412, %dma_wait3A_413, %dma_wait3A_414, %dma_wait3A_419] : memref<2x2x10x40xi32, #tpu.memory_space<vmem>> -> memref<1x1x1x40xi32, #tpu.memory_space<vmem>>
        %dma_wait3A_421 = tpu.memref_squeeze %dma_wait3A_420 : memref<1x1x1x40xi32, #tpu.memory_space<vmem>> -> memref<40xi32, #tpu.memory_space<vmem>>
        %dma_wait3A_422 = arith.constant 0 : i32
        %dma_wait3A_423 = arith.constant 0 : i32
        %dma_wait3A_424 = tpu.memref_slice %arg18[%dma_wait3A_422, %dma_wait3A_423] : memref<10000x128xf32, #tpu.memory_space<vmem_shared>> -> memref<10000x128xf32, #tpu.memory_space<vmem_shared>>
        tpu.wait_indirect_dma semaphore(%arg20 : memref<!tpu.dma_semaphore, #tpu.memory_space<semaphore_mem>>) src(%dma_wait3A_418 : memref<40x128xf32, #tpu.memory_space<vmem>>) dst(%dma_wait3A_424 : memref<10000x128xf32, #tpu.memory_space<vmem_shared>>)
      } else {
      }
      %eq3A_379 = arith.constant 0 : i32
      %eq3A_380 = arith.cmpi eq, %sub3A, %eq3A_379 : i32
      %add3A_381 = arith.constant 1 : i32
      %add3A_382 = arith.addi %div3A_323, %add3A_381 : i32
      %lt3A = arith.constant 25 : i32
      %lt3A_383 = arith.cmpi slt, %add3A_382, %lt3A : i32
      %and3A = arith.andi %eq3A_380, %lt3A_383 : i1
      %convert_element_type3A_384 = arith.extui %and3A : i1 to i32
      %cond3A_385 = arith.constant 0 : i32
      %cond3A_386 = arith.cmpi ne, %convert_element_type3A_384, %cond3A_385 : i32
      scf.if %cond3A_386 {
        %add3A_411 = arith.constant 1 : i32
        %add3A_412 = arith.addi %div3A_323, %add3A_411 : i32
        %add3A_413 = arith.constant 1 : i32
        %add3A_414 = arith.addi %div3A_323, %add3A_413 : i32
        %rem3A_415 = arith.constant 2 : i32
        %rem3A_416 = arith.remsi %add3A_414, %rem3A_415 : i32
        %dma_start3A_417 = arith.constant 0 : i32
        %dma_start3A_418 = arith.constant 0 : i32
        %dma_start3A_419 = arith.constant 0 : i32
        %dma_start3A_420 = tpu.memref_slice %arg14[%rem3A_416, %dma_start3A_417, %dma_start3A_418, %dma_start3A_419] : memref<2x2x10x40xi32, #tpu.memory_space<vmem>> -> memref<1x2x10x40xi32, #tpu.memory_space<vmem>>
        %dma_start3A_421 = tpu.memref_squeeze %dma_start3A_420 : memref<1x2x10x40xi32, #tpu.memory_space<vmem>> -> memref<2x10x40xi32, #tpu.memory_space<vmem>>
        %dma_start3A_422 = arith.constant 0 : i32
        %dma_start3A_423 = arith.constant 0 : i32
        %dma_start3A_424 = arith.constant 0 : i32
        %dma_start3A_425 = tpu.memref_slice %arg11[%add3A, %add3A_412, %dma_start3A_422, %dma_start3A_423, %dma_start3A_424] : memref<32x25x2x10x40xi32, #tpu.memory_space<hbm>> -> memref<1x1x2x10x40xi32, #tpu.memory_space<hbm>>
        %dma_start3A_426 = tpu.memref_squeeze %dma_start3A_425 : memref<1x1x2x10x40xi32, #tpu.memory_space<hbm>> -> memref<2x10x40xi32, #tpu.memory_space<hbm>>
        %dma_start3A_427 = arith.constant 0 : i32
        %dma_start3A_428 = arith.constant 0 : i32
        %dma_start3A_429 = arith.constant 0 : i32
        %dma_start3A_430 = tpu.memref_slice %arg14[%rem3A_416, %dma_start3A_427, %dma_start3A_428, %dma_start3A_429] : memref<2x2x10x40xi32, #tpu.memory_space<vmem>> -> memref<1x2x10x40xi32, #tpu.memory_space<vmem>>
        %dma_start3A_431 = tpu.memref_squeeze %dma_start3A_430 : memref<1x2x10x40xi32, #tpu.memory_space<vmem>> -> memref<2x10x40xi32, #tpu.memory_space<vmem>>
        %dma_start3A_432 = arith.constant 0 : i32
        %dma_start3A_433 = arith.constant 0 : i32
        %dma_start3A_434 = arith.constant 0 : i32
        %dma_start3A_435 = tpu.memref_slice %arg11[%add3A, %add3A_412, %dma_start3A_432, %dma_start3A_433, %dma_start3A_434] : memref<32x25x2x10x40xi32, #tpu.memory_space<hbm>> -> memref<1x1x2x10x40xi32, #tpu.memory_space<hbm>>
        %dma_start3A_436 = tpu.memref_squeeze %dma_start3A_435 : memref<1x1x2x10x40xi32, #tpu.memory_space<hbm>> -> memref<2x10x40xi32, #tpu.memory_space<hbm>>
        tpu.enqueue_dma source(%dma_start3A_436 : memref<2x10x40xi32, #tpu.memory_space<hbm>>) target(%dma_start3A_431 : memref<2x10x40xi32, #tpu.memory_space<vmem>>) target_semaphore(%arg21 : memref<!tpu.dma_semaphore, #tpu.memory_space<semaphore_mem>>)
      } else {
      }
      %add3A_387 = arith.constant 1 : i32
      %add3A_388 = arith.addi %scan3A_321, %add3A_387 : i32
      %lt3A_389 = arith.constant 250 : i32
      %lt3A_390 = arith.cmpi slt, %add3A_388, %lt3A_389 : i32
      %convert_element_type3A_391 = arith.extui %lt3A_390 : i1 to i32
      %cond3A_392 = arith.constant 0 : i32
      %cond3A_393 = arith.cmpi ne, %convert_element_type3A_391, %cond3A_392 : i32
      scf.if %cond3A_393 {
        %rem3A_411 = arith.constant 10 : i32
        %rem3A_412 = arith.remsi %add3A_388, %rem3A_411 : i32
        %eq3A_413 = arith.constant 0 : i32
        %eq3A_414 = arith.cmpi eq, %rem3A_412, %eq3A_413 : i32
        %convert_element_type3A_415 = arith.extui %eq3A_414 : i1 to i32
        %cond3A_416 = arith.constant 0 : i32
        %cond3A_417 = arith.cmpi ne, %convert_element_type3A_415, %cond3A_416 : i32
        scf.if %cond3A_417 {
          %dma_wait3A_470 = arith.constant 0 : i32
          %dma_wait3A_471 = arith.constant 0 : i32
          %dma_wait3A_472 = arith.constant 0 : i32
          %dma_wait3A_473 = arith.constant 0 : i32
          %dma_wait3A_474 = arith.constant 0 : i32
          %dma_wait3A_475 = tpu.memref_slice %arg14[%dma_wait3A_471, %dma_wait3A_472, %dma_wait3A_473, %dma_wait3A_474] : memref<2x2x10x40xi32, #tpu.memory_space<vmem>> -> memref<1x2x10x40xi32, #tpu.memory_space<vmem>>
          %dma_wait3A_476 = tpu.memref_squeeze %dma_wait3A_475 : memref<1x2x10x40xi32, #tpu.memory_space<vmem>> -> memref<2x10x40xi32, #tpu.memory_space<vmem>>
          %dma_wait3A_477 = arith.constant 0 : i32
          %dma_wait3A_478 = arith.constant 0 : i32
          %dma_wait3A_479 = arith.constant 0 : i32
          %dma_wait3A_480 = tpu.memref_slice %arg11[%add3A, %dma_wait3A_470, %dma_wait3A_477, %dma_wait3A_478, %dma_wait3A_479] : memref<32x25x2x10x40xi32, #tpu.memory_space<hbm>> -> memref<1x1x2x10x40xi32, #tpu.memory_space<hbm>>
          %dma_wait3A_481 = tpu.memref_squeeze %dma_wait3A_480 : memref<1x1x2x10x40xi32, #tpu.memory_space<hbm>> -> memref<2x10x40xi32, #tpu.memory_space<hbm>>
          %dma_wait3A_482 = arith.constant 0 : i32
          %dma_wait3A_483 = arith.constant 0 : i32
          %dma_wait3A_484 = arith.constant 0 : i32
          %dma_wait3A_485 = tpu.memref_slice %arg14[%dma_wait3A_471, %dma_wait3A_482, %dma_wait3A_483, %dma_wait3A_484] : memref<2x2x10x40xi32, #tpu.memory_space<vmem>> -> memref<1x2x10x40xi32, #tpu.memory_space<vmem>>
          %dma_wait3A_486 = tpu.memref_squeeze %dma_wait3A_485 : memref<1x2x10x40xi32, #tpu.memory_space<vmem>> -> memref<2x10x40xi32, #tpu.memory_space<vmem>>
          %dma_wait3A_487 = arith.constant 0 : i32
          %dma_wait3A_488 = arith.constant 0 : i32
          %dma_wait3A_489 = arith.constant 0 : i32
          %dma_wait3A_490 = tpu.memref_slice %arg11[%add3A, %dma_wait3A_470, %dma_wait3A_487, %dma_wait3A_488, %dma_wait3A_489] : memref<32x25x2x10x40xi32, #tpu.memory_space<hbm>> -> memref<1x1x2x10x40xi32, #tpu.memory_space<hbm>>
          %dma_wait3A_491 = tpu.memref_squeeze %dma_wait3A_490 : memref<1x1x2x10x40xi32, #tpu.memory_space<hbm>> -> memref<2x10x40xi32, #tpu.memory_space<hbm>>
          tpu.wait_dma2 semaphore(%arg21 : memref<!tpu.dma_semaphore, #tpu.memory_space<semaphore_mem>>) src(%dma_wait3A_491 : memref<2x10x40xi32, #tpu.memory_space<hbm>>) dst(%dma_wait3A_486 : memref<2x10x40xi32, #tpu.memory_space<vmem>>)
        } else {
        }
        %div3A_418 = arith.constant 10 : i32
        %div3A_419 = arith.divsi %add3A_388, %div3A_418 : i32
        %rem3A_420 = arith.constant 2 : i32
        %rem3A_421 = arith.remsi %add3A_388, %rem3A_420 : i32
        %rem3A_422 = arith.constant 2 : i32
        %rem3A_423 = arith.remsi %div3A_419, %rem3A_422 : i32
        %mul3A_424 = arith.constant 10 : i32
        %mul3A_425 = arith.muli %div3A_419, %mul3A_424 : i32
        %sub3A_426 = arith.subi %add3A_388, %mul3A_425 : i32
        %dma_start3A_427 = arith.constant 0 : i32
        %dma_start3A_428 = arith.constant 0 : i32
        %dma_start3A_429 = tpu.memref_slice %arg15[%rem3A_421, %dma_start3A_427, %dma_start3A_428] : memref<2x40x128xf32, #tpu.memory_space<vmem>> -> memref<1x40x128xf32, #tpu.memory_space<vmem>>
        %dma_start3A_430 = tpu.memref_squeeze %dma_start3A_429 : memref<1x40x128xf32, #tpu.memory_space<vmem>> -> memref<40x128xf32, #tpu.memory_space<vmem>>
        %dma_start3A_431 = arith.constant 0 : i32
        %dma_start3A_432 = arith.constant 0 : i32
        %dma_start3A_433 = tpu.memref_slice %arg9[%add3A, %add3A_388, %dma_start3A_431, %dma_start3A_432] : memref<32x250x40x128xf32, #tpu.memory_space<hbm>> -> memref<1x1x40x128xf32, #tpu.memory_space<hbm>>
        %dma_start3A_434 = tpu.memref_squeeze %dma_start3A_433 : memref<1x1x40x128xf32, #tpu.memory_space<hbm>> -> memref<40x128xf32, #tpu.memory_space<hbm>>
        %dma_start3A_435 = arith.constant 0 : i32
        %dma_start3A_436 = arith.constant 0 : i32
        %dma_start3A_437 = tpu.memref_slice %arg15[%rem3A_421, %dma_start3A_435, %dma_start3A_436] : memref<2x40x128xf32, #tpu.memory_space<vmem>> -> memref<1x40x128xf32, #tpu.memory_space<vmem>>
        %dma_start3A_438 = tpu.memref_squeeze %dma_start3A_437 : memref<1x40x128xf32, #tpu.memory_space<vmem>> -> memref<40x128xf32, #tpu.memory_space<vmem>>
        %dma_start3A_439 = arith.constant 0 : i32
        %dma_start3A_440 = arith.constant 0 : i32
        %dma_start3A_441 = tpu.memref_slice %arg9[%add3A, %add3A_388, %dma_start3A_439, %dma_start3A_440] : memref<32x250x40x128xf32, #tpu.memory_space<hbm>> -> memref<1x1x40x128xf32, #tpu.memory_space<hbm>>
        %dma_start3A_442 = tpu.memref_squeeze %dma_start3A_441 : memref<1x1x40x128xf32, #tpu.memory_space<hbm>> -> memref<40x128xf32, #tpu.memory_space<hbm>>
        tpu.enqueue_dma source(%dma_start3A_442 : memref<40x128xf32, #tpu.memory_space<hbm>>) target(%dma_start3A_438 : memref<40x128xf32, #tpu.memory_space<vmem>>) target_semaphore(%arg19 : memref<!tpu.dma_semaphore, #tpu.memory_space<semaphore_mem>>)
        %dma_start3A_443 = arith.constant 0 : i32
        %dma_start3A_444 = arith.constant 0 : i32
        %dma_start3A_445 = tpu.memref_slice %arg16[%rem3A_421, %dma_start3A_443, %dma_start3A_444] : memref<2x40x128xf32, #tpu.memory_space<vmem>> -> memref<1x40x128xf32, #tpu.memory_space<vmem>>
        %dma_start3A_446 = tpu.memref_squeeze %dma_start3A_445 : memref<1x40x128xf32, #tpu.memory_space<vmem>> -> memref<40x128xf32, #tpu.memory_space<vmem>>
        %dma_start3A_447 = arith.constant 0 : i32
        %dma_start3A_448 = arith.constant 0 : i32
        %dma_start3A_449 = tpu.memref_slice %arg10[%add3A, %add3A_388, %dma_start3A_447, %dma_start3A_448] : memref<32x250x40x128xf32, #tpu.memory_space<hbm>> -> memref<1x1x40x128xf32, #tpu.memory_space<hbm>>
        %dma_start3A_450 = tpu.memref_squeeze %dma_start3A_449 : memref<1x1x40x128xf32, #tpu.memory_space<hbm>> -> memref<40x128xf32, #tpu.memory_space<hbm>>
        %dma_start3A_451 = arith.constant 0 : i32
        %dma_start3A_452 = arith.constant 0 : i32
        %dma_start3A_453 = tpu.memref_slice %arg16[%rem3A_421, %dma_start3A_451, %dma_start3A_452] : memref<2x40x128xf32, #tpu.memory_space<vmem>> -> memref<1x40x128xf32, #tpu.memory_space<vmem>>
        %dma_start3A_454 = tpu.memref_squeeze %dma_start3A_453 : memref<1x40x128xf32, #tpu.memory_space<vmem>> -> memref<40x128xf32, #tpu.memory_space<vmem>>
        %dma_start3A_455 = arith.constant 0 : i32
        %dma_start3A_456 = arith.constant 0 : i32
        %dma_start3A_457 = tpu.memref_slice %arg10[%add3A, %add3A_388, %dma_start3A_455, %dma_start3A_456] : memref<32x250x40x128xf32, #tpu.memory_space<hbm>> -> memref<1x1x40x128xf32, #tpu.memory_space<hbm>>
        %dma_start3A_458 = tpu.memref_squeeze %dma_start3A_457 : memref<1x1x40x128xf32, #tpu.memory_space<hbm>> -> memref<40x128xf32, #tpu.memory_space<hbm>>
        tpu.enqueue_dma source(%dma_start3A_458 : memref<40x128xf32, #tpu.memory_space<hbm>>) target(%dma_start3A_454 : memref<40x128xf32, #tpu.memory_space<vmem>>) target_semaphore(%arg19 : memref<!tpu.dma_semaphore, #tpu.memory_space<semaphore_mem>>)
        %dma_start3A_459 = arith.constant 0 : i32
        %dma_start3A_460 = arith.constant 0 : i32
        %dma_start3A_461 = arith.constant 0 : i32
        %dma_start3A_462 = tpu.memref_slice %arg17[%rem3A_421, %dma_start3A_460, %dma_start3A_461] : memref<2x40x256xf32, #tpu.memory_space<vmem>> -> memref<1x40x256xf32, #tpu.memory_space<vmem>>
        %dma_start3A_463 = tpu.memref_squeeze %dma_start3A_462 : memref<1x40x256xf32, #tpu.memory_space<vmem>> -> memref<40x256xf32, #tpu.memory_space<vmem>>
        %dma_start3A_464 = arith.constant 0 : i32
        %dma_start3A_465 = tpu.memref_slice %arg14[%rem3A_423, %dma_start3A_459, %sub3A_426, %dma_start3A_464] : memref<2x2x10x40xi32, #tpu.memory_space<vmem>> -> memref<1x1x1x40xi32, #tpu.memory_space<vmem>>
        %dma_start3A_466 = tpu.memref_squeeze %dma_start3A_465 : memref<1x1x1x40xi32, #tpu.memory_space<vmem>> -> memref<40xi32, #tpu.memory_space<vmem>>
        %dma_start3A_467 = arith.constant 0 : i32
        %dma_start3A_468 = arith.constant 0 : i32
        %dma_start3A_469 = tpu.memref_slice %arg5[%dma_start3A_467, %dma_start3A_468] : memref<10000x256xf32, #tpu.memory_space<hbm>> -> memref<10000x256xf32, #tpu.memory_space<hbm>>
        tpu.enqueue_indirect_dma source(%dma_start3A_469 : memref<10000x256xf32, #tpu.memory_space<hbm>>) target(%dma_start3A_463 : memref<40x256xf32, #tpu.memory_space<vmem>>) offsets(%dma_start3A_466 : memref<40xi32, #tpu.memory_space<vmem>>) semaphore(%arg19 : memref<!tpu.dma_semaphore, #tpu.memory_space<semaphore_mem>>)
      } else {
      }
      %scan3A_394 = arith.constant 0 : i32
      %scan3A_395 = arith.constant 0 : i32
      %scan3A_396 = arith.constant 40 : i32
      %scan3A_397 = arith.addi %scan3A_395, %scan3A_396 : i32
      %scan3A_398 = arith.constant 1 : i32
      scf.for %scan3A_411 = %scan3A_395 to %scan3A_397 step %scan3A_398  : i32 {
        %get3A = arith.index_cast %rem3A_322 : i32 to index
        %get3A_412 = arith.index_cast %scan3A_411 : i32 to index
        %get3A_413 = arith.constant 0 : index
        %get3A_414 = tpu.vector_load %arg15[%get3A, %get3A_412, %get3A_413] {strides = array<i32>} : memref<2x40x128xf32, #tpu.memory_space<vmem>>, vector<1x1x16xf32>,
        %get3A_415 = vector.shape_cast %get3A_414 : vector<1x1x16xf32> to vector<16xf32>
        %get3A_416 = arith.index_cast %rem3A_322 : i32 to index
        %get3A_417 = arith.index_cast %scan3A_411 : i32 to index
        %get3A_418 = arith.constant 0 : index
        %get3A_419 = tpu.vector_load %arg17[%get3A_416, %get3A_417, %get3A_418] {strides = array<i32>} : memref<2x40x256xf32, #tpu.memory_space<vmem>>, vector<1x1x16xf32>,
        %get3A_420 = vector.shape_cast %get3A_419 : vector<1x1x16xf32> to vector<16xf32>
        %mul3A_421 = arith.mulf %get3A_415, %get3A_420 : vector<16xf32>
        %get3A_422 = arith.index_cast %rem3A_322 : i32 to index
        %get3A_423 = arith.index_cast %scan3A_411 : i32 to index
        %get3A_424 = arith.constant 0 : index
        %get3A_425 = tpu.vector_load %arg16[%get3A_422, %get3A_423, %get3A_424] {strides = array<i32>} : memref<2x40x128xf32, #tpu.memory_space<vmem>>, vector<1x1x16xf32>,
        %get3A_426 = vector.shape_cast %get3A_425 : vector<1x1x16xf32> to vector<16xf32>
        %get3A_427 = arith.index_cast %rem3A_322 : i32 to index
        %get3A_428 = arith.index_cast %scan3A_411 : i32 to index
        %get3A_429 = arith.constant 128 : index
        %get3A_430 = tpu.vector_load %arg17[%get3A_427, %get3A_428, %get3A_429] {strides = array<i32>} : memref<2x40x256xf32, #tpu.memory_space<vmem>>, vector<1x1x16xf32>,
        %get3A_431 = vector.shape_cast %get3A_430 : vector<1x1x16xf32> to vector<16xf32>
        %mul3A_432 = arith.mulf %get3A_426, %get3A_431 : vector<16xf32>
        %add3A_433 = arith.addf %mul3A_421, %mul3A_432 : vector<16xf32>
        %swap3A = arith.index_cast %rem3A_322 : i32 to index
        %swap3A_434 = arith.index_cast %scan3A_411 : i32 to index
        %swap3A_435 = arith.constant 0 : index
        %swap3A_436 = tpu.vector_load %arg15[%swap3A, %swap3A_434, %swap3A_435] {strides = array<i32>} : memref<2x40x128xf32, #tpu.memory_space<vmem>>, vector<1x1x16xf32>,
        %swap3A_437 = vector.shape_cast %swap3A_436 : vector<1x1x16xf32> to vector<16xf32>
        %swap3A_438 = vector.shape_cast %add3A_433 : vector<16xf32> to vector<1x1x16xf32>
        tpu.vector_store %arg15[%swap3A, %swap3A_434, %swap3A_435], %swap3A_438 {strides = array<i32>} : memref<2x40x128xf32, #tpu.memory_space<vmem>>, vector<1x1x16xf32>,
        %get3A_439 = arith.index_cast %rem3A_322 : i32 to index
        %get3A_440 = arith.index_cast %scan3A_411 : i32 to index
        %get3A_441 = arith.constant 16 : index
        %get3A_442 = tpu.vector_load %arg15[%get3A_439, %get3A_440, %get3A_441] {strides = array<i32>} : memref<2x40x128xf32, #tpu.memory_space<vmem>>, vector<1x1x16xf32>,
        %get3A_443 = vector.shape_cast %get3A_442 : vector<1x1x16xf32> to vector<16xf32>
        %get3A_444 = arith.index_cast %rem3A_322 : i32 to index
        %get3A_445 = arith.index_cast %scan3A_411 : i32 to index
        %get3A_446 = arith.constant 16 : index
        %get3A_447 = tpu.vector_load %arg17[%get3A_444, %get3A_445, %get3A_446] {strides = array<i32>} : memref<2x40x256xf32, #tpu.memory_space<vmem>>, vector<1x1x16xf32>,
        %get3A_448 = vector.shape_cast %get3A_447 : vector<1x1x16xf32> to vector<16xf32>
        %mul3A_449 = arith.mulf %get3A_443, %get3A_448 : vector<16xf32>
        %get3A_450 = arith.index_cast %rem3A_322 : i32 to index
        %get3A_451 = arith.index_cast %scan3A_411 : i32 to index
        %get3A_452 = arith.constant 16 : index
        %get3A_453 = tpu.vector_load %arg16[%get3A_450, %get3A_451, %get3A_452] {strides = array<i32>} : memref<2x40x128xf32, #tpu.memory_space<vmem>>, vector<1x1x16xf32>,
        %get3A_454 = vector.shape_cast %get3A_453 : vector<1x1x16xf32> to vector<16xf32>
        %get3A_455 = arith.index_cast %rem3A_322 : i32 to index
        %get3A_456 = arith.index_cast %scan3A_411 : i32 to index
        %get3A_457 = arith.constant 144 : index
        %get3A_458 = tpu.vector_load %arg17[%get3A_455, %get3A_456, %get3A_457] {strides = array<i32>} : memref<2x40x256xf32, #tpu.memory_space<vmem>>, vector<1x1x16xf32>,
        %get3A_459 = vector.shape_cast %get3A_458 : vector<1x1x16xf32> to vector<16xf32>
        %mul3A_460 = arith.mulf %get3A_454, %get3A_459 : vector<16xf32>
        %add3A_461 = arith.addf %mul3A_449, %mul3A_460 : vector<16xf32>
        %swap3A_462 = arith.index_cast %rem3A_322 : i32 to index
        %swap3A_463 = arith.index_cast %scan3A_411 : i32 to index
        %swap3A_464 = arith.constant 16 : index
        %swap3A_465 = tpu.vector_load %arg15[%swap3A_462, %swap3A_463, %swap3A_464] {strides = array<i32>} : memref<2x40x128xf32, #tpu.memory_space<vmem>>, vector<1x1x16xf32>,
        %swap3A_466 = vector.shape_cast %swap3A_465 : vector<1x1x16xf32> to vector<16xf32>
        %swap3A_467 = vector.shape_cast %add3A_461 : vector<16xf32> to vector<1x1x16xf32>
        tpu.vector_store %arg15[%swap3A_462, %swap3A_463, %swap3A_464], %swap3A_467 {strides = array<i32>} : memref<2x40x128xf32, #tpu.memory_space<vmem>>, vector<1x1x16xf32>,
        %get3A_468 = arith.index_cast %rem3A_322 : i32 to index
        %get3A_469 = arith.index_cast %scan3A_411 : i32 to index
        %get3A_470 = arith.constant 32 : index
        %get3A_471 = tpu.vector_load %arg15[%get3A_468, %get3A_469, %get3A_470] {strides = array<i32>} : memref<2x40x128xf32, #tpu.memory_space<vmem>>, vector<1x1x16xf32>,
        %get3A_472 = vector.shape_cast %get3A_471 : vector<1x1x16xf32> to vector<16xf32>
        %get3A_473 = arith.index_cast %rem3A_322 : i32 to index
        %get3A_474 = arith.index_cast %scan3A_411 : i32 to index
        %get3A_475 = arith.constant 32 : index
        %get3A_476 = tpu.vector_load %arg17[%get3A_473, %get3A_474, %get3A_475] {strides = array<i32>} : memref<2x40x256xf32, #tpu.memory_space<vmem>>, vector<1x1x16xf32>,
        %get3A_477 = vector.shape_cast %get3A_476 : vector<1x1x16xf32> to vector<16xf32>
        %mul3A_478 = arith.mulf %get3A_472, %get3A_477 : vector<16xf32>
        %get3A_479 = arith.index_cast %rem3A_322 : i32 to index
        %get3A_480 = arith.index_cast %scan3A_411 : i32 to index
        %get3A_481 = arith.constant 32 : index
        %get3A_482 = tpu.vector_load %arg16[%get3A_479, %get3A_480, %get3A_481] {strides = array<i32>} : memref<2x40x128xf32, #tpu.memory_space<vmem>>, vector<1x1x16xf32>,
        %get3A_483 = vector.shape_cast %get3A_482 : vector<1x1x16xf32> to vector<16xf32>
        %get3A_484 = arith.index_cast %rem3A_322 : i32 to index
        %get3A_485 = arith.index_cast %scan3A_411 : i32 to index
        %get3A_486 = arith.constant 160 : index
        %get3A_487 = tpu.vector_load %arg17[%get3A_484, %get3A_485, %get3A_486] {strides = array<i32>} : memref<2x40x256xf32, #tpu.memory_space<vmem>>, vector<1x1x16xf32>,
        %get3A_488 = vector.shape_cast %get3A_487 : vector<1x1x16xf32> to vector<16xf32>
        %mul3A_489 = arith.mulf %get3A_483, %get3A_488 : vector<16xf32>
        %add3A_490 = arith.addf %mul3A_478, %mul3A_489 : vector<16xf32>
        %swap3A_491 = arith.index_cast %rem3A_322 : i32 to index
        %swap3A_492 = arith.index_cast %scan3A_411 : i32 to index
        %swap3A_493 = arith.constant 32 : index
        %swap3A_494 = tpu.vector_load %arg15[%swap3A_491, %swap3A_492, %swap3A_493] {strides = array<i32>} : memref<2x40x128xf32, #tpu.memory_space<vmem>>, vector<1x1x16xf32>,
        %swap3A_495 = vector.shape_cast %swap3A_494 : vector<1x1x16xf32> to vector<16xf32>
        %swap3A_496 = vector.shape_cast %add3A_490 : vector<16xf32> to vector<1x1x16xf32>
        tpu.vector_store %arg15[%swap3A_491, %swap3A_492, %swap3A_493], %swap3A_496 {strides = array<i32>} : memref<2x40x128xf32, #tpu.memory_space<vmem>>, vector<1x1x16xf32>,
        %get3A_497 = arith.index_cast %rem3A_322 : i32 to index
        %get3A_498 = arith.index_cast %scan3A_411 : i32 to index
        %get3A_499 = arith.constant 48 : index
        %get3A_500 = tpu.vector_load %arg15[%get3A_497, %get3A_498, %get3A_499] {strides = array<i32>} : memref<2x40x128xf32, #tpu.memory_space<vmem>>, vector<1x1x16xf32>,
        %get3A_501 = vector.shape_cast %get3A_500 : vector<1x1x16xf32> to vector<16xf32>
        %get3A_502 = arith.index_cast %rem3A_322 : i32 to index
        %get3A_503 = arith.index_cast %scan3A_411 : i32 to index
        %get3A_504 = arith.constant 48 : index
        %get3A_505 = tpu.vector_load %arg17[%get3A_502, %get3A_503, %get3A_504] {strides = array<i32>} : memref<2x40x256xf32, #tpu.memory_space<vmem>>, vector<1x1x16xf32>,
        %get3A_506 = vector.shape_cast %get3A_505 : vector<1x1x16xf32> to vector<16xf32>
        %mul3A_507 = arith.mulf %get3A_501, %get3A_506 : vector<16xf32>
        %get3A_508 = arith.index_cast %rem3A_322 : i32 to index
        %get3A_509 = arith.index_cast %scan3A_411 : i32 to index
        %get3A_510 = arith.constant 48 : index
        %get3A_511 = tpu.vector_load %arg16[%get3A_508, %get3A_509, %get3A_510] {strides = array<i32>} : memref<2x40x128xf32, #tpu.memory_space<vmem>>, vector<1x1x16xf32>,
        %get3A_512 = vector.shape_cast %get3A_511 : vector<1x1x16xf32> to vector<16xf32>
        %get3A_513 = arith.index_cast %rem3A_322 : i32 to index
        %get3A_514 = arith.index_cast %scan3A_411 : i32 to index
        %get3A_515 = arith.constant 176 : index
        %get3A_516 = tpu.vector_load %arg17[%get3A_513, %get3A_514, %get3A_515] {strides = array<i32>} : memref<2x40x256xf32, #tpu.memory_space<vmem>>, vector<1x1x16xf32>,
        %get3A_517 = vector.shape_cast %get3A_516 : vector<1x1x16xf32> to vector<16xf32>
        %mul3A_518 = arith.mulf %get3A_512, %get3A_517 : vector<16xf32>
        %add3A_519 = arith.addf %mul3A_507, %mul3A_518 : vector<16xf32>
        %swap3A_520 = arith.index_cast %rem3A_322 : i32 to index
        %swap3A_521 = arith.index_cast %scan3A_411 : i32 to index
        %swap3A_522 = arith.constant 48 : index
        %swap3A_523 = tpu.vector_load %arg15[%swap3A_520, %swap3A_521, %swap3A_522] {strides = array<i32>} : memref<2x40x128xf32, #tpu.memory_space<vmem>>, vector<1x1x16xf32>,
        %swap3A_524 = vector.shape_cast %swap3A_523 : vector<1x1x16xf32> to vector<16xf32>
        %swap3A_525 = vector.shape_cast %add3A_519 : vector<16xf32> to vector<1x1x16xf32>
        tpu.vector_store %arg15[%swap3A_520, %swap3A_521, %swap3A_522], %swap3A_525 {strides = array<i32>} : memref<2x40x128xf32, #tpu.memory_space<vmem>>, vector<1x1x16xf32>,
        %get3A_526 = arith.index_cast %rem3A_322 : i32 to index
        %get3A_527 = arith.index_cast %scan3A_411 : i32 to index
        %get3A_528 = arith.constant 64 : index
        %get3A_529 = tpu.vector_load %arg15[%get3A_526, %get3A_527, %get3A_528] {strides = array<i32>} : memref<2x40x128xf32, #tpu.memory_space<vmem>>, vector<1x1x16xf32>,
        %get3A_530 = vector.shape_cast %get3A_529 : vector<1x1x16xf32> to vector<16xf32>
        %get3A_531 = arith.index_cast %rem3A_322 : i32 to index
        %get3A_532 = arith.index_cast %scan3A_411 : i32 to index
        %get3A_533 = arith.constant 64 : index
        %get3A_534 = tpu.vector_load %arg17[%get3A_531, %get3A_532, %get3A_533] {strides = array<i32>} : memref<2x40x256xf32, #tpu.memory_space<vmem>>, vector<1x1x16xf32>,
        %get3A_535 = vector.shape_cast %get3A_534 : vector<1x1x16xf32> to vector<16xf32>
        %mul3A_536 = arith.mulf %get3A_530, %get3A_535 : vector<16xf32>
        %get3A_537 = arith.index_cast %rem3A_322 : i32 to index
        %get3A_538 = arith.index_cast %scan3A_411 : i32 to index
        %get3A_539 = arith.constant 64 : index
        %get3A_540 = tpu.vector_load %arg16[%get3A_537, %get3A_538, %get3A_539] {strides = array<i32>} : memref<2x40x128xf32, #tpu.memory_space<vmem>>, vector<1x1x16xf32>,
        %get3A_541 = vector.shape_cast %get3A_540 : vector<1x1x16xf32> to vector<16xf32>
        %get3A_542 = arith.index_cast %rem3A_322 : i32 to index
        %get3A_543 = arith.index_cast %scan3A_411 : i32 to index
        %get3A_544 = arith.constant 192 : index
        %get3A_545 = tpu.vector_load %arg17[%get3A_542, %get3A_543, %get3A_544] {strides = array<i32>} : memref<2x40x256xf32, #tpu.memory_space<vmem>>, vector<1x1x16xf32>,
        %get3A_546 = vector.shape_cast %get3A_545 : vector<1x1x16xf32> to vector<16xf32>
        %mul3A_547 = arith.mulf %get3A_541, %get3A_546 : vector<16xf32>
        %add3A_548 = arith.addf %mul3A_536, %mul3A_547 : vector<16xf32>
        %swap3A_549 = arith.index_cast %rem3A_322 : i32 to index
        %swap3A_550 = arith.index_cast %scan3A_411 : i32 to index
        %swap3A_551 = arith.constant 64 : index
        %swap3A_552 = tpu.vector_load %arg15[%swap3A_549, %swap3A_550, %swap3A_551] {strides = array<i32>} : memref<2x40x128xf32, #tpu.memory_space<vmem>>, vector<1x1x16xf32>,
        %swap3A_553 = vector.shape_cast %swap3A_552 : vector<1x1x16xf32> to vector<16xf32>
        %swap3A_554 = vector.shape_cast %add3A_548 : vector<16xf32> to vector<1x1x16xf32>
        tpu.vector_store %arg15[%swap3A_549, %swap3A_550, %swap3A_551], %swap3A_554 {strides = array<i32>} : memref<2x40x128xf32, #tpu.memory_space<vmem>>, vector<1x1x16xf32>,
        %get3A_555 = arith.index_cast %rem3A_322 : i32 to index
        %get3A_556 = arith.index_cast %scan3A_411 : i32 to index
        %get3A_557 = arith.constant 80 : index
        %get3A_558 = tpu.vector_load %arg15[%get3A_555, %get3A_556, %get3A_557] {strides = array<i32>} : memref<2x40x128xf32, #tpu.memory_space<vmem>>, vector<1x1x16xf32>,
        %get3A_559 = vector.shape_cast %get3A_558 : vector<1x1x16xf32> to vector<16xf32>
        %get3A_560 = arith.index_cast %rem3A_322 : i32 to index
        %get3A_561 = arith.index_cast %scan3A_411 : i32 to index
        %get3A_562 = arith.constant 80 : index
        %get3A_563 = tpu.vector_load %arg17[%get3A_560, %get3A_561, %get3A_562] {strides = array<i32>} : memref<2x40x256xf32, #tpu.memory_space<vmem>>, vector<1x1x16xf32>,
        %get3A_564 = vector.shape_cast %get3A_563 : vector<1x1x16xf32> to vector<16xf32>
        %mul3A_565 = arith.mulf %get3A_559, %get3A_564 : vector<16xf32>
        %get3A_566 = arith.index_cast %rem3A_322 : i32 to index
        %get3A_567 = arith.index_cast %scan3A_411 : i32 to index
        %get3A_568 = arith.constant 80 : index
        %get3A_569 = tpu.vector_load %arg16[%get3A_566, %get3A_567, %get3A_568] {strides = array<i32>} : memref<2x40x128xf32, #tpu.memory_space<vmem>>, vector<1x1x16xf32>,
        %get3A_570 = vector.shape_cast %get3A_569 : vector<1x1x16xf32> to vector<16xf32>
        %get3A_571 = arith.index_cast %rem3A_322 : i32 to index
        %get3A_572 = arith.index_cast %scan3A_411 : i32 to index
        %get3A_573 = arith.constant 208 : index
        %get3A_574 = tpu.vector_load %arg17[%get3A_571, %get3A_572, %get3A_573] {strides = array<i32>} : memref<2x40x256xf32, #tpu.memory_space<vmem>>, vector<1x1x16xf32>,
        %get3A_575 = vector.shape_cast %get3A_574 : vector<1x1x16xf32> to vector<16xf32>
        %mul3A_576 = arith.mulf %get3A_570, %get3A_575 : vector<16xf32>
        %add3A_577 = arith.addf %mul3A_565, %mul3A_576 : vector<16xf32>
        %swap3A_578 = arith.index_cast %rem3A_322 : i32 to index
        %swap3A_579 = arith.index_cast %scan3A_411 : i32 to index
        %swap3A_580 = arith.constant 80 : index
        %swap3A_581 = tpu.vector_load %arg15[%swap3A_578, %swap3A_579, %swap3A_580] {strides = array<i32>} : memref<2x40x128xf32, #tpu.memory_space<vmem>>, vector<1x1x16xf32>,
        %swap3A_582 = vector.shape_cast %swap3A_581 : vector<1x1x16xf32> to vector<16xf32>
        %swap3A_583 = vector.shape_cast %add3A_577 : vector<16xf32> to vector<1x1x16xf32>
        tpu.vector_store %arg15[%swap3A_578, %swap3A_579, %swap3A_580], %swap3A_583 {strides = array<i32>} : memref<2x40x128xf32, #tpu.memory_space<vmem>>, vector<1x1x16xf32>,
        %get3A_584 = arith.index_cast %rem3A_322 : i32 to index
        %get3A_585 = arith.index_cast %scan3A_411 : i32 to index
        %get3A_586 = arith.constant 96 : index
        %get3A_587 = tpu.vector_load %arg15[%get3A_584, %get3A_585, %get3A_586] {strides = array<i32>} : memref<2x40x128xf32, #tpu.memory_space<vmem>>, vector<1x1x16xf32>,
        %get3A_588 = vector.shape_cast %get3A_587 : vector<1x1x16xf32> to vector<16xf32>
        %get3A_589 = arith.index_cast %rem3A_322 : i32 to index
        %get3A_590 = arith.index_cast %scan3A_411 : i32 to index
        %get3A_591 = arith.constant 96 : index
        %get3A_592 = tpu.vector_load %arg17[%get3A_589, %get3A_590, %get3A_591] {strides = array<i32>} : memref<2x40x256xf32, #tpu.memory_space<vmem>>, vector<1x1x16xf32>,
        %get3A_593 = vector.shape_cast %get3A_592 : vector<1x1x16xf32> to vector<16xf32>
        %mul3A_594 = arith.mulf %get3A_588, %get3A_593 : vector<16xf32>
        %get3A_595 = arith.index_cast %rem3A_322 : i32 to index
        %get3A_596 = arith.index_cast %scan3A_411 : i32 to index
        %get3A_597 = arith.constant 96 : index
        %get3A_598 = tpu.vector_load %arg16[%get3A_595, %get3A_596, %get3A_597] {strides = array<i32>} : memref<2x40x128xf32, #tpu.memory_space<vmem>>, vector<1x1x16xf32>,
        %get3A_599 = vector.shape_cast %get3A_598 : vector<1x1x16xf32> to vector<16xf32>
        %get3A_600 = arith.index_cast %rem3A_322 : i32 to index
        %get3A_601 = arith.index_cast %scan3A_411 : i32 to index
        %get3A_602 = arith.constant 224 : index
        %get3A_603 = tpu.vector_load %arg17[%get3A_600, %get3A_601, %get3A_602] {strides = array<i32>} : memref<2x40x256xf32, #tpu.memory_space<vmem>>, vector<1x1x16xf32>,
        %get3A_604 = vector.shape_cast %get3A_603 : vector<1x1x16xf32> to vector<16xf32>
        %mul3A_605 = arith.mulf %get3A_599, %get3A_604 : vector<16xf32>
        %add3A_606 = arith.addf %mul3A_594, %mul3A_605 : vector<16xf32>
        %swap3A_607 = arith.index_cast %rem3A_322 : i32 to index
        %swap3A_608 = arith.index_cast %scan3A_411 : i32 to index
        %swap3A_609 = arith.constant 96 : index
        %swap3A_610 = tpu.vector_load %arg15[%swap3A_607, %swap3A_608, %swap3A_609] {strides = array<i32>} : memref<2x40x128xf32, #tpu.memory_space<vmem>>, vector<1x1x16xf32>,
        %swap3A_611 = vector.shape_cast %swap3A_610 : vector<1x1x16xf32> to vector<16xf32>
        %swap3A_612 = vector.shape_cast %add3A_606 : vector<16xf32> to vector<1x1x16xf32>
        tpu.vector_store %arg15[%swap3A_607, %swap3A_608, %swap3A_609], %swap3A_612 {strides = array<i32>} : memref<2x40x128xf32, #tpu.memory_space<vmem>>, vector<1x1x16xf32>,
        %get3A_613 = arith.index_cast %rem3A_322 : i32 to index
        %get3A_614 = arith.index_cast %scan3A_411 : i32 to index
        %get3A_615 = arith.constant 112 : index
        %get3A_616 = tpu.vector_load %arg15[%get3A_613, %get3A_614, %get3A_615] {strides = array<i32>} : memref<2x40x128xf32, #tpu.memory_space<vmem>>, vector<1x1x16xf32>,
        %get3A_617 = vector.shape_cast %get3A_616 : vector<1x1x16xf32> to vector<16xf32>
        %get3A_618 = arith.index_cast %rem3A_322 : i32 to index
        %get3A_619 = arith.index_cast %scan3A_411 : i32 to index
        %get3A_620 = arith.constant 112 : index
        %get3A_621 = tpu.vector_load %arg17[%get3A_618, %get3A_619, %get3A_620] {strides = array<i32>} : memref<2x40x256xf32, #tpu.memory_space<vmem>>, vector<1x1x16xf32>,
        %get3A_622 = vector.shape_cast %get3A_621 : vector<1x1x16xf32> to vector<16xf32>
        %mul3A_623 = arith.mulf %get3A_617, %get3A_622 : vector<16xf32>
        %get3A_624 = arith.index_cast %rem3A_322 : i32 to index
        %get3A_625 = arith.index_cast %scan3A_411 : i32 to index
        %get3A_626 = arith.constant 112 : index
        %get3A_627 = tpu.vector_load %arg16[%get3A_624, %get3A_625, %get3A_626] {strides = array<i32>} : memref<2x40x128xf32, #tpu.memory_space<vmem>>, vector<1x1x16xf32>,
        %get3A_628 = vector.shape_cast %get3A_627 : vector<1x1x16xf32> to vector<16xf32>
        %get3A_629 = arith.index_cast %rem3A_322 : i32 to index
        %get3A_630 = arith.index_cast %scan3A_411 : i32 to index
        %get3A_631 = arith.constant 240 : index
        %get3A_632 = tpu.vector_load %arg17[%get3A_629, %get3A_630, %get3A_631] {strides = array<i32>} : memref<2x40x256xf32, #tpu.memory_space<vmem>>, vector<1x1x16xf32>,
        %get3A_633 = vector.shape_cast %get3A_632 : vector<1x1x16xf32> to vector<16xf32>
        %mul3A_634 = arith.mulf %get3A_628, %get3A_633 : vector<16xf32>
        %add3A_635 = arith.addf %mul3A_623, %mul3A_634 : vector<16xf32>
        %swap3A_636 = arith.index_cast %rem3A_322 : i32 to index
        %swap3A_637 = arith.index_cast %scan3A_411 : i32 to index
        %swap3A_638 = arith.constant 112 : index
        %swap3A_639 = tpu.vector_load %arg15[%swap3A_636, %swap3A_637, %swap3A_638] {strides = array<i32>} : memref<2x40x128xf32, #tpu.memory_space<vmem>>, vector<1x1x16xf32>,
        %swap3A_640 = vector.shape_cast %swap3A_639 : vector<1x1x16xf32> to vector<16xf32>
        %swap3A_641 = vector.shape_cast %add3A_635 : vector<16xf32> to vector<1x1x16xf32>
        tpu.vector_store %arg15[%swap3A_636, %swap3A_637, %swap3A_638], %swap3A_641 {strides = array<i32>} : memref<2x40x128xf32, #tpu.memory_space<vmem>>, vector<1x1x16xf32>,
      }
      %scan3A_399 = arith.constant 40 : i32
      %dma_start3A_400 = arith.constant 1 : i32
      %dma_start3A_401 = arith.constant 0 : i32
      %dma_start3A_402 = arith.constant 0 : i32
      %dma_start3A_403 = tpu.memref_slice %arg15[%rem3A_322, %dma_start3A_401, %dma_start3A_402] : memref<2x40x128xf32, #tpu.memory_space<vmem>> -> memref<1x40x128xf32, #tpu.memory_space<vmem>>
      %dma_start3A_404 = tpu.memref_squeeze %dma_start3A_403 : memref<1x40x128xf32, #tpu.memory_space<vmem>> -> memref<40x128xf32, #tpu.memory_space<vmem>>
      %dma_start3A_405 = arith.constant 0 : i32
      %dma_start3A_406 = tpu.memref_slice %arg14[%rem3A_327, %dma_start3A_400, %sub3A, %dma_start3A_405] : memref<2x2x10x40xi32, #tpu.memory_space<vmem>> -> memref<1x1x1x40xi32, #tpu.memory_space<vmem>>
      %dma_start3A_407 = tpu.memref_squeeze %dma_start3A_406 : memref<1x1x1x40xi32, #tpu.memory_space<vmem>> -> memref<40xi32, #tpu.memory_space<vmem>>
      %dma_start3A_408 = arith.constant 0 : i32
      %dma_start3A_409 = arith.constant 0 : i32
      %dma_start3A_410 = tpu.memref_slice %arg18[%dma_start3A_408, %dma_start3A_409] : memref<10000x128xf32, #tpu.memory_space<vmem_shared>> -> memref<10000x128xf32, #tpu.memory_space<vmem_shared>>
      tpu.enqueue_indirect_dma source(%dma_start3A_404 : memref<40x128xf32, #tpu.memory_space<vmem>>) target(%dma_start3A_410 : memref<10000x128xf32, #tpu.memory_space<vmem_shared>>) offsets(%dma_start3A_407 : memref<40xi32, #tpu.memory_space<vmem>>) semaphore(%arg20 : memref<!tpu.dma_semaphore, #tpu.memory_space<semaphore_mem>>) {add = true}
    }
    %scan3A_298 = arith.constant 250 : i32
    %dma_wait3A_299 = arith.constant 0 : i32
    %dma_wait3A_300 = arith.constant 0 : i32
    %dma_wait3A_301 = arith.constant 1 : i32
    %dma_wait3A_302 = arith.constant 0 : i32
    %dma_wait3A_303 = arith.constant 0 : i32
    %dma_wait3A_304 = arith.constant 0 : i32
    %dma_wait3A_305 = tpu.memref_slice %arg15[%dma_wait3A_299, %dma_wait3A_303, %dma_wait3A_304] : memref<2x40x128xf32, #tpu.memory_space<vmem>> -> memref<1x40x128xf32, #tpu.memory_space<vmem>>
    %dma_wait3A_306 = tpu.memref_squeeze %dma_wait3A_305 : memref<1x40x128xf32, #tpu.memory_space<vmem>> -> memref<40x128xf32, #tpu.memory_space<vmem>>
    %dma_wait3A_307 = arith.constant 0 : i32
    %dma_wait3A_308 = tpu.memref_slice %arg14[%dma_wait3A_300, %dma_wait3A_301, %dma_wait3A_302, %dma_wait3A_307] : memref<2x2x10x40xi32, #tpu.memory_space<vmem>> -> memref<1x1x1x40xi32, #tpu.memory_space<vmem>>
    %dma_wait3A_309 = tpu.memref_squeeze %dma_wait3A_308 : memref<1x1x1x40xi32, #tpu.memory_space<vmem>> -> memref<40xi32, #tpu.memory_space<vmem>>
    %dma_wait3A_310 = arith.constant 0 : i32
    %dma_wait3A_311 = arith.constant 0 : i32
    %dma_wait3A_312 = tpu.memref_slice %arg18[%dma_wait3A_310, %dma_wait3A_311] : memref<10000x128xf32, #tpu.memory_space<vmem_shared>> -> memref<10000x128xf32, #tpu.memory_space<vmem_shared>>
    tpu.wait_indirect_dma semaphore(%arg20 : memref<!tpu.dma_semaphore, #tpu.memory_space<semaphore_mem>>) src(%dma_wait3A_306 : memref<40x128xf32, #tpu.memory_space<vmem>>) dst(%dma_wait3A_312 : memref<10000x128xf32, #tpu.memory_space<vmem_shared>>)
    %barrier3A_313 = arith.constant 0 : index
    tpu.barrier barrier_id(%barrier3A_313)
    %run_scoped3A_314 = arith.constant 3 : i32
    "tpu.region"() ({
      %run_scoped3A_321 = tpu.sem_alloc : memref<!tpu.dma_semaphore, #tpu.memory_space<semaphore_mem>>
      %dma_start3A_322 = arith.constant 0 : i32
      %dma_start3A_323 = tpu.memref_slice %arg13[%run_scoped3A_314, %arg0, %mul3A_2, %dma_start3A_322] : memref<4x2x10000x128xf32, #tpu.memory_space<hbm>> -> memref<1x1x624x128xf32, #tpu.memory_space<hbm>>
      %dma_start3A_324 = tpu.memref_squeeze %dma_start3A_323 : memref<1x1x624x128xf32, #tpu.memory_space<hbm>> -> memref<624x128xf32, #tpu.memory_space<hbm>>
      %dma_start3A_325 = arith.constant 0 : i32
      %dma_start3A_326 = tpu.memref_slice %arg18[%mul3A_2, %dma_start3A_325] : memref<10000x128xf32, #tpu.memory_space<vmem_shared>> -> memref<624x128xf32, #tpu.memory_space<vmem_shared>>
      tpu.enqueue_dma source(%dma_start3A_326 : memref<624x128xf32, #tpu.memory_space<vmem_shared>>) target(%dma_start3A_324 : memref<624x128xf32, #tpu.memory_space<hbm>>) target_semaphore(%run_scoped3A_321 : memref<!tpu.dma_semaphore, #tpu.memory_space<semaphore_mem>>)
      %dma_wait3A_327 = arith.constant 0 : i32
      %dma_wait3A_328 = tpu.memref_slice %arg13[%run_scoped3A_314, %arg0, %mul3A_2, %dma_wait3A_327] : memref<4x2x10000x128xf32, #tpu.memory_space<hbm>> -> memref<1x1x624x128xf32, #tpu.memory_space<hbm>>
      %dma_wait3A_329 = tpu.memref_squeeze %dma_wait3A_328 : memref<1x1x624x128xf32, #tpu.memory_space<hbm>> -> memref<624x128xf32, #tpu.memory_space<hbm>>
      %dma_wait3A_330 = arith.constant 0 : i32
      %dma_wait3A_331 = tpu.memref_slice %arg18[%mul3A_2, %dma_wait3A_330] : memref<10000x128xf32, #tpu.memory_space<vmem_shared>> -> memref<624x128xf32, #tpu.memory_space<vmem_shared>>
      tpu.wait_dma2 semaphore(%run_scoped3A_321 : memref<!tpu.dma_semaphore, #tpu.memory_space<semaphore_mem>>) src(%dma_wait3A_331 : memref<624x128xf32, #tpu.memory_space<vmem_shared>>) dst(%dma_wait3A_329 : memref<624x128xf32, #tpu.memory_space<hbm>>)
      tpu.yield
    }) : () -> ()
    %eq3A_315 = arith.constant 15 : i32
    %eq3A_316 = arith.cmpi eq, %arg1, %eq3A_315 : i32
    %convert_element_type3A_317 = arith.extui %eq3A_316 : i1 to i32
    %cond3A_318 = arith.constant 0 : i32
    %cond3A_319 = arith.cmpi ne, %convert_element_type3A_317, %cond3A_318 : i32
    scf.if %cond3A_319 {
      %run_scoped3A_321 = arith.constant 3 : i32
      "tpu.region"() ({
        %run_scoped3A_322 = tpu.sem_alloc : memref<!tpu.dma_semaphore, #tpu.memory_space<semaphore_mem>>
        %dma_start3A_323 = arith.constant 9984 : i32
        %dma_start3A_324 = arith.constant 0 : i32
        %dma_start3A_325 = tpu.memref_slice %arg13[%run_scoped3A_321, %arg0, %dma_start3A_323, %dma_start3A_324] : memref<4x2x10000x128xf32, #tpu.memory_space<hbm>> -> memref<1x1x16x128xf32, #tpu.memory_space<hbm>>
        %dma_start3A_326 = tpu.memref_squeeze %dma_start3A_325 : memref<1x1x16x128xf32, #tpu.memory_space<hbm>> -> memref<16x128xf32, #tpu.memory_space<hbm>>
        %dma_start3A_327 = arith.constant 9984 : i32
        %dma_start3A_328 = arith.constant 0 : i32
        %dma_start3A_329 = tpu.memref_slice %arg18[%dma_start3A_327, %dma_start3A_328] : memref<10000x128xf32, #tpu.memory_space<vmem_shared>> -> memref<16x128xf32, #tpu.memory_space<vmem_shared>>
        tpu.enqueue_dma source(%dma_start3A_329 : memref<16x128xf32, #tpu.memory_space<vmem_shared>>) target(%dma_start3A_326 : memref<16x128xf32, #tpu.memory_space<hbm>>) target_semaphore(%run_scoped3A_322 : memref<!tpu.dma_semaphore, #tpu.memory_space<semaphore_mem>>)
        %dma_wait3A_330 = arith.constant 9984 : i32
        %dma_wait3A_331 = arith.constant 0 : i32
        %dma_wait3A_332 = tpu.memref_slice %arg13[%run_scoped3A_321, %arg0, %dma_wait3A_330, %dma_wait3A_331] : memref<4x2x10000x128xf32, #tpu.memory_space<hbm>> -> memref<1x1x16x128xf32, #tpu.memory_space<hbm>>
        %dma_wait3A_333 = tpu.memref_squeeze %dma_wait3A_332 : memref<1x1x16x128xf32, #tpu.memory_space<hbm>> -> memref<16x128xf32, #tpu.memory_space<hbm>>
        %dma_wait3A_334 = arith.constant 9984 : i32
        %dma_wait3A_335 = arith.constant 0 : i32
        %dma_wait3A_336 = tpu.memref_slice %arg18[%dma_wait3A_334, %dma_wait3A_335] : memref<10000x128xf32, #tpu.memory_space<vmem_shared>> -> memref<16x128xf32, #tpu.memory_space<vmem_shared>>
        tpu.wait_dma2 semaphore(%run_scoped3A_322 : memref<!tpu.dma_semaphore, #tpu.memory_space<semaphore_mem>>) src(%dma_wait3A_336 : memref<16x128xf32, #tpu.memory_space<vmem_shared>>) dst(%dma_wait3A_333 : memref<16x128xf32, #tpu.memory_space<hbm>>)
        tpu.yield
      }) : () -> ()
    } else {
    }
    %barrier3A_320 = arith.constant 0 : index
    tpu.barrier barrier_id(%barrier3A_320)
    return
  }
}

module attributes {stable_mosaic.version = 14 : i64} {
  func.func @_mlp1_body(%arg0: i32, %arg1: memref<1000x128xf32, #tpu.memory_space<vmem>>, %arg2: memref<1000x3x128xf32, #tpu.memory_space<vmem>>, %arg3: memref<128x128xf32, #tpu.memory_space<vmem>>, %arg4: memref<128xf32, #tpu.memory_space<vmem>>, %arg5: memref<128x384xf32, #tpu.memory_space<vmem>>, %arg6: memref<384xf32, #tpu.memory_space<vmem>>, %arg7: memref<1000x128xf32, #tpu.memory_space<vmem>>, %arg8: memref<1000x256xf32, #tpu.memory_space<vmem>>, %arg9: memref<1000x256xf32, #tpu.memory_space<vmem>>, %arg10: memref<1000x256xf32, #tpu.memory_space<vmem>>) attributes {dimension_semantics = [#tpu.dimension_semantics<arbitrary>], iteration_bounds = array<i64: 10>, scalar_prefetch = 0 : i64, scratch_operands = 0 : i64, tpu.core_type = #tpu.core_type<tc>, window_params = [{transform_indices = @transform_0, window_bounds = array<i64: 1000, 128>}, {transform_indices = @transform_1, window_bounds = array<i64: 1000, 3, 128>}, {pipeline_mode = #tpu.pipeline_mode<synchronous>, transform_indices = @transform_2, window_bounds = array<i64: 128, 128>}, {pipeline_mode = #tpu.pipeline_mode<synchronous>, transform_indices = @transform_3, window_bounds = array<i64: 128>}, {pipeline_mode = #tpu.pipeline_mode<synchronous>, transform_indices = @transform_4, window_bounds = array<i64: 128, 384>}, {pipeline_mode = #tpu.pipeline_mode<synchronous>, transform_indices = @transform_5, window_bounds = array<i64: 384>}, {transform_indices = @transform_6, window_bounds = array<i64: 1000, 128>}, {transform_indices = @transform_7, window_bounds = array<i64: 1000, 256>}, {transform_indices = @transform_8, window_bounds = array<i64: 1000, 256>}, {transform_indices = @transform_9, window_bounds = array<i64: 1000, 256>}]} {
    %get3A = arith.constant 0 : index
    %get3A_0 = arith.constant 0 : index
    %get3A_1 = vector.load %arg1[%get3A, %get3A_0] : memref<1000x128xf32, #tpu.memory_space<vmem>>, vector<1000x128xf32>
    %get3A_2 = arith.constant 0 : index
    %get3A_3 = arith.constant 0 : index
    %get3A_4 = vector.load %arg3[%get3A_2, %get3A_3] : memref<128x128xf32, #tpu.memory_space<vmem>>, vector<128x128xf32>
    %dot_general3A = arith.constant dense<0.000000e+00> : vector<1000x128xf32>
    %dot_general3A_5 = tpu.matmul %get3A_1, %get3A_4, %dot_general3A {dimension_numbers = #tpu.dot_dimension_numbers<[1], [0], [0], [1], [0, 0, 1, 1], [], []>, transpose_lhs_hint = false} : vector<1000x128xf32>, vector<128x128xf32>, vector<1000x128xf32> -> vector<1000x128xf32>
    %get3A_6 = arith.constant 0 : index
    %get3A_7 = vector.load %arg4[%get3A_6] : memref<128xf32, #tpu.memory_space<vmem>>, vector<128xf32>
    %broadcast_in_dim3A = vector.shape_cast %get3A_7 : vector<128xf32> to vector<1x128xf32>
    %add3A = vector.broadcast %broadcast_in_dim3A : vector<1x128xf32> to vector<1000x128xf32>
    %add3A_8 = arith.addf %dot_general3A_5, %add3A : vector<1000x128xf32>
    %logistic3A = arith.negf %add3A_8 : vector<1000x128xf32>
    %logistic3A_9 = math.exp %logistic3A : vector<1000x128xf32>
    %logistic3A_10 = arith.constant 1.000000e+00 : f32
    %logistic3A_11 = vector.broadcast %logistic3A_10 : f32 to vector<1000x128xf32>
    %logistic3A_12 = arith.addf %logistic3A_11, %logistic3A_9 : vector<1000x128xf32>
    %logistic3A_13 = arith.divf %logistic3A_11, %logistic3A_12 : vector<1000x128xf32>
    %mul3A = arith.mulf %add3A_8, %logistic3A_13 : vector<1000x128xf32>
    %get3A_14 = arith.constant 0 : index
    %get3A_15 = arith.constant 0 : index
    %get3A_16 = vector.load %arg5[%get3A_14, %get3A_15] : memref<128x384xf32, #tpu.memory_space<vmem>>, vector<128x384xf32>
    %dot_general3A_17 = arith.constant dense<0.000000e+00> : vector<1000x384xf32>
    %dot_general3A_18 = tpu.matmul %mul3A, %get3A_16, %dot_general3A_17 {dimension_numbers = #tpu.dot_dimension_numbers<[1], [0], [0], [1], [0, 0, 1, 1], [], []>, transpose_lhs_hint = false} : vector<1000x128xf32>, vector<128x384xf32>, vector<1000x384xf32> -> vector<1000x384xf32>
    %get3A_19 = arith.constant 0 : index
    %get3A_20 = vector.load %arg6[%get3A_19] : memref<384xf32, #tpu.memory_space<vmem>>, vector<384xf32>
    %broadcast_in_dim3A_21 = vector.shape_cast %get3A_20 : vector<384xf32> to vector<1x384xf32>
    %add3A_22 = vector.broadcast %broadcast_in_dim3A_21 : vector<1x384xf32> to vector<1000x384xf32>
    %add3A_23 = arith.addf %dot_general3A_18, %add3A_22 : vector<1000x384xf32>
    %slice3A = vector.extract_strided_slice %add3A_23 {offsets = [0, 0], sizes = [1000, 128], strides = [1, 1]} : vector<1000x384xf32> to vector<1000x128xf32>
    %swap3A = arith.constant 0 : index
    %swap3A_24 = arith.constant 0 : index
    %swap3A_25 = vector.load %arg7[%swap3A, %swap3A_24] : memref<1000x128xf32, #tpu.memory_space<vmem>>, vector<1000x128xf32>
    tpu.vector_store %arg7[%swap3A, %swap3A_24], %slice3A {strides = array<i32>} : memref<1000x128xf32, #tpu.memory_space<vmem>>, vector<1000x128xf32>,
    %slice3A_26 = vector.extract_strided_slice %add3A_23 {offsets = [0, 128], sizes = [1000, 128], strides = [1, 1]} : vector<1000x384xf32> to vector<1000x128xf32>
    %slice3A_27 = vector.extract_strided_slice %add3A_23 {offsets = [0, 256], sizes = [1000, 128], strides = [1, 1]} : vector<1000x384xf32> to vector<1000x128xf32>
    %get3A_28 = arith.constant 0 : index
    %get3A_29 = arith.constant 0 : index
    %get3A_30 = arith.constant 0 : index
    %get3A_31 = vector.load %arg2[%get3A_28, %get3A_29, %get3A_30] : memref<1000x3x128xf32, #tpu.memory_space<vmem>>, vector<1000x1x128xf32>
    %get3A_32 = vector.shape_cast %get3A_31 : vector<1000x1x128xf32> to vector<1000x128xf32>
    %mul3A_33 = arith.mulf %slice3A_27, %get3A_32 : vector<1000x128xf32>
    %concatenate3A = tpu.concatenate %slice3A_26, %mul3A_33 in 1 : vector<1000x128xf32>, vector<1000x128xf32> -> vector<1000x256xf32>
    %swap3A_34 = arith.constant 0 : index
    %swap3A_35 = arith.constant 0 : index
    %swap3A_36 = vector.load %arg8[%swap3A_34, %swap3A_35] : memref<1000x256xf32, #tpu.memory_space<vmem>>, vector<1000x256xf32>
    tpu.vector_store %arg8[%swap3A_34, %swap3A_35], %concatenate3A {strides = array<i32>} : memref<1000x256xf32, #tpu.memory_space<vmem>>, vector<1000x256xf32>,
    %get3A_37 = arith.constant 0 : index
    %get3A_38 = arith.constant 1 : index
    %get3A_39 = arith.constant 0 : index
    %get3A_40 = vector.load %arg2[%get3A_37, %get3A_38, %get3A_39] : memref<1000x3x128xf32, #tpu.memory_space<vmem>>, vector<1000x1x128xf32>
    %get3A_41 = vector.shape_cast %get3A_40 : vector<1000x1x128xf32> to vector<1000x128xf32>
    %mul3A_42 = arith.mulf %slice3A_27, %get3A_41 : vector<1000x128xf32>
    %concatenate3A_43 = tpu.concatenate %slice3A_26, %mul3A_42 in 1 : vector<1000x128xf32>, vector<1000x128xf32> -> vector<1000x256xf32>
    %swap3A_44 = arith.constant 0 : index
    %swap3A_45 = arith.constant 0 : index
    %swap3A_46 = vector.load %arg9[%swap3A_44, %swap3A_45] : memref<1000x256xf32, #tpu.memory_space<vmem>>, vector<1000x256xf32>
    tpu.vector_store %arg9[%swap3A_44, %swap3A_45], %concatenate3A_43 {strides = array<i32>} : memref<1000x256xf32, #tpu.memory_space<vmem>>, vector<1000x256xf32>,
    %get3A_47 = arith.constant 0 : index
    %get3A_48 = arith.constant 2 : index
    %get3A_49 = arith.constant 0 : index
    %get3A_50 = vector.load %arg2[%get3A_47, %get3A_48, %get3A_49] : memref<1000x3x128xf32, #tpu.memory_space<vmem>>, vector<1000x1x128xf32>
    %get3A_51 = vector.shape_cast %get3A_50 : vector<1000x1x128xf32> to vector<1000x128xf32>
    %mul3A_52 = arith.mulf %slice3A_27, %get3A_51 : vector<1000x128xf32>
    %concatenate3A_53 = tpu.concatenate %slice3A_26, %mul3A_52 in 1 : vector<1000x128xf32>, vector<1000x128xf32> -> vector<1000x256xf32>
    %swap3A_54 = arith.constant 0 : index
    %swap3A_55 = arith.constant 0 : index
    %swap3A_56 = vector.load %arg10[%swap3A_54, %swap3A_55] : memref<1000x256xf32, #tpu.memory_space<vmem>>, vector<1000x256xf32>
    tpu.vector_store %arg10[%swap3A_54, %swap3A_55], %concatenate3A_53 {strides = array<i32>} : memref<1000x256xf32, #tpu.memory_space<vmem>>, vector<1000x256xf32>,
    return
  }
  func.func @transform_0(%arg0: i32) -> (i32, i32) {
    %c0_i32 = arith.constant 0 : i32
    %c0_i32_0 = arith.constant 0 : i32
    return %arg0, %c0_i32 : i32, i32
  }
  func.func @transform_1(%arg0: i32) -> (i32, i32, i32) {
    %c0_i32 = arith.constant 0 : i32
    %c0_i32_0 = arith.constant 0 : i32
    %c0_i32_1 = arith.constant 0 : i32
    return %arg0, %c0_i32, %c0_i32_0 : i32, i32, i32
  }
  func.func @transform_2(%arg0: i32) -> (i32, i32) {
    %c0_i32 = arith.constant 0 : i32
    %c0_i32_0 = arith.constant 0 : i32
    %c0_i32_1 = arith.constant 0 : i32
    return %c0_i32, %c0_i32_0 : i32, i32
  }
  func.func @transform_3(%arg0: i32) -> i32 {
    %c0_i32 = arith.constant 0 : i32
    %c0_i32_0 = arith.constant 0 : i32
    return %c0_i32 : i32
  }
  func.func @transform_4(%arg0: i32) -> (i32, i32) {
    %c0_i32 = arith.constant 0 : i32
    %c0_i32_0 = arith.constant 0 : i32
    %c0_i32_1 = arith.constant 0 : i32
    return %c0_i32, %c0_i32_0 : i32, i32
  }
  func.func @transform_5(%arg0: i32) -> i32 {
    %c0_i32 = arith.constant 0 : i32
    %c0_i32_0 = arith.constant 0 : i32
    return %c0_i32 : i32
  }
  func.func @transform_6(%arg0: i32) -> (i32, i32) {
    %c0_i32 = arith.constant 0 : i32
    %c0_i32_0 = arith.constant 0 : i32
    return %arg0, %c0_i32 : i32, i32
  }
  func.func @transform_7(%arg0: i32) -> (i32, i32) {
    %c0_i32 = arith.constant 0 : i32
    %c0_i32_0 = arith.constant 0 : i32
    return %arg0, %c0_i32 : i32, i32
  }
  func.func @transform_8(%arg0: i32) -> (i32, i32) {
    %c0_i32 = arith.constant 0 : i32
    %c0_i32_0 = arith.constant 0 : i32
    return %arg0, %c0_i32 : i32, i32
  }
  func.func @transform_9(%arg0: i32) -> (i32, i32) {
    %c0_i32 = arith.constant 0 : i32
    %c0_i32_0 = arith.constant 0 : i32
    return %arg0, %c0_i32 : i32, i32
  }
}

module attributes {stable_mosaic.version = 14 : i64} {
  func.func @_update_body(%arg0: i32, %arg1: memref<1000x128xf32, #tpu.memory_space<vmem>>, %arg2: memref<1000x3x128xf32, #tpu.memory_space<vmem>>, %arg3: memref<4x2x1000x128xf32, #tpu.memory_space<vmem>>, %arg4: memref<128x256xf32, #tpu.memory_space<vmem>>, %arg5: memref<256x128xf32, #tpu.memory_space<vmem>>, %arg6: memref<128xf32, #tpu.memory_space<vmem>>, %arg7: memref<128x384xf32, #tpu.memory_space<vmem>>, %arg8: memref<384xf32, #tpu.memory_space<vmem>>, %arg9: memref<1000x128xf32, #tpu.memory_space<vmem>>, %arg10: memref<1000x3x128xf32, #tpu.memory_space<vmem>>) attributes {dimension_semantics = [#tpu.dimension_semantics<arbitrary>], iteration_bounds = array<i64: 10>, scalar_prefetch = 0 : i64, scratch_operands = 0 : i64, tpu.core_type = #tpu.core_type<tc>, window_params = [{transform_indices = @transform_0, window_bounds = array<i64: 1000, 128>}, {transform_indices = @transform_1, window_bounds = array<i64: 1000, 3, 128>}, {transform_indices = @transform_2, window_bounds = array<i64: 4, 2, 1000, 128>}, {pipeline_mode = #tpu.pipeline_mode<synchronous>, transform_indices = @transform_3, window_bounds = array<i64: 128, 256>}, {pipeline_mode = #tpu.pipeline_mode<synchronous>, transform_indices = @transform_4, window_bounds = array<i64: 256, 128>}, {pipeline_mode = #tpu.pipeline_mode<synchronous>, transform_indices = @transform_5, window_bounds = array<i64: 128>}, {pipeline_mode = #tpu.pipeline_mode<synchronous>, transform_indices = @transform_6, window_bounds = array<i64: 128, 384>}, {pipeline_mode = #tpu.pipeline_mode<synchronous>, transform_indices = @transform_7, window_bounds = array<i64: 384>}, {transform_indices = @transform_8, window_bounds = array<i64: 1000, 128>}, {transform_indices = @transform_9, window_bounds = array<i64: 1000, 3, 128>}]} {
    %get3A = arith.constant 0 : index
    %get3A_0 = arith.constant 0 : index
    %get3A_1 = vector.load %arg1[%get3A, %get3A_0] : memref<1000x128xf32, #tpu.memory_space<vmem>>, vector<1000x128xf32>
    %get3A_2 = arith.constant 0 : index
    %get3A_3 = arith.constant 0 : index
    %get3A_4 = arith.constant 0 : index
    %get3A_5 = arith.constant 0 : index
    %get3A_6 = vector.load %arg3[%get3A_2, %get3A_3, %get3A_4, %get3A_5] : memref<4x2x1000x128xf32, #tpu.memory_space<vmem>>, vector<1x1x1000x128xf32>
    %get3A_7 = vector.shape_cast %get3A_6 : vector<1x1x1000x128xf32> to vector<1000x128xf32>
    %get3A_8 = arith.constant 0 : index
    %get3A_9 = arith.constant 1 : index
    %get3A_10 = arith.constant 0 : index
    %get3A_11 = arith.constant 0 : index
    %get3A_12 = vector.load %arg3[%get3A_8, %get3A_9, %get3A_10, %get3A_11] : memref<4x2x1000x128xf32, #tpu.memory_space<vmem>>, vector<1x1x1000x128xf32>
    %get3A_13 = vector.shape_cast %get3A_12 : vector<1x1x1000x128xf32> to vector<1000x128xf32>
    %add3A = arith.addf %get3A_7, %get3A_13 : vector<1000x128xf32>
    %jit3A = arith.constant -1.000000e+04 : f32
    %jit3A_14 = arith.constant 1.000000e+04 : f32
    %max3A = vector.broadcast %jit3A : f32 to vector<1000x128xf32>
    %max3A_15 = arith.maximumf %max3A, %add3A : vector<1000x128xf32>
    %min3A = vector.broadcast %jit3A_14 : f32 to vector<1000x128xf32>
    %min3A_16 = arith.minimumf %min3A, %max3A_15 : vector<1000x128xf32>
    %add3A_17 = arith.addf %get3A_1, %min3A_16 : vector<1000x128xf32>
    %get3A_18 = arith.constant 0 : index
    %get3A_19 = arith.constant 0 : index
    %get3A_20 = arith.constant 0 : index
    %get3A_21 = vector.load %arg2[%get3A_18, %get3A_19, %get3A_20] : memref<1000x3x128xf32, #tpu.memory_space<vmem>>, vector<1000x1x128xf32>
    %get3A_22 = vector.shape_cast %get3A_21 : vector<1000x1x128xf32> to vector<1000x128xf32>
    %get3A_23 = arith.constant 1 : index
    %get3A_24 = arith.constant 0 : index
    %get3A_25 = arith.constant 0 : index
    %get3A_26 = arith.constant 0 : index
    %get3A_27 = vector.load %arg3[%get3A_23, %get3A_24, %get3A_25, %get3A_26] : memref<4x2x1000x128xf32, #tpu.memory_space<vmem>>, vector<1x1x1000x128xf32>
    %get3A_28 = vector.shape_cast %get3A_27 : vector<1x1x1000x128xf32> to vector<1000x128xf32>
    %get3A_29 = arith.constant 1 : index
    %get3A_30 = arith.constant 1 : index
    %get3A_31 = arith.constant 0 : index
    %get3A_32 = arith.constant 0 : index
    %get3A_33 = vector.load %arg3[%get3A_29, %get3A_30, %get3A_31, %get3A_32] : memref<4x2x1000x128xf32, #tpu.memory_space<vmem>>, vector<1x1x1000x128xf32>
    %get3A_34 = vector.shape_cast %get3A_33 : vector<1x1x1000x128xf32> to vector<1000x128xf32>
    %add3A_35 = arith.addf %get3A_28, %get3A_34 : vector<1000x128xf32>
    %jit3A_36 = arith.constant -1.000000e+04 : f32
    %jit3A_37 = arith.constant 1.000000e+04 : f32
    %max3A_38 = vector.broadcast %jit3A_36 : f32 to vector<1000x128xf32>
    %max3A_39 = arith.maximumf %max3A_38, %add3A_35 : vector<1000x128xf32>
    %min3A_40 = vector.broadcast %jit3A_37 : f32 to vector<1000x128xf32>
    %min3A_41 = arith.minimumf %min3A_40, %max3A_39 : vector<1000x128xf32>
    %add3A_42 = arith.addf %get3A_22, %min3A_41 : vector<1000x128xf32>
    %get3A_43 = arith.constant 0 : index
    %get3A_44 = arith.constant 1 : index
    %get3A_45 = arith.constant 0 : index
    %get3A_46 = vector.load %arg2[%get3A_43, %get3A_44, %get3A_45] : memref<1000x3x128xf32, #tpu.memory_space<vmem>>, vector<1000x1x128xf32>
    %get3A_47 = vector.shape_cast %get3A_46 : vector<1000x1x128xf32> to vector<1000x128xf32>
    %get3A_48 = arith.constant 2 : index
    %get3A_49 = arith.constant 0 : index
    %get3A_50 = arith.constant 0 : index
    %get3A_51 = arith.constant 0 : index
    %get3A_52 = vector.load %arg3[%get3A_48, %get3A_49, %get3A_50, %get3A_51] : memref<4x2x1000x128xf32, #tpu.memory_space<vmem>>, vector<1x1x1000x128xf32>
    %get3A_53 = vector.shape_cast %get3A_52 : vector<1x1x1000x128xf32> to vector<1000x128xf32>
    %get3A_54 = arith.constant 2 : index
    %get3A_55 = arith.constant 1 : index
    %get3A_56 = arith.constant 0 : index
    %get3A_57 = arith.constant 0 : index
    %get3A_58 = vector.load %arg3[%get3A_54, %get3A_55, %get3A_56, %get3A_57] : memref<4x2x1000x128xf32, #tpu.memory_space<vmem>>, vector<1x1x1000x128xf32>
    %get3A_59 = vector.shape_cast %get3A_58 : vector<1x1x1000x128xf32> to vector<1000x128xf32>
    %add3A_60 = arith.addf %get3A_53, %get3A_59 : vector<1000x128xf32>
    %jit3A_61 = arith.constant -1.000000e+04 : f32
    %jit3A_62 = arith.constant 1.000000e+04 : f32
    %max3A_63 = vector.broadcast %jit3A_61 : f32 to vector<1000x128xf32>
    %max3A_64 = arith.maximumf %max3A_63, %add3A_60 : vector<1000x128xf32>
    %min3A_65 = vector.broadcast %jit3A_62 : f32 to vector<1000x128xf32>
    %min3A_66 = arith.minimumf %min3A_65, %max3A_64 : vector<1000x128xf32>
    %add3A_67 = arith.addf %get3A_47, %min3A_66 : vector<1000x128xf32>
    %get3A_68 = arith.constant 0 : index
    %get3A_69 = arith.constant 2 : index
    %get3A_70 = arith.constant 0 : index
    %get3A_71 = vector.load %arg2[%get3A_68, %get3A_69, %get3A_70] : memref<1000x3x128xf32, #tpu.memory_space<vmem>>, vector<1000x1x128xf32>
    %get3A_72 = vector.shape_cast %get3A_71 : vector<1000x1x128xf32> to vector<1000x128xf32>
    %get3A_73 = arith.constant 3 : index
    %get3A_74 = arith.constant 0 : index
    %get3A_75 = arith.constant 0 : index
    %get3A_76 = arith.constant 0 : index
    %get3A_77 = vector.load %arg3[%get3A_73, %get3A_74, %get3A_75, %get3A_76] : memref<4x2x1000x128xf32, #tpu.memory_space<vmem>>, vector<1x1x1000x128xf32>
    %get3A_78 = vector.shape_cast %get3A_77 : vector<1x1x1000x128xf32> to vector<1000x128xf32>
    %get3A_79 = arith.constant 3 : index
    %get3A_80 = arith.constant 1 : index
    %get3A_81 = arith.constant 0 : index
    %get3A_82 = arith.constant 0 : index
    %get3A_83 = vector.load %arg3[%get3A_79, %get3A_80, %get3A_81, %get3A_82] : memref<4x2x1000x128xf32, #tpu.memory_space<vmem>>, vector<1x1x1000x128xf32>
    %get3A_84 = vector.shape_cast %get3A_83 : vector<1x1x1000x128xf32> to vector<1000x128xf32>
    %add3A_85 = arith.addf %get3A_78, %get3A_84 : vector<1000x128xf32>
    %jit3A_86 = arith.constant -1.000000e+04 : f32
    %jit3A_87 = arith.constant 1.000000e+04 : f32
    %max3A_88 = vector.broadcast %jit3A_86 : f32 to vector<1000x128xf32>
    %max3A_89 = arith.maximumf %max3A_88, %add3A_85 : vector<1000x128xf32>
    %min3A_90 = vector.broadcast %jit3A_87 : f32 to vector<1000x128xf32>
    %min3A_91 = arith.minimumf %min3A_90, %max3A_89 : vector<1000x128xf32>
    %add3A_92 = arith.addf %get3A_72, %min3A_91 : vector<1000x128xf32>
    %get3A_93 = arith.constant 0 : index
    %get3A_94 = arith.constant 0 : index
    %get3A_95 = vector.load %arg4[%get3A_93, %get3A_94] : memref<128x256xf32, #tpu.memory_space<vmem>>, vector<128x256xf32>
    %dot_general3A = arith.constant dense<0.000000e+00> : vector<1000x256xf32>
    %dot_general3A_96 = tpu.matmul %add3A_42, %get3A_95, %dot_general3A {dimension_numbers = #tpu.dot_dimension_numbers<[1], [0], [0], [1], [0, 0, 1, 1], [], []>, transpose_lhs_hint = false} : vector<1000x128xf32>, vector<128x256xf32>, vector<1000x256xf32> -> vector<1000x256xf32>
    %slice3A = vector.extract_strided_slice %dot_general3A_96 {offsets = [0, 0], sizes = [1000, 128], strides = [1, 1]} : vector<1000x256xf32> to vector<1000x128xf32>
    %slice3A_97 = vector.extract_strided_slice %dot_general3A_96 {offsets = [0, 128], sizes = [1000, 128], strides = [1, 1]} : vector<1000x256xf32> to vector<1000x128xf32>
    %get3A_98 = arith.constant 0 : index
    %get3A_99 = arith.constant 0 : index
    %get3A_100 = vector.load %arg4[%get3A_98, %get3A_99] : memref<128x256xf32, #tpu.memory_space<vmem>>, vector<128x256xf32>
    %dot_general3A_101 = arith.constant dense<0.000000e+00> : vector<1000x256xf32>
    %dot_general3A_102 = tpu.matmul %add3A_67, %get3A_100, %dot_general3A_101 {dimension_numbers = #tpu.dot_dimension_numbers<[1], [0], [0], [1], [0, 0, 1, 1], [], []>, transpose_lhs_hint = false} : vector<1000x128xf32>, vector<128x256xf32>, vector<1000x256xf32> -> vector<1000x256xf32>
    %slice3A_103 = vector.extract_strided_slice %dot_general3A_102 {offsets = [0, 0], sizes = [1000, 128], strides = [1, 1]} : vector<1000x256xf32> to vector<1000x128xf32>
    %slice3A_104 = vector.extract_strided_slice %dot_general3A_102 {offsets = [0, 128], sizes = [1000, 128], strides = [1, 1]} : vector<1000x256xf32> to vector<1000x128xf32>
    %get3A_105 = arith.constant 0 : index
    %get3A_106 = arith.constant 0 : index
    %get3A_107 = vector.load %arg4[%get3A_105, %get3A_106] : memref<128x256xf32, #tpu.memory_space<vmem>>, vector<128x256xf32>
    %dot_general3A_108 = arith.constant dense<0.000000e+00> : vector<1000x256xf32>
    %dot_general3A_109 = tpu.matmul %add3A_92, %get3A_107, %dot_general3A_108 {dimension_numbers = #tpu.dot_dimension_numbers<[1], [0], [0], [1], [0, 0, 1, 1], [], []>, transpose_lhs_hint = false} : vector<1000x128xf32>, vector<128x256xf32>, vector<1000x256xf32> -> vector<1000x256xf32>
    %slice3A_110 = vector.extract_strided_slice %dot_general3A_109 {offsets = [0, 0], sizes = [1000, 128], strides = [1, 1]} : vector<1000x256xf32> to vector<1000x128xf32>
    %slice3A_111 = vector.extract_strided_slice %dot_general3A_109 {offsets = [0, 128], sizes = [1000, 128], strides = [1, 1]} : vector<1000x256xf32> to vector<1000x128xf32>
    %integer_pow3A = arith.mulf %slice3A, %slice3A : vector<1000x128xf32>
    %integer_pow3A_112 = arith.mulf %slice3A_103, %slice3A_103 : vector<1000x128xf32>
    %add3A_113 = arith.addf %integer_pow3A, %integer_pow3A_112 : vector<1000x128xf32>
    %integer_pow3A_114 = arith.mulf %slice3A_110, %slice3A_110 : vector<1000x128xf32>
    %add3A_115 = arith.addf %add3A_113, %integer_pow3A_114 : vector<1000x128xf32>
    %add3A_116 = arith.constant 9.99999993E-9 : f32
    %add3A_117 = vector.broadcast %add3A_116 : f32 to vector<1000x128xf32>
    %add3A_118 = arith.addf %add3A_115, %add3A_117 : vector<1000x128xf32>
    %sqrt3A = math.sqrt %add3A_118 : vector<1000x128xf32>
    %concatenate3A = tpu.concatenate %add3A_17, %sqrt3A in 1 : vector<1000x128xf32>, vector<1000x128xf32> -> vector<1000x256xf32>
    %get3A_119 = arith.constant 0 : index
    %get3A_120 = arith.constant 0 : index
    %get3A_121 = vector.load %arg5[%get3A_119, %get3A_120] : memref<256x128xf32, #tpu.memory_space<vmem>>, vector<256x128xf32>
    %dot_general3A_122 = arith.constant dense<0.000000e+00> : vector<1000x128xf32>
    %dot_general3A_123 = tpu.matmul %concatenate3A, %get3A_121, %dot_general3A_122 {dimension_numbers = #tpu.dot_dimension_numbers<[1], [0], [0], [1], [0, 0, 1, 1], [], []>, transpose_lhs_hint = false} : vector<1000x256xf32>, vector<256x128xf32>, vector<1000x128xf32> -> vector<1000x128xf32>
    %get3A_124 = arith.constant 0 : index
    %get3A_125 = vector.load %arg6[%get3A_124] : memref<128xf32, #tpu.memory_space<vmem>>, vector<128xf32>
    %broadcast_in_dim3A = vector.shape_cast %get3A_125 : vector<128xf32> to vector<1x128xf32>
    %add3A_126 = vector.broadcast %broadcast_in_dim3A : vector<1x128xf32> to vector<1000x128xf32>
    %add3A_127 = arith.addf %dot_general3A_123, %add3A_126 : vector<1000x128xf32>
    %logistic3A = arith.negf %add3A_127 : vector<1000x128xf32>
    %logistic3A_128 = math.exp %logistic3A : vector<1000x128xf32>
    %logistic3A_129 = arith.constant 1.000000e+00 : f32
    %logistic3A_130 = vector.broadcast %logistic3A_129 : f32 to vector<1000x128xf32>
    %logistic3A_131 = arith.addf %logistic3A_130, %logistic3A_128 : vector<1000x128xf32>
    %logistic3A_132 = arith.divf %logistic3A_130, %logistic3A_131 : vector<1000x128xf32>
    %mul3A = arith.mulf %add3A_127, %logistic3A_132 : vector<1000x128xf32>
    %get3A_133 = arith.constant 0 : index
    %get3A_134 = arith.constant 0 : index
    %get3A_135 = vector.load %arg7[%get3A_133, %get3A_134] : memref<128x384xf32, #tpu.memory_space<vmem>>, vector<128x384xf32>
    %dot_general3A_136 = arith.constant dense<0.000000e+00> : vector<1000x384xf32>
    %dot_general3A_137 = tpu.matmul %mul3A, %get3A_135, %dot_general3A_136 {dimension_numbers = #tpu.dot_dimension_numbers<[1], [0], [0], [1], [0, 0, 1, 1], [], []>, transpose_lhs_hint = false} : vector<1000x128xf32>, vector<128x384xf32>, vector<1000x384xf32> -> vector<1000x384xf32>
    %get3A_138 = arith.constant 0 : index
    %get3A_139 = vector.load %arg8[%get3A_138] : memref<384xf32, #tpu.memory_space<vmem>>, vector<384xf32>
    %broadcast_in_dim3A_140 = vector.shape_cast %get3A_139 : vector<384xf32> to vector<1x384xf32>
    %add3A_141 = vector.broadcast %broadcast_in_dim3A_140 : vector<1x384xf32> to vector<1000x384xf32>
    %add3A_142 = arith.addf %dot_general3A_137, %add3A_141 : vector<1000x384xf32>
    %slice3A_143 = vector.extract_strided_slice %add3A_142 {offsets = [0, 0], sizes = [1000, 128], strides = [1, 1]} : vector<1000x384xf32> to vector<1000x128xf32>
    %slice3A_144 = vector.extract_strided_slice %add3A_142 {offsets = [0, 128], sizes = [1000, 128], strides = [1, 1]} : vector<1000x384xf32> to vector<1000x128xf32>
    %slice3A_145 = vector.extract_strided_slice %add3A_142 {offsets = [0, 256], sizes = [1000, 128], strides = [1, 1]} : vector<1000x384xf32> to vector<1000x128xf32>
    %mul3A_146 = arith.mulf %slice3A, %slice3A_97 : vector<1000x128xf32>
    %mul3A_147 = arith.mulf %slice3A_103, %slice3A_104 : vector<1000x128xf32>
    %add3A_148 = arith.addf %mul3A_146, %mul3A_147 : vector<1000x128xf32>
    %mul3A_149 = arith.mulf %slice3A_110, %slice3A_111 : vector<1000x128xf32>
    %add3A_150 = arith.addf %add3A_148, %mul3A_149 : vector<1000x128xf32>
    %mul3A_151 = arith.mulf %slice3A_145, %add3A_150 : vector<1000x128xf32>
    %add3A_152 = arith.addf %slice3A_143, %mul3A_151 : vector<1000x128xf32>
    %jit3A_153 = arith.constant -1.000000e+04 : f32
    %jit3A_154 = arith.constant 1.000000e+04 : f32
    %max3A_155 = vector.broadcast %jit3A_153 : f32 to vector<1000x128xf32>
    %max3A_156 = arith.maximumf %max3A_155, %add3A_152 : vector<1000x128xf32>
    %min3A_157 = vector.broadcast %jit3A_154 : f32 to vector<1000x128xf32>
    %min3A_158 = arith.minimumf %min3A_157, %max3A_156 : vector<1000x128xf32>
    %add3A_159 = arith.addf %add3A_17, %min3A_158 : vector<1000x128xf32>
    %swap3A = arith.constant 0 : index
    %swap3A_160 = arith.constant 0 : index
    %swap3A_161 = vector.load %arg9[%swap3A, %swap3A_160] : memref<1000x128xf32, #tpu.memory_space<vmem>>, vector<1000x128xf32>
    tpu.vector_store %arg9[%swap3A, %swap3A_160], %add3A_159 {strides = array<i32>} : memref<1000x128xf32, #tpu.memory_space<vmem>>, vector<1000x128xf32>,
    %mul3A_162 = arith.mulf %slice3A_144, %slice3A_97 : vector<1000x128xf32>
    %jit3A_163 = arith.constant -1.000000e+04 : f32
    %jit3A_164 = arith.constant 1.000000e+04 : f32
    %max3A_165 = vector.broadcast %jit3A_163 : f32 to vector<1000x128xf32>
    %max3A_166 = arith.maximumf %max3A_165, %mul3A_162 : vector<1000x128xf32>
    %min3A_167 = vector.broadcast %jit3A_164 : f32 to vector<1000x128xf32>
    %min3A_168 = arith.minimumf %min3A_167, %max3A_166 : vector<1000x128xf32>
    %add3A_169 = arith.addf %add3A_42, %min3A_168 : vector<1000x128xf32>
    %mul3A_170 = arith.mulf %slice3A_144, %slice3A_104 : vector<1000x128xf32>
    %jit3A_171 = arith.constant -1.000000e+04 : f32
    %jit3A_172 = arith.constant 1.000000e+04 : f32
    %max3A_173 = vector.broadcast %jit3A_171 : f32 to vector<1000x128xf32>
    %max3A_174 = arith.maximumf %max3A_173, %mul3A_170 : vector<1000x128xf32>
    %min3A_175 = vector.broadcast %jit3A_172 : f32 to vector<1000x128xf32>
    %min3A_176 = arith.minimumf %min3A_175, %max3A_174 : vector<1000x128xf32>
    %add3A_177 = arith.addf %add3A_67, %min3A_176 : vector<1000x128xf32>
    %mul3A_178 = arith.mulf %slice3A_144, %slice3A_111 : vector<1000x128xf32>
    %jit3A_179 = arith.constant -1.000000e+04 : f32
    %jit3A_180 = arith.constant 1.000000e+04 : f32
    %max3A_181 = vector.broadcast %jit3A_179 : f32 to vector<1000x128xf32>
    %max3A_182 = arith.maximumf %max3A_181, %mul3A_178 : vector<1000x128xf32>
    %min3A_183 = vector.broadcast %jit3A_180 : f32 to vector<1000x128xf32>
    %min3A_184 = arith.minimumf %min3A_183, %max3A_182 : vector<1000x128xf32>
    %add3A_185 = arith.addf %add3A_92, %min3A_184 : vector<1000x128xf32>
    %stack3A = vector.shape_cast %add3A_169 : vector<1000x128xf32> to vector<1000x1x128xf32>
    %stack3A_186 = vector.shape_cast %add3A_177 : vector<1000x128xf32> to vector<1000x1x128xf32>
    %stack3A_187 = vector.shape_cast %add3A_185 : vector<1000x128xf32> to vector<1000x1x128xf32>
    %stack3A_188 = tpu.concatenate %stack3A, %stack3A_186, %stack3A_187 in 1 : vector<1000x1x128xf32>, vector<1000x1x128xf32>, vector<1000x1x128xf32> -> vector<1000x3x128xf32>
    %swap3A_189 = arith.constant 0 : index
    %swap3A_190 = arith.constant 0 : index
    %swap3A_191 = arith.constant 0 : index
    %swap3A_192 = vector.load %arg10[%swap3A_189, %swap3A_190, %swap3A_191] : memref<1000x3x128xf32, #tpu.memory_space<vmem>>, vector<1000x3x128xf32>
    tpu.vector_store %arg10[%swap3A_189, %swap3A_190, %swap3A_191], %stack3A_188 {strides = array<i32>} : memref<1000x3x128xf32, #tpu.memory_space<vmem>>, vector<1000x3x128xf32>,
    return
  }
  func.func @transform_0(%arg0: i32) -> (i32, i32) {
    %c0_i32 = arith.constant 0 : i32
    %c0_i32_0 = arith.constant 0 : i32
    return %arg0, %c0_i32 : i32, i32
  }
  func.func @transform_1(%arg0: i32) -> (i32, i32, i32) {
    %c0_i32 = arith.constant 0 : i32
    %c0_i32_0 = arith.constant 0 : i32
    %c0_i32_1 = arith.constant 0 : i32
    return %arg0, %c0_i32, %c0_i32_0 : i32, i32, i32
  }
  func.func @transform_2(%arg0: i32) -> (i32, i32, i32, i32) {
    %c0_i32 = arith.constant 0 : i32
    %c0_i32_0 = arith.constant 0 : i32
    %c0_i32_1 = arith.constant 0 : i32
    %c0_i32_2 = arith.constant 0 : i32
    return %c0_i32, %c0_i32_0, %arg0, %c0_i32_1 : i32, i32, i32, i32
  }
  func.func @transform_3(%arg0: i32) -> (i32, i32) {
    %c0_i32 = arith.constant 0 : i32
    %c0_i32_0 = arith.constant 0 : i32
    %c0_i32_1 = arith.constant 0 : i32
    return %c0_i32, %c0_i32_0 : i32, i32
  }
  func.func @transform_4(%arg0: i32) -> (i32, i32) {
    %c0_i32 = arith.constant 0 : i32
    %c0_i32_0 = arith.constant 0 : i32
    %c0_i32_1 = arith.constant 0 : i32
    return %c0_i32, %c0_i32_0 : i32, i32
  }
  func.func @transform_5(%arg0: i32) -> i32 {
    %c0_i32 = arith.constant 0 : i32
    %c0_i32_0 = arith.constant 0 : i32
    return %c0_i32 : i32
  }
  func.func @transform_6(%arg0: i32) -> (i32, i32) {
    %c0_i32 = arith.constant 0 : i32
    %c0_i32_0 = arith.constant 0 : i32
    %c0_i32_1 = arith.constant 0 : i32
    return %c0_i32, %c0_i32_0 : i32, i32
  }
  func.func @transform_7(%arg0: i32) -> i32 {
    %c0_i32 = arith.constant 0 : i32
    %c0_i32_0 = arith.constant 0 : i32
    return %c0_i32 : i32
  }
  func.func @transform_8(%arg0: i32) -> (i32, i32) {
    %c0_i32 = arith.constant 0 : i32
    %c0_i32_0 = arith.constant 0 : i32
    return %arg0, %c0_i32 : i32, i32
  }
  func.func @transform_9(%arg0: i32) -> (i32, i32, i32) {
    %c0_i32 = arith.constant 0 : i32
    %c0_i32_0 = arith.constant 0 : i32
    %c0_i32_1 = arith.constant 0 : i32
    return %arg0, %c0_i32, %c0_i32_0 : i32, i32, i32
  }
}

</mosaic_0001>

<sc_bundles>
// kernel: kernel.5.cloned.1.call-start
scs
__scs_entry_jumppad:
0x0: {  	(pc) =	sbr.rel $0x88, $3  }
0x1: {  	(tag) =	ssettag $0x0;
	lr =	simm.s32 $0x1  }
0x2: {  	[smem:$0x3F92] =	sst lr;
	_ =	strace $0xD0000000  }
0x3: {  	_ = 	snop  }
0x4: {  	_ = 	snop  }
0x5: {  	_ = 	snop  }
0x6: {  	_ = 	snop  }
0x7: {  	_ = 	snop  }
__scs_overlays_trampoline_lowered:
0x8: {  	[smem:$0x3FA1] =	sst s0  }
0x9: {  	[smem:$0x3FA2] =	sst s1  }
0xa: {  	[smem:$0x3FA3] =	sst s2  }
0xb: {  	[smem:$0x3FA4] =	sst s3  }
0xc: {  	[smem:$0x3FA5] =	sst s4  }
0xd: {  	[smem:$0x3FA6] =	sst s5  }
0xe: {  	[smem:$0x3FA7] =	sst s6  }
0xf: {  	[smem:$0x3FA8] =	sst s7  }
0x10: {  	[smem:$0x3FA9] =	sst s8  }
0x11: {  	[smem:$0x3FAA] =	sst s9;
	s0 =	simm.s32 @!p0 $0x0  }
0x12: {  	s1 =	sld [smem:$0x3F90];
	s0 =	simm.s32 @p0 $0x1  }
0x13: {  	[smem:$0x3FAB] =	sst s0;
	s0 =	simm.s32 @!p1 $0x0  }
0x14: {  	s2 =	sld [smem:$0x3F8F];
	s0 =	simm.s32 @p1 $0x1  }
0x15: {  	[smem:$0x3FAC] =	sst s0;
	s0 =	simm.s32 @!p2 $0x0  }
0x16: {  	s3 =	sld [smem:$0x3FDB];
	s0 =	simm.s32 @p2 $0x1  }
0x17: {  	s4 =	simm.s32 $0x1BF5;
	[smem:$0x3FAE] =	sst s0  }
0x18: {  	s0 =	sld [smem:$0x3F91];
	_ =	swait.ge [sflag:s4], $0x0  }
0x19: {  	s7 =	sld [smem:$0x3F92]  }
0x1a: {  	s8 =	sadd.s32 $0xFFFFE003, lr  }
0x1b: {  	s9 =	sadd.s32 $0xFFFFFEF7, lr;
	s5 =	simm.s32 $0xFFFFFFFF;
	p2 =	slt.u32 s8, $0xFFFFF086  }
0x1c: {  	p1 =	slt.u32 s9, $0xF7A;
	s5 =	simm.s32 @!p2 $0x0  }
0x1d: {  	s5 =	simm.s32 @p1 $0x1;
	p0 =	seq.s32 s7, s2  }
0x1e: {  	s7 =	smul.u32 @!p0 $0xF7A, s2;
	p2 =	seq.s32 @!p0 s5, $0x0  }
0x1f: {  	s9 =	smul.u32 $0xF7A, s1;
	s8 =	simm.s32 @!p0 $0x1BF5;
	p2 =	por !p2, p0  }
0x20: {  	[sflag:s8] =	ssyncset.s32 @!p0 $0xFFFFF086;
	s6 =	sadd.s32 @!p0 s3, s7;
	s7 =	simm.s32 @!p0 $0x108  }
0x21: {  	s3 =	sadd.s32 s3, s9;
	s6 =	sadd.s32 @!p0 $0x88, s6;
	s7 =	simm.s32 @p2 $0x1082  }
0x22: {  	[simem:s7], [sflag:s8] =	dma.local @!p0 [hbm:s6], $0xF7A  }
0x23: {  	s9 =	sor.u32 $0xD0000000, s2;
	s6 =	simm.s32 $0x108;
	_ =	swait.ge @!p0 [sflag:s8], $0x0  }
0x24: {  	s3 =	sadd.s32 $0x88, s3;
	s6 =	simm.s32 @!p1 $0x1082;
	[sflag:s4] =	ssyncset.s32 $0xFFFFF086  }
0x25: {  	[simem:s6], [sflag:s4] =	dma.local [hbm:s3], $0xF7A  }
0x26: {  	[smem:$0x3F92] =	sst s1;
	(tag) =	ssettag s2;
	_ =	strace s9  }
0x27: {  	s1 =	sld [smem:$0x3FA2]  }
0x28: {  	s2 =	sld [smem:$0x3FA3]  }
0x29: {  	s4 =	sld [smem:$0x3FA5]  }
0x2a: {  	p0 =	seq.s32 s5, $0x0;
	s5 =	sld [smem:$0x3FA6]  }
0x2b: {  	s6 =	sld [smem:$0x3FA7]  }
0x2c: {  	s7 =	sld [smem:$0x3FA8]  }
0x2d: {  	s3 =	simm.s32 $0x108;
	s8 =	sld [smem:$0x3FA9]  }
0x2e: {  	s3 =	simm.s32 @!p0 $0x1082;
	s9 =	sld [smem:$0x3FAA]  }
0x2f: {  	lr =	sadd.s32 s0, s3;
	s0 =	sld [smem:$0x3FA1]  }
0x30: {  	s3 =	sld [smem:$0x3FA4]  }
0x31: {  	[smem:$0x3FAD] =	sst s10  }
0x32: {  	s10 =	sld [smem:$0x3FAB];
	_ =	sdelay $0x3  }
0x33: {  	p0 =	seq.s32 s10, $0x1;
	s10 =	sld [smem:$0x3FAD];
	_ =	sdelay $0x3  }
0x34: {  	[smem:$0x3FAD] =	sst s10  }
0x35: {  	s10 =	sld [smem:$0x3FAC];
	_ =	sdelay $0x3  }
0x36: {  	p1 =	seq.s32 s10, $0x1;
	s10 =	sld [smem:$0x3FAD];
	_ =	sdelay $0x3  }
0x37: {  	[smem:$0x3FAD] =	sst s10  }
0x38: {  	s10 =	sld [smem:$0x3FAE]  }
0x39: {  	_ = 	snop;
	(pc) =	sbr.ind lr, $3  }
0x3a: {  	_ = 	snop  }
0x3b: {  	_ = 	snop  }
0x3c: {  	p2 =	seq.s32 s10, $0x1;
	s10 =	sld [smem:$0x3FAD]  }
0x3d: {  	_ =	shalt  }
0x3e: {  	_ =	shalt  }
0x3f: {  	_ =	shalt  }
0x40: {  	_ =	shalt  }
0x41: {  	_ =	shalt  }
0x42: {  	_ =	shalt  }
0x43: {  	_ =	shalt  }
0x44: {  	_ =	shalt  }
0x45: {  	_ =	shalt  }
0x46: {  	_ =	shalt  }
0x47: {  	_ =	shalt  }
0x48: {  	_ =	shalt  }
0x49: {  	_ =	shalt  }
0x4a: {  	_ =	shalt  }
0x4b: {  	_ =	shalt  }
0x4c: {  	_ =	shalt  }
0x4d: {  	_ =	shalt  }
0x4e: {  	_ =	shalt  }
0x4f: {  	_ =	shalt  }
0x50: {  	_ =	shalt  }
0x51: {  	_ =	shalt  }
0x52: {  	_ =	shalt  }
0x53: {  	_ =	shalt  }
0x54: {  	_ =	shalt  }
0x55: {  	_ =	shalt  }
0x56: {  	_ =	shalt  }
0x57: {  	_ =	shalt  }
0x58: {  	_ =	shalt  }
0x59: {  	_ =	shalt  }
0x5a: {  	_ =	shalt  }
0x5b: {  	_ =	shalt  }
0x5c: {  	_ =	shalt  }
0x5d: {  	_ =	shalt  }
0x5e: {  	_ =	shalt  }
0x5f: {  	_ =	shalt  }
0x60: {  	_ =	shalt  }
0x61: {  	_ =	shalt  }
0x62: {  	_ =	shalt  }
0x63: {  	_ =	shalt  }
0x64: {  	_ =	shalt  }
0x65: {  	_ =	shalt  }
0x66: {  	_ =	shalt  }
0x67: {  	_ =	shalt  }
0x68: {  	_ =	shalt  }
0x69: {  	_ =	shalt  }
0x6a: {  	_ =	shalt  }
0x6b: {  	_ =	shalt  }
0x6c: {  	_ =	shalt  }
0x6d: {  	_ =	shalt  }
0x6e: {  	_ =	shalt  }
0x6f: {  	_ =	shalt  }
0x70: {  	_ =	shalt  }
0x71: {  	_ =	shalt  }
0x72: {  	_ =	shalt  }
0x73: {  	_ =	shalt  }
0x74: {  	_ =	shalt  }
0x75: {  	_ =	shalt  }
0x76: {  	_ =	shalt  }
0x77: {  	_ =	shalt  }
0x78: {  	_ =	shalt  }
0x79: {  	_ =	shalt  }
0x7a: {  	_ =	shalt  }
0x7b: {  	_ =	shalt  }
0x7c: {  	_ =	shalt  }
0x7d: {  	_ =	shalt  }
0x7e: {  	_ =	shalt  }
0x7f: {  	_ =	shalt  }
0x80: {  	_ =	shalt  }
0x81: {  	_ =	shalt  }
0x82: {  	_ =	shalt  }
0x83: {  	_ =	shalt  }
0x84: {  	_ =	shalt  }
0x85: {  	_ =	shalt  }
0x86: {  	_ =	shalt  }
0x87: {  	_ =	shalt  }
.Lfunc_end0:
.L_simem_size_0:
called_computation_lowered:
.L_overlay_start_0:
0x88: {  	s2 =	sld [smem:$0x3FD9]  }
0x89: {  	s3 =	sld [smem:$0x3FFE];
	_ =	sdelay $0x1  }
0x8a: {  	s1 =	srdreg.scid  }
0x8b: {  	s0 =	sand.u32 $0x1, s1  }
0x8c: {  	s14 =	sshll.u32 s0, $0xA;
	s2 =	sadd.s32 s3, s2  }
0x8d: {  	s2 =	sadd.s32 s2, s14  }
0x8e: {  	[smem:$0x3FB9] =	sst s2  }
0x8f: {  	_ = 	snop  }
0x90: {  	s2 =	sld [smem:$0x3FD0];
	_ =	sdelay $0x2  }
0x91: {  	s15 =	simm.s32 $0xA;
	s4 =	simm.s32 $0x10  }
0x92: {  	[smem:s4], [sflag:s15] =	dma.local [hbm:s2], $0x1  }
0x93: {  	_ =	swait.eq [sflag:s15], $0x1  }
0x94: {  	[sflag:s15] =	ssyncset.done $0x0  }
0x95: {  	s16 =	sld [smem:$0x10];
	[sflag:s15] =	ssyncadd.s32 $0xFFFFFFFF  }
0x96: {  	s17 =	sld [smem:$0x11];
	(tm) =	ssettm $0x1  }
0x97: {  	s18 =	sld [smem:$0x3FFB];
	_ =	sdelay $0x3  }
0x98: {  	_ =	strace s18  }
0x99: {  	s4 =	sld [smem:$0x3FFC];
	_ =	sdelay $0x3  }
0x9a: {  	_ =	strace s4  }
0x9b: {  	s4 =	sld [smem:$0x3FFD];
	_ =	sdelay $0x3  }
0x9c: {  	_ =	strace s4  }
0x9d: {  	_ =	strace $0x8FFFFFFF  }
0x9e: {  	s19 =	sld [smem:$0x3FDB];
	_ =	sdelay $0x1  }
0x9f: {  	s5 =	simm.s32 $_scs_section_size  }
0xa0: {  	s6 =	simm.s32 $_size__tile_overlayer_lowered;
	s7 =	simm.s32 $_tile_overlayer_lowered  }
0xa1: {  	s22 =	simm.s32 $0x1BFF;
	s21 =	sshll.u32 s7, $0x1;
	s4 =	sadd.s32 s5, s19  }
0xa2: {  	s8 =	simm.s32 $0x0;
	s20 =	sshll.u32 s6, $0x1;
	s6 =	sadd.s32 s21, s4  }
0xa3: {  	[timem:s8], [sflag:s22] =	dma.local [hbm:s6], s20  }
0xa4: {  	_ =	swait.ge [sflag:s22], s20  }
0xa5: {  	s5 =	ssub.s32 $0x0, s20;
	[sflag:s22] =	ssyncset.done $0x0  }
0xa6: {  	[sflag:s22] =	ssyncadd.s32 s5;
	_ =	sdelay $0x1  }
0xa7: {  	s23 =	simm.s32 $0x1B8B  }
0xa8: {  	_ =	swait.ge [sflag:s23], $0x1  }
0xa9: {  	[sflag:s23] =	ssyncset.done $0x0  }
0xaa: {  	s25 =	simm.s32 $0x1B8E;
	s24 =	sld [smem:$0x3FFE];
	[sflag:s23] =	ssyncadd.s32 $0xFFFFFFFF  }
0xab: {  	s26 =	simm.s32 $execute0_lowered;
	[smem:$0x3FD2] =	sst s25  }
0xac: {  	s6 =	sshll.u32 s26, $0x1;
	_ =	strace $0x80000046;
	[dreg:$0x1] =	wrdreg $0xFFFFFFFF  }
0xad: {  	s28 =	simm.s32 $_size_execute0_lowered;
	s4 =	sadd.s32 s4, s6;
	[dreg:$0x0] =	wrdreg $0x0  }
0xae: {  	s6 =	sshll.u32 s28, $0x1;
	[dreg:$0x2] =	wrdreg s4  }
0xaf: {  	[dreg:$0x3] =	wrdreg s6  }
0xb0: {  	[dreg:$0x4] =	wrdreg $0xC0  }
0xb1: {  	_ =	task [dreg:s8], $0x5FFFF  }
0xb2: {  	[dreg:$0x1] =	wrdreg $0xFFFFFFFF  }
0xb3: {  	[dreg:$0x0] =	wrdreg $0x60  }
0xb4: {  	[dreg:$0x2] =	wrdreg s16  }
0xb5: {  	[dreg:$0x3] =	wrdreg s24  }
0xb6: {  	[dreg:$0x4] =	wrdreg s17  }
0xb7: {  	[dreg:$0x5] =	wrdreg $0xC0000  }
0xb8: {  	[dreg:$0x6] =	wrdreg $0x9  }
0xb9: {  	_ =	task.clear_ibuf [dreg:s8], $0x7FFFF;
	_ =	strace $0x90000046  }
0xba: {  	s29 =	simm.s32 $0x9;
	_ =	strace $0x80000048  }
0xbb: {  	_ =	swait.ge [sflag:s29], $0x1  }
0xbc: {  	[sflag:s29] =	ssyncadd.s32 $0xFFFFFFFF  }
0xbd: {  	_ =	strace $0x90000048  }
0xbe: {  	_ =	sfence  }
0xbf: {  	s30 =	sld [smem:$0x0];
	_ =	sdelay $0x2  }
0xc0: {  	s31 =	sshll.u32 s1, $0xD;
	s1 =	sshrl.u32 s1, $0x2  }
0xc1: {  	s3 =	sand.u32 $0x4000, s31;
	s1 =	sadd.s32 s1, s30  }
0xc2: {  	s0 =	sor.u32 s3, s0;
	s1 =	sshll.u32 s1, $0x11  }
0xc3: {  	s0 =	sor.u32 s1, s0  }
0xc4: {  	s0 =	sadd.s32 $0x8F2B, s0  }
0xc5: {  	[sflag:s0] =	ssyncadd.remote.s32 $0x1  }
0xc6: {  	_ =	sfence.sel $0xFFFF  }
0xc7: {  	[dreg:$0x0] =	wrdreg $0xFFFFFFFF;
	(pc) =	sbr.abs _section_cstart, $3  }
0xc8: {  	[dreg:$0x1] =	wrdreg $0xFFFFFFFF  }
0xc9: {  	_ =	task.clear_ibuf [dreg:s8], $0x2FFFF;
	_ =	strace $0x9FFFFFFF  }
0xca: {  	(tm) =	ssettm $0x7FFFFFFF  }
0xcb: {  	_ =	shalt  }
tec
execute0_lowered:
.L_overlay_start_1:
0x0: {  	(tag) =	ssettag $0x1  }
0x1: {  	s1 =	rddreg [dreg:$0x0]  }
0x2: {  	s0 =	rddreg [dreg:$0x1]  }
0x3: {  	s2 =	rddreg [dreg:$0x2]  }
0x4: {  	s3 =	rddreg [dreg:$0x3];
	s4 =	simm.s32 $0x0  }
0x5: {  	[smem:$0x7FF] =	sst s4  }
0x6: {  	s21 =	stileid.u32;
	s6 =	sadd.s32 $0x1907C00, s0;
	s7 =	sadd.s32 $0x1955E00, s0  }
0x7: {  	s15 =	srdreg.scid;
	s8 =	sadd.s32 $0x1425C00, s0;
	s10 =	sadd.s32 $0xF43C00, s0  }
0x8: {  	s9 =	sadd.s32 $0x19A4000, s0;
	s5 =	smul.u32 $0x13800, s21;
	s11 =	sadd.s32 $0x57FC00, s0  }
0x9: {  	s12 =	sadd.s32 $0xA61C00, s0;
	s13 =	sadd.s32 $0x9DC00, s0;
	s16 =	sand.u32 $0x1, s15  }
0xa: {  	s26 =	smul.u32 $0x4E000, s21;
	s19 =	sadd.s32 $0x1A19400, s0;
	s18 =	sshll.u32 s21, $0x1  }
0xb: {  	s28 =	sshll.u32 s21, $0x6;
	_ =	strace $0x80000047;
	s17 =	ssub.s32 $0x2, s16  }
0xc: {  	s18 =	sor.u32 s16, s18;
	s16 =	smul.u32 $0x138800, s16;
	s14 =	sshrl.u32 s5, $0x3  }
0xd: {  	s20 =	sshrl.u32 s17, $0x1;
	s15 =	sshrl.u32 s26, $0x2;
	s14 =	sadd.s32 s14, s0  }
0xe: {  	s26 =	sadd.s32 s15, s3;
	s15 =	smul.u32 $0x19000, s18;
	s0 =	sadd.s32 $0x1A19200, s0  }
0xf: {  	s18 =	smul.u32 $0x138800, s18;
	s23 =	sshrl.u32 s16, $0x3;
	[dreg:$0x7] =	wrdreg s0  }
0x10: {  	s14 =	sadd.s32 $0x19F2200, s14;
	s24 =	sadd.s32 s19, s23;
	[dreg:$0x5] =	wrdreg s26  }
0x11: {  	[dreg:$0x6] =	wrdreg s14;
	s29 =	sshrl.u32 s15, $0x3;
	s23 =	sadd.s32 $0xC3400, s24  }
0x12: {  	s22 =	sshrl.u32 s18, $0x3;
	s31 =	sadd.s32 s2, s29;
	[dreg:$0x11] =	wrdreg s23  }
0x13: {  	s20 =	ssub.s32 s17, s20;
	s25 =	sadd.s32 s8, s22;
	[dreg:$0x8] =	wrdreg s31  }
0x14: {  	s17 =	sor.u32 $0x1C04, s28;
	s28 =	sadd.s32 s10, s22;
	[dreg:$0xa] =	wrdreg s25  }
0x15: {  	s29 =	sadd.s32 s13, s22;
	[dreg:$0xb] =	wrdreg s28  }
0x16: {  	s14 =	sadd.s32 s5, s16;
	s5 =	sadd.s32 s12, s22;
	[dreg:$0xc] =	wrdreg s29  }
0x17: {  	s0 =	sshrl.u32 s14, $0x3;
	s31 =	sadd.s32 s11, s22;
	[dreg:$0xe] =	wrdreg s5  }
0x18: {  	s16 =	sadd.s32 s19, s0;
	s19 =	sadd.s32 $0x27000, s24;
	[dreg:$0xd] =	wrdreg s31  }
0x19: {  	s22 =	sadd.s32 $0x75200, s24;
	[dreg:$0xf] =	wrdreg s19  }
0x1a: {  	s0 =	sadd.s32 $0x111600, s24;
	[dreg:$0x10] =	wrdreg s22  }
0x1b: {  	s24 =	smax.u32 s20, $0x1;
	[dreg:$0x12] =	wrdreg s0  }
0x1c: {  	s25 =	sadd.s32 $0x138000, s3;
	[dreg:$0x13] =	wrdreg s24  }
0x1d: {  	s30 =	simm.s32 $0x28;
	[dreg:$0x14] =	wrdreg s25  }
0x1e: {  	p0 =	sne.s32 s21, $0xF;
	s28 =	sadd.s32 $0x4E200, s16;
	[dreg:$0x9] =	wrdreg s16  }
0x1f: {  	v2 =	vlaneseq.u32;
	s5 =	simm.s32 $0x2;
	s29 =	sadd.s32 $0x9C400, s16;
	[dreg:$0x15] =	wrdreg s28  }
0x20: {  	vm0 =	vmmov $0xffff;
	v1 =	vshrl.u32 v2, $0x3;
	s31 =	sadd.s32 $0xEA600, s16;
	s16 =	simm.s32 $0x4;
	[dreg:$0x16] =	wrdreg s29  }
0x21: {  	v0 =	vand.u32 $0x7, v2;
	v2 =	vor.u32 $0x8, v2;
	v1 =	vmul.u32 $0x8, v1;
	s0 =	simm.s32 $0x1;
	s19 =	simm.s32 $0x0;
	[dreg:$0x17] =	wrdreg s31  }
.LBB2_1:
0x22: {  	[dreg:$0x18] =	wrdreg s19  }
0x23: {  	s22 =	sshrl.u32 s26, $0x3;
	s14 =	rddreg [dreg:$0x6]  }
0x24: {  	[dreg:$0x19] =	wrdreg s22  }
0x25: {  	[spmem:s22], [sflag:s17] =	dma.local [hbm:s14], $0x2700  }
0x26: {  	_ =	swait.ge [sflag:s16], $0x2700  }
0x27: {  	s14 =	rddreg [dreg:$0x14]  }
0x28: {  	[sflag:s16] =	ssyncset.done $0x0;
	s19 =	sshrl.u32 @!p0 s14, $0x3;
	s14 =	rddreg [dreg:$0x7]  }
0x29: {  	[sflag:s16] =	ssyncadd.s32 $0xFFFFD900;
	[dreg:$0x1a] =	wrdreg s19  }
0x2a: {  	[spmem:s19], [sflag:s17] =	dma.local @!p0 [hbm:s14], $0x100  }
0x2b: {  	s14 =	simm.s32 @!p0 $0x4  }
0x2c: {  	_ =	swait.ge @!p0 [sflag:s14], $0x100  }
0x2d: {  	[sflag:s14] =	ssyncset.done @!p0 $0x0  }
0x2e: {  	[sflag:s14] =	ssyncadd.s32 @!p0 $0xFFFFFF00  }
0x2f: {  	[bflag:$0x0] =	sbarrier.arrive $0xFFFF  }
0x30: {  	s23 =	rddreg [dreg:$0x8]  }
0x31: {  	[tilespmem:s4], [sflag:$0x4] =	stream.linear.gather [hbm4b:s23+s4], $0x500, $0x38;
	[tilespmem:$0x1F880] =	vst v63  }
0x32: {  	s24 =	sadd.s32 $0x100, s23  }
0x33: {  	s25 =	simm.s32 $0x800;
	[dreg:$0x1b] =	wrdreg s24  }
0x34: {  	[tilespmem:s25], [sflag:$0x4] =	stream.linear.gather [hbm4b:s24+s4], $0x500, $0x38;
	[tilespmem:$0x1F880] =	vst v63  }
0x35: {  	_ =	swait.ge [sflag:s16], $0xA00  }
0x36: {  	[sflag:s16] =	ssyncset.done $0x0  }
0x37: {  	s29 =	simm.s32 $0x2000;
	s28 =	rddreg [dreg:$0xa];
	[sflag:s16] =	ssyncadd.s32 $0xFFFFF600  }
0x38: {  	[tilespmem:s29], [sflag:$0x1] =	stream.linear.gather [hbm4b:s28+s4], $0x1400, $0x38;
	[tilespmem:$0x1F880] =	vst v63  }
0x39: {  	s31 =	simm.s32 $0x4800;
	s20 =	simm.s32 $0x0  }
0x3a: {  	[tilespmem:s31], [sflag:$0x1] =	stream.indirect.gather [hbm4b:s1+s30], $0x80, s4, s30, $0xb8;
	[tilespmem:$0x1F880] =	vst v63  }
.LBB2_2:
0x3b: {  	s14 =	smul.u32 $0xCD, s20  }
0x3c: {  	_ =	swait.ge [sflag:s0], $0x1400;
	p1 =	seq.s32 s20, $0x0  }
.Ltmp0:
0x3d: {  	[sflag:s0] =	ssyncset.done $0x0;
	s14 =	sshrl.u32 s14, $0xB;
	(pc) =	sbr.rel @p1 .LBB2_5-.Ltmp0, $4  }
0x3e: {  	[sflag:s0] =	ssyncadd.s32 $0xFFFFEC00;
	s14 =	sand.u32 $0x1F, s14  }
0x3f: {  	_ =	swait.ge [sflag:s0], $0x1400;
	s16 =	smul.u32 $0xFFFFFFF6, s14  }
0x40: {  	[sflag:s0] =	ssyncset.done $0x0  }
0x41: {  	[sflag:s0] =	ssyncadd.s32 $0xFFFFEC00;
	s16 =	sadd.s32 s20, s16  }
0x42: {  	p1 =	sgt.u32 s20, $0xEF  }
0x43: {  	p2 =	seq.s32 @!p1 s16, $0x0  }
0x44: {  	p1 =	por p1, !p2  }
.Ltmp1:
0x45: {  	_ = 	snop;
	(pc) =	sbr.rel @!p1 .LBB2_6-.Ltmp1, $4  }
0x46: {  	_ = 	snop  }
0x47: {  	_ =	swait.ge [sflag:s5], $0x1400  }
0x48: {  	[sflag:s5] =	ssyncset.done $0x0  }
0x49: {  	[sflag:s5] =	ssyncadd.s32 $0xFFFFEC00  }
0x4a: {  	p1 =	seq.s32 s20, $0xF9  }
.Ltmp2:
0x4b: {  	_ = 	snop;
	(pc) =	sbr.rel @p1 .LBB2_9-.Ltmp2, $4  }
.Ltmp3:
0x4c: {  	_ = 	snop;
	(pc) =	sbr.rel @!p1 .LBB2_7-.Ltmp3, $4  }
0x4d: {  	_ = 	snop  }
0x4e: {  	_ = 	snop  }
0x4f: {  	s19 =	simm.s32 $0xFA  }
0x50: {  	_ = 	snop  }
.LBB2_5:
0x51: {  	p1 =	sne.s32 s16, $0x0  }
.Ltmp4:
0x52: {  	_ = 	snop;
	(pc) =	sbr.rel @p1 .LBB2_8-.Ltmp4, $2  }
0x53: {  	_ =	sdelay $0x2  }
0x54: {  	s19 =	simm.s32 $0x1  }
.LBB2_6:
0x55: {  	s19 =	sshll.u32 s14, $0xC  }
0x56: {  	s19 =	sadd.s32 $0x1000, s19  }
0x57: {  	s21 =	sadd.s32 s15, s19  }
0x58: {  	s21 =	sshrl.u32 s21, $0x3  }
0x59: {  	s19 =	sand.u32 $0x1000, s19;
	s21 =	sadd.s32 s2, s21  }
0x5a: {  	[tilespmem:s19], [sflag:$0x3] =	stream.linear.gather [hbm4b:s21+s4], $0x500, $0x38;
	[tilespmem:$0x1F880] =	vst v63  }
0x5b: {  	s21 =	sadd.s32 $0x100, s21;
	s19 =	sor.u32 $0x800, s19  }
0x5c: {  	[tilespmem:s19], [sflag:$0x3] =	stream.linear.gather [hbm4b:s21+s4], $0x500, $0x38;
	[tilespmem:$0x1F880] =	vst v63  }
.LBB2_7:
0x5d: {  	s19 =	sadd.s32 $0x1, s20  }
0x5e: {  	s21 =	smul.u32 $0xCCCCCCCD, s19;
	_ =	sdelay $0x1  }
0x5f: {  	s22 =	sshll.u32 s21, $0x1F;
	s21 =	sshrl.u32 s21, $0x1  }
0x60: {  	s21 =	sor.u32 s22, s21  }
0x61: {  	p1 =	sgt.u32 s21, $0x19999999  }
0x62: {  	s21 =	simm.s32 @!p1 $0x3  }
0x63: {  	_ =	swait.ge @!p1 [sflag:s21], $0xA00  }
0x64: {  	[sflag:s21] =	ssyncset.done @!p1 $0x0  }
0x65: {  	[sflag:s21] =	ssyncadd.s32 @!p1 $0xFFFFF600  }
.LBB2_8:
0x66: {  	s22 =	smulhi.u32 $0xCCCCCCCD, s19  }
0x67: {  	s21 =	smul.u32 $0x1400, s19;
	s23 =	sand.u32 $0x1, s19  }
0x68: {  	p1 =	seq.s32 s23, $0x1;
	s24 =	sshrl.u32 s22, $0x3  }
0x69: {  	s23 =	simm.s32 $0x1400;
	s21 =	sadd.s32 s18, s21;
	s24 =	smul.u32 $0x7FFFF6, s24  }
0x6a: {  	s23 =	simm.s32 @!p1 $0x0;
	s21 =	sshrl.u32 s21, $0x3  }
0x6b: {  	s25 =	sor.u32 $0x2000, s23;
	s21 =	sadd.s32 s8, s21;
	s24 =	sadd.s32 s19, s24  }
0x6c: {  	[tilespmem:s25], [sflag:$0x1] =	stream.linear.gather [hbm4b:s21+s4], $0x1400, $0x38;
	[tilespmem:$0x1F880] =	vst v63  }
0x6d: {  	s29 =	sshll.u32 s22, $0x9;
	s31 =	sshll.u32 s24, $0x9  }
0x6e: {  	s21 =	sand.u32 $0x1000, s29;
	s22 =	sshra.s32 s31, $0x2  }
0x6f: {  	s23 =	sor.u32 $0x4800, s23;
	s21 =	sadd.s32 s22, s21  }
0x70: {  	[tilespmem:s23], [sflag:$0x1] =	stream.indirect.gather [hbm4b:s1+s30], $0x80, s21, s30, $0xb8;
	[tilespmem:$0x1F880] =	vst v63  }
.LBB2_9:
0x71: {  	s20 =	sand.u32 $0x1, s20  }
0x72: {  	s21 =	simm.s32 $0x1400;
	p1 =	seq.s32 s20, $0x1  }
0x73: {  	s21 =	simm.s32 @!p1 $0x0  }
0x74: {  	s31 =	sadd.s32 $0x2040, s21  }
0x75: {  	s22 =	sadd.s32 $0x4870, s21;
	v3 =	vmov s31  }
0x76: {  	v4 =	vmov s22;
	_ =	sdelay $0x2  }
0x77: {  	s20 =	simm.s32 $0x0  }
0x78: {  	v5 =	vld.idx.msk [tilespmem:v3+s20+$0xFFFFFFC0 ss:$0x1], $0xffff  }
0x79: {  	v6 =	vld.idx.msk [tilespmem:v4+s20+$0xFFFFFF90 ss:$0x1], $0xffff;
	_ =	sdelay $0x4  }
0x7a: {  	v5 =	vmul.f32 v6, v5;
	_ =	sdelay $0x1  }
0x7b: {  	[tilespmem:v3+s20+$0xFFFFFFC0 ss:$0x1] =	vst.idx.msk $0xffff, v5  }
0x7c: {  	v5 =	vld.idx.msk [tilespmem:v3+s20+$0xFFFFFFD0 ss:$0x1], $0xffff  }
0x7d: {  	v6 =	vld.idx.msk [tilespmem:v4+s20+$0xFFFFFFA0 ss:$0x1], $0xffff;
	_ =	sdelay $0x4  }
0x7e: {  	v5 =	vmul.f32 v6, v5;
	_ =	sdelay $0x1  }
0x7f: {  	[tilespmem:v3+s20+$0xFFFFFFD0 ss:$0x1] =	vst.idx.msk $0xffff, v5  }
0x80: {  	v5 =	vld.idx.msk [tilespmem:v3+s20+$0xFFFFFFE0 ss:$0x1], $0xffff  }
0x81: {  	v6 =	vld.idx.msk [tilespmem:v4+s20+$0xFFFFFFB0 ss:$0x1], $0xffff;
	_ =	sdelay $0x4  }
0x82: {  	v5 =	vmul.f32 v6, v5;
	_ =	sdelay $0x1  }
0x83: {  	[tilespmem:v3+s20+$0xFFFFFFE0 ss:$0x1] =	vst.idx.msk $0xffff, v5  }
0x84: {  	v5 =	vld.idx.msk [tilespmem:v3+s20+$0xFFFFFFF0 ss:$0x1], $0xffff  }
0x85: {  	v6 =	vld.idx.msk [tilespmem:v4+s20+$0xFFFFFFC0 ss:$0x1], $0xffff;
	_ =	sdelay $0x4  }
0x86: {  	v5 =	vmul.f32 v6, v5;
	_ =	sdelay $0x1  }
0x87: {  	[tilespmem:v3+s20+$0xFFFFFFF0 ss:$0x1] =	vst.idx.msk $0xffff, v5  }
0x88: {  	v5 =	vld.idx.msk [tilespmem:v3+s20+$0x0 ss:$0x1], $0xffff  }
0x89: {  	v6 =	vld.idx.msk [tilespmem:v4+s20+$0xFFFFFFD0 ss:$0x1], $0xffff;
	_ =	sdelay $0x4  }
0x8a: {  	v5 =	vmul.f32 v6, v5;
	_ =	sdelay $0x1  }
0x8b: {  	[tilespmem:v3+s20+$0x0 ss:$0x1] =	vst.idx.msk $0xffff, v5  }
0x8c: {  	v5 =	vld.idx.msk [tilespmem:v3+s20+$0x10 ss:$0x1], $0xffff  }
0x8d: {  	v6 =	vld.idx.msk [tilespmem:v4+s20+$0xFFFFFFE0 ss:$0x1], $0xffff;
	_ =	sdelay $0x4  }
0x8e: {  	v5 =	vmul.f32 v6, v5;
	_ =	sdelay $0x1  }
0x8f: {  	[tilespmem:v3+s20+$0x10 ss:$0x1] =	vst.idx.msk $0xffff, v5  }
0x90: {  	v5 =	vld.idx.msk [tilespmem:v3+s20+$0x20 ss:$0x1], $0xffff  }
0x91: {  	v6 =	vld.idx.msk [tilespmem:v4+s20+$0xFFFFFFF0 ss:$0x1], $0xffff;
	_ =	sdelay $0x4  }
0x92: {  	v5 =	vmul.f32 v6, v5;
	_ =	sdelay $0x1  }
0x93: {  	[tilespmem:v3+s20+$0x20 ss:$0x1] =	vst.idx.msk $0xffff, v5  }
0x94: {  	s21 =	sor.u32 $0x2000, s21;
	s22 =	simm.s32 $0x200;
	v5 =	vld.idx.msk [tilespmem:v3+s20+$0x30 ss:$0x1], $0xffff  }
.LBB2_10:
0x95: {  	p1 =	sne.s32 s22, $0x4E00;
	v6 =	vld.idx.msk [tilespmem:v4+s20+$0x0 ss:$0x1], $0xffff;
	s23 =	smov.u32 s22;
	s22 =	sadd.s32 $0x200, s22  }
0x96: {  	_ =	sdelay $0x4  }
0x97: {  	v5 =	vmul.f32 v6, v5;
	_ =	sdelay $0x1  }
0x98: {  	[tilespmem:v3+s20+$0x30 ss:$0x1] =	vst.idx.msk $0xffff, v5;
	s20 =	sshra.s32 s23, $0x2  }
0x99: {  	v5 =	vld.idx.msk [tilespmem:v3+s20+$0xFFFFFFC0 ss:$0x1], $0xffff  }
0x9a: {  	v6 =	vld.idx.msk [tilespmem:v4+s20+$0xFFFFFF90 ss:$0x1], $0xffff;
	_ =	sdelay $0x5  }
0x9b: {  	v5 =	vmul.f32 v6, v5;
	_ =	sdelay $0x1  }
0x9c: {  	[tilespmem:v3+s20+$0xFFFFFFC0 ss:$0x1] =	vst.idx.msk $0xffff, v5  }
0x9d: {  	v5 =	vld.idx.msk [tilespmem:v3+s20+$0xFFFFFFD0 ss:$0x1], $0xffff  }
0x9e: {  	v6 =	vld.idx.msk [tilespmem:v4+s20+$0xFFFFFFA0 ss:$0x1], $0xffff;
	_ =	sdelay $0x5  }
0x9f: {  	v5 =	vmul.f32 v6, v5;
	_ =	sdelay $0x1  }
0xa0: {  	[tilespmem:v3+s20+$0xFFFFFFD0 ss:$0x1] =	vst.idx.msk $0xffff, v5  }
0xa1: {  	v5 =	vld.idx.msk [tilespmem:v3+s20+$0xFFFFFFE0 ss:$0x1], $0xffff  }
0xa2: {  	v6 =	vld.idx.msk [tilespmem:v4+s20+$0xFFFFFFB0 ss:$0x1], $0xffff;
	_ =	sdelay $0x5  }
0xa3: {  	v5 =	vmul.f32 v6, v5;
	_ =	sdelay $0x1  }
0xa4: {  	[tilespmem:v3+s20+$0xFFFFFFE0 ss:$0x1] =	vst.idx.msk $0xffff, v5  }
0xa5: {  	v5 =	vld.idx.msk [tilespmem:v3+s20+$0xFFFFFFF0 ss:$0x1], $0xffff  }
0xa6: {  	v6 =	vld.idx.msk [tilespmem:v4+s20+$0xFFFFFFC0 ss:$0x1], $0xffff;
	_ =	sdelay $0x5  }
0xa7: {  	v5 =	vmul.f32 v6, v5;
	_ =	sdelay $0x1  }
0xa8: {  	[tilespmem:v3+s20+$0xFFFFFFF0 ss:$0x1] =	vst.idx.msk $0xffff, v5  }
0xa9: {  	v5 =	vld.idx.msk [tilespmem:v3+s20+$0x0 ss:$0x1], $0xffff  }
0xaa: {  	v6 =	vld.idx.msk [tilespmem:v4+s20+$0xFFFFFFD0 ss:$0x1], $0xffff;
	_ =	sdelay $0x5  }
0xab: {  	v5 =	vmul.f32 v6, v5;
	_ =	sdelay $0x1  }
0xac: {  	[tilespmem:v3+s20+$0x0 ss:$0x1] =	vst.idx.msk $0xffff, v5  }
0xad: {  	v5 =	vld.idx.msk [tilespmem:v3+s20+$0x10 ss:$0x1], $0xffff  }
0xae: {  	v6 =	vld.idx.msk [tilespmem:v4+s20+$0xFFFFFFE0 ss:$0x1], $0xffff;
	_ =	sdelay $0x5  }
0xaf: {  	v5 =	vmul.f32 v6, v5;
	_ =	sdelay $0x1  }
0xb0: {  	[tilespmem:v3+s20+$0x10 ss:$0x1] =	vst.idx.msk $0xffff, v5  }
0xb1: {  	v5 =	vld.idx.msk [tilespmem:v3+s20+$0x20 ss:$0x1], $0xffff  }
0xb2: {  	v6 =	vld.idx.msk [tilespmem:v4+s20+$0xFFFFFFF0 ss:$0x1], $0xffff;
	_ =	sdelay $0x4  }
.Ltmp5:
0xb3: {  	(pc) =	sbr.rel @p1 .LBB2_10-.Ltmp5, $3  }
0xb4: {  	v5 =	vmul.f32 v6, v5;
	_ =	sdelay $0x1  }
0xb5: {  	[tilespmem:v3+s20+$0x20 ss:$0x1] =	vst.idx.msk $0xffff, v5  }
0xb6: {  	v5 =	vld.idx.msk [tilespmem:v3+s20+$0x30 ss:$0x1], $0xffff  }
0xb7: {  	_ =	sdelay $0x3  }
0xb8: {  	v4 =	vld.idx.msk [tilespmem:v4+s20+$0x0 ss:$0x1], $0xffff;
	_ =	sdelay $0x2  }
0xb9: {  	p1 =	sne.s32 s19, $0xFA  }
.Ltmp6:
0xba: {  	s14 =	sshll.u32 s14, $0xC;
	s16 =	sshll.u32 s16, $0x9;
	(pc) =	sbr.rel @p1 .LBB2_2-.Ltmp6, $4  }
0xbb: {  	s14 =	sand.u32 $0x1000, s14;
	s16 =	sshra.s32 s16, $0x2;
	v4 =	vmul.f32 v4, v5  }
0xbc: {  	s14 =	sadd.s32 s16, s14  }
0xbd: {  	s14 =	sadd.s32 $0x800, s14;
	[tilespmem:v3+s20+$0x30 ss:$0x1] =	vst.idx.msk $0xffff, v4;
	s20 =	smov.u32 s19  }
0xbe: {  	[spmem:s3] =	stream.indirect.scatter.add.f32 [tilespmem:s21], [sflag:$0x2], $0x80, s14, s30, $0xb8;
	[tilespmem:$0x1F880] =	vst v63  }
0xbf: {  	_ =	swait.ge [sflag:s5], $0x1400  }
0xc0: {  	[sflag:s5] =	ssyncset.done $0x0  }
0xc1: {  	[sflag:s5] =	ssyncadd.s32 $0xFFFFEC00  }
0xc2: {  	[bflag:$0x0] =	sbarrier.arrive $0xFFFF  }
0xc3: {  	s14 =	rddreg [dreg:$0x9]  }
0xc4: {  	s19 =	simm.s32 $0x4;
	s16 =	rddreg [dreg:$0x19]  }
0xc5: {  	[hbm:s14], [sflag:s17] =	dma.local [spmem:s16], $0x2700  }
0xc6: {  	_ =	swait.ge [sflag:s19], $0x2700  }
0xc7: {  	[sflag:s19] =	ssyncset.done $0x0  }
0xc8: {  	[sflag:s19] =	ssyncadd.s32 $0xFFFFD900  }
0xc9: {  	[bflag:$0x0] =	sbarrier.arrive @p0 $0xFFFF  }
0xca: {  	s14 =	sshrl.u32 @p0 s26, $0x3;
	s16 =	rddreg [dreg:$0x6]  }
0xcb: {  	[dreg:$0x1c] =	wrdreg s14  }
0xcc: {  	[spmem:s14], [sflag:s17] =	dma.local @p0 [hbm:s16], $0x2700  }
0xcd: {  	s14 =	simm.s32 @p0 $0x4  }
0xce: {  	_ =	swait.ge @p0 [sflag:s14], $0x2700  }
0xcf: {  	[sflag:s14] =	ssyncset.done @p0 $0x0;
	s20 =	rddreg [dreg:$0x1a]  }
0xd0: {  	[sflag:s14] =	ssyncadd.s32 @p0 $0xFFFFD900;
	s14 =	rddreg [dreg:$0xf]  }
0xd1: {  	[hbm:s14], [sflag:s17] =	dma.local @!p0 [spmem:s20], $0x100  }
0xd2: {  	s14 =	simm.s32 @!p0 $0x4  }
0xd3: {  	_ =	swait.ge @!p0 [sflag:s14], $0x100  }
0xd4: {  	[sflag:s14] =	ssyncset.done @!p0 $0x0  }
0xd5: {  	[sflag:s14] =	ssyncadd.s32 @!p0 $0xFFFFFF00  }
0xd6: {  	s21 =	sshrl.u32 @!p0 s26, $0x3;
	[bflag:$0x0] =	sbarrier.arrive @!p0 $0xFFFF  }
0xd7: {  	[dreg:$0x1d] =	wrdreg s21  }
0xd8: {  	[spmem:s21], [sflag:s17] =	dma.local @!p0 [hbm:s16], $0x2700  }
0xd9: {  	_ =	swait.ge @!p0 [sflag:s14], $0x2700  }
0xda: {  	[sflag:s14] =	ssyncset.done @!p0 $0x0  }
0xdb: {  	s16 =	rddreg [dreg:$0x7];
	[sflag:s14] =	ssyncadd.s32 @!p0 $0xFFFFD900  }
0xdc: {  	[spmem:s20], [sflag:s17] =	dma.local @!p0 [hbm:s16], $0x100  }
0xdd: {  	_ =	swait.ge @!p0 [sflag:s14], $0x100  }
0xde: {  	[sflag:s14] =	ssyncset.done @!p0 $0x0  }
0xdf: {  	[sflag:s14] =	ssyncadd.s32 @!p0 $0xFFFFFF00  }
0xe0: {  	[bflag:$0x0] =	sbarrier.arrive $0xFFFF  }
0xe1: {  	s16 =	simm.s32 $0x0;
	s28 =	rddreg [dreg:$0x8]  }
0xe2: {  	[tilespmem:s16], [sflag:$0x4] =	stream.linear.gather [hbm4b:s28+s16], $0x500, $0x38;
	[tilespmem:$0x1F880] =	vst v63  }
0xe3: {  	s29 =	simm.s32 $0x800;
	s31 =	rddreg [dreg:$0x1b]  }
0xe4: {  	[tilespmem:s29], [sflag:$0x4] =	stream.linear.gather [hbm4b:s31+s16], $0x500, $0x38;
	[tilespmem:$0x1F880] =	vst v63  }
0xe5: {  	_ =	swait.ge [sflag:s19], $0xA00  }
0xe6: {  	[sflag:s19] =	ssyncset.done $0x0  }
0xe7: {  	s22 =	simm.s32 $0x2000;
	s21 =	rddreg [dreg:$0xb];
	[sflag:s19] =	ssyncadd.s32 $0xFFFFF600  }
0xe8: {  	[tilespmem:s22], [sflag:$0x1] =	stream.linear.gather [hbm4b:s21+s16], $0x1400, $0x38;
	[tilespmem:$0x1F880] =	vst v63  }
0xe9: {  	s24 =	simm.s32 $0x4800;
	s23 =	rddreg [dreg:$0xc]  }
0xea: {  	[tilespmem:s24], [sflag:$0x1] =	stream.linear.gather [hbm4b:s23+s16], $0x1400, $0x38;
	[tilespmem:$0x1F880] =	vst v63  }
0xeb: {  	v3 =	vld [tilespmem:$0x0];
	_ =	sdelay $0x4  }
0xec: {  	v4 =	vshll.u32 v3, $0x1  }
0xed: {  	v3 =	vand.u32 $0x7, v3;
	v4 =	vand.u32 $0xFFFFFFF0, v4  }
0xee: {  	v3 =	vor.u32 v3, v4  }
0xef: {  	v4 =	vperm.xlane v3, v0;
	_ =	sdelay $0x1  }
0xf0: {  	v3 =	vperm.xlane v3, v2;
	v4 =	vadd.s32 v1, v4;
	_ =	sdelay $0x1  }
0xf1: {  	v3 =	vadd.s32 v1, v3;
	_ =	sdelay $0x1  }
0xf2: {  	s25 =	simm.s32 $0x7000  }
0xf3: {  	[tilespmem:s25], [sflag:$0x1] =	stream.indirect_vreg.gather [hbm4b:s9+s16], $0x80, v4, vm0, $0xb8;
	[tilespmem:$0x1F880] =	vst v63  }
0xf4: {  	s26 =	simm.s32 $0x7800  }
0xf5: {  	[tilespmem:s26], [sflag:$0x1] =	stream.indirect_vreg.gather [hbm4b:s9+s16], $0x80, v3, vm0, $0xb8;
	[tilespmem:$0x1F880] =	vst v63  }
0xf6: {  	v3 =	vld [tilespmem:$0x10];
	_ =	sdelay $0x4  }
0xf7: {  	v62 =	vshll.u32 v3, $0x1  }
0xf8: {  	v3 =	vand.u32 $0x7, v3;
	v4 =	vand.u32 $0xFFFFFFF0, v62  }
0xf9: {  	v3 =	vor.u32 v3, v4  }
0xfa: {  	v4 =	vperm.xlane v3, v0;
	_ =	sdelay $0x1  }
0xfb: {  	v3 =	vperm.xlane v3, v2;
	v4 =	vadd.s32 v1, v4;
	_ =	sdelay $0x1  }
0xfc: {  	v3 =	vadd.s32 v1, v3;
	_ =	sdelay $0x1  }
0xfd: {  	s28 =	simm.s32 $0x8000  }
0xfe: {  	[tilespmem:s28], [sflag:$0x1] =	stream.indirect_vreg.gather [hbm4b:s9+s16], $0x80, v4, vm0, $0xb8;
	[tilespmem:$0x1F880] =	vst v63  }
0xff: {  	s29 =	simm.s32 $0x8800  }
0x100: {  	[tilespmem:s29], [sflag:$0x1] =	stream.indirect_vreg.gather [hbm4b:s9+s16], $0x80, v3, vm0, $0xb8;
	[tilespmem:$0x1F880] =	vst v63  }
0x101: {  	v3 =	vld.msk [tilespmem:$0x20], $0xff;
	_ =	sdelay $0x4  }
0x102: {  	v63 =	vshll.u32 v3, $0x1  }
0x103: {  	v3 =	vand.u32 $0x7, v3;
	v4 =	vand.u32 $0xFFFFFFF0, v63  }
0x104: {  	v3 =	vor.u32 v3, v4  }
0x105: {  	v3 =	vperm.xlane v3, v0;
	_ =	sdelay $0x1  }
0x106: {  	v3 =	vadd.s32 v1, v3;
	_ =	sdelay $0x3  }
0x107: {  	s31 =	simm.s32 $0x9000  }
0x108: {  	[tilespmem:s31], [sflag:$0x1] =	stream.indirect_vreg.gather [hbm4b:s9+s16], $0x80, v3, vm0, $0xb8;
	[tilespmem:$0x1F880] =	vst v63  }
.LBB2_13:
0x109: {  	_ =	swait.ge [sflag:s0], $0x1400  }
0x10a: {  	[sflag:s0] =	ssyncset.done $0x0  }
0x10b: {  	s14 =	smul.u32 $0xCD, s16;
	[sflag:s0] =	ssyncadd.s32 $0xFFFFEC00  }
0x10c: {  	p1 =	seq.s32 s16, $0x0;
	_ =	swait.ge [sflag:s0], $0x1400  }
.Ltmp7:
0x10d: {  	s14 =	sshrl.u32 s14, $0xB;
	[sflag:s0] =	ssyncset.done $0x0;
	(pc) =	sbr.rel @p1 .LBB2_16-.Ltmp7, $4  }
0x10e: {  	s31 =	sand.u32 $0x1F, s14;
	[sflag:s0] =	ssyncadd.s32 $0xFFFFEC00  }
0x10f: {  	s14 =	smul.u32 $0xFFFFFFF6, s31;
	_ =	swait.ge [sflag:s0], $0x2800  }
0x110: {  	[sflag:s0] =	ssyncset.done $0x0  }
0x111: {  	s14 =	sadd.s32 s16, s14;
	[sflag:s0] =	ssyncadd.s32 $0xFFFFD800  }
0x112: {  	p1 =	sgt.u32 s16, $0xEF  }
0x113: {  	p2 =	seq.s32 @!p1 s14, $0x0  }
0x114: {  	p1 =	por p1, !p2  }
.Ltmp8:
0x115: {  	_ = 	snop;
	(pc) =	sbr.rel @!p1 .LBB2_17-.Ltmp8, $4  }
0x116: {  	_ = 	snop  }
0x117: {  	_ =	swait.ge [sflag:s5], $0x1400  }
0x118: {  	[sflag:s5] =	ssyncset.done $0x0  }
0x119: {  	[sflag:s5] =	ssyncadd.s32 $0xFFFFEC00  }
0x11a: {  	p1 =	seq.s32 s16, $0xF9  }
.Ltmp9:
0x11b: {  	_ = 	snop;
	(pc) =	sbr.rel @p1 .LBB2_20-.Ltmp9, $4  }
.Ltmp10:
0x11c: {  	_ = 	snop;
	(pc) =	sbr.rel @!p1 .LBB2_18-.Ltmp10, $4  }
0x11d: {  	_ = 	snop  }
0x11e: {  	_ = 	snop  }
0x11f: {  	s24 =	simm.s32 $0xFA  }
0x120: {  	_ = 	snop  }
.LBB2_16:
0x121: {  	p1 =	sne.s32 s14, $0x0  }
.Ltmp11:
0x122: {  	_ = 	snop;
	(pc) =	sbr.rel @p1 .LBB2_19-.Ltmp11, $2  }
0x123: {  	_ =	sdelay $0x2  }
0x124: {  	s24 =	simm.s32 $0x1  }
.LBB2_17:
0x125: {  	s19 =	sshll.u32 s31, $0xC  }
0x126: {  	s19 =	sadd.s32 $0x1000, s19  }
0x127: {  	s20 =	sadd.s32 s15, s19  }
0x128: {  	s20 =	sshrl.u32 s20, $0x3  }
0x129: {  	s19 =	sand.u32 $0x1000, s19;
	s20 =	sadd.s32 s2, s20  }
0x12a: {  	[tilespmem:s19], [sflag:$0x3] =	stream.linear.gather [hbm4b:s20+s4], $0x500, $0x38;
	[tilespmem:$0x1F880] =	vst v63  }
0x12b: {  	s20 =	sadd.s32 $0x100, s20;
	s19 =	sor.u32 $0x800, s19  }
0x12c: {  	[tilespmem:s19], [sflag:$0x3] =	stream.linear.gather [hbm4b:s20+s4], $0x500, $0x38;
	[tilespmem:$0x1F880] =	vst v63  }
.LBB2_18:
0x12d: {  	s24 =	sadd.s32 $0x1, s16  }
0x12e: {  	s19 =	smul.u32 $0xCCCCCCCD, s24;
	_ =	sdelay $0x1  }
0x12f: {  	s20 =	sshll.u32 s19, $0x1F;
	s19 =	sshrl.u32 s19, $0x1  }
0x130: {  	s19 =	sor.u32 s20, s19  }
0x131: {  	p1 =	sgt.u32 s19, $0x19999999  }
0x132: {  	s19 =	simm.s32 @!p1 $0x3  }
0x133: {  	_ =	swait.ge @!p1 [sflag:s19], $0xA00  }
0x134: {  	[sflag:s19] =	ssyncset.done @!p1 $0x0  }
0x135: {  	[sflag:s19] =	ssyncadd.s32 @!p1 $0xFFFFF600  }
.LBB2_19:
0x136: {  	s19 =	smul.u32 $0x1400, s24  }
0x137: {  	s20 =	smulhi.u32 $0xCCCCCCCD, s24;
	s21 =	sand.u32 $0x1, s24  }
0x138: {  	s22 =	smul.u32 $0x1400, s21;
	s19 =	sadd.s32 s18, s19  }
0x139: {  	s23 =	sshrl.u32 s20, $0x3;
	s19 =	sshrl.u32 s19, $0x3  }
0x13a: {  	s23 =	smul.u32 $0x7FFFF6, s23;
	s25 =	sor.u32 $0x2000, s22;
	s28 =	sadd.s32 s10, s19  }
0x13b: {  	[tilespmem:s25], [sflag:$0x1] =	stream.linear.gather [hbm4b:s28+s4], $0x1400, $0x38;
	[tilespmem:$0x1F880] =	vst v63  }
0x13c: {  	s22 =	sadd.s32 $0x4800, s22;
	s23 =	sadd.s32 s24, s23  }
0x13d: {  	s19 =	sadd.s32 s13, s19;
	s28 =	sshll.u32 s20, $0x9;
	s29 =	sshll.u32 s23, $0x9  }
0x13e: {  	[tilespmem:s22], [sflag:$0x1] =	stream.linear.gather [hbm4b:s19+s4], $0x1400, $0x38;
	[tilespmem:$0x1F880] =	vst v63  }
0x13f: {  	s19 =	sand.u32 $0x1000, s28;
	s20 =	sshra.s32 s29, $0x2  }
0x140: {  	s19 =	sadd.s32 s20, s19  }
0x141: {  	v3 =	vld [tilespmem:s19+$0x0];
	_ =	sdelay $0x4  }
0x142: {  	v4 =	vshll.u32 v3, $0x1  }
0x143: {  	v3 =	vand.u32 $0x7, v3;
	v4 =	vand.u32 $0xFFFFFFF0, v4  }
0x144: {  	v3 =	vor.u32 v3, v4  }
0x145: {  	v4 =	vperm.xlane v3, v0;
	_ =	sdelay $0x1  }
0x146: {  	v3 =	vperm.xlane v3, v2;
	v4 =	vadd.s32 v1, v4  }
0x147: {  	s22 =	smul.u32 $0xA000, s21  }
0x148: {  	v3 =	vadd.s32 v1, v3  }
0x149: {  	s20 =	sshrl.u32 s22, $0x2  }
0x14a: {  	s23 =	sadd.s32 $0x7000, s20  }
0x14b: {  	[tilespmem:s23], [sflag:$0x1] =	stream.indirect_vreg.gather [hbm4b:s9+s4], $0x80, v4, vm0, $0xb8;
	[tilespmem:$0x1F880] =	vst v63  }
0x14c: {  	s25 =	sadd.s32 $0x7800, s20  }
0x14d: {  	[tilespmem:s25], [sflag:$0x1] =	stream.indirect_vreg.gather [hbm4b:s9+s4], $0x80, v3, vm0, $0xb8;
	[tilespmem:$0x1F880] =	vst v63  }
0x14e: {  	v3 =	vld [tilespmem:s19+$0x10];
	_ =	sdelay $0x4  }
0x14f: {  	v62 =	vshll.u32 v3, $0x1  }
0x150: {  	v3 =	vand.u32 $0x7, v3;
	v4 =	vand.u32 $0xFFFFFFF0, v62  }
0x151: {  	v3 =	vor.u32 v3, v4  }
0x152: {  	v4 =	vperm.xlane v3, v0;
	_ =	sdelay $0x1  }
0x153: {  	v3 =	vperm.xlane v3, v2;
	v4 =	vadd.s32 v1, v4;
	_ =	sdelay $0x1  }
0x154: {  	v3 =	vadd.s32 v1, v3;
	_ =	sdelay $0x1  }
0x155: {  	s26 =	sor.u32 $0x8000, s20  }
0x156: {  	[tilespmem:s26], [sflag:$0x1] =	stream.indirect_vreg.gather [hbm4b:s9+s4], $0x80, v4, vm0, $0xb8;
	[tilespmem:$0x1F880] =	vst v63  }
0x157: {  	s28 =	sadd.s32 $0x8800, s20;
	s19 =	sor.u32 $0x20, s19  }
0x158: {  	[tilespmem:s28], [sflag:$0x1] =	stream.indirect_vreg.gather [hbm4b:s9+s4], $0x80, v3, vm0, $0xb8;
	[tilespmem:$0x1F880] =	vst v63  }
0x159: {  	v3 =	vld.msk [tilespmem:s19+$0x0], $0xff;
	_ =	sdelay $0x4  }
0x15a: {  	v63 =	vshll.u32 v3, $0x1  }
0x15b: {  	v3 =	vand.u32 $0x7, v3;
	v4 =	vand.u32 $0xFFFFFFF0, v63  }
0x15c: {  	v3 =	vor.u32 v3, v4  }
0x15d: {  	v3 =	vperm.xlane v3, v0;
	_ =	sdelay $0x1  }
0x15e: {  	v3 =	vadd.s32 v1, v3;
	_ =	sdelay $0x3  }
0x15f: {  	s29 =	sadd.s32 $0x9000, s20  }
0x160: {  	[tilespmem:s29], [sflag:$0x1] =	stream.indirect_vreg.gather [hbm4b:s9+s4], $0x80, v3, vm0, $0xb8;
	[tilespmem:$0x1F880] =	vst v63  }
.LBB2_20:
0x161: {  	s21 =	sand.u32 $0x1, s16  }
0x162: {  	s16 =	smul.u32 $0xA000, s21  }
0x163: {  	s19 =	smul.u32 $0x5000, s21;
	_ =	sdelay $0x1  }
0x164: {  	s16 =	sshrl.u32 s16, $0x2;
	s22 =	sshrl.u32 s19, $0x2;
	s19 =	simm.s32 $0x0  }
0x165: {  	s20 =	sadd.s32 $0x7000, s16;
	s25 =	sor.u32 $0x2040, s22;
	s23 =	sand.u32 $0x3800, s19  }
0x166: {  	s16 =	sadd.s32 $0x4840, s22;
	s26 =	sand.u32 $0x380, s19;
	v3 =	vld [tilespmem:s25+$0xFFFFFFC0];
	s23 =	sadd.s32 s23, s20  }
0x167: {  	v4 =	vld [tilespmem:s16+$0xFFFFFFC0];
	s22 =	sadd.s32 s26, s23  }
0x168: {  	v5 =	vld [tilespmem:s22+$0x0]  }
0x169: {  	v6 =	vld [tilespmem:s22+$0x400];
	_ =	sdelay $0x4  }
0x16a: {  	v3 =	vmul.f32 v5, v3;
	v4 =	vmul.f32 v6, v4;
	_ =	sdelay $0x1  }
0x16b: {  	v3 =	vadd.f32 v4, v3;
	_ =	sdelay $0x1  }
0x16c: {  	[tilespmem:s25+$0xFFFFFFC0] =	vst v3;
	v3 =	vld [tilespmem:s25+$0xFFFFFFD0]  }
0x16d: {  	v4 =	vld [tilespmem:s22+$0x410]  }
0x16e: {  	v5 =	vld [tilespmem:s22+$0x10]  }
0x16f: {  	v6 =	vld [tilespmem:s16+$0xFFFFFFD0];
	_ =	sdelay $0x4  }
0x170: {  	v3 =	vmul.f32 v5, v3;
	v4 =	vmul.f32 v4, v6;
	_ =	sdelay $0x1  }
0x171: {  	v3 =	vadd.f32 v4, v3;
	_ =	sdelay $0x1  }
0x172: {  	[tilespmem:s25+$0xFFFFFFD0] =	vst v3;
	v3 =	vld [tilespmem:s25+$0xFFFFFFE0]  }
0x173: {  	v4 =	vld [tilespmem:s22+$0x20]  }
0x174: {  	v5 =	vld [tilespmem:s16+$0xFFFFFFE0]  }
0x175: {  	v6 =	vld [tilespmem:s22+$0x420];
	_ =	sdelay $0x4  }
0x176: {  	v3 =	vmul.f32 v4, v3;
	v4 =	vmul.f32 v6, v5;
	_ =	sdelay $0x1  }
0x177: {  	v3 =	vadd.f32 v4, v3;
	_ =	sdelay $0x1  }
0x178: {  	[tilespmem:s25+$0xFFFFFFE0] =	vst v3;
	v3 =	vld [tilespmem:s25+$0xFFFFFFF0]  }
0x179: {  	v4 =	vld [tilespmem:s16+$0xFFFFFFF0]  }
0x17a: {  	v5 =	vld [tilespmem:s22+$0x30]  }
0x17b: {  	v6 =	vld [tilespmem:s22+$0x430];
	_ =	sdelay $0x4  }
0x17c: {  	v3 =	vmul.f32 v5, v3;
	v4 =	vmul.f32 v6, v4;
	_ =	sdelay $0x1  }
0x17d: {  	v3 =	vadd.f32 v4, v3;
	_ =	sdelay $0x1  }
0x17e: {  	[tilespmem:s25+$0xFFFFFFF0] =	vst v3;
	v3 =	vld [tilespmem:s25+$0x0]  }
0x17f: {  	v4 =	vld [tilespmem:s16+$0x0]  }
0x180: {  	v5 =	vld [tilespmem:s22+$0x40]  }
0x181: {  	v6 =	vld [tilespmem:s22+$0x440];
	_ =	sdelay $0x4  }
0x182: {  	v3 =	vmul.f32 v5, v3;
	v4 =	vmul.f32 v6, v4;
	_ =	sdelay $0x1  }
0x183: {  	v3 =	vadd.f32 v4, v3;
	_ =	sdelay $0x1  }
0x184: {  	[tilespmem:s25+$0x0] =	vst v3;
	v3 =	vld [tilespmem:s25+$0x10]  }
0x185: {  	v4 =	vld [tilespmem:s22+$0x450]  }
0x186: {  	v5 =	vld [tilespmem:s16+$0x10]  }
0x187: {  	v6 =	vld [tilespmem:s22+$0x50];
	_ =	sdelay $0x4  }
0x188: {  	v4 =	vmul.f32 v4, v5;
	v3 =	vmul.f32 v6, v3;
	_ =	sdelay $0x1  }
0x189: {  	v3 =	vadd.f32 v4, v3;
	_ =	sdelay $0x1  }
0x18a: {  	[tilespmem:s25+$0x10] =	vst v3;
	v3 =	vld [tilespmem:s25+$0x20]  }
0x18b: {  	v4 =	vld [tilespmem:s16+$0x20]  }
0x18c: {  	v5 =	vld [tilespmem:s22+$0x60]  }
0x18d: {  	v6 =	vld [tilespmem:s22+$0x460];
	_ =	sdelay $0x2  }
0x18e: {  	s21 =	smul.u32 $0x1400, s21  }
0x18f: {  	s28 =	smov.u32 s25  }
0x190: {  	s29 =	smov.u32 s16;
	s23 =	sor.u32 $0x2000, s21;
	s21 =	simm.s32 $0x80;
	v3 =	vmul.f32 v5, v3;
	v4 =	vmul.f32 v6, v4  }
.LBB2_21:
0x191: {  	s19 =	sadd.s32 $0x100, s19;
	s25 =	sadd.s32 $0x80, s25;
	s16 =	sadd.s32 $0x80, s16  }
0x192: {  	p1 =	sne.s32 s21, $0x1380;
	s26 =	smov.u32 s21;
	s21 =	sadd.s32 $0x80, s21;
	v3 =	vadd.f32 v4, v3  }
0x193: {  	_ = 	snop  }
0x194: {  	[tilespmem:s28+$0x20] =	vst v3;
	v3 =	vld [tilespmem:s28+$0x30]  }
0x195: {  	v4 =	vld [tilespmem:s22+$0x470]  }
0x196: {  	v5 =	vld [tilespmem:s22+$0x70]  }
0x197: {  	v6 =	vld [tilespmem:s29+$0x30];
	s29 =	smov.u32 s16;
	_ =	sdelay $0x3  }
0x198: {  	v3 =	vmul.f32 v5, v3  }
0x199: {  	v4 =	vmul.f32 v4, v6;
	_ =	sdelay $0x1  }
0x19a: {  	v3 =	vadd.f32 v4, v3  }
0x19b: {  	s22 =	sand.u32 $0x3800, s19  }
0x19c: {  	s26 =	sand.u32 $0x380, s26;
	s22 =	sadd.s32 s22, s20;
	v4 =	vld [tilespmem:s25+$0xFFFFFFC0];
	[tilespmem:s28+$0x30] =	vst v3;
	s28 =	smov.u32 s25  }
0x19d: {  	s22 =	sadd.s32 s26, s22;
	v3 =	vld [tilespmem:s16+$0xFFFFFFC0]  }
0x19e: {  	v5 =	vld [tilespmem:s22+$0x0]  }
0x19f: {  	v6 =	vld [tilespmem:s22+$0x400];
	_ =	sdelay $0x3  }
0x1a0: {  	v4 =	vmul.f32 v5, v4  }
0x1a1: {  	v3 =	vmul.f32 v6, v3;
	_ =	sdelay $0x1  }
0x1a2: {  	v3 =	vadd.f32 v3, v4;
	_ =	sdelay $0x1  }
0x1a3: {  	[tilespmem:s25+$0xFFFFFFC0] =	vst v3;
	v3 =	vld [tilespmem:s25+$0xFFFFFFD0]  }
0x1a4: {  	v4 =	vld [tilespmem:s22+$0x410]  }
0x1a5: {  	v5 =	vld [tilespmem:s22+$0x10]  }
0x1a6: {  	v6 =	vld [tilespmem:s16+$0xFFFFFFD0];
	_ =	sdelay $0x3  }
0x1a7: {  	v3 =	vmul.f32 v5, v3  }
0x1a8: {  	v4 =	vmul.f32 v4, v6;
	_ =	sdelay $0x1  }
0x1a9: {  	v3 =	vadd.f32 v4, v3;
	_ =	sdelay $0x1  }
0x1aa: {  	[tilespmem:s25+$0xFFFFFFD0] =	vst v3;
	v3 =	vld [tilespmem:s25+$0xFFFFFFE0]  }
0x1ab: {  	v4 =	vld [tilespmem:s22+$0x20]  }
0x1ac: {  	v5 =	vld [tilespmem:s16+$0xFFFFFFE0]  }
0x1ad: {  	v6 =	vld [tilespmem:s22+$0x420];
	_ =	sdelay $0x4  }
0x1ae: {  	v3 =	vmul.f32 v4, v3;
	v4 =	vmul.f32 v6, v5;
	_ =	sdelay $0x1  }
0x1af: {  	v3 =	vadd.f32 v4, v3;
	_ =	sdelay $0x1  }
0x1b0: {  	[tilespmem:s25+$0xFFFFFFE0] =	vst v3;
	v3 =	vld [tilespmem:s25+$0xFFFFFFF0]  }
0x1b1: {  	v4 =	vld [tilespmem:s16+$0xFFFFFFF0]  }
0x1b2: {  	v5 =	vld [tilespmem:s22+$0x30]  }
0x1b3: {  	v6 =	vld [tilespmem:s22+$0x430];
	_ =	sdelay $0x3  }
0x1b4: {  	v3 =	vmul.f32 v5, v3  }
0x1b5: {  	v4 =	vmul.f32 v6, v4;
	_ =	sdelay $0x1  }
0x1b6: {  	v3 =	vadd.f32 v4, v3;
	_ =	sdelay $0x1  }
0x1b7: {  	[tilespmem:s25+$0xFFFFFFF0] =	vst v3;
	v3 =	vld [tilespmem:s25+$0x0]  }
0x1b8: {  	v4 =	vld [tilespmem:s16+$0x0]  }
0x1b9: {  	v5 =	vld [tilespmem:s22+$0x40]  }
0x1ba: {  	v6 =	vld [tilespmem:s22+$0x440];
	_ =	sdelay $0x3  }
0x1bb: {  	v3 =	vmul.f32 v5, v3  }
0x1bc: {  	v4 =	vmul.f32 v6, v4;
	_ =	sdelay $0x1  }
0x1bd: {  	v3 =	vadd.f32 v4, v3;
	_ =	sdelay $0x1  }
0x1be: {  	[tilespmem:s25+$0x0] =	vst v3;
	v3 =	vld [tilespmem:s25+$0x10]  }
0x1bf: {  	v4 =	vld [tilespmem:s22+$0x450]  }
0x1c0: {  	v5 =	vld [tilespmem:s16+$0x10]  }
0x1c1: {  	v6 =	vld [tilespmem:s22+$0x50];
	_ =	sdelay $0x3  }
0x1c2: {  	v4 =	vmul.f32 v4, v5  }
0x1c3: {  	v3 =	vmul.f32 v6, v3;
	_ =	sdelay $0x1  }
0x1c4: {  	v3 =	vadd.f32 v4, v3;
	_ =	sdelay $0x1  }
0x1c5: {  	[tilespmem:s25+$0x10] =	vst v3;
	v3 =	vld [tilespmem:s25+$0x20]  }
0x1c6: {  	v4 =	vld [tilespmem:s16+$0x20]  }
0x1c7: {  	v5 =	vld [tilespmem:s22+$0x60]  }
0x1c8: {  	v6 =	vld [tilespmem:s22+$0x460]  }
.Ltmp12:
0x1c9: {  	(pc) =	sbr.rel @p1 .LBB2_21-.Ltmp12, $3  }
0x1ca: {  	_ =	sdelay $0x1  }
0x1cb: {  	v3 =	vmul.f32 v5, v3  }
0x1cc: {  	v4 =	vmul.f32 v6, v4  }
0x1cd: {  	_ = 	snop  }
0x1ce: {  	v3 =	vadd.f32 v4, v3;
	_ =	sdelay $0x1  }
0x1cf: {  	[tilespmem:s28+$0x20] =	vst v3;
	v3 =	vld [tilespmem:s28+$0x30]  }
0x1d0: {  	v63 =	vld [tilespmem:s22+$0x470]  }
0x1d1: {  	v5 =	vld [tilespmem:s22+$0x70]  }
0x1d2: {  	v6 =	vld [tilespmem:s29+$0x30];
	_ =	sdelay $0x4  }
0x1d3: {  	p1 =	sne.s32 s24, $0xFA;
	v3 =	vmul.f32 v5, v3;
	v4 =	vmul.f32 v63, v6  }
.Ltmp13:
0x1d4: {  	s16 =	sshll.u32 s31, $0xC;
	s14 =	sshll.u32 s14, $0x9;
	(pc) =	sbr.rel @p1 .LBB2_13-.Ltmp13, $4  }
0x1d5: {  	s16 =	sand.u32 $0x1000, s16;
	s14 =	sshra.s32 s14, $0x2;
	v3 =	vadd.f32 v4, v3  }
0x1d6: {  	s14 =	sadd.s32 s14, s16  }
0x1d7: {  	s16 =	smov.u32 s24;
	s14 =	sadd.s32 $0x800, s14;
	[tilespmem:s28+$0x30] =	vst v3  }
0x1d8: {  	[spmem:s3] =	stream.indirect.scatter.add.f32 [tilespmem:s23], [sflag:$0x2], $0x80, s14, s30, $0xb8;
	[tilespmem:$0x1F880] =	vst v63  }
0x1d9: {  	_ =	swait.ge [sflag:s5], $0x1400  }
0x1da: {  	[sflag:s5] =	ssyncset.done $0x0  }
0x1db: {  	[sflag:s5] =	ssyncadd.s32 $0xFFFFEC00  }
0x1dc: {  	[bflag:$0x0] =	sbarrier.arrive $0xFFFF  }
0x1dd: {  	s14 =	rddreg [dreg:$0x15]  }
0x1de: {  	s19 =	simm.s32 $0x4;
	s16 =	rddreg [dreg:$0x19]  }
0x1df: {  	[hbm:s14], [sflag:s17] =	dma.local [spmem:s16], $0x2700  }
0x1e0: {  	_ =	swait.ge [sflag:s19], $0x2700  }
0x1e1: {  	[sflag:s19] =	ssyncset.done $0x0  }
0x1e2: {  	[sflag:s19] =	ssyncadd.s32 $0xFFFFD900  }
0x1e3: {  	[bflag:$0x0] =	sbarrier.arrive @p0 $0xFFFF  }
0x1e4: {  	s16 =	rddreg [dreg:$0x6]  }
0x1e5: {  	s14 =	rddreg [dreg:$0x1c]  }
0x1e6: {  	[spmem:s14], [sflag:s17] =	dma.local @p0 [hbm:s16], $0x2700  }
0x1e7: {  	s14 =	simm.s32 @p0 $0x4  }
0x1e8: {  	_ =	swait.ge @p0 [sflag:s14], $0x2700  }
0x1e9: {  	[sflag:s14] =	ssyncset.done @p0 $0x0;
	s20 =	rddreg [dreg:$0x1a]  }
0x1ea: {  	[sflag:s14] =	ssyncadd.s32 @p0 $0xFFFFD900;
	s14 =	rddreg [dreg:$0x10]  }
0x1eb: {  	[hbm:s14], [sflag:s17] =	dma.local @!p0 [spmem:s20], $0x100  }
0x1ec: {  	s14 =	simm.s32 @!p0 $0x4  }
0x1ed: {  	_ =	swait.ge @!p0 [sflag:s14], $0x100  }
0x1ee: {  	[sflag:s14] =	ssyncset.done @!p0 $0x0  }
0x1ef: {  	[sflag:s14] =	ssyncadd.s32 @!p0 $0xFFFFFF00  }
0x1f0: {  	[bflag:$0x0] =	sbarrier.arrive @!p0 $0xFFFF  }
0x1f1: {  	s21 =	rddreg [dreg:$0x1d]  }
0x1f2: {  	[spmem:s21], [sflag:s17] =	dma.local @!p0 [hbm:s16], $0x2700  }
0x1f3: {  	_ =	swait.ge @!p0 [sflag:s14], $0x2700  }
0x1f4: {  	[sflag:s14] =	ssyncset.done @!p0 $0x0  }
0x1f5: {  	s16 =	rddreg [dreg:$0x7];
	[sflag:s14] =	ssyncadd.s32 @!p0 $0xFFFFD900  }
0x1f6: {  	[spmem:s20], [sflag:s17] =	dma.local @!p0 [hbm:s16], $0x100  }
0x1f7: {  	_ =	swait.ge @!p0 [sflag:s14], $0x100  }
0x1f8: {  	[sflag:s14] =	ssyncset.done @!p0 $0x0  }
0x1f9: {  	[sflag:s14] =	ssyncadd.s32 @!p0 $0xFFFFFF00  }
0x1fa: {  	[bflag:$0x0] =	sbarrier.arrive $0xFFFF  }
0x1fb: {  	s16 =	simm.s32 $0x0;
	s28 =	rddreg [dreg:$0x8]  }
0x1fc: {  	[tilespmem:s16], [sflag:$0x4] =	stream.linear.gather [hbm4b:s28+s16], $0x500, $0x38;
	[tilespmem:$0x1F880] =	vst v63  }
0x1fd: {  	s29 =	simm.s32 $0x800;
	s31 =	rddreg [dreg:$0x1b]  }
0x1fe: {  	[tilespmem:s29], [sflag:$0x4] =	stream.linear.gather [hbm4b:s31+s16], $0x500, $0x38;
	[tilespmem:$0x1F880] =	vst v63  }
0x1ff: {  	_ =	swait.ge [sflag:s19], $0xA00  }
0x200: {  	[sflag:s19] =	ssyncset.done $0x0  }
0x201: {  	s22 =	simm.s32 $0x2000;
	s21 =	rddreg [dreg:$0xd];
	[sflag:s19] =	ssyncadd.s32 $0xFFFFF600  }
0x202: {  	[tilespmem:s22], [sflag:$0x1] =	stream.linear.gather [hbm4b:s21+s16], $0x1400, $0x38;
	[tilespmem:$0x1F880] =	vst v63  }
0x203: {  	s24 =	simm.s32 $0x4800;
	s23 =	rddreg [dreg:$0xc]  }
0x204: {  	[tilespmem:s24], [sflag:$0x1] =	stream.linear.gather [hbm4b:s23+s16], $0x1400, $0x38;
	[tilespmem:$0x1F880] =	vst v63  }
0x205: {  	v3 =	vld [tilespmem:$0x0];
	_ =	sdelay $0x4  }
0x206: {  	v4 =	vshll.u32 v3, $0x1  }
0x207: {  	v3 =	vand.u32 $0x7, v3;
	v4 =	vand.u32 $0xFFFFFFF0, v4  }
0x208: {  	v3 =	vor.u32 v3, v4  }
0x209: {  	v4 =	vperm.xlane v3, v0;
	_ =	sdelay $0x1  }
0x20a: {  	v3 =	vperm.xlane v3, v2;
	v4 =	vadd.s32 v1, v4;
	_ =	sdelay $0x1  }
0x20b: {  	v3 =	vadd.s32 v1, v3;
	_ =	sdelay $0x1  }
0x20c: {  	s25 =	simm.s32 $0x7000  }
0x20d: {  	[tilespmem:s25], [sflag:$0x1] =	stream.indirect_vreg.gather [hbm4b:s6+s16], $0x80, v4, vm0, $0xb8;
	[tilespmem:$0x1F880] =	vst v63  }
0x20e: {  	s26 =	simm.s32 $0x7800  }
0x20f: {  	[tilespmem:s26], [sflag:$0x1] =	stream.indirect_vreg.gather [hbm4b:s6+s16], $0x80, v3, vm0, $0xb8;
	[tilespmem:$0x1F880] =	vst v63  }
0x210: {  	v3 =	vld [tilespmem:$0x10];
	_ =	sdelay $0x4  }
0x211: {  	v62 =	vshll.u32 v3, $0x1  }
0x212: {  	v3 =	vand.u32 $0x7, v3;
	v4 =	vand.u32 $0xFFFFFFF0, v62  }
0x213: {  	v3 =	vor.u32 v3, v4  }
0x214: {  	v4 =	vperm.xlane v3, v0;
	_ =	sdelay $0x1  }
0x215: {  	v3 =	vperm.xlane v3, v2;
	v4 =	vadd.s32 v1, v4;
	_ =	sdelay $0x1  }
0x216: {  	v3 =	vadd.s32 v1, v3;
	_ =	sdelay $0x1  }
0x217: {  	s28 =	simm.s32 $0x8000  }
0x218: {  	[tilespmem:s28], [sflag:$0x1] =	stream.indirect_vreg.gather [hbm4b:s6+s16], $0x80, v4, vm0, $0xb8;
	[tilespmem:$0x1F880] =	vst v63  }
0x219: {  	s29 =	simm.s32 $0x8800  }
0x21a: {  	[tilespmem:s29], [sflag:$0x1] =	stream.indirect_vreg.gather [hbm4b:s6+s16], $0x80, v3, vm0, $0xb8;
	[tilespmem:$0x1F880] =	vst v63  }
0x21b: {  	v3 =	vld.msk [tilespmem:$0x20], $0xff;
	_ =	sdelay $0x4  }
0x21c: {  	v63 =	vshll.u32 v3, $0x1  }
0x21d: {  	v3 =	vand.u32 $0x7, v3;
	v4 =	vand.u32 $0xFFFFFFF0, v63  }
0x21e: {  	v3 =	vor.u32 v3, v4  }
0x21f: {  	v3 =	vperm.xlane v3, v0;
	_ =	sdelay $0x1  }
0x220: {  	v3 =	vadd.s32 v1, v3;
	_ =	sdelay $0x3  }
0x221: {  	s31 =	simm.s32 $0x9000  }
0x222: {  	[tilespmem:s31], [sflag:$0x1] =	stream.indirect_vreg.gather [hbm4b:s6+s16], $0x80, v3, vm0, $0xb8;
	[tilespmem:$0x1F880] =	vst v63  }
.LBB2_24:
0x223: {  	_ =	swait.ge [sflag:s0], $0x1400  }
0x224: {  	[sflag:s0] =	ssyncset.done $0x0  }
0x225: {  	s14 =	smul.u32 $0xCD, s16;
	[sflag:s0] =	ssyncadd.s32 $0xFFFFEC00  }
0x226: {  	p1 =	seq.s32 s16, $0x0;
	_ =	swait.ge [sflag:s0], $0x1400  }
.Ltmp14:
0x227: {  	s14 =	sshrl.u32 s14, $0xB;
	[sflag:s0] =	ssyncset.done $0x0;
	(pc) =	sbr.rel @p1 .LBB2_27-.Ltmp14, $4  }
0x228: {  	s31 =	sand.u32 $0x1F, s14;
	[sflag:s0] =	ssyncadd.s32 $0xFFFFEC00  }
0x229: {  	s14 =	smul.u32 $0xFFFFFFF6, s31;
	_ =	swait.ge [sflag:s0], $0x2800  }
0x22a: {  	[sflag:s0] =	ssyncset.done $0x0  }
0x22b: {  	s14 =	sadd.s32 s16, s14;
	[sflag:s0] =	ssyncadd.s32 $0xFFFFD800  }
0x22c: {  	p1 =	sgt.u32 s16, $0xEF  }
0x22d: {  	p2 =	seq.s32 @!p1 s14, $0x0  }
0x22e: {  	p1 =	por p1, !p2  }
.Ltmp15:
0x22f: {  	_ = 	snop;
	(pc) =	sbr.rel @!p1 .LBB2_28-.Ltmp15, $4  }
0x230: {  	_ = 	snop  }
0x231: {  	_ =	swait.ge [sflag:s5], $0x1400  }
0x232: {  	[sflag:s5] =	ssyncset.done $0x0  }
0x233: {  	[sflag:s5] =	ssyncadd.s32 $0xFFFFEC00  }
0x234: {  	p1 =	seq.s32 s16, $0xF9  }
.Ltmp16:
0x235: {  	_ = 	snop;
	(pc) =	sbr.rel @p1 .LBB2_31-.Ltmp16, $4  }
.Ltmp17:
0x236: {  	_ = 	snop;
	(pc) =	sbr.rel @!p1 .LBB2_29-.Ltmp17, $4  }
0x237: {  	_ = 	snop  }
0x238: {  	_ = 	snop  }
0x239: {  	s24 =	simm.s32 $0xFA  }
0x23a: {  	_ = 	snop  }
.LBB2_27:
0x23b: {  	p1 =	sne.s32 s14, $0x0  }
.Ltmp18:
0x23c: {  	_ = 	snop;
	(pc) =	sbr.rel @p1 .LBB2_30-.Ltmp18, $2  }
0x23d: {  	_ =	sdelay $0x2  }
0x23e: {  	s24 =	simm.s32 $0x1  }
.LBB2_28:
0x23f: {  	s19 =	sshll.u32 s31, $0xC  }
0x240: {  	s19 =	sadd.s32 $0x1000, s19  }
0x241: {  	s20 =	sadd.s32 s15, s19  }
0x242: {  	s20 =	sshrl.u32 s20, $0x3  }
0x243: {  	s19 =	sand.u32 $0x1000, s19;
	s20 =	sadd.s32 s2, s20  }
0x244: {  	[tilespmem:s19], [sflag:$0x3] =	stream.linear.gather [hbm4b:s20+s4], $0x500, $0x38;
	[tilespmem:$0x1F880] =	vst v63  }
0x245: {  	s20 =	sadd.s32 $0x100, s20;
	s19 =	sor.u32 $0x800, s19  }
0x246: {  	[tilespmem:s19], [sflag:$0x3] =	stream.linear.gather [hbm4b:s20+s4], $0x500, $0x38;
	[tilespmem:$0x1F880] =	vst v63  }
.LBB2_29:
0x247: {  	s24 =	sadd.s32 $0x1, s16  }
0x248: {  	s19 =	smul.u32 $0xCCCCCCCD, s24;
	_ =	sdelay $0x1  }
0x249: {  	s20 =	sshll.u32 s19, $0x1F;
	s19 =	sshrl.u32 s19, $0x1  }
0x24a: {  	s19 =	sor.u32 s20, s19  }
0x24b: {  	p1 =	sgt.u32 s19, $0x19999999  }
0x24c: {  	s19 =	simm.s32 @!p1 $0x3  }
0x24d: {  	_ =	swait.ge @!p1 [sflag:s19], $0xA00  }
0x24e: {  	[sflag:s19] =	ssyncset.done @!p1 $0x0  }
0x24f: {  	[sflag:s19] =	ssyncadd.s32 @!p1 $0xFFFFF600  }
.LBB2_30:
0x250: {  	s19 =	smul.u32 $0x1400, s24  }
0x251: {  	s20 =	smulhi.u32 $0xCCCCCCCD, s24;
	s21 =	sand.u32 $0x1, s24  }
0x252: {  	s22 =	smul.u32 $0x1400, s21;
	s19 =	sadd.s32 s18, s19  }
0x253: {  	s23 =	sshrl.u32 s20, $0x3;
	s19 =	sshrl.u32 s19, $0x3  }
0x254: {  	s23 =	smul.u32 $0x7FFFF6, s23;
	s25 =	sor.u32 $0x2000, s22;
	s26 =	sadd.s32 s11, s19  }
0x255: {  	[tilespmem:s25], [sflag:$0x1] =	stream.linear.gather [hbm4b:s26+s4], $0x1400, $0x38;
	[tilespmem:$0x1F880] =	vst v63  }
0x256: {  	s28 =	sshll.u32 s20, $0x9;
	s23 =	sadd.s32 s24, s23  }
0x257: {  	s22 =	sadd.s32 $0x4800, s22;
	s19 =	sadd.s32 s13, s19;
	s29 =	sshll.u32 s23, $0x9  }
0x258: {  	[tilespmem:s22], [sflag:$0x1] =	stream.linear.gather [hbm4b:s19+s4], $0x1400, $0x38;
	[tilespmem:$0x1F880] =	vst v63  }
0x259: {  	s19 =	sand.u32 $0x1000, s28;
	s20 =	sshra.s32 s29, $0x2  }
0x25a: {  	s19 =	sadd.s32 s20, s19  }
0x25b: {  	v3 =	vld [tilespmem:s19+$0x0];
	_ =	sdelay $0x4  }
0x25c: {  	v4 =	vshll.u32 v3, $0x1  }
0x25d: {  	v3 =	vand.u32 $0x7, v3;
	v4 =	vand.u32 $0xFFFFFFF0, v4  }
0x25e: {  	v3 =	vor.u32 v3, v4  }
0x25f: {  	v4 =	vperm.xlane v3, v0;
	_ =	sdelay $0x1  }
0x260: {  	v3 =	vperm.xlane v3, v2;
	v4 =	vadd.s32 v1, v4  }
0x261: {  	s22 =	smul.u32 $0xA000, s21  }
0x262: {  	v3 =	vadd.s32 v1, v3  }
0x263: {  	s20 =	sshrl.u32 s22, $0x2  }
0x264: {  	s23 =	sadd.s32 $0x7000, s20  }
0x265: {  	[tilespmem:s23], [sflag:$0x1] =	stream.indirect_vreg.gather [hbm4b:s6+s4], $0x80, v4, vm0, $0xb8;
	[tilespmem:$0x1F880] =	vst v63  }
0x266: {  	s25 =	sadd.s32 $0x7800, s20  }
0x267: {  	[tilespmem:s25], [sflag:$0x1] =	stream.indirect_vreg.gather [hbm4b:s6+s4], $0x80, v3, vm0, $0xb8;
	[tilespmem:$0x1F880] =	vst v63  }
0x268: {  	v3 =	vld [tilespmem:s19+$0x10];
	_ =	sdelay $0x4  }
0x269: {  	v62 =	vshll.u32 v3, $0x1  }
0x26a: {  	v3 =	vand.u32 $0x7, v3;
	v4 =	vand.u32 $0xFFFFFFF0, v62  }
0x26b: {  	v3 =	vor.u32 v3, v4  }
0x26c: {  	v4 =	vperm.xlane v3, v0;
	_ =	sdelay $0x1  }
0x26d: {  	v3 =	vperm.xlane v3, v2;
	v4 =	vadd.s32 v1, v4;
	_ =	sdelay $0x1  }
0x26e: {  	v3 =	vadd.s32 v1, v3;
	_ =	sdelay $0x1  }
0x26f: {  	s26 =	sor.u32 $0x8000, s20  }
0x270: {  	[tilespmem:s26], [sflag:$0x1] =	stream.indirect_vreg.gather [hbm4b:s6+s4], $0x80, v4, vm0, $0xb8;
	[tilespmem:$0x1F880] =	vst v63  }
0x271: {  	s28 =	sadd.s32 $0x8800, s20;
	s19 =	sor.u32 $0x20, s19  }
0x272: {  	[tilespmem:s28], [sflag:$0x1] =	stream.indirect_vreg.gather [hbm4b:s6+s4], $0x80, v3, vm0, $0xb8;
	[tilespmem:$0x1F880] =	vst v63  }
0x273: {  	v3 =	vld.msk [tilespmem:s19+$0x0], $0xff;
	_ =	sdelay $0x4  }
0x274: {  	v63 =	vshll.u32 v3, $0x1  }
0x275: {  	v3 =	vand.u32 $0x7, v3;
	v4 =	vand.u32 $0xFFFFFFF0, v63  }
0x276: {  	v3 =	vor.u32 v3, v4  }
0x277: {  	v3 =	vperm.xlane v3, v0;
	_ =	sdelay $0x1  }
0x278: {  	v3 =	vadd.s32 v1, v3;
	_ =	sdelay $0x3  }
0x279: {  	s29 =	sadd.s32 $0x9000, s20  }
0x27a: {  	[tilespmem:s29], [sflag:$0x1] =	stream.indirect_vreg.gather [hbm4b:s6+s4], $0x80, v3, vm0, $0xb8;
	[tilespmem:$0x1F880] =	vst v63  }
.LBB2_31:
0x27b: {  	s21 =	sand.u32 $0x1, s16  }
0x27c: {  	s16 =	smul.u32 $0xA000, s21  }
0x27d: {  	s19 =	smul.u32 $0x5000, s21;
	_ =	sdelay $0x1  }
0x27e: {  	s16 =	sshrl.u32 s16, $0x2;
	s22 =	sshrl.u32 s19, $0x2;
	s19 =	simm.s32 $0x0  }
0x27f: {  	s20 =	sadd.s32 $0x7000, s16;
	s25 =	sor.u32 $0x2040, s22;
	s23 =	sand.u32 $0x3800, s19  }
0x280: {  	s16 =	sadd.s32 $0x4840, s22;
	s26 =	sand.u32 $0x380, s19;
	v3 =	vld [tilespmem:s25+$0xFFFFFFC0];
	s23 =	sadd.s32 s23, s20  }
0x281: {  	v4 =	vld [tilespmem:s16+$0xFFFFFFC0];
	s22 =	sadd.s32 s26, s23  }
0x282: {  	v5 =	vld [tilespmem:s22+$0x0]  }
0x283: {  	v6 =	vld [tilespmem:s22+$0x400];
	_ =	sdelay $0x4  }
0x284: {  	v3 =	vmul.f32 v5, v3;
	v4 =	vmul.f32 v6, v4;
	_ =	sdelay $0x1  }
0x285: {  	v3 =	vadd.f32 v4, v3;
	_ =	sdelay $0x1  }
0x286: {  	[tilespmem:s25+$0xFFFFFFC0] =	vst v3;
	v3 =	vld [tilespmem:s25+$0xFFFFFFD0]  }
0x287: {  	v4 =	vld [tilespmem:s22+$0x410]  }
0x288: {  	v5 =	vld [tilespmem:s22+$0x10]  }
0x289: {  	v6 =	vld [tilespmem:s16+$0xFFFFFFD0];
	_ =	sdelay $0x4  }
0x28a: {  	v3 =	vmul.f32 v5, v3;
	v4 =	vmul.f32 v4, v6;
	_ =	sdelay $0x1  }
0x28b: {  	v3 =	vadd.f32 v4, v3;
	_ =	sdelay $0x1  }
0x28c: {  	[tilespmem:s25+$0xFFFFFFD0] =	vst v3;
	v3 =	vld [tilespmem:s25+$0xFFFFFFE0]  }
0x28d: {  	v4 =	vld [tilespmem:s22+$0x20]  }
0x28e: {  	v5 =	vld [tilespmem:s16+$0xFFFFFFE0]  }
0x28f: {  	v6 =	vld [tilespmem:s22+$0x420];
	_ =	sdelay $0x4  }
0x290: {  	v3 =	vmul.f32 v4, v3;
	v4 =	vmul.f32 v6, v5;
	_ =	sdelay $0x1  }
0x291: {  	v3 =	vadd.f32 v4, v3;
	_ =	sdelay $0x1  }
0x292: {  	[tilespmem:s25+$0xFFFFFFE0] =	vst v3;
	v3 =	vld [tilespmem:s25+$0xFFFFFFF0]  }
0x293: {  	v4 =	vld [tilespmem:s16+$0xFFFFFFF0]  }
0x294: {  	v5 =	vld [tilespmem:s22+$0x30]  }
0x295: {  	v6 =	vld [tilespmem:s22+$0x430];
	_ =	sdelay $0x4  }
0x296: {  	v3 =	vmul.f32 v5, v3;
	v4 =	vmul.f32 v6, v4;
	_ =	sdelay $0x1  }
0x297: {  	v3 =	vadd.f32 v4, v3;
	_ =	sdelay $0x1  }
0x298: {  	[tilespmem:s25+$0xFFFFFFF0] =	vst v3;
	v3 =	vld [tilespmem:s25+$0x0]  }
0x299: {  	v4 =	vld [tilespmem:s16+$0x0]  }
0x29a: {  	v5 =	vld [tilespmem:s22+$0x40]  }
0x29b: {  	v6 =	vld [tilespmem:s22+$0x440];
	_ =	sdelay $0x4  }
0x29c: {  	v3 =	vmul.f32 v5, v3;
	v4 =	vmul.f32 v6, v4;
	_ =	sdelay $0x1  }
0x29d: {  	v3 =	vadd.f32 v4, v3;
	_ =	sdelay $0x1  }
0x29e: {  	[tilespmem:s25+$0x0] =	vst v3;
	v3 =	vld [tilespmem:s25+$0x10]  }
0x29f: {  	v4 =	vld [tilespmem:s22+$0x450]  }
0x2a0: {  	v5 =	vld [tilespmem:s16+$0x10]  }
0x2a1: {  	v6 =	vld [tilespmem:s22+$0x50];
	_ =	sdelay $0x4  }
0x2a2: {  	v4 =	vmul.f32 v4, v5;
	v3 =	vmul.f32 v6, v3;
	_ =	sdelay $0x1  }
0x2a3: {  	v3 =	vadd.f32 v4, v3;
	_ =	sdelay $0x1  }
0x2a4: {  	[tilespmem:s25+$0x10] =	vst v3;
	v3 =	vld [tilespmem:s25+$0x20]  }
0x2a5: {  	v4 =	vld [tilespmem:s16+$0x20]  }
0x2a6: {  	v5 =	vld [tilespmem:s22+$0x60]  }
0x2a7: {  	v6 =	vld [tilespmem:s22+$0x460];
	_ =	sdelay $0x2  }
0x2a8: {  	s21 =	smul.u32 $0x1400, s21  }
0x2a9: {  	s28 =	smov.u32 s25  }
0x2aa: {  	s29 =	smov.u32 s16;
	s23 =	sor.u32 $0x2000, s21;
	s21 =	simm.s32 $0x80;
	v3 =	vmul.f32 v5, v3;
	v4 =	vmul.f32 v6, v4  }
.LBB2_32:
0x2ab: {  	s19 =	sadd.s32 $0x100, s19;
	s25 =	sadd.s32 $0x80, s25;
	s16 =	sadd.s32 $0x80, s16  }
0x2ac: {  	p1 =	sne.s32 s21, $0x1380;
	s26 =	smov.u32 s21;
	s21 =	sadd.s32 $0x80, s21;
	v3 =	vadd.f32 v4, v3  }
0x2ad: {  	_ = 	snop  }
0x2ae: {  	[tilespmem:s28+$0x20] =	vst v3;
	v3 =	vld [tilespmem:s28+$0x30]  }
0x2af: {  	v4 =	vld [tilespmem:s22+$0x470]  }
0x2b0: {  	v5 =	vld [tilespmem:s22+$0x70]  }
0x2b1: {  	v6 =	vld [tilespmem:s29+$0x30];
	s29 =	smov.u32 s16;
	_ =	sdelay $0x3  }
0x2b2: {  	v3 =	vmul.f32 v5, v3  }
0x2b3: {  	v4 =	vmul.f32 v4, v6;
	_ =	sdelay $0x1  }
0x2b4: {  	v3 =	vadd.f32 v4, v3  }
0x2b5: {  	s22 =	sand.u32 $0x3800, s19  }
0x2b6: {  	s26 =	sand.u32 $0x380, s26;
	s22 =	sadd.s32 s22, s20;
	v4 =	vld [tilespmem:s25+$0xFFFFFFC0];
	[tilespmem:s28+$0x30] =	vst v3;
	s28 =	smov.u32 s25  }
0x2b7: {  	s22 =	sadd.s32 s26, s22;
	v3 =	vld [tilespmem:s16+$0xFFFFFFC0]  }
0x2b8: {  	v5 =	vld [tilespmem:s22+$0x0]  }
0x2b9: {  	v6 =	vld [tilespmem:s22+$0x400];
	_ =	sdelay $0x3  }
0x2ba: {  	v4 =	vmul.f32 v5, v4  }
0x2bb: {  	v3 =	vmul.f32 v6, v3;
	_ =	sdelay $0x1  }
0x2bc: {  	v3 =	vadd.f32 v3, v4;
	_ =	sdelay $0x1  }
0x2bd: {  	[tilespmem:s25+$0xFFFFFFC0] =	vst v3;
	v3 =	vld [tilespmem:s25+$0xFFFFFFD0]  }
0x2be: {  	v4 =	vld [tilespmem:s22+$0x410]  }
0x2bf: {  	v5 =	vld [tilespmem:s22+$0x10]  }
0x2c0: {  	v6 =	vld [tilespmem:s16+$0xFFFFFFD0];
	_ =	sdelay $0x3  }
0x2c1: {  	v3 =	vmul.f32 v5, v3  }
0x2c2: {  	v4 =	vmul.f32 v4, v6;
	_ =	sdelay $0x1  }
0x2c3: {  	v3 =	vadd.f32 v4, v3;
	_ =	sdelay $0x1  }
0x2c4: {  	[tilespmem:s25+$0xFFFFFFD0] =	vst v3;
	v3 =	vld [tilespmem:s25+$0xFFFFFFE0]  }
0x2c5: {  	v4 =	vld [tilespmem:s22+$0x20]  }
0x2c6: {  	v5 =	vld [tilespmem:s16+$0xFFFFFFE0]  }
0x2c7: {  	v6 =	vld [tilespmem:s22+$0x420];
	_ =	sdelay $0x4  }
0x2c8: {  	v3 =	vmul.f32 v4, v3;
	v4 =	vmul.f32 v6, v5;
	_ =	sdelay $0x1  }
0x2c9: {  	v3 =	vadd.f32 v4, v3;
	_ =	sdelay $0x1  }
0x2ca: {  	[tilespmem:s25+$0xFFFFFFE0] =	vst v3;
	v3 =	vld [tilespmem:s25+$0xFFFFFFF0]  }
0x2cb: {  	v4 =	vld [tilespmem:s16+$0xFFFFFFF0]  }
0x2cc: {  	v5 =	vld [tilespmem:s22+$0x30]  }
0x2cd: {  	v6 =	vld [tilespmem:s22+$0x430];
	_ =	sdelay $0x3  }
0x2ce: {  	v3 =	vmul.f32 v5, v3  }
0x2cf: {  	v4 =	vmul.f32 v6, v4;
	_ =	sdelay $0x1  }
0x2d0: {  	v3 =	vadd.f32 v4, v3;
	_ =	sdelay $0x1  }
0x2d1: {  	[tilespmem:s25+$0xFFFFFFF0] =	vst v3;
	v3 =	vld [tilespmem:s25+$0x0]  }
0x2d2: {  	v4 =	vld [tilespmem:s16+$0x0]  }
0x2d3: {  	v5 =	vld [tilespmem:s22+$0x40]  }
0x2d4: {  	v6 =	vld [tilespmem:s22+$0x440];
	_ =	sdelay $0x3  }
0x2d5: {  	v3 =	vmul.f32 v5, v3  }
0x2d6: {  	v4 =	vmul.f32 v6, v4;
	_ =	sdelay $0x1  }
0x2d7: {  	v3 =	vadd.f32 v4, v3;
	_ =	sdelay $0x1  }
0x2d8: {  	[tilespmem:s25+$0x0] =	vst v3;
	v3 =	vld [tilespmem:s25+$0x10]  }
0x2d9: {  	v4 =	vld [tilespmem:s22+$0x450]  }
0x2da: {  	v5 =	vld [tilespmem:s16+$0x10]  }
0x2db: {  	v6 =	vld [tilespmem:s22+$0x50];
	_ =	sdelay $0x3  }
0x2dc: {  	v4 =	vmul.f32 v4, v5  }
0x2dd: {  	v3 =	vmul.f32 v6, v3;
	_ =	sdelay $0x1  }
0x2de: {  	v3 =	vadd.f32 v4, v3;
	_ =	sdelay $0x1  }
0x2df: {  	[tilespmem:s25+$0x10] =	vst v3;
	v3 =	vld [tilespmem:s25+$0x20]  }
0x2e0: {  	v4 =	vld [tilespmem:s16+$0x20]  }
0x2e1: {  	v5 =	vld [tilespmem:s22+$0x60]  }
0x2e2: {  	v6 =	vld [tilespmem:s22+$0x460]  }
.Ltmp19:
0x2e3: {  	(pc) =	sbr.rel @p1 .LBB2_32-.Ltmp19, $3  }
0x2e4: {  	_ =	sdelay $0x1  }
0x2e5: {  	v3 =	vmul.f32 v5, v3  }
0x2e6: {  	v4 =	vmul.f32 v6, v4  }
0x2e7: {  	_ = 	snop  }
0x2e8: {  	v3 =	vadd.f32 v4, v3;
	_ =	sdelay $0x1  }
0x2e9: {  	[tilespmem:s28+$0x20] =	vst v3;
	v3 =	vld [tilespmem:s28+$0x30]  }
0x2ea: {  	v63 =	vld [tilespmem:s22+$0x470]  }
0x2eb: {  	v5 =	vld [tilespmem:s22+$0x70]  }
0x2ec: {  	v6 =	vld [tilespmem:s29+$0x30];
	_ =	sdelay $0x4  }
0x2ed: {  	p1 =	sne.s32 s24, $0xFA;
	v3 =	vmul.f32 v5, v3;
	v4 =	vmul.f32 v63, v6  }
.Ltmp20:
0x2ee: {  	s16 =	sshll.u32 s31, $0xC;
	s14 =	sshll.u32 s14, $0x9;
	(pc) =	sbr.rel @p1 .LBB2_24-.Ltmp20, $4  }
0x2ef: {  	s16 =	sand.u32 $0x1000, s16;
	s14 =	sshra.s32 s14, $0x2;
	v3 =	vadd.f32 v4, v3  }
0x2f0: {  	s14 =	sadd.s32 s14, s16  }
0x2f1: {  	s16 =	smov.u32 s24;
	s14 =	sadd.s32 $0x800, s14;
	[tilespmem:s28+$0x30] =	vst v3  }
0x2f2: {  	[spmem:s3] =	stream.indirect.scatter.add.f32 [tilespmem:s23], [sflag:$0x2], $0x80, s14, s30, $0xb8;
	[tilespmem:$0x1F880] =	vst v63  }
0x2f3: {  	_ =	swait.ge [sflag:s5], $0x1400  }
0x2f4: {  	[sflag:s5] =	ssyncset.done $0x0  }
0x2f5: {  	[sflag:s5] =	ssyncadd.s32 $0xFFFFEC00  }
0x2f6: {  	[bflag:$0x0] =	sbarrier.arrive $0xFFFF  }
0x2f7: {  	s14 =	rddreg [dreg:$0x16]  }
0x2f8: {  	s19 =	simm.s32 $0x4;
	s16 =	rddreg [dreg:$0x19]  }
0x2f9: {  	[hbm:s14], [sflag:s17] =	dma.local [spmem:s16], $0x2700  }
0x2fa: {  	_ =	swait.ge [sflag:s19], $0x2700  }
0x2fb: {  	[sflag:s19] =	ssyncset.done $0x0  }
0x2fc: {  	[sflag:s19] =	ssyncadd.s32 $0xFFFFD900  }
0x2fd: {  	[bflag:$0x0] =	sbarrier.arrive @p0 $0xFFFF  }
0x2fe: {  	s16 =	rddreg [dreg:$0x6]  }
0x2ff: {  	s14 =	rddreg [dreg:$0x1c]  }
0x300: {  	[spmem:s14], [sflag:s17] =	dma.local @p0 [hbm:s16], $0x2700  }
0x301: {  	s14 =	simm.s32 @p0 $0x4  }
0x302: {  	_ =	swait.ge @p0 [sflag:s14], $0x2700  }
0x303: {  	[sflag:s14] =	ssyncset.done @p0 $0x0;
	s20 =	rddreg [dreg:$0x1a]  }
0x304: {  	[sflag:s14] =	ssyncadd.s32 @p0 $0xFFFFD900;
	s14 =	rddreg [dreg:$0x11]  }
0x305: {  	[hbm:s14], [sflag:s17] =	dma.local @!p0 [spmem:s20], $0x100  }
0x306: {  	s14 =	simm.s32 @!p0 $0x4  }
0x307: {  	_ =	swait.ge @!p0 [sflag:s14], $0x100  }
0x308: {  	[sflag:s14] =	ssyncset.done @!p0 $0x0  }
0x309: {  	[sflag:s14] =	ssyncadd.s32 @!p0 $0xFFFFFF00  }
0x30a: {  	[bflag:$0x0] =	sbarrier.arrive @!p0 $0xFFFF  }
0x30b: {  	s21 =	rddreg [dreg:$0x1d]  }
0x30c: {  	[spmem:s21], [sflag:s17] =	dma.local @!p0 [hbm:s16], $0x2700  }
0x30d: {  	_ =	swait.ge @!p0 [sflag:s14], $0x2700  }
0x30e: {  	[sflag:s14] =	ssyncset.done @!p0 $0x0  }
0x30f: {  	s16 =	rddreg [dreg:$0x7];
	[sflag:s14] =	ssyncadd.s32 @!p0 $0xFFFFD900  }
0x310: {  	[spmem:s20], [sflag:s17] =	dma.local @!p0 [hbm:s16], $0x100  }
0x311: {  	_ =	swait.ge @!p0 [sflag:s14], $0x100  }
0x312: {  	[sflag:s14] =	ssyncset.done @!p0 $0x0  }
0x313: {  	[sflag:s14] =	ssyncadd.s32 @!p0 $0xFFFFFF00  }
0x314: {  	[bflag:$0x0] =	sbarrier.arrive $0xFFFF  }
0x315: {  	s16 =	simm.s32 $0x0;
	s28 =	rddreg [dreg:$0x8]  }
0x316: {  	[tilespmem:s16], [sflag:$0x4] =	stream.linear.gather [hbm4b:s28+s16], $0x500, $0x38;
	[tilespmem:$0x1F880] =	vst v63  }
0x317: {  	s29 =	simm.s32 $0x800;
	s31 =	rddreg [dreg:$0x1b]  }
0x318: {  	[tilespmem:s29], [sflag:$0x4] =	stream.linear.gather [hbm4b:s31+s16], $0x500, $0x38;
	[tilespmem:$0x1F880] =	vst v63  }
0x319: {  	_ =	swait.ge [sflag:s19], $0xA00  }
0x31a: {  	[sflag:s19] =	ssyncset.done $0x0  }
0x31b: {  	s22 =	simm.s32 $0x2000;
	s21 =	rddreg [dreg:$0xe];
	[sflag:s19] =	ssyncadd.s32 $0xFFFFF600  }
0x31c: {  	[tilespmem:s22], [sflag:$0x1] =	stream.linear.gather [hbm4b:s21+s16], $0x1400, $0x38;
	[tilespmem:$0x1F880] =	vst v63  }
0x31d: {  	s24 =	simm.s32 $0x4800;
	s23 =	rddreg [dreg:$0xc]  }
0x31e: {  	[tilespmem:s24], [sflag:$0x1] =	stream.linear.gather [hbm4b:s23+s16], $0x1400, $0x38;
	[tilespmem:$0x1F880] =	vst v63  }
0x31f: {  	v3 =	vld [tilespmem:$0x0];
	_ =	sdelay $0x4  }
0x320: {  	v4 =	vshll.u32 v3, $0x1  }
0x321: {  	v3 =	vand.u32 $0x7, v3;
	v4 =	vand.u32 $0xFFFFFFF0, v4  }
0x322: {  	v3 =	vor.u32 v3, v4  }
0x323: {  	v4 =	vperm.xlane v3, v0;
	_ =	sdelay $0x1  }
0x324: {  	v3 =	vperm.xlane v3, v2;
	v4 =	vadd.s32 v1, v4;
	_ =	sdelay $0x1  }
0x325: {  	v3 =	vadd.s32 v1, v3;
	_ =	sdelay $0x1  }
0x326: {  	s25 =	simm.s32 $0x7000  }
0x327: {  	[tilespmem:s25], [sflag:$0x1] =	stream.indirect_vreg.gather [hbm4b:s7+s16], $0x80, v4, vm0, $0xb8;
	[tilespmem:$0x1F880] =	vst v63  }
0x328: {  	s26 =	simm.s32 $0x7800  }
0x329: {  	[tilespmem:s26], [sflag:$0x1] =	stream.indirect_vreg.gather [hbm4b:s7+s16], $0x80, v3, vm0, $0xb8;
	[tilespmem:$0x1F880] =	vst v63  }
0x32a: {  	v3 =	vld [tilespmem:$0x10];
	_ =	sdelay $0x4  }
0x32b: {  	v62 =	vshll.u32 v3, $0x1  }
0x32c: {  	v3 =	vand.u32 $0x7, v3;
	v4 =	vand.u32 $0xFFFFFFF0, v62  }
0x32d: {  	v3 =	vor.u32 v3, v4  }
0x32e: {  	v4 =	vperm.xlane v3, v0;
	_ =	sdelay $0x1  }
0x32f: {  	v3 =	vperm.xlane v3, v2;
	v4 =	vadd.s32 v1, v4;
	_ =	sdelay $0x1  }
0x330: {  	v3 =	vadd.s32 v1, v3;
	_ =	sdelay $0x1  }
0x331: {  	s28 =	simm.s32 $0x8000  }
0x332: {  	[tilespmem:s28], [sflag:$0x1] =	stream.indirect_vreg.gather [hbm4b:s7+s16], $0x80, v4, vm0, $0xb8;
	[tilespmem:$0x1F880] =	vst v63  }
0x333: {  	s29 =	simm.s32 $0x8800  }
0x334: {  	[tilespmem:s29], [sflag:$0x1] =	stream.indirect_vreg.gather [hbm4b:s7+s16], $0x80, v3, vm0, $0xb8;
	[tilespmem:$0x1F880] =	vst v63  }
0x335: {  	v3 =	vld.msk [tilespmem:$0x20], $0xff;
	_ =	sdelay $0x4  }
0x336: {  	v63 =	vshll.u32 v3, $0x1  }
0x337: {  	v3 =	vand.u32 $0x7, v3;
	v4 =	vand.u32 $0xFFFFFFF0, v63  }
0x338: {  	v3 =	vor.u32 v3, v4  }
0x339: {  	v3 =	vperm.xlane v3, v0;
	_ =	sdelay $0x1  }
0x33a: {  	v3 =	vadd.s32 v1, v3;
	_ =	sdelay $0x3  }
0x33b: {  	s31 =	simm.s32 $0x9000  }
0x33c: {  	[tilespmem:s31], [sflag:$0x1] =	stream.indirect_vreg.gather [hbm4b:s7+s16], $0x80, v3, vm0, $0xb8;
	[tilespmem:$0x1F880] =	vst v63  }
.LBB2_35:
0x33d: {  	_ =	swait.ge [sflag:s0], $0x1400  }
0x33e: {  	[sflag:s0] =	ssyncset.done $0x0  }
0x33f: {  	s14 =	smul.u32 $0xCD, s16;
	[sflag:s0] =	ssyncadd.s32 $0xFFFFEC00  }
0x340: {  	p1 =	seq.s32 s16, $0x0;
	_ =	swait.ge [sflag:s0], $0x1400  }
.Ltmp21:
0x341: {  	s14 =	sshrl.u32 s14, $0xB;
	[sflag:s0] =	ssyncset.done $0x0;
	(pc) =	sbr.rel @p1 .LBB2_38-.Ltmp21, $4  }
0x342: {  	s22 =	sand.u32 $0x1F, s14;
	[sflag:s0] =	ssyncadd.s32 $0xFFFFEC00  }
0x343: {  	s14 =	smul.u32 $0xFFFFFFF6, s22;
	_ =	swait.ge [sflag:s0], $0x2800  }
0x344: {  	[sflag:s0] =	ssyncset.done $0x0  }
0x345: {  	s14 =	sadd.s32 s16, s14;
	[sflag:s0] =	ssyncadd.s32 $0xFFFFD800  }
0x346: {  	p1 =	sgt.u32 s16, $0xEF  }
0x347: {  	p2 =	seq.s32 @!p1 s14, $0x0  }
0x348: {  	p1 =	por p1, !p2  }
.Ltmp22:
0x349: {  	_ = 	snop;
	(pc) =	sbr.rel @!p1 .LBB2_39-.Ltmp22, $4  }
0x34a: {  	_ = 	snop  }
0x34b: {  	_ =	swait.ge [sflag:s5], $0x1400  }
0x34c: {  	[sflag:s5] =	ssyncset.done $0x0  }
0x34d: {  	[sflag:s5] =	ssyncadd.s32 $0xFFFFEC00  }
0x34e: {  	p1 =	seq.s32 s16, $0xF9  }
.Ltmp23:
0x34f: {  	_ = 	snop;
	(pc) =	sbr.rel @p1 .LBB2_42-.Ltmp23, $4  }
.Ltmp24:
0x350: {  	_ = 	snop;
	(pc) =	sbr.rel @!p1 .LBB2_40-.Ltmp24, $4  }
0x351: {  	_ = 	snop  }
0x352: {  	_ = 	snop  }
0x353: {  	s24 =	simm.s32 $0xFA  }
0x354: {  	_ = 	snop  }
.LBB2_38:
0x355: {  	p1 =	sne.s32 s14, $0x0  }
.Ltmp25:
0x356: {  	_ = 	snop;
	(pc) =	sbr.rel @p1 .LBB2_41-.Ltmp25, $2  }
0x357: {  	_ =	sdelay $0x2  }
0x358: {  	s24 =	simm.s32 $0x1  }
.LBB2_39:
0x359: {  	s19 =	sshll.u32 s22, $0xC  }
0x35a: {  	s19 =	sadd.s32 $0x1000, s19  }
0x35b: {  	s20 =	sadd.s32 s15, s19  }
0x35c: {  	s20 =	sshrl.u32 s20, $0x3  }
0x35d: {  	s19 =	sand.u32 $0x1000, s19;
	s20 =	sadd.s32 s2, s20  }
0x35e: {  	[tilespmem:s19], [sflag:$0x3] =	stream.linear.gather [hbm4b:s20+s4], $0x500, $0x38;
	[tilespmem:$0x1F880] =	vst v63  }
0x35f: {  	s20 =	sadd.s32 $0x100, s20;
	s19 =	sor.u32 $0x800, s19  }
0x360: {  	[tilespmem:s19], [sflag:$0x3] =	stream.linear.gather [hbm4b:s20+s4], $0x500, $0x38;
	[tilespmem:$0x1F880] =	vst v63  }
.LBB2_40:
0x361: {  	s24 =	sadd.s32 $0x1, s16  }
0x362: {  	s19 =	smul.u32 $0xCCCCCCCD, s24;
	_ =	sdelay $0x1  }
0x363: {  	s20 =	sshll.u32 s19, $0x1F;
	s19 =	sshrl.u32 s19, $0x1  }
0x364: {  	s19 =	sor.u32 s20, s19  }
0x365: {  	p1 =	sgt.u32 s19, $0x19999999  }
0x366: {  	s19 =	simm.s32 @!p1 $0x3  }
0x367: {  	_ =	swait.ge @!p1 [sflag:s19], $0xA00  }
0x368: {  	[sflag:s19] =	ssyncset.done @!p1 $0x0  }
0x369: {  	[sflag:s19] =	ssyncadd.s32 @!p1 $0xFFFFF600  }
.LBB2_41:
0x36a: {  	s19 =	smul.u32 $0x1400, s24  }
0x36b: {  	s20 =	smulhi.u32 $0xCCCCCCCD, s24;
	s21 =	sand.u32 $0x1, s24  }
0x36c: {  	s23 =	smul.u32 $0x1400, s21;
	s19 =	sadd.s32 s18, s19  }
0x36d: {  	s25 =	sshrl.u32 s20, $0x3;
	s19 =	sshrl.u32 s19, $0x3  }
0x36e: {  	s25 =	smul.u32 $0x7FFFF6, s25;
	s26 =	sor.u32 $0x2000, s23;
	s28 =	sadd.s32 s12, s19  }
0x36f: {  	[tilespmem:s26], [sflag:$0x1] =	stream.linear.gather [hbm4b:s28+s4], $0x1400, $0x38;
	[tilespmem:$0x1F880] =	vst v63  }
0x370: {  	s29 =	sshll.u32 s20, $0x9;
	s25 =	sadd.s32 s24, s25  }
0x371: {  	s23 =	sadd.s32 $0x4800, s23;
	s19 =	sadd.s32 s13, s19;
	s31 =	sshll.u32 s25, $0x9  }
0x372: {  	[tilespmem:s23], [sflag:$0x1] =	stream.linear.gather [hbm4b:s19+s4], $0x1400, $0x38;
	[tilespmem:$0x1F880] =	vst v63  }
0x373: {  	s19 =	sand.u32 $0x1000, s29;
	s20 =	sshra.s32 s31, $0x2  }
0x374: {  	s19 =	sadd.s32 s20, s19  }
0x375: {  	v3 =	vld [tilespmem:s19+$0x0];
	_ =	sdelay $0x4  }
0x376: {  	v4 =	vshll.u32 v3, $0x1  }
0x377: {  	v3 =	vand.u32 $0x7, v3;
	v4 =	vand.u32 $0xFFFFFFF0, v4  }
0x378: {  	v3 =	vor.u32 v3, v4  }
0x379: {  	v4 =	vperm.xlane v3, v0;
	_ =	sdelay $0x1  }
0x37a: {  	v3 =	vperm.xlane v3, v2;
	v4 =	vadd.s32 v1, v4  }
0x37b: {  	s23 =	smul.u32 $0xA000, s21  }
0x37c: {  	v3 =	vadd.s32 v1, v3  }
0x37d: {  	s20 =	sshrl.u32 s23, $0x2  }
0x37e: {  	s25 =	sadd.s32 $0x7000, s20  }
0x37f: {  	[tilespmem:s25], [sflag:$0x1] =	stream.indirect_vreg.gather [hbm4b:s7+s4], $0x80, v4, vm0, $0xb8;
	[tilespmem:$0x1F880] =	vst v63  }
0x380: {  	s26 =	sadd.s32 $0x7800, s20  }
0x381: {  	[tilespmem:s26], [sflag:$0x1] =	stream.indirect_vreg.gather [hbm4b:s7+s4], $0x80, v3, vm0, $0xb8;
	[tilespmem:$0x1F880] =	vst v63  }
0x382: {  	v3 =	vld [tilespmem:s19+$0x10];
	_ =	sdelay $0x4  }
0x383: {  	v62 =	vshll.u32 v3, $0x1  }
0x384: {  	v3 =	vand.u32 $0x7, v3;
	v4 =	vand.u32 $0xFFFFFFF0, v62  }
0x385: {  	v3 =	vor.u32 v3, v4  }
0x386: {  	v4 =	vperm.xlane v3, v0;
	_ =	sdelay $0x1  }
0x387: {  	v3 =	vperm.xlane v3, v2;
	v4 =	vadd.s32 v1, v4;
	_ =	sdelay $0x1  }
0x388: {  	v3 =	vadd.s32 v1, v3;
	_ =	sdelay $0x1  }
0x389: {  	s28 =	sor.u32 $0x8000, s20  }
0x38a: {  	[tilespmem:s28], [sflag:$0x1] =	stream.indirect_vreg.gather [hbm4b:s7+s4], $0x80, v4, vm0, $0xb8;
	[tilespmem:$0x1F880] =	vst v63  }
0x38b: {  	s29 =	sadd.s32 $0x8800, s20;
	s19 =	sor.u32 $0x20, s19  }
0x38c: {  	[tilespmem:s29], [sflag:$0x1] =	stream.indirect_vreg.gather [hbm4b:s7+s4], $0x80, v3, vm0, $0xb8;
	[tilespmem:$0x1F880] =	vst v63  }
0x38d: {  	v3 =	vld.msk [tilespmem:s19+$0x0], $0xff;
	_ =	sdelay $0x4  }
0x38e: {  	v63 =	vshll.u32 v3, $0x1  }
0x38f: {  	v3 =	vand.u32 $0x7, v3;
	v4 =	vand.u32 $0xFFFFFFF0, v63  }
0x390: {  	v3 =	vor.u32 v3, v4  }
0x391: {  	v3 =	vperm.xlane v3, v0;
	_ =	sdelay $0x1  }
0x392: {  	v3 =	vadd.s32 v1, v3;
	_ =	sdelay $0x3  }
0x393: {  	s31 =	sadd.s32 $0x9000, s20  }
0x394: {  	[tilespmem:s31], [sflag:$0x1] =	stream.indirect_vreg.gather [hbm4b:s7+s4], $0x80, v3, vm0, $0xb8;
	[tilespmem:$0x1F880] =	vst v63  }
.LBB2_42:
0x395: {  	s21 =	sand.u32 $0x1, s16  }
0x396: {  	s16 =	smul.u32 $0xA000, s21  }
0x397: {  	s19 =	smul.u32 $0x5000, s21;
	_ =	sdelay $0x1  }
0x398: {  	s16 =	sshrl.u32 s16, $0x2;
	s23 =	sshrl.u32 s19, $0x2;
	s19 =	simm.s32 $0x0  }
0x399: {  	s20 =	sadd.s32 $0x7000, s16;
	s25 =	sor.u32 $0x2040, s23;
	s26 =	sand.u32 $0x3800, s19  }
0x39a: {  	s16 =	sadd.s32 $0x4840, s23;
	s23 =	sand.u32 $0x380, s19;
	v3 =	vld [tilespmem:s25+$0xFFFFFFC0];
	s26 =	sadd.s32 s26, s20  }
0x39b: {  	v4 =	vld [tilespmem:s16+$0xFFFFFFC0];
	s28 =	sadd.s32 s23, s26  }
0x39c: {  	v5 =	vld [tilespmem:s28+$0x0]  }
0x39d: {  	v6 =	vld [tilespmem:s28+$0x400];
	_ =	sdelay $0x4  }
0x39e: {  	v3 =	vmul.f32 v5, v3;
	v4 =	vmul.f32 v6, v4;
	_ =	sdelay $0x1  }
0x39f: {  	v3 =	vadd.f32 v4, v3;
	_ =	sdelay $0x1  }
0x3a0: {  	[tilespmem:s25+$0xFFFFFFC0] =	vst v3;
	v3 =	vld [tilespmem:s25+$0xFFFFFFD0]  }
0x3a1: {  	v4 =	vld [tilespmem:s28+$0x410]  }
0x3a2: {  	v5 =	vld [tilespmem:s28+$0x10]  }
0x3a3: {  	v6 =	vld [tilespmem:s16+$0xFFFFFFD0];
	_ =	sdelay $0x4  }
0x3a4: {  	v3 =	vmul.f32 v5, v3;
	v4 =	vmul.f32 v4, v6;
	_ =	sdelay $0x1  }
0x3a5: {  	v3 =	vadd.f32 v4, v3;
	_ =	sdelay $0x1  }
0x3a6: {  	[tilespmem:s25+$0xFFFFFFD0] =	vst v3;
	v3 =	vld [tilespmem:s25+$0xFFFFFFE0]  }
0x3a7: {  	v4 =	vld [tilespmem:s28+$0x20]  }
0x3a8: {  	v5 =	vld [tilespmem:s16+$0xFFFFFFE0]  }
0x3a9: {  	v6 =	vld [tilespmem:s28+$0x420];
	_ =	sdelay $0x4  }
0x3aa: {  	v3 =	vmul.f32 v4, v3;
	v4 =	vmul.f32 v6, v5;
	_ =	sdelay $0x1  }
0x3ab: {  	v3 =	vadd.f32 v4, v3;
	_ =	sdelay $0x1  }
0x3ac: {  	[tilespmem:s25+$0xFFFFFFE0] =	vst v3;
	v3 =	vld [tilespmem:s25+$0xFFFFFFF0]  }
0x3ad: {  	v4 =	vld [tilespmem:s16+$0xFFFFFFF0]  }
0x3ae: {  	v5 =	vld [tilespmem:s28+$0x30]  }
0x3af: {  	v6 =	vld [tilespmem:s28+$0x430];
	_ =	sdelay $0x4  }
0x3b0: {  	v3 =	vmul.f32 v5, v3;
	v4 =	vmul.f32 v6, v4;
	_ =	sdelay $0x1  }
0x3b1: {  	v3 =	vadd.f32 v4, v3;
	_ =	sdelay $0x1  }
0x3b2: {  	[tilespmem:s25+$0xFFFFFFF0] =	vst v3;
	v3 =	vld [tilespmem:s25+$0x0]  }
0x3b3: {  	v4 =	vld [tilespmem:s16+$0x0]  }
0x3b4: {  	v5 =	vld [tilespmem:s28+$0x40]  }
0x3b5: {  	v6 =	vld [tilespmem:s28+$0x440];
	_ =	sdelay $0x4  }
0x3b6: {  	v3 =	vmul.f32 v5, v3;
	v4 =	vmul.f32 v6, v4;
	_ =	sdelay $0x1  }
0x3b7: {  	v3 =	vadd.f32 v4, v3;
	_ =	sdelay $0x1  }
0x3b8: {  	[tilespmem:s25+$0x0] =	vst v3;
	v3 =	vld [tilespmem:s25+$0x10]  }
0x3b9: {  	v4 =	vld [tilespmem:s28+$0x450]  }
0x3ba: {  	v5 =	vld [tilespmem:s16+$0x10]  }
0x3bb: {  	v6 =	vld [tilespmem:s28+$0x50];
	_ =	sdelay $0x4  }
0x3bc: {  	v4 =	vmul.f32 v4, v5;
	v3 =	vmul.f32 v6, v3;
	_ =	sdelay $0x1  }
0x3bd: {  	v3 =	vadd.f32 v4, v3;
	_ =	sdelay $0x1  }
0x3be: {  	[tilespmem:s25+$0x10] =	vst v3;
	v3 =	vld [tilespmem:s25+$0x20]  }
0x3bf: {  	v4 =	vld [tilespmem:s16+$0x20]  }
0x3c0: {  	v5 =	vld [tilespmem:s28+$0x60]  }
0x3c1: {  	v6 =	vld [tilespmem:s28+$0x460];
	_ =	sdelay $0x2  }
0x3c2: {  	s21 =	smul.u32 $0x1400, s21  }
0x3c3: {  	s29 =	smov.u32 s25  }
0x3c4: {  	s31 =	smov.u32 s16;
	s23 =	sor.u32 $0x2000, s21;
	s21 =	simm.s32 $0x80;
	v3 =	vmul.f32 v5, v3;
	v4 =	vmul.f32 v6, v4  }
.LBB2_43:
0x3c5: {  	s19 =	sadd.s32 $0x100, s19;
	s25 =	sadd.s32 $0x80, s25;
	s16 =	sadd.s32 $0x80, s16  }
0x3c6: {  	p1 =	sne.s32 s21, $0x1380;
	s26 =	smov.u32 s21;
	s21 =	sadd.s32 $0x80, s21;
	v3 =	vadd.f32 v4, v3  }
0x3c7: {  	_ = 	snop  }
0x3c8: {  	[tilespmem:s29+$0x20] =	vst v3;
	v3 =	vld [tilespmem:s29+$0x30]  }
0x3c9: {  	v4 =	vld [tilespmem:s28+$0x470]  }
0x3ca: {  	v5 =	vld [tilespmem:s28+$0x70]  }
0x3cb: {  	v6 =	vld [tilespmem:s31+$0x30];
	s31 =	smov.u32 s16;
	_ =	sdelay $0x3  }
0x3cc: {  	v3 =	vmul.f32 v5, v3  }
0x3cd: {  	v4 =	vmul.f32 v4, v6;
	_ =	sdelay $0x1  }
0x3ce: {  	v3 =	vadd.f32 v4, v3  }
0x3cf: {  	s28 =	sand.u32 $0x3800, s19  }
0x3d0: {  	s26 =	sand.u32 $0x380, s26;
	s28 =	sadd.s32 s28, s20;
	v4 =	vld [tilespmem:s25+$0xFFFFFFC0];
	[tilespmem:s29+$0x30] =	vst v3;
	s29 =	smov.u32 s25  }
0x3d1: {  	s28 =	sadd.s32 s26, s28;
	v3 =	vld [tilespmem:s16+$0xFFFFFFC0]  }
0x3d2: {  	v5 =	vld [tilespmem:s28+$0x0]  }
0x3d3: {  	v6 =	vld [tilespmem:s28+$0x400];
	_ =	sdelay $0x3  }
0x3d4: {  	v4 =	vmul.f32 v5, v4  }
0x3d5: {  	v3 =	vmul.f32 v6, v3;
	_ =	sdelay $0x1  }
0x3d6: {  	v3 =	vadd.f32 v3, v4;
	_ =	sdelay $0x1  }
0x3d7: {  	[tilespmem:s25+$0xFFFFFFC0] =	vst v3;
	v3 =	vld [tilespmem:s25+$0xFFFFFFD0]  }
0x3d8: {  	v4 =	vld [tilespmem:s28+$0x410]  }
0x3d9: {  	v5 =	vld [tilespmem:s28+$0x10]  }
0x3da: {  	v6 =	vld [tilespmem:s16+$0xFFFFFFD0];
	_ =	sdelay $0x3  }
0x3db: {  	v3 =	vmul.f32 v5, v3  }
0x3dc: {  	v4 =	vmul.f32 v4, v6;
	_ =	sdelay $0x1  }
0x3dd: {  	v3 =	vadd.f32 v4, v3;
	_ =	sdelay $0x1  }
0x3de: {  	[tilespmem:s25+$0xFFFFFFD0] =	vst v3;
	v3 =	vld [tilespmem:s25+$0xFFFFFFE0]  }
0x3df: {  	v4 =	vld [tilespmem:s28+$0x20]  }
0x3e0: {  	v5 =	vld [tilespmem:s16+$0xFFFFFFE0]  }
0x3e1: {  	v6 =	vld [tilespmem:s28+$0x420];
	_ =	sdelay $0x4  }
0x3e2: {  	v3 =	vmul.f32 v4, v3;
	v4 =	vmul.f32 v6, v5;
	_ =	sdelay $0x1  }
0x3e3: {  	v3 =	vadd.f32 v4, v3;
	_ =	sdelay $0x1  }
0x3e4: {  	[tilespmem:s25+$0xFFFFFFE0] =	vst v3;
	v3 =	vld [tilespmem:s25+$0xFFFFFFF0]  }
0x3e5: {  	v4 =	vld [tilespmem:s16+$0xFFFFFFF0]  }
0x3e6: {  	v5 =	vld [tilespmem:s28+$0x30]  }
0x3e7: {  	v6 =	vld [tilespmem:s28+$0x430];
	_ =	sdelay $0x3  }
0x3e8: {  	v3 =	vmul.f32 v5, v3  }
0x3e9: {  	v4 =	vmul.f32 v6, v4;
	_ =	sdelay $0x1  }
0x3ea: {  	v3 =	vadd.f32 v4, v3;
	_ =	sdelay $0x1  }
0x3eb: {  	[tilespmem:s25+$0xFFFFFFF0] =	vst v3;
	v3 =	vld [tilespmem:s25+$0x0]  }
0x3ec: {  	v4 =	vld [tilespmem:s16+$0x0]  }
0x3ed: {  	v5 =	vld [tilespmem:s28+$0x40]  }
0x3ee: {  	v6 =	vld [tilespmem:s28+$0x440];
	_ =	sdelay $0x3  }
0x3ef: {  	v3 =	vmul.f32 v5, v3  }
0x3f0: {  	v4 =	vmul.f32 v6, v4;
	_ =	sdelay $0x1  }
0x3f1: {  	v3 =	vadd.f32 v4, v3;
	_ =	sdelay $0x1  }
0x3f2: {  	[tilespmem:s25+$0x0] =	vst v3;
	v3 =	vld [tilespmem:s25+$0x10]  }
0x3f3: {  	v4 =	vld [tilespmem:s28+$0x450]  }
0x3f4: {  	v5 =	vld [tilespmem:s16+$0x10]  }
0x3f5: {  	v6 =	vld [tilespmem:s28+$0x50];
	_ =	sdelay $0x3  }
0x3f6: {  	v4 =	vmul.f32 v4, v5  }
0x3f7: {  	v3 =	vmul.f32 v6, v3;
	_ =	sdelay $0x1  }
0x3f8: {  	v3 =	vadd.f32 v4, v3;
	_ =	sdelay $0x1  }
0x3f9: {  	[tilespmem:s25+$0x10] =	vst v3;
	v3 =	vld [tilespmem:s25+$0x20]  }
0x3fa: {  	v4 =	vld [tilespmem:s16+$0x20]  }
0x3fb: {  	v5 =	vld [tilespmem:s28+$0x60]  }
0x3fc: {  	v6 =	vld [tilespmem:s28+$0x460]  }
.Ltmp26:
0x3fd: {  	(pc) =	sbr.rel @p1 .LBB2_43-.Ltmp26, $3  }
0x3fe: {  	_ =	sdelay $0x1  }
0x3ff: {  	v3 =	vmul.f32 v5, v3  }
0x400: {  	v4 =	vmul.f32 v6, v4  }
0x401: {  	_ = 	snop  }
0x402: {  	v3 =	vadd.f32 v4, v3;
	_ =	sdelay $0x1  }
0x403: {  	[tilespmem:s29+$0x20] =	vst v3;
	v3 =	vld [tilespmem:s29+$0x30]  }
0x404: {  	v63 =	vld [tilespmem:s28+$0x470]  }
0x405: {  	v5 =	vld [tilespmem:s28+$0x70]  }
0x406: {  	v6 =	vld [tilespmem:s31+$0x30];
	_ =	sdelay $0x4  }
0x407: {  	p1 =	sne.s32 s24, $0xFA;
	v3 =	vmul.f32 v5, v3;
	v4 =	vmul.f32 v63, v6  }
.Ltmp27:
0x408: {  	s16 =	sshll.u32 s22, $0xC;
	s14 =	sshll.u32 s14, $0x9;
	(pc) =	sbr.rel @p1 .LBB2_35-.Ltmp27, $4  }
0x409: {  	s16 =	sand.u32 $0x1000, s16;
	s14 =	sshra.s32 s14, $0x2;
	v3 =	vadd.f32 v4, v3  }
0x40a: {  	s14 =	sadd.s32 s14, s16  }
0x40b: {  	s16 =	smov.u32 s24;
	s14 =	sadd.s32 $0x800, s14;
	[tilespmem:s29+$0x30] =	vst v3  }
0x40c: {  	[spmem:s3] =	stream.indirect.scatter.add.f32 [tilespmem:s23], [sflag:$0x2], $0x80, s14, s30, $0xb8;
	[tilespmem:$0x1F880] =	vst v63  }
0x40d: {  	_ =	swait.ge [sflag:s5], $0x1400  }
0x40e: {  	[sflag:s5] =	ssyncset.done $0x0  }
0x40f: {  	[sflag:s5] =	ssyncadd.s32 $0xFFFFEC00  }
0x410: {  	[bflag:$0x0] =	sbarrier.arrive $0xFFFF  }
0x411: {  	s14 =	rddreg [dreg:$0x17]  }
0x412: {  	s16 =	rddreg [dreg:$0x19]  }
0x413: {  	[hbm:s14], [sflag:s17] =	dma.local [spmem:s16], $0x2700  }
0x414: {  	s16 =	simm.s32 $0x4  }
0x415: {  	_ =	swait.ge [sflag:s16], $0x2700  }
0x416: {  	[sflag:s16] =	ssyncset.done $0x0;
	s14 =	rddreg [dreg:$0x12]  }
0x417: {  	s19 =	rddreg [dreg:$0x1a];
	[sflag:s16] =	ssyncadd.s32 $0xFFFFD900  }
0x418: {  	[hbm:s14], [sflag:s17] =	dma.local @!p0 [spmem:s19], $0x100  }
0x419: {  	s14 =	simm.s32 @!p0 $0x4  }
0x41a: {  	_ =	swait.ge @!p0 [sflag:s14], $0x100  }
0x41b: {  	s29 =	rddreg [dreg:$0x18]  }
0x41c: {  	s31 =	rddreg [dreg:$0x13];
	s19 =	sadd.s32 $0x1, s29  }
0x41d: {  	p1 =	sne.s32 s19, s31  }
.Ltmp28:
0x41e: {  	_ = 	snop;
	(pc) =	sbr.rel @p1 .LBB2_1-.Ltmp28, $4  }
0x41f: {  	[sflag:s14] =	ssyncset.done @!p0 $0x0  }
0x420: {  	[sflag:s14] =	ssyncadd.s32 @!p0 $0xFFFFFF00  }
0x421: {  	[bflag:$0x0] =	sbarrier.arrive $0xFFFF  }
0x422: {  	s26 =	rddreg [dreg:$0x5]  }
0x423: {  	_ =	sfence.sel $0x180000  }
0x424: {  	[bflag:$0x0] =	sbarrier.arrive $0xFFFF  }
0x425: {  	_ =	strace $0x90000047  }
0x426: {  	s0 =	stileid.u32;
	[bflag:$0x2] =	sbarrier.arrive $0xFFFF  }
0x427: {  	p0 =	sne.s32 s0, $0x0;
	s0 =	rddreg [dreg:$0x4]  }
0x428: {  	s0 =	sadd.s32 @!p0 $0x100000, s0  }
0x429: {  	[sflag:s0] =	ssyncadd.tile.s32 @!p0 $0x1;
	_ =	shalt  }
.Lfunc_end2:
_tile_overlayer_lowered:
.L_overlay_start_2:
0x42a: {  	(tag) =	ssettag $0x2  }
0x42b: {  	s0 =	rddreg [dreg:$0x0];
	s2 =	stileid.u32  }
0x42c: {  	s1 =	rddreg [dreg:$0x1];
	p0 =	sne.s32 s2, $0x0  }
0x42d: {  	s3 =	rddreg [dreg:$0x2];
	[bflag:$0x3] =	sbarrier.arrive $0xFFFF;
	s2 =	simm.s32 @!p0 $0x1C04  }
0x42e: {  	[timem:s3], [sflag:s2] =	dma.local @!p0 [hbm:s0], s1  }
0x42f: {  	s0 =	simm.s32 @!p0 $0x4  }
0x430: {  	_ =	swait.ge @!p0 [sflag:s0], s1  }
0x431: {  	s1 =	ssub.s32 @!p0 $0x0, s1;
	[sflag:s0] =	ssyncset.done @!p0 $0x0  }
0x432: {  	[sflag:s0] =	ssyncadd.s32 @!p0 s1  }
0x433: {  	[bflag:$0x3] =	sbarrier.arrive $0xFFFF  }
0x434: {  	_ =	shalt  }

</sc_bundles>
